<compile_context>
chip_gen: v7x
topology: tpu7x:2x2x1
jax: 0.10.2.dev20260603
libtpu: 0.0.44.dev20260713+nightly
codegen_flags: <defaults>
</compile_context>

<pallas_src>
import functools

import jax
import jax.numpy as jnp
from jax import lax
from jax.experimental import pallas as pl
from jax.experimental.pallas import tpu as pltpu
from jax.experimental.pallas import tpu_sc as plsc

INF_ = 1e9
B_, H_, W_ = 32, 32, 32
S_ = 36
FLD_ = S_ * S_
A0_, A1_ = 0, FLD_
PK_ = 2 * FLD_
MAX_PAIRS_ = 128


def _sc_body(w_hbm, meta_hbm, paths_hbm, exp_hbm, wv, mv, pk, pv, ev, dv,
             sem_w, sem_m, sem_p, sem_e):
    wid = lax.axis_index("s") * 2 + lax.axis_index("c")
    cp_w = pltpu.async_copy(w_hbm.at[wid], wv, sem_w)
    cp_m = pltpu.async_copy(meta_hbm.at[wid], mv, sem_m)

    def load(base):
        return pk[pl.ds(base, 16)]

    lanes = lax.iota(jnp.int32, 16)
    gdims = lax.GatherDimensionNumbers(
        offset_dims=(), collapsed_slice_dims=(0,), start_index_map=(0,)
    )

    def lane_reduce(x, op):
        for s in (1, 2, 4, 8):
            perm = lax.gather(
                x, (lanes ^ s)[:, None], gdims, (1,),
                mode=lax.GatherScatterMode.PROMISE_IN_BOUNDS,
            )
            x = op(x, perm)
        return x

    def splat_i(s):
        return jnp.broadcast_to(s, (16,)).astype(jnp.int32)

    def pick(vec, r):
        return lax.gather(
            vec, splat_i(r)[:, None], gdims, (1,),
            mode=lax.GatherScatterMode.PROMISE_IN_BOUNDS,
        )

    def elem(ref, base):
        lo = base & ~15
        return pick(ref[pl.ds(lo, 16)], base & 15)

    def elem2(ref, row, col):
        lo = col & ~15
        return pick(ref[row, pl.ds(lo, 16)], col & 15)

    inf_v = jnp.full((16,), INF_, jnp.float32)

    def fill(i, carry):
        pk[pl.ds(i * 16, 16)] = inf_v
        return carry

    lax.fori_loop(0, PK_ // 16, fill, jnp.int32(0), unroll=18)
    cp_w.wait()
    cp_m.wait()

    meta = mv[pl.ds(0, 16)]
    sy, sx, ty, tx = meta[2], meta[3], meta[4], meta[5]
    pp_s, pp_t = meta[6], meta[7]

    w_s = elem2(wv, sy, sx)
    w_t = elem2(wv, ty, tx)
    for off, pp, val in ((A0_, pp_s, w_s), (A1_, pp_t, w_t)):
        lo = pp & ~15
        pk[pl.ds(off + lo, 16)] = jnp.where(lanes == (pp & 15), val, inf_v)

    def row3(so, y, h):
        b = so + y * S_ + 1 + h
        return (load(b - 1), load(b), load(b + 1))

    shr_idx = (lanes - 1) & 15
    shl_idx = (lanes + 1) & 15

    def perm(v, idx):
        return lax.gather(
            v, idx[:, None], gdims, (1,),
            mode=lax.GatherScatterMode.PROMISE_IN_BOUNDS,
        )

    def shr(v, fill):
        return jnp.where(lanes == 0, fill, perm(v, shr_idx))

    def shl(v, fill):
        return jnp.where(lanes == 15, fill, perm(v, shl_idx))

    def gs_sweep(down):
        y0 = 1 if down else H_
        step = 1 if down else -1
        init = tuple(
            row3(so, y0, 0) + row3(so, y0, 16) + (inf_v, inf_v)
            for so in (A0_, A1_)
        )

        def row(i, carry):
            acc, st = carry
            y = (1 + i) if down else (H_ - i)
            far = y + step
            nst = []
            wrow = (wv[y - 1, pl.ds(0, 16)], wv[y - 1, pl.ds(16, 16)])
            for so, win in zip((A0_, A1_), st):
                c_m0, c_00, c_p0, c_m1, c_01, c_p1, a_00, a_01 = win
                a_m0 = shr(a_00, inf_v)
                a_p0 = shl(a_00, pick(a_01, 0))
                a_m1 = shr(a_01, pick(a_00, 15))
                a_p1 = shl(a_01, inf_v)
                f_m0, f_00, f_p0 = row3(so, far, 0)
                f_m1, f_01, f_p1 = row3(so, far, 16)
                m0 = jnp.minimum(
                    jnp.minimum(jnp.minimum(a_m0, a_00), jnp.minimum(a_p0, c_m0)),
                    jnp.minimum(jnp.minimum(c_p0, f_m0), jnp.minimum(f_00, f_p0)),
                )
                m1 = jnp.minimum(
                    jnp.minimum(jnp.minimum(a_m1, a_01), jnp.minimum(a_p1, c_m1)),
                    jnp.minimum(jnp.minimum(c_p1, f_m1), jnp.minimum(f_01, f_p1)),
                )
                b0 = jnp.minimum(c_00, m0 + wrow[0])
                b1 = jnp.minimum(c_01, m1 + wrow[1])
                pk[pl.ds(so + y * S_ + 1, 16)] = b0
                pk[pl.ds(so + y * S_ + 17, 16)] = b1
                acc = jnp.maximum(acc, jnp.maximum(c_00 - b0, c_01 - b1))
                nst.append((f_m0, f_00, f_p0, f_m1, f_01, f_p1, b0, b1))
            return acc, tuple(nst)

        acc, _ = lax.fori_loop(
            0, H_, row, (jnp.zeros((16,), jnp.float32), init), unroll=4
        )
        return lane_reduce(acc, jnp.maximum)

    dv[pl.ds(0, 16)] = jnp.ones((16,), jnp.float32)

    def pair_body(i, carry):
        flag = dv[pl.ds(0, 16)]

        @pl.when(flag[0] > 0.0)
        def _():
            gs_sweep(True)
            dv[pl.ds(0, 16)] = gs_sweep(False)
        return carry

    def chunk_body(i, carry):
        flag = dv[pl.ds(0, 16)]

        @pl.when(flag[0] > 0.0)
        def _():
            lax.fori_loop(0, 8, pair_body, jnp.int32(0))
        return carry

    lax.fori_loop(0, MAX_PAIRS_ // 8, chunk_body, jnp.int32(0))

    total = elem(pk, A0_ + pp_t)
    thresh = total + 1e-4
    reach = jnp.float32(INF_ * 0.5)
    one = jnp.ones((16,), jnp.float32)
    zero = jnp.zeros((16,), jnp.float32)

    def out_row(y, carry):
        r = y * S_ + 1
        for h in (0, 16):
            ds = load(A0_ + r + h)
            dt = load(A1_ + r + h)
            wr = wv[y - 1, pl.ds(h, 16)]
            on = (ds + dt - wr <= thresh) & (ds < reach) & (dt < reach)
            pv[y - 1, pl.ds(h, 16)] = jnp.where(on, one, zero)
            ev[y - 1, pl.ds(h, 16)] = jnp.where(ds < reach, one, zero)
        return carry

    lax.fori_loop(1, 1 + H_, out_row, jnp.int32(0), unroll=8)

    cp_p = pltpu.async_copy(pv, paths_hbm.at[wid], sem_p)
    cp_e = pltpu.async_copy(ev, exp_hbm.at[wid], sem_e)
    cp_p.wait()
    cp_e.wait()


@jax.jit
def kernel(weights, source, target):
    w = weights.astype(jnp.float32)
    src = source.astype(jnp.int32)
    tgt = target.astype(jnp.int32)
    sy, sx = src // W_, src % W_
    ty, tx = tgt // W_, tgt % W_
    pp_s = (sy + 1) * S_ + sx + 1
    pp_t = (ty + 1) * S_ + tx + 1
    meta = jnp.pad(
        jnp.stack([src, tgt, sy, sx, ty, tx, pp_s, pp_t], axis=1),
        ((0, 0), (0, 8)),
    )

    mesh = plsc.VectorSubcoreMesh(
        core_axis_name="c", subcore_axis_name="s", num_cores=2, num_subcores=16
    )
    run = pl.kernel(
        _sc_body,
        out_type=(
            jax.ShapeDtypeStruct((B_, H_, W_), jnp.float32),
            jax.ShapeDtypeStruct((B_, H_, W_), jnp.float32),
        ),
        mesh=mesh,
        scratch_types=(
            pltpu.VMEM((H_, W_), jnp.float32),
            pltpu.VMEM((16,), jnp.int32),
            pltpu.VMEM((PK_,), jnp.float32),
            pltpu.VMEM((H_, W_), jnp.float32),
            pltpu.VMEM((H_, W_), jnp.float32),
            pltpu.VMEM((16,), jnp.float32),
            pltpu.SemaphoreType.DMA,
            pltpu.SemaphoreType.DMA,
            pltpu.SemaphoreType.DMA,
            pltpu.SemaphoreType.DMA,
        ),
    )
    return run(w, meta)

# --- scband reference (transcript-rebuilt; emitter-appended) ---
"""Pipeline reference for scband-bbastar-42125039239441 (READ-ONLY COPY).

The authoritative reference and input builder live on the scoring server;
editing this copy changes nothing except your own understanding.
"""

import jax, jax.numpy as jnp
import numpy as np

INF = 1e9
K_ITERS = 256  # >= longest shortest-path hop count on a 32x32 8-connected grid in practice
NEIGH = [(-1, -1), (-1, 0), (-1, 1), (0, -1), (0, 1), (1, -1), (1, 0), (1, 1)]


def _shift(d, dy, dx):
    B, H, W = d.shape
    p = jnp.pad(d, ((0, 0), (1, 1), (1, 1)), constant_values=INF)
    return p[:, 1 + dy:1 + dy + H, 1 + dx:1 + dx + W]


def _dists(w, start):
    # Bellman-Ford style relaxation on an 8-connected grid with node costs.
    # dist[v] = min over neighbors u of dist[u] + w[v]; dist[start] = w[start].
    B, H, W = w.shape
    wf = w.reshape(B, H * W)
    b = jnp.arange(B)
    d0 = jnp.full((B, H * W), INF, dtype=w.dtype).at[b, start].set(wf[b, start]).reshape(B, H, W)

    def body(i, d):
        best = d
        for dy, dx in NEIGH:
            best = jnp.minimum(best, _shift(d, dy, dx) + w)
        return best

    return jax.lax.fori_loop(0, K_ITERS, body, d0)


def _a_star_batch(w, source, target):
    # Exact shortest-path solver (A* returns the optimal path, so the resulting
    # path indicator mask is equivalent). paths: float mask of nodes on an
    # optimal path; exp_nodes: mask of reachable (expanded) nodes.
    B, H, W = w.shape
    ds = _dists(w, source)
    dt = _dists(w, target)
    b = jnp.arange(B)
    total = ds.reshape(B, -1)[b, target]
    on = (ds + dt - w) <= (total[:, None, None] + 1e-4)
    on = on & (ds < INF * 0.5) & (dt < INF * 0.5)
    paths = on.astype(w.dtype)
    exp_nodes = (ds < INF * 0.5).astype(w.dtype)
    return paths, exp_nodes


def setup_inputs(seed: int = 0) -> dict:
    key = jax.random.key(seed)
    k1, k2, k3 = jax.random.split(key, 3)
    B, H, W = 32, 32, 32
    weights = jax.random.uniform(k1, (B, H, W), dtype=jnp.float32)
    source = jax.random.randint(k2, (B,), 0, H * W)
    target = jax.random.randint(k3, (B,), 0, H * W)
    return {"weights": weights, "source": source, "target": target}


def reference(weights, source, target):
    # forward: run solver once; the BBAStarFunction forward is the identity on paths.
    paths, exp_nodes = _a_star_batch(weights, source, target)
    bb_sol = paths
    return bb_sol, exp_nodes

if __name__ == "__main__":
    import jax
    _d = setup_inputs()
    print(jax.jit(kernel)(*tuple(_d.values())))

</pallas_src>

<mosaic_0001>
#map = affine_map<(d0, d1) -> (0, 0, 0)>
#map1 = affine_map<(d0, d1) -> (0, 0)>
module attributes {stable_mosaic.version = 14 : i64} {
  func.func @_sc_body(%arg0: i32, %arg1: i32, %arg2: memref<32x32x32xf32, #tpu.memory_space<hbm>>, %arg3: memref<32x16xi32, #tpu.memory_space<hbm>>, %arg4: memref<32x32x32xf32, #tpu.memory_space<hbm>>, %arg5: memref<32x32x32xf32, #tpu.memory_space<hbm>>, %arg6: memref<32x32xf32, #tpu.memory_space<vmem>>, %arg7: memref<16xi32, #tpu.memory_space<vmem>>, %arg8: memref<2592xf32, #tpu.memory_space<vmem>>, %arg9: memref<32x32xf32, #tpu.memory_space<vmem>>, %arg10: memref<32x32xf32, #tpu.memory_space<vmem>>, %arg11: memref<16xf32, #tpu.memory_space<vmem>>, %arg12: memref<!tpu.dma_semaphore, #tpu.memory_space<semaphore_mem>>, %arg13: memref<!tpu.dma_semaphore, #tpu.memory_space<semaphore_mem>>, %arg14: memref<!tpu.dma_semaphore, #tpu.memory_space<semaphore_mem>>, %arg15: memref<!tpu.dma_semaphore, #tpu.memory_space<semaphore_mem>>) attributes {dimension_semantics = [#tpu.dimension_semantics<core_parallel>, #tpu.dimension_semantics<subcore_parallel>], iteration_bounds = array<i64: 2, 16>, scalar_prefetch = 0 : i64, scratch_operands = 10 : i64, tpu.core_type = #tpu.core_type<sc_vector_subcore>, window_params = [{transform_indices = #map}, {transform_indices = #map1}, {transform_indices = #map}, {transform_indices = #map}]} {
    %mul3A = arith.constant 2 : i32
    %mul3A_0 = arith.muli %arg1, %mul3A : i32
    %add3A = arith.addi %mul3A_0, %arg0 : i32
    %dma_start3A = arith.constant 0 : i32
    %dma_start3A_1 = arith.constant 0 : i32
    %dma_start3A_2 = tpu.memref_slice %arg2[%add3A, %dma_start3A, %dma_start3A_1] : memref<32x32x32xf32, #tpu.memory_space<hbm>> -> memref<1x32x32xf32, #tpu.memory_space<hbm>>
    %dma_start3A_3 = tpu.memref_squeeze %dma_start3A_2 : memref<1x32x32xf32, #tpu.memory_space<hbm>> -> memref<32x32xf32, #tpu.memory_space<hbm>>
    %dma_start3A_4 = arith.constant 0 : i32
    %dma_start3A_5 = arith.constant 0 : i32
    %dma_start3A_6 = tpu.memref_slice %arg2[%add3A, %dma_start3A_4, %dma_start3A_5] : memref<32x32x32xf32, #tpu.memory_space<hbm>> -> memref<1x32x32xf32, #tpu.memory_space<hbm>>
    %dma_start3A_7 = tpu.memref_squeeze %dma_start3A_6 : memref<1x32x32xf32, #tpu.memory_space<hbm>> -> memref<32x32xf32, #tpu.memory_space<hbm>>
    tpu.enqueue_dma source(%dma_start3A_7 : memref<32x32xf32, #tpu.memory_space<hbm>>) target(%arg6 : memref<32x32xf32, #tpu.memory_space<vmem>>) target_semaphore(%arg12 : memref<!tpu.dma_semaphore, #tpu.memory_space<semaphore_mem>>)
    %dma_start3A_8 = arith.constant 0 : i32
    %dma_start3A_9 = tpu.memref_slice %arg3[%add3A, %dma_start3A_8] : memref<32x16xi32, #tpu.memory_space<hbm>> -> memref<1x16xi32, #tpu.memory_space<hbm>>
    %dma_start3A_10 = tpu.memref_squeeze %dma_start3A_9 : memref<1x16xi32, #tpu.memory_space<hbm>> -> memref<16xi32, #tpu.memory_space<hbm>>
    %dma_start3A_11 = arith.constant 0 : i32
    %dma_start3A_12 = tpu.memref_slice %arg3[%add3A, %dma_start3A_11] : memref<32x16xi32, #tpu.memory_space<hbm>> -> memref<1x16xi32, #tpu.memory_space<hbm>>
    %dma_start3A_13 = tpu.memref_squeeze %dma_start3A_12 : memref<1x16xi32, #tpu.memory_space<hbm>> -> memref<16xi32, #tpu.memory_space<hbm>>
    tpu.enqueue_dma source(%dma_start3A_13 : memref<16xi32, #tpu.memory_space<hbm>>) target(%arg7 : memref<16xi32, #tpu.memory_space<vmem>>) target_semaphore(%arg13 : memref<!tpu.dma_semaphore, #tpu.memory_space<semaphore_mem>>)
    %iota3A = tpu.iota {dimensions = array<i32: 0>} : vector<16xi32>
    %broadcast_in_dim3A = arith.constant 1.000000e+09 : f32
    %broadcast_in_dim3A_14 = vector.broadcast %broadcast_in_dim3A : f32 to vector<16xf32>
    %scan3A = arith.constant 0 : i32
    %scan3A_15 = arith.constant 0 : i32
    %scan3A_16 = arith.constant 162 : i32
    %scan3A_17 = arith.addi %scan3A_15, %scan3A_16 : i32
    %scan3A_18 = arith.constant 18 : i32
    scf.for %scan3A_172 = %scan3A_15 to %scan3A_17 step %scan3A_18  : i32 {
      %mul3A_173 = arith.constant 16 : i32
      %mul3A_174 = arith.muli %scan3A_172, %mul3A_173 : i32
      %swap3A_175 = arith.index_cast %mul3A_174 : i32 to index
      %swap3A_176 = tpu.vector_load %arg8[%swap3A_175] {strides = array<i32>} : memref<2592xf32, #tpu.memory_space<vmem>>, vector<16xf32>,
      %swap3A_177 = vector.shape_cast %swap3A_176 : vector<16xf32> to vector<16xf32>
      %swap3A_178 = vector.shape_cast %broadcast_in_dim3A_14 : vector<16xf32> to vector<16xf32>
      tpu.vector_store %arg8[%swap3A_175], %swap3A_178 {strides = array<i32>} : memref<2592xf32, #tpu.memory_space<vmem>>, vector<16xf32>,
      %scan3A_179 = arith.constant 1 : i32
      %scan3A_180 = arith.addi %scan3A_172, %scan3A_179 : i32
      %mul3A_181 = arith.constant 16 : i32
      %mul3A_182 = arith.muli %scan3A_180, %mul3A_181 : i32
      %swap3A_183 = arith.index_cast %mul3A_182 : i32 to index
      %swap3A_184 = tpu.vector_load %arg8[%swap3A_183] {strides = array<i32>} : memref<2592xf32, #tpu.memory_space<vmem>>, vector<16xf32>,
      %swap3A_185 = vector.shape_cast %swap3A_184 : vector<16xf32> to vector<16xf32>
      %swap3A_186 = vector.shape_cast %broadcast_in_dim3A_14 : vector<16xf32> to vector<16xf32>
      tpu.vector_store %arg8[%swap3A_183], %swap3A_186 {strides = array<i32>} : memref<2592xf32, #tpu.memory_space<vmem>>, vector<16xf32>,
      %scan3A_187 = arith.constant 2 : i32
      %scan3A_188 = arith.addi %scan3A_172, %scan3A_187 : i32
      %mul3A_189 = arith.constant 16 : i32
      %mul3A_190 = arith.muli %scan3A_188, %mul3A_189 : i32
      %swap3A_191 = arith.index_cast %mul3A_190 : i32 to index
      %swap3A_192 = tpu.vector_load %arg8[%swap3A_191] {strides = array<i32>} : memref<2592xf32, #tpu.memory_space<vmem>>, vector<16xf32>,
      %swap3A_193 = vector.shape_cast %swap3A_192 : vector<16xf32> to vector<16xf32>
      %swap3A_194 = vector.shape_cast %broadcast_in_dim3A_14 : vector<16xf32> to vector<16xf32>
      tpu.vector_store %arg8[%swap3A_191], %swap3A_194 {strides = array<i32>} : memref<2592xf32, #tpu.memory_space<vmem>>, vector<16xf32>,
      %scan3A_195 = arith.constant 3 : i32
      %scan3A_196 = arith.addi %scan3A_172, %scan3A_195 : i32
      %mul3A_197 = arith.constant 16 : i32
      %mul3A_198 = arith.muli %scan3A_196, %mul3A_197 : i32
      %swap3A_199 = arith.index_cast %mul3A_198 : i32 to index
      %swap3A_200 = tpu.vector_load %arg8[%swap3A_199] {strides = array<i32>} : memref<2592xf32, #tpu.memory_space<vmem>>, vector<16xf32>,
      %swap3A_201 = vector.shape_cast %swap3A_200 : vector<16xf32> to vector<16xf32>
      %swap3A_202 = vector.shape_cast %broadcast_in_dim3A_14 : vector<16xf32> to vector<16xf32>
      tpu.vector_store %arg8[%swap3A_199], %swap3A_202 {strides = array<i32>} : memref<2592xf32, #tpu.memory_space<vmem>>, vector<16xf32>,
      %scan3A_203 = arith.constant 4 : i32
      %scan3A_204 = arith.addi %scan3A_172, %scan3A_203 : i32
      %mul3A_205 = arith.constant 16 : i32
      %mul3A_206 = arith.muli %scan3A_204, %mul3A_205 : i32
      %swap3A_207 = arith.index_cast %mul3A_206 : i32 to index
      %swap3A_208 = tpu.vector_load %arg8[%swap3A_207] {strides = array<i32>} : memref<2592xf32, #tpu.memory_space<vmem>>, vector<16xf32>,
      %swap3A_209 = vector.shape_cast %swap3A_208 : vector<16xf32> to vector<16xf32>
      %swap3A_210 = vector.shape_cast %broadcast_in_dim3A_14 : vector<16xf32> to vector<16xf32>
      tpu.vector_store %arg8[%swap3A_207], %swap3A_210 {strides = array<i32>} : memref<2592xf32, #tpu.memory_space<vmem>>, vector<16xf32>,
      %scan3A_211 = arith.constant 5 : i32
      %scan3A_212 = arith.addi %scan3A_172, %scan3A_211 : i32
      %mul3A_213 = arith.constant 16 : i32
      %mul3A_214 = arith.muli %scan3A_212, %mul3A_213 : i32
      %swap3A_215 = arith.index_cast %mul3A_214 : i32 to index
      %swap3A_216 = tpu.vector_load %arg8[%swap3A_215] {strides = array<i32>} : memref<2592xf32, #tpu.memory_space<vmem>>, vector<16xf32>,
      %swap3A_217 = vector.shape_cast %swap3A_216 : vector<16xf32> to vector<16xf32>
      %swap3A_218 = vector.shape_cast %broadcast_in_dim3A_14 : vector<16xf32> to vector<16xf32>
      tpu.vector_store %arg8[%swap3A_215], %swap3A_218 {strides = array<i32>} : memref<2592xf32, #tpu.memory_space<vmem>>, vector<16xf32>,
      %scan3A_219 = arith.constant 6 : i32
      %scan3A_220 = arith.addi %scan3A_172, %scan3A_219 : i32
      %mul3A_221 = arith.constant 16 : i32
      %mul3A_222 = arith.muli %scan3A_220, %mul3A_221 : i32
      %swap3A_223 = arith.index_cast %mul3A_222 : i32 to index
      %swap3A_224 = tpu.vector_load %arg8[%swap3A_223] {strides = array<i32>} : memref<2592xf32, #tpu.memory_space<vmem>>, vector<16xf32>,
      %swap3A_225 = vector.shape_cast %swap3A_224 : vector<16xf32> to vector<16xf32>
      %swap3A_226 = vector.shape_cast %broadcast_in_dim3A_14 : vector<16xf32> to vector<16xf32>
      tpu.vector_store %arg8[%swap3A_223], %swap3A_226 {strides = array<i32>} : memref<2592xf32, #tpu.memory_space<vmem>>, vector<16xf32>,
      %scan3A_227 = arith.constant 7 : i32
      %scan3A_228 = arith.addi %scan3A_172, %scan3A_227 : i32
      %mul3A_229 = arith.constant 16 : i32
      %mul3A_230 = arith.muli %scan3A_228, %mul3A_229 : i32
      %swap3A_231 = arith.index_cast %mul3A_230 : i32 to index
      %swap3A_232 = tpu.vector_load %arg8[%swap3A_231] {strides = array<i32>} : memref<2592xf32, #tpu.memory_space<vmem>>, vector<16xf32>,
      %swap3A_233 = vector.shape_cast %swap3A_232 : vector<16xf32> to vector<16xf32>
      %swap3A_234 = vector.shape_cast %broadcast_in_dim3A_14 : vector<16xf32> to vector<16xf32>
      tpu.vector_store %arg8[%swap3A_231], %swap3A_234 {strides = array<i32>} : memref<2592xf32, #tpu.memory_space<vmem>>, vector<16xf32>,
      %scan3A_235 = arith.constant 8 : i32
      %scan3A_236 = arith.addi %scan3A_172, %scan3A_235 : i32
      %mul3A_237 = arith.constant 16 : i32
      %mul3A_238 = arith.muli %scan3A_236, %mul3A_237 : i32
      %swap3A_239 = arith.index_cast %mul3A_238 : i32 to index
      %swap3A_240 = tpu.vector_load %arg8[%swap3A_239] {strides = array<i32>} : memref<2592xf32, #tpu.memory_space<vmem>>, vector<16xf32>,
      %swap3A_241 = vector.shape_cast %swap3A_240 : vector<16xf32> to vector<16xf32>
      %swap3A_242 = vector.shape_cast %broadcast_in_dim3A_14 : vector<16xf32> to vector<16xf32>
      tpu.vector_store %arg8[%swap3A_239], %swap3A_242 {strides = array<i32>} : memref<2592xf32, #tpu.memory_space<vmem>>, vector<16xf32>,
      %scan3A_243 = arith.constant 9 : i32
      %scan3A_244 = arith.addi %scan3A_172, %scan3A_243 : i32
      %mul3A_245 = arith.constant 16 : i32
      %mul3A_246 = arith.muli %scan3A_244, %mul3A_245 : i32
      %swap3A_247 = arith.index_cast %mul3A_246 : i32 to index
      %swap3A_248 = tpu.vector_load %arg8[%swap3A_247] {strides = array<i32>} : memref<2592xf32, #tpu.memory_space<vmem>>, vector<16xf32>,
      %swap3A_249 = vector.shape_cast %swap3A_248 : vector<16xf32> to vector<16xf32>
      %swap3A_250 = vector.shape_cast %broadcast_in_dim3A_14 : vector<16xf32> to vector<16xf32>
      tpu.vector_store %arg8[%swap3A_247], %swap3A_250 {strides = array<i32>} : memref<2592xf32, #tpu.memory_space<vmem>>, vector<16xf32>,
      %scan3A_251 = arith.constant 10 : i32
      %scan3A_252 = arith.addi %scan3A_172, %scan3A_251 : i32
      %mul3A_253 = arith.constant 16 : i32
      %mul3A_254 = arith.muli %scan3A_252, %mul3A_253 : i32
      %swap3A_255 = arith.index_cast %mul3A_254 : i32 to index
      %swap3A_256 = tpu.vector_load %arg8[%swap3A_255] {strides = array<i32>} : memref<2592xf32, #tpu.memory_space<vmem>>, vector<16xf32>,
      %swap3A_257 = vector.shape_cast %swap3A_256 : vector<16xf32> to vector<16xf32>
      %swap3A_258 = vector.shape_cast %broadcast_in_dim3A_14 : vector<16xf32> to vector<16xf32>
      tpu.vector_store %arg8[%swap3A_255], %swap3A_258 {strides = array<i32>} : memref<2592xf32, #tpu.memory_space<vmem>>, vector<16xf32>,
      %scan3A_259 = arith.constant 11 : i32
      %scan3A_260 = arith.addi %scan3A_172, %scan3A_259 : i32
      %mul3A_261 = arith.constant 16 : i32
      %mul3A_262 = arith.muli %scan3A_260, %mul3A_261 : i32
      %swap3A_263 = arith.index_cast %mul3A_262 : i32 to index
      %swap3A_264 = tpu.vector_load %arg8[%swap3A_263] {strides = array<i32>} : memref<2592xf32, #tpu.memory_space<vmem>>, vector<16xf32>,
      %swap3A_265 = vector.shape_cast %swap3A_264 : vector<16xf32> to vector<16xf32>
      %swap3A_266 = vector.shape_cast %broadcast_in_dim3A_14 : vector<16xf32> to vector<16xf32>
      tpu.vector_store %arg8[%swap3A_263], %swap3A_266 {strides = array<i32>} : memref<2592xf32, #tpu.memory_space<vmem>>, vector<16xf32>,
      %scan3A_267 = arith.constant 12 : i32
      %scan3A_268 = arith.addi %scan3A_172, %scan3A_267 : i32
      %mul3A_269 = arith.constant 16 : i32
      %mul3A_270 = arith.muli %scan3A_268, %mul3A_269 : i32
      %swap3A_271 = arith.index_cast %mul3A_270 : i32 to index
      %swap3A_272 = tpu.vector_load %arg8[%swap3A_271] {strides = array<i32>} : memref<2592xf32, #tpu.memory_space<vmem>>, vector<16xf32>,
      %swap3A_273 = vector.shape_cast %swap3A_272 : vector<16xf32> to vector<16xf32>
      %swap3A_274 = vector.shape_cast %broadcast_in_dim3A_14 : vector<16xf32> to vector<16xf32>
      tpu.vector_store %arg8[%swap3A_271], %swap3A_274 {strides = array<i32>} : memref<2592xf32, #tpu.memory_space<vmem>>, vector<16xf32>,
      %scan3A_275 = arith.constant 13 : i32
      %scan3A_276 = arith.addi %scan3A_172, %scan3A_275 : i32
      %mul3A_277 = arith.constant 16 : i32
      %mul3A_278 = arith.muli %scan3A_276, %mul3A_277 : i32
      %swap3A_279 = arith.index_cast %mul3A_278 : i32 to index
      %swap3A_280 = tpu.vector_load %arg8[%swap3A_279] {strides = array<i32>} : memref<2592xf32, #tpu.memory_space<vmem>>, vector<16xf32>,
      %swap3A_281 = vector.shape_cast %swap3A_280 : vector<16xf32> to vector<16xf32>
      %swap3A_282 = vector.shape_cast %broadcast_in_dim3A_14 : vector<16xf32> to vector<16xf32>
      tpu.vector_store %arg8[%swap3A_279], %swap3A_282 {strides = array<i32>} : memref<2592xf32, #tpu.memory_space<vmem>>, vector<16xf32>,
      %scan3A_283 = arith.constant 14 : i32
      %scan3A_284 = arith.addi %scan3A_172, %scan3A_283 : i32
      %mul3A_285 = arith.constant 16 : i32
      %mul3A_286 = arith.muli %scan3A_284, %mul3A_285 : i32
      %swap3A_287 = arith.index_cast %mul3A_286 : i32 to index
      %swap3A_288 = tpu.vector_load %arg8[%swap3A_287] {strides = array<i32>} : memref<2592xf32, #tpu.memory_space<vmem>>, vector<16xf32>,
      %swap3A_289 = vector.shape_cast %swap3A_288 : vector<16xf32> to vector<16xf32>
      %swap3A_290 = vector.shape_cast %broadcast_in_dim3A_14 : vector<16xf32> to vector<16xf32>
      tpu.vector_store %arg8[%swap3A_287], %swap3A_290 {strides = array<i32>} : memref<2592xf32, #tpu.memory_space<vmem>>, vector<16xf32>,
      %scan3A_291 = arith.constant 15 : i32
      %scan3A_292 = arith.addi %scan3A_172, %scan3A_291 : i32
      %mul3A_293 = arith.constant 16 : i32
      %mul3A_294 = arith.muli %scan3A_292, %mul3A_293 : i32
      %swap3A_295 = arith.index_cast %mul3A_294 : i32 to index
      %swap3A_296 = tpu.vector_load %arg8[%swap3A_295] {strides = array<i32>} : memref<2592xf32, #tpu.memory_space<vmem>>, vector<16xf32>,
      %swap3A_297 = vector.shape_cast %swap3A_296 : vector<16xf32> to vector<16xf32>
      %swap3A_298 = vector.shape_cast %broadcast_in_dim3A_14 : vector<16xf32> to vector<16xf32>
      tpu.vector_store %arg8[%swap3A_295], %swap3A_298 {strides = array<i32>} : memref<2592xf32, #tpu.memory_space<vmem>>, vector<16xf32>,
      %scan3A_299 = arith.constant 16 : i32
      %scan3A_300 = arith.addi %scan3A_172, %scan3A_299 : i32
      %mul3A_301 = arith.constant 16 : i32
      %mul3A_302 = arith.muli %scan3A_300, %mul3A_301 : i32
      %swap3A_303 = arith.index_cast %mul3A_302 : i32 to index
      %swap3A_304 = tpu.vector_load %arg8[%swap3A_303] {strides = array<i32>} : memref<2592xf32, #tpu.memory_space<vmem>>, vector<16xf32>,
      %swap3A_305 = vector.shape_cast %swap3A_304 : vector<16xf32> to vector<16xf32>
      %swap3A_306 = vector.shape_cast %broadcast_in_dim3A_14 : vector<16xf32> to vector<16xf32>
      tpu.vector_store %arg8[%swap3A_303], %swap3A_306 {strides = array<i32>} : memref<2592xf32, #tpu.memory_space<vmem>>, vector<16xf32>,
      %scan3A_307 = arith.constant 17 : i32
      %scan3A_308 = arith.addi %scan3A_172, %scan3A_307 : i32
      %mul3A_309 = arith.constant 16 : i32
      %mul3A_310 = arith.muli %scan3A_308, %mul3A_309 : i32
      %swap3A_311 = arith.index_cast %mul3A_310 : i32 to index
      %swap3A_312 = tpu.vector_load %arg8[%swap3A_311] {strides = array<i32>} : memref<2592xf32, #tpu.memory_space<vmem>>, vector<16xf32>,
      %swap3A_313 = vector.shape_cast %swap3A_312 : vector<16xf32> to vector<16xf32>
      %swap3A_314 = vector.shape_cast %broadcast_in_dim3A_14 : vector<16xf32> to vector<16xf32>
      tpu.vector_store %arg8[%swap3A_311], %swap3A_314 {strides = array<i32>} : memref<2592xf32, #tpu.memory_space<vmem>>, vector<16xf32>,
    }
    %scan3A_19 = arith.constant 162 : i32
    %dma_wait3A = arith.constant 0 : i32
    %dma_wait3A_20 = arith.constant 0 : i32
    %dma_wait3A_21 = tpu.memref_slice %arg2[%add3A, %dma_wait3A, %dma_wait3A_20] : memref<32x32x32xf32, #tpu.memory_space<hbm>> -> memref<1x32x32xf32, #tpu.memory_space<hbm>>
    %dma_wait3A_22 = tpu.memref_squeeze %dma_wait3A_21 : memref<1x32x32xf32, #tpu.memory_space<hbm>> -> memref<32x32xf32, #tpu.memory_space<hbm>>
    %dma_wait3A_23 = arith.constant 0 : i32
    %dma_wait3A_24 = arith.constant 0 : i32
    %dma_wait3A_25 = tpu.memref_slice %arg2[%add3A, %dma_wait3A_23, %dma_wait3A_24] : memref<32x32x32xf32, #tpu.memory_space<hbm>> -> memref<1x32x32xf32, #tpu.memory_space<hbm>>
    %dma_wait3A_26 = tpu.memref_squeeze %dma_wait3A_25 : memref<1x32x32xf32, #tpu.memory_space<hbm>> -> memref<32x32xf32, #tpu.memory_space<hbm>>
    tpu.wait_dma2 semaphore(%arg12 : memref<!tpu.dma_semaphore, #tpu.memory_space<semaphore_mem>>) src(%dma_wait3A_26 : memref<32x32xf32, #tpu.memory_space<hbm>>) dst(%arg6 : memref<32x32xf32, #tpu.memory_space<vmem>>)
    %dma_wait3A_27 = arith.constant 0 : i32
    %dma_wait3A_28 = tpu.memref_slice %arg3[%add3A, %dma_wait3A_27] : memref<32x16xi32, #tpu.memory_space<hbm>> -> memref<1x16xi32, #tpu.memory_space<hbm>>
    %dma_wait3A_29 = tpu.memref_squeeze %dma_wait3A_28 : memref<1x16xi32, #tpu.memory_space<hbm>> -> memref<16xi32, #tpu.memory_space<hbm>>
    %dma_wait3A_30 = arith.constant 0 : i32
    %dma_wait3A_31 = tpu.memref_slice %arg3[%add3A, %dma_wait3A_30] : memref<32x16xi32, #tpu.memory_space<hbm>> -> memref<1x16xi32, #tpu.memory_space<hbm>>
    %dma_wait3A_32 = tpu.memref_squeeze %dma_wait3A_31 : memref<1x16xi32, #tpu.memory_space<hbm>> -> memref<16xi32, #tpu.memory_space<hbm>>
    tpu.wait_dma2 semaphore(%arg13 : memref<!tpu.dma_semaphore, #tpu.memory_space<semaphore_mem>>) src(%dma_wait3A_32 : memref<16xi32, #tpu.memory_space<hbm>>) dst(%arg7 : memref<16xi32, #tpu.memory_space<vmem>>)
    %get3A = arith.constant 0 : index
    %get3A_33 = tpu.vector_load %arg7[%get3A] {strides = array<i32>} : memref<16xi32, #tpu.memory_space<vmem>>, vector<16xi32>,
    %get3A_34 = vector.shape_cast %get3A_33 : vector<16xi32> to vector<16xi32>
    %slice3A = vector.extract_strided_slice %get3A_34 {offsets = [2], sizes = [1], strides = [1]} : vector<16xi32> to vector<1xi32>
    %squeeze3A = vector.extract %slice3A[0] : i32 from vector<1xi32>
    %slice3A_35 = vector.extract_strided_slice %get3A_34 {offsets = [3], sizes = [1], strides = [1]} : vector<16xi32> to vector<1xi32>
    %squeeze3A_36 = vector.extract %slice3A_35[0] : i32 from vector<1xi32>
    %slice3A_37 = vector.extract_strided_slice %get3A_34 {offsets = [4], sizes = [1], strides = [1]} : vector<16xi32> to vector<1xi32>
    %squeeze3A_38 = vector.extract %slice3A_37[0] : i32 from vector<1xi32>
    %slice3A_39 = vector.extract_strided_slice %get3A_34 {offsets = [5], sizes = [1], strides = [1]} : vector<16xi32> to vector<1xi32>
    %squeeze3A_40 = vector.extract %slice3A_39[0] : i32 from vector<1xi32>
    %slice3A_41 = vector.extract_strided_slice %get3A_34 {offsets = [6], sizes = [1], strides = [1]} : vector<16xi32> to vector<1xi32>
    %squeeze3A_42 = vector.extract %slice3A_41[0] : i32 from vector<1xi32>
    %slice3A_43 = vector.extract_strided_slice %get3A_34 {offsets = [7], sizes = [1], strides = [1]} : vector<16xi32> to vector<1xi32>
    %squeeze3A_44 = vector.extract %slice3A_43[0] : i32 from vector<1xi32>
    %and3A = arith.constant -16 : i32
    %and3A_45 = arith.andi %squeeze3A_36, %and3A : i32
    %get3A_46 = arith.index_cast %squeeze3A : i32 to index
    %get3A_47 = arith.index_cast %and3A_45 : i32 to index
    %get3A_48 = tpu.vector_load %arg6[%get3A_46, %get3A_47] {strides = array<i32>} : memref<32x32xf32, #tpu.memory_space<vmem>>, vector<1x16xf32>,
    %get3A_49 = vector.shape_cast %get3A_48 : vector<1x16xf32> to vector<16xf32>
    %and3A_50 = arith.constant 15 : i32
    %and3A_51 = arith.andi %squeeze3A_36, %and3A_50 : i32
    %broadcast_in_dim3A_52 = vector.broadcast %and3A_51 : i32 to vector<16xi32>
    %broadcast_in_dim3A_53 = vector.shape_cast %broadcast_in_dim3A_52 : vector<16xi32> to vector<16x1xi32>
    %gather3A = vector.shape_cast %broadcast_in_dim3A_53 : vector<16x1xi32> to vector<16xi32>
    %gather3A_54 = tpu.dynamic_gather %get3A_49[%gather3A] in [0] : vector<16xf32>, vector<16xi32> -> vector<16xf32>
    %and3A_55 = arith.constant -16 : i32
    %and3A_56 = arith.andi %squeeze3A_40, %and3A_55 : i32
    %get3A_57 = arith.index_cast %squeeze3A_38 : i32 to index
    %get3A_58 = arith.index_cast %and3A_56 : i32 to index
    %get3A_59 = tpu.vector_load %arg6[%get3A_57, %get3A_58] {strides = array<i32>} : memref<32x32xf32, #tpu.memory_space<vmem>>, vector<1x16xf32>,
    %get3A_60 = vector.shape_cast %get3A_59 : vector<1x16xf32> to vector<16xf32>
    %and3A_61 = arith.constant 15 : i32
    %and3A_62 = arith.andi %squeeze3A_40, %and3A_61 : i32
    %broadcast_in_dim3A_63 = vector.broadcast %and3A_62 : i32 to vector<16xi32>
    %broadcast_in_dim3A_64 = vector.shape_cast %broadcast_in_dim3A_63 : vector<16xi32> to vector<16x1xi32>
    %gather3A_65 = vector.shape_cast %broadcast_in_dim3A_64 : vector<16x1xi32> to vector<16xi32>
    %gather3A_66 = tpu.dynamic_gather %get3A_60[%gather3A_65] in [0] : vector<16xf32>, vector<16xi32> -> vector<16xf32>
    %and3A_67 = arith.constant -16 : i32
    %and3A_68 = arith.andi %squeeze3A_42, %and3A_67 : i32
    %and3A_69 = arith.constant 15 : i32
    %and3A_70 = arith.andi %squeeze3A_42, %and3A_69 : i32
    %eq3A = vector.broadcast %and3A_70 : i32 to vector<16xi32>
    %eq3A_71 = arith.cmpi eq, %iota3A, %eq3A : vector<16xi32>
    %select_n3A = arith.select %eq3A_71, %gather3A_54, %broadcast_in_dim3A_14 : vector<16xi1>, vector<16xf32>
    %add3A_72 = arith.constant 0 : i32
    %add3A_73 = arith.addi %add3A_72, %and3A_68 : i32
    %swap3A = arith.index_cast %add3A_73 : i32 to index
    %swap3A_74 = tpu.vector_load %arg8[%swap3A] {strides = array<i32>} : memref<2592xf32, #tpu.memory_space<vmem>>, vector<16xf32>,
    %swap3A_75 = vector.shape_cast %swap3A_74 : vector<16xf32> to vector<16xf32>
    %swap3A_76 = vector.shape_cast %select_n3A : vector<16xf32> to vector<16xf32>
    tpu.vector_store %arg8[%swap3A], %swap3A_76 {strides = array<i32>} : memref<2592xf32, #tpu.memory_space<vmem>>, vector<16xf32>,
    %and3A_77 = arith.constant -16 : i32
    %and3A_78 = arith.andi %squeeze3A_44, %and3A_77 : i32
    %and3A_79 = arith.constant 15 : i32
    %and3A_80 = arith.andi %squeeze3A_44, %and3A_79 : i32
    %eq3A_81 = vector.broadcast %and3A_80 : i32 to vector<16xi32>
    %eq3A_82 = arith.cmpi eq, %iota3A, %eq3A_81 : vector<16xi32>
    %select_n3A_83 = arith.select %eq3A_82, %gather3A_66, %broadcast_in_dim3A_14 : vector<16xi1>, vector<16xf32>
    %add3A_84 = arith.constant 1296 : i32
    %add3A_85 = arith.addi %add3A_84, %and3A_78 : i32
    %swap3A_86 = arith.index_cast %add3A_85 : i32 to index
    %swap3A_87 = tpu.vector_load %arg8[%swap3A_86] {strides = array<i32>} : memref<2592xf32, #tpu.memory_space<vmem>>, vector<16xf32>,
    %swap3A_88 = vector.shape_cast %swap3A_87 : vector<16xf32> to vector<16xf32>
    %swap3A_89 = vector.shape_cast %select_n3A_83 : vector<16xf32> to vector<16xf32>
    tpu.vector_store %arg8[%swap3A_86], %swap3A_89 {strides = array<i32>} : memref<2592xf32, #tpu.memory_space<vmem>>, vector<16xf32>,
    %sub3A = arith.constant 1 : i32
    %sub3A_90 = vector.broadcast %sub3A : i32 to vector<16xi32>
    %sub3A_91 = arith.subi %iota3A, %sub3A_90 : vector<16xi32>
    %and3A_92 = arith.constant 15 : i32
    %and3A_93 = vector.broadcast %and3A_92 : i32 to vector<16xi32>
    %and3A_94 = arith.andi %sub3A_91, %and3A_93 : vector<16xi32>
    %add3A_95 = arith.constant 1 : i32
    %add3A_96 = vector.broadcast %add3A_95 : i32 to vector<16xi32>
    %add3A_97 = arith.addi %iota3A, %add3A_96 : vector<16xi32>
    %and3A_98 = arith.constant 15 : i32
    %and3A_99 = vector.broadcast %and3A_98 : i32 to vector<16xi32>
    %and3A_100 = arith.andi %add3A_97, %and3A_99 : vector<16xi32>
    %broadcast_in_dim3A_101 = arith.constant 1.000000e+00 : f32
    %broadcast_in_dim3A_102 = vector.broadcast %broadcast_in_dim3A_101 : f32 to vector<16xf32>
    %swap3A_103 = arith.constant 0 : index
    %swap3A_104 = tpu.vector_load %arg11[%swap3A_103] {strides = array<i32>} : memref<16xf32, #tpu.memory_space<vmem>>, vector<16xf32>,
    %swap3A_105 = vector.shape_cast %swap3A_104 : vector<16xf32> to vector<16xf32>
    %swap3A_106 = vector.shape_cast %broadcast_in_dim3A_102 : vector<16xf32> to vector<16xf32>
    tpu.vector_store %arg11[%swap3A_103], %swap3A_106 {strides = array<i32>} : memref<16xf32, #tpu.memory_space<vmem>>, vector<16xf32>,
    %scan3A_107 = arith.constant 0 : i32
    %scan3A_108 = arith.constant 0 : i32
    %scan3A_109 = arith.constant 16 : i32
    %scan3A_110 = arith.addi %scan3A_108, %scan3A_109 : i32
    %scan3A_111 = arith.constant 1 : i32
    scf.for %scan3A_172 = %scan3A_108 to %scan3A_110 step %scan3A_111  : i32 {
      %get3A_173 = arith.constant 0 : index
      %get3A_174 = tpu.vector_load %arg11[%get3A_173] {strides = array<i32>} : memref<16xf32, #tpu.memory_space<vmem>>, vector<16xf32>,
      %get3A_175 = vector.shape_cast %get3A_174 : vector<16xf32> to vector<16xf32>
      %slice3A_176 = vector.extract_strided_slice %get3A_175 {offsets = [0], sizes = [1], strides = [1]} : vector<16xf32> to vector<1xf32>
      %squeeze3A_177 = vector.extract %slice3A_176[0] : f32 from vector<1xf32>
      %gt3A = arith.constant 0.000000e+00 : f32
      %gt3A_178 = arith.cmpf ogt, %squeeze3A_177, %gt3A : f32
      %convert_element_type3A = arith.extui %gt3A_178 : i1 to i32
      %cond3A = arith.constant 0 : i32
      %cond3A_179 = arith.cmpi ne, %convert_element_type3A, %cond3A : i32
      scf.if %cond3A_179 {
        %scan3A_180 = arith.constant 0 : i32
        %scan3A_181 = arith.constant 0 : i32
        %scan3A_182 = arith.constant 8 : i32
        %scan3A_183 = arith.addi %scan3A_181, %scan3A_182 : i32
        %scan3A_184 = arith.constant 1 : i32
        scf.for %scan3A_186 = %scan3A_181 to %scan3A_183 step %scan3A_184  : i32 {
          %get3A_187 = arith.constant 0 : index
          %get3A_188 = tpu.vector_load %arg11[%get3A_187] {strides = array<i32>} : memref<16xf32, #tpu.memory_space<vmem>>, vector<16xf32>,
          %get3A_189 = vector.shape_cast %get3A_188 : vector<16xf32> to vector<16xf32>
          %slice3A_190 = vector.extract_strided_slice %get3A_189 {offsets = [0], sizes = [1], strides = [1]} : vector<16xf32> to vector<1xf32>
          %squeeze3A_191 = vector.extract %slice3A_190[0] : f32 from vector<1xf32>
          %gt3A_192 = arith.constant 0.000000e+00 : f32
          %gt3A_193 = arith.cmpf ogt, %squeeze3A_191, %gt3A_192 : f32
          %convert_element_type3A_194 = arith.extui %gt3A_193 : i1 to i32
          %cond3A_195 = arith.constant 0 : i32
          %cond3A_196 = arith.cmpi ne, %convert_element_type3A_194, %cond3A_195 : i32
          scf.if %cond3A_196 {
            %get3A_197 = arith.constant 36 : index
            %get3A_198 = tpu.vector_load %arg8[%get3A_197] {strides = array<i32>} : memref<2592xf32, #tpu.memory_space<vmem>>, vector<16xf32>,
            %get3A_199 = vector.shape_cast %get3A_198 : vector<16xf32> to vector<16xf32>
            %get3A_200 = arith.constant 37 : index
            %get3A_201 = tpu.vector_load %arg8[%get3A_200] {strides = array<i32>} : memref<2592xf32, #tpu.memory_space<vmem>>, vector<16xf32>,
            %get3A_202 = vector.shape_cast %get3A_201 : vector<16xf32> to vector<16xf32>
            %get3A_203 = arith.constant 38 : index
            %get3A_204 = tpu.vector_load %arg8[%get3A_203] {strides = array<i32>} : memref<2592xf32, #tpu.memory_space<vmem>>, vector<16xf32>,
            %get3A_205 = vector.shape_cast %get3A_204 : vector<16xf32> to vector<16xf32>
            %get3A_206 = arith.constant 52 : index
            %get3A_207 = tpu.vector_load %arg8[%get3A_206] {strides = array<i32>} : memref<2592xf32, #tpu.memory_space<vmem>>, vector<16xf32>,
            %get3A_208 = vector.shape_cast %get3A_207 : vector<16xf32> to vector<16xf32>
            %get3A_209 = arith.constant 53 : index
            %get3A_210 = tpu.vector_load %arg8[%get3A_209] {strides = array<i32>} : memref<2592xf32, #tpu.memory_space<vmem>>, vector<16xf32>,
            %get3A_211 = vector.shape_cast %get3A_210 : vector<16xf32> to vector<16xf32>
            %get3A_212 = arith.constant 54 : index
            %get3A_213 = tpu.vector_load %arg8[%get3A_212] {strides = array<i32>} : memref<2592xf32, #tpu.memory_space<vmem>>, vector<16xf32>,
            %get3A_214 = vector.shape_cast %get3A_213 : vector<16xf32> to vector<16xf32>
            %get3A_215 = arith.constant 1332 : index
            %get3A_216 = tpu.vector_load %arg8[%get3A_215] {strides = array<i32>} : memref<2592xf32, #tpu.memory_space<vmem>>, vector<16xf32>,
            %get3A_217 = vector.shape_cast %get3A_216 : vector<16xf32> to vector<16xf32>
            %get3A_218 = arith.constant 1333 : index
            %get3A_219 = tpu.vector_load %arg8[%get3A_218] {strides = array<i32>} : memref<2592xf32, #tpu.memory_space<vmem>>, vector<16xf32>,
            %get3A_220 = vector.shape_cast %get3A_219 : vector<16xf32> to vector<16xf32>
            %get3A_221 = arith.constant 1334 : index
            %get3A_222 = tpu.vector_load %arg8[%get3A_221] {strides = array<i32>} : memref<2592xf32, #tpu.memory_space<vmem>>, vector<16xf32>,
            %get3A_223 = vector.shape_cast %get3A_222 : vector<16xf32> to vector<16xf32>
            %get3A_224 = arith.constant 1348 : index
            %get3A_225 = tpu.vector_load %arg8[%get3A_224] {strides = array<i32>} : memref<2592xf32, #tpu.memory_space<vmem>>, vector<16xf32>,
            %get3A_226 = vector.shape_cast %get3A_225 : vector<16xf32> to vector<16xf32>
            %get3A_227 = arith.constant 1349 : index
            %get3A_228 = tpu.vector_load %arg8[%get3A_227] {strides = array<i32>} : memref<2592xf32, #tpu.memory_space<vmem>>, vector<16xf32>,
            %get3A_229 = vector.shape_cast %get3A_228 : vector<16xf32> to vector<16xf32>
            %get3A_230 = arith.constant 1350 : index
            %get3A_231 = tpu.vector_load %arg8[%get3A_230] {strides = array<i32>} : memref<2592xf32, #tpu.memory_space<vmem>>, vector<16xf32>,
            %get3A_232 = vector.shape_cast %get3A_231 : vector<16xf32> to vector<16xf32>
            %broadcast_in_dim3A_233 = arith.constant 0.000000e+00 : f32
            %broadcast_in_dim3A_234 = vector.broadcast %broadcast_in_dim3A_233 : f32 to vector<16xf32>
            %scan3A_235 = arith.constant 0 : i32
            %scan3A_236 = arith.constant 32 : i32
            %scan3A_237 = arith.addi %scan3A_235, %scan3A_236 : i32
            %scan3A_238 = arith.constant 4 : i32
            %scan3A_239:17 = scf.for %scan3A_343 = %scan3A_235 to %scan3A_237 step %scan3A_238 iter_args(%scan3A_344 = %broadcast_in_dim3A_234, %scan3A_345 = %get3A_199, %scan3A_346 = %get3A_202, %scan3A_347 = %get3A_205, %scan3A_348 = %get3A_208, %scan3A_349 = %get3A_211, %scan3A_350 = %get3A_214, %scan3A_351 = %broadcast_in_dim3A_14, %scan3A_352 = %broadcast_in_dim3A_14, %scan3A_353 = %get3A_217, %scan3A_354 = %get3A_220, %scan3A_355 = %get3A_223, %scan3A_356 = %get3A_226, %scan3A_357 = %get3A_229, %scan3A_358 = %get3A_232, %scan3A_359 = %broadcast_in_dim3A_14, %scan3A_360 = %broadcast_in_dim3A_14) -> (vector<16xf32>, vector<16xf32>, vector<16xf32>, vector<16xf32>, vector<16xf32>, vector<16xf32>, vector<16xf32>, vector<16xf32>, vector<16xf32>, vector<16xf32>, vector<16xf32>, vector<16xf32>, vector<16xf32>, vector<16xf32>, vector<16xf32>, vector<16xf32>, vector<16xf32>)  : i32 {
              %add3A_361 = arith.constant 1 : i32
              %add3A_362 = arith.addi %add3A_361, %scan3A_343 : i32
              %add3A_363 = arith.constant 1 : i32
              %add3A_364 = arith.addi %add3A_362, %add3A_363 : i32
              %sub3A_365 = arith.constant 1 : i32
              %sub3A_366 = arith.subi %add3A_362, %sub3A_365 : i32
              %get3A_367 = arith.index_cast %sub3A_366 : i32 to index
              %get3A_368 = arith.constant 0 : index
              %get3A_369 = tpu.vector_load %arg6[%get3A_367, %get3A_368] {strides = array<i32>} : memref<32x32xf32, #tpu.memory_space<vmem>>, vector<1x16xf32>,
              %get3A_370 = vector.shape_cast %get3A_369 : vector<1x16xf32> to vector<16xf32>
              %sub3A_371 = arith.constant 1 : i32
              %sub3A_372 = arith.subi %add3A_362, %sub3A_371 : i32
              %get3A_373 = arith.index_cast %sub3A_372 : i32 to index
              %get3A_374 = arith.constant 16 : index
              %get3A_375 = tpu.vector_load %arg6[%get3A_373, %get3A_374] {strides = array<i32>} : memref<32x32xf32, #tpu.memory_space<vmem>>, vector<1x16xf32>,
              %get3A_376 = vector.shape_cast %get3A_375 : vector<1x16xf32> to vector<16xf32>
              %eq3A_377 = arith.constant 0 : i32
              %eq3A_378 = vector.broadcast %eq3A_377 : i32 to vector<16xi32>
              %eq3A_379 = arith.cmpi eq, %iota3A, %eq3A_378 : vector<16xi32>
              %broadcast_in_dim3A_380 = vector.shape_cast %and3A_94 : vector<16xi32> to vector<16x1xi32>
              %gather3A_381 = vector.shape_cast %broadcast_in_dim3A_380 : vector<16x1xi32> to vector<16xi32>
              %gather3A_382 = tpu.dynamic_gather %scan3A_351[%gather3A_381] in [0] : vector<16xf32>, vector<16xi32> -> vector<16xf32>
              %select_n3A_383 = arith.select %eq3A_379, %broadcast_in_dim3A_14, %gather3A_382 : vector<16xi1>, vector<16xf32>
              %broadcast_in_dim3A_384 = arith.constant 0 : i32
              %broadcast_in_dim3A_385 = vector.broadcast %broadcast_in_dim3A_384 : i32 to vector<16xi32>
              %broadcast_in_dim3A_386 = vector.shape_cast %broadcast_in_dim3A_385 : vector<16xi32> to vector<16x1xi32>
              %gather3A_387 = vector.shape_cast %broadcast_in_dim3A_386 : vector<16x1xi32> to vector<16xi32>
              %gather3A_388 = tpu.dynamic_gather %scan3A_352[%gather3A_387] in [0] : vector<16xf32>, vector<16xi32> -> vector<16xf32>
              %eq3A_389 = arith.constant 15 : i32
              %eq3A_390 = vector.broadcast %eq3A_389 : i32 to vector<16xi32>
              %eq3A_391 = arith.cmpi eq, %iota3A, %eq3A_390 : vector<16xi32>
              %broadcast_in_dim3A_392 = vector.shape_cast %and3A_100 : vector<16xi32> to vector<16x1xi32>
              %gather3A_393 = vector.shape_cast %broadcast_in_dim3A_392 : vector<16x1xi32> to vector<16xi32>
              %gather3A_394 = tpu.dynamic_gather %scan3A_351[%gather3A_393] in [0] : vector<16xf32>, vector<16xi32> -> vector<16xf32>
              %select_n3A_395 = arith.select %eq3A_391, %gather3A_388, %gather3A_394 : vector<16xi1>, vector<16xf32>
              %broadcast_in_dim3A_396 = arith.constant 15 : i32
              %broadcast_in_dim3A_397 = vector.broadcast %broadcast_in_dim3A_396 : i32 to vector<16xi32>
              %broadcast_in_dim3A_398 = vector.shape_cast %broadcast_in_dim3A_397 : vector<16xi32> to vector<16x1xi32>
              %gather3A_399 = vector.shape_cast %broadcast_in_dim3A_398 : vector<16x1xi32> to vector<16xi32>
              %gather3A_400 = tpu.dynamic_gather %scan3A_351[%gather3A_399] in [0] : vector<16xf32>, vector<16xi32> -> vector<16xf32>
              %eq3A_401 = arith.constant 0 : i32
              %eq3A_402 = vector.broadcast %eq3A_401 : i32 to vector<16xi32>
              %eq3A_403 = arith.cmpi eq, %iota3A, %eq3A_402 : vector<16xi32>
              %broadcast_in_dim3A_404 = vector.shape_cast %and3A_94 : vector<16xi32> to vector<16x1xi32>
              %gather3A_405 = vector.shape_cast %broadcast_in_dim3A_404 : vector<16x1xi32> to vector<16xi32>
              %gather3A_406 = tpu.dynamic_gather %scan3A_352[%gather3A_405] in [0] : vector<16xf32>, vector<16xi32> -> vector<16xf32>
              %select_n3A_407 = arith.select %eq3A_403, %gather3A_400, %gather3A_406 : vector<16xi1>, vector<16xf32>
              %eq3A_408 = arith.constant 15 : i32
              %eq3A_409 = vector.broadcast %eq3A_408 : i32 to vector<16xi32>
              %eq3A_410 = arith.cmpi eq, %iota3A, %eq3A_409 : vector<16xi32>
              %broadcast_in_dim3A_411 = vector.shape_cast %and3A_100 : vector<16xi32> to vector<16x1xi32>
              %gather3A_412 = vector.shape_cast %broadcast_in_dim3A_411 : vector<16x1xi32> to vector<16xi32>
              %gather3A_413 = tpu.dynamic_gather %scan3A_352[%gather3A_412] in [0] : vector<16xf32>, vector<16xi32> -> vector<16xf32>
              %select_n3A_414 = arith.select %eq3A_410, %broadcast_in_dim3A_14, %gather3A_413 : vector<16xi1>, vector<16xf32>
              %mul3A_415 = arith.constant 36 : i32
              %mul3A_416 = arith.muli %add3A_364, %mul3A_415 : i32
              %add3A_417 = arith.constant 0 : i32
              %add3A_418 = arith.addi %add3A_417, %mul3A_416 : i32
              %add3A_419 = arith.constant 1 : i32
              %add3A_420 = arith.addi %add3A_418, %add3A_419 : i32
              %add3A_421 = arith.constant 0 : i32
              %add3A_422 = arith.addi %add3A_420, %add3A_421 : i32
              %sub3A_423 = arith.constant 1 : i32
              %sub3A_424 = arith.subi %add3A_422, %sub3A_423 : i32
              %get3A_425 = arith.index_cast %sub3A_424 : i32 to index
              %get3A_426 = tpu.vector_load %arg8[%get3A_425] {strides = array<i32>} : memref<2592xf32, #tpu.memory_space<vmem>>, vector<16xf32>,
              %get3A_427 = vector.shape_cast %get3A_426 : vector<16xf32> to vector<16xf32>
              %get3A_428 = arith.index_cast %add3A_422 : i32 to index
              %get3A_429 = tpu.vector_load %arg8[%get3A_428] {strides = array<i32>} : memref<2592xf32, #tpu.memory_space<vmem>>, vector<16xf32>,
              %get3A_430 = vector.shape_cast %get3A_429 : vector<16xf32> to vector<16xf32>
              %add3A_431 = arith.constant 1 : i32
              %add3A_432 = arith.addi %add3A_422, %add3A_431 : i32
              %get3A_433 = arith.index_cast %add3A_432 : i32 to index
              %get3A_434 = tpu.vector_load %arg8[%get3A_433] {strides = array<i32>} : memref<2592xf32, #tpu.memory_space<vmem>>, vector<16xf32>,
              %get3A_435 = vector.shape_cast %get3A_434 : vector<16xf32> to vector<16xf32>
              %mul3A_436 = arith.constant 36 : i32
              %mul3A_437 = arith.muli %add3A_364, %mul3A_436 : i32
              %add3A_438 = arith.constant 0 : i32
              %add3A_439 = arith.addi %add3A_438, %mul3A_437 : i32
              %add3A_440 = arith.constant 1 : i32
              %add3A_441 = arith.addi %add3A_439, %add3A_440 : i32
              %add3A_442 = arith.constant 16 : i32
              %add3A_443 = arith.addi %add3A_441, %add3A_442 : i32
              %sub3A_444 = arith.constant 1 : i32
              %sub3A_445 = arith.subi %add3A_443, %sub3A_444 : i32
              %get3A_446 = arith.index_cast %sub3A_445 : i32 to index
              %get3A_447 = tpu.vector_load %arg8[%get3A_446] {strides = array<i32>} : memref<2592xf32, #tpu.memory_space<vmem>>, vector<16xf32>,
              %get3A_448 = vector.shape_cast %get3A_447 : vector<16xf32> to vector<16xf32>
              %get3A_449 = arith.index_cast %add3A_443 : i32 to index
              %get3A_450 = tpu.vector_load %arg8[%get3A_449] {strides = array<i32>} : memref<2592xf32, #tpu.memory_space<vmem>>, vector<16xf32>,
              %get3A_451 = vector.shape_cast %get3A_450 : vector<16xf32> to vector<16xf32>
              %add3A_452 = arith.constant 1 : i32
              %add3A_453 = arith.addi %add3A_443, %add3A_452 : i32
              %get3A_454 = arith.index_cast %add3A_453 : i32 to index
              %get3A_455 = tpu.vector_load %arg8[%get3A_454] {strides = array<i32>} : memref<2592xf32, #tpu.memory_space<vmem>>, vector<16xf32>,
              %get3A_456 = vector.shape_cast %get3A_455 : vector<16xf32> to vector<16xf32>
              %min3A = arith.minimumf %select_n3A_383, %scan3A_351 : vector<16xf32>
              %min3A_457 = arith.minimumf %select_n3A_395, %scan3A_345 : vector<16xf32>
              %min3A_458 = arith.minimumf %min3A, %min3A_457 : vector<16xf32>
              %min3A_459 = arith.minimumf %scan3A_347, %get3A_427 : vector<16xf32>
              %min3A_460 = arith.minimumf %get3A_430, %get3A_435 : vector<16xf32>
              %min3A_461 = arith.minimumf %min3A_459, %min3A_460 : vector<16xf32>
              %min3A_462 = arith.minimumf %min3A_458, %min3A_461 : vector<16xf32>
              %min3A_463 = arith.minimumf %select_n3A_407, %scan3A_352 : vector<16xf32>
              %min3A_464 = arith.minimumf %select_n3A_414, %scan3A_348 : vector<16xf32>
              %min3A_465 = arith.minimumf %min3A_463, %min3A_464 : vector<16xf32>
              %min3A_466 = arith.minimumf %scan3A_350, %get3A_448 : vector<16xf32>
              %min3A_467 = arith.minimumf %get3A_451, %get3A_456 : vector<16xf32>
              %min3A_468 = arith.minimumf %min3A_466, %min3A_467 : vector<16xf32>
              %min3A_469 = arith.minimumf %min3A_465, %min3A_468 : vector<16xf32>
              %add3A_470 = arith.addf %min3A_462, %get3A_370 : vector<16xf32>
              %min3A_471 = arith.minimumf %scan3A_346, %add3A_470 : vector<16xf32>
              %add3A_472 = arith.addf %min3A_469, %get3A_376 : vector<16xf32>
              %min3A_473 = arith.minimumf %scan3A_349, %add3A_472 : vector<16xf32>
              %mul3A_474 = arith.constant 36 : i32
              %mul3A_475 = arith.muli %add3A_362, %mul3A_474 : i32
              %add3A_476 = arith.constant 0 : i32
              %add3A_477 = arith.addi %add3A_476, %mul3A_475 : i32
              %add3A_478 = arith.constant 1 : i32
              %add3A_479 = arith.addi %add3A_477, %add3A_478 : i32
              %swap3A_480 = arith.index_cast %add3A_479 : i32 to index
              %swap3A_481 = tpu.vector_load %arg8[%swap3A_480] {strides = array<i32>} : memref<2592xf32, #tpu.memory_space<vmem>>, vector<16xf32>,
              %swap3A_482 = vector.shape_cast %swap3A_481 : vector<16xf32> to vector<16xf32>
              %swap3A_483 = vector.shape_cast %min3A_471 : vector<16xf32> to vector<16xf32>
              tpu.vector_store %arg8[%swap3A_480], %swap3A_483 {strides = array<i32>} : memref<2592xf32, #tpu.memory_space<vmem>>, vector<16xf32>,
              %mul3A_484 = arith.constant 36 : i32
              %mul3A_485 = arith.muli %add3A_362, %mul3A_484 : i32
              %add3A_486 = arith.constant 0 : i32
              %add3A_487 = arith.addi %add3A_486, %mul3A_485 : i32
              %add3A_488 = arith.constant 17 : i32
              %add3A_489 = arith.addi %add3A_487, %add3A_488 : i32
              %swap3A_490 = arith.index_cast %add3A_489 : i32 to index
              %swap3A_491 = tpu.vector_load %arg8[%swap3A_490] {strides = array<i32>} : memref<2592xf32, #tpu.memory_space<vmem>>, vector<16xf32>,
              %swap3A_492 = vector.shape_cast %swap3A_491 : vector<16xf32> to vector<16xf32>
              %swap3A_493 = vector.shape_cast %min3A_473 : vector<16xf32> to vector<16xf32>
              tpu.vector_store %arg8[%swap3A_490], %swap3A_493 {strides = array<i32>} : memref<2592xf32, #tpu.memory_space<vmem>>, vector<16xf32>,
              %sub3A_494 = arith.subf %scan3A_346, %min3A_471 : vector<16xf32>
              %sub3A_495 = arith.subf %scan3A_349, %min3A_473 : vector<16xf32>
              %max3A_496 = arith.maximumf %sub3A_494, %sub3A_495 : vector<16xf32>
              %max3A_497 = arith.maximumf %scan3A_344, %max3A_496 : vector<16xf32>
              %eq3A_498 = arith.constant 0 : i32
              %eq3A_499 = vector.broadcast %eq3A_498 : i32 to vector<16xi32>
              %eq3A_500 = arith.cmpi eq, %iota3A, %eq3A_499 : vector<16xi32>
              %broadcast_in_dim3A_501 = vector.shape_cast %and3A_94 : vector<16xi32> to vector<16x1xi32>
              %gather3A_502 = vector.shape_cast %broadcast_in_dim3A_501 : vector<16x1xi32> to vector<16xi32>
              %gather3A_503 = tpu.dynamic_gather %scan3A_359[%gather3A_502] in [0] : vector<16xf32>, vector<16xi32> -> vector<16xf32>
              %select_n3A_504 = arith.select %eq3A_500, %broadcast_in_dim3A_14, %gather3A_503 : vector<16xi1>, vector<16xf32>
              %broadcast_in_dim3A_505 = arith.constant 0 : i32
              %broadcast_in_dim3A_506 = vector.broadcast %broadcast_in_dim3A_505 : i32 to vector<16xi32>
              %broadcast_in_dim3A_507 = vector.shape_cast %broadcast_in_dim3A_506 : vector<16xi32> to vector<16x1xi32>
              %gather3A_508 = vector.shape_cast %broadcast_in_dim3A_507 : vector<16x1xi32> to vector<16xi32>
              %gather3A_509 = tpu.dynamic_gather %scan3A_360[%gather3A_508] in [0] : vector<16xf32>, vector<16xi32> -> vector<16xf32>
              %eq3A_510 = arith.constant 15 : i32
              %eq3A_511 = vector.broadcast %eq3A_510 : i32 to vector<16xi32>
              %eq3A_512 = arith.cmpi eq, %iota3A, %eq3A_511 : vector<16xi32>
              %broadcast_in_dim3A_513 = vector.shape_cast %and3A_100 : vector<16xi32> to vector<16x1xi32>
              %gather3A_514 = vector.shape_cast %broadcast_in_dim3A_513 : vector<16x1xi32> to vector<16xi32>
              %gather3A_515 = tpu.dynamic_gather %scan3A_359[%gather3A_514] in [0] : vector<16xf32>, vector<16xi32> -> vector<16xf32>
              %select_n3A_516 = arith.select %eq3A_512, %gather3A_509, %gather3A_515 : vector<16xi1>, vector<16xf32>
              %broadcast_in_dim3A_517 = arith.constant 15 : i32
              %broadcast_in_dim3A_518 = vector.broadcast %broadcast_in_dim3A_517 : i32 to vector<16xi32>
              %broadcast_in_dim3A_519 = vector.shape_cast %broadcast_in_dim3A_518 : vector<16xi32> to vector<16x1xi32>
              %gather3A_520 = vector.shape_cast %broadcast_in_dim3A_519 : vector<16x1xi32> to vector<16xi32>
              %gather3A_521 = tpu.dynamic_gather %scan3A_359[%gather3A_520] in [0] : vector<16xf32>, vector<16xi32> -> vector<16xf32>
              %eq3A_522 = arith.constant 0 : i32
              %eq3A_523 = vector.broadcast %eq3A_522 : i32 to vector<16xi32>
              %eq3A_524 = arith.cmpi eq, %iota3A, %eq3A_523 : vector<16xi32>
              %broadcast_in_dim3A_525 = vector.shape_cast %and3A_94 : vector<16xi32> to vector<16x1xi32>
              %gather3A_526 = vector.shape_cast %broadcast_in_dim3A_525 : vector<16x1xi32> to vector<16xi32>
              %gather3A_527 = tpu.dynamic_gather %scan3A_360[%gather3A_526] in [0] : vector<16xf32>, vector<16xi32> -> vector<16xf32>
              %select_n3A_528 = arith.select %eq3A_524, %gather3A_521, %gather3A_527 : vector<16xi1>, vector<16xf32>
              %eq3A_529 = arith.constant 15 : i32
              %eq3A_530 = vector.broadcast %eq3A_529 : i32 to vector<16xi32>
              %eq3A_531 = arith.cmpi eq, %iota3A, %eq3A_530 : vector<16xi32>
              %broadcast_in_dim3A_532 = vector.shape_cast %and3A_100 : vector<16xi32> to vector<16x1xi32>
              %gather3A_533 = vector.shape_cast %broadcast_in_dim3A_532 : vector<16x1xi32> to vector<16xi32>
              %gather3A_534 = tpu.dynamic_gather %scan3A_360[%gather3A_533] in [0] : vector<16xf32>, vector<16xi32> -> vector<16xf32>
              %select_n3A_535 = arith.select %eq3A_531, %broadcast_in_dim3A_14, %gather3A_534 : vector<16xi1>, vector<16xf32>
              %mul3A_536 = arith.constant 36 : i32
              %mul3A_537 = arith.muli %add3A_364, %mul3A_536 : i32
              %add3A_538 = arith.constant 1296 : i32
              %add3A_539 = arith.addi %add3A_538, %mul3A_537 : i32
              %add3A_540 = arith.constant 1 : i32
              %add3A_541 = arith.addi %add3A_539, %add3A_540 : i32
              %add3A_542 = arith.constant 0 : i32
              %add3A_543 = arith.addi %add3A_541, %add3A_542 : i32
              %sub3A_544 = arith.constant 1 : i32
              %sub3A_545 = arith.subi %add3A_543, %sub3A_544 : i32
              %get3A_546 = arith.index_cast %sub3A_545 : i32 to index
              %get3A_547 = tpu.vector_load %arg8[%get3A_546] {strides = array<i32>} : memref<2592xf32, #tpu.memory_space<vmem>>, vector<16xf32>,
              %get3A_548 = vector.shape_cast %get3A_547 : vector<16xf32> to vector<16xf32>
              %get3A_549 = arith.index_cast %add3A_543 : i32 to index
              %get3A_550 = tpu.vector_load %arg8[%get3A_549] {strides = array<i32>} : memref<2592xf32, #tpu.memory_space<vmem>>, vector<16xf32>,
              %get3A_551 = vector.shape_cast %get3A_550 : vector<16xf32> to vector<16xf32>
              %add3A_552 = arith.constant 1 : i32
              %add3A_553 = arith.addi %add3A_543, %add3A_552 : i32
              %get3A_554 = arith.index_cast %add3A_553 : i32 to index
              %get3A_555 = tpu.vector_load %arg8[%get3A_554] {strides = array<i32>} : memref<2592xf32, #tpu.memory_space<vmem>>, vector<16xf32>,
              %get3A_556 = vector.shape_cast %get3A_555 : vector<16xf32> to vector<16xf32>
              %mul3A_557 = arith.constant 36 : i32
              %mul3A_558 = arith.muli %add3A_364, %mul3A_557 : i32
              %add3A_559 = arith.constant 1296 : i32
              %add3A_560 = arith.addi %add3A_559, %mul3A_558 : i32
              %add3A_561 = arith.constant 1 : i32
              %add3A_562 = arith.addi %add3A_560, %add3A_561 : i32
              %add3A_563 = arith.constant 16 : i32
              %add3A_564 = arith.addi %add3A_562, %add3A_563 : i32
              %sub3A_565 = arith.constant 1 : i32
              %sub3A_566 = arith.subi %add3A_564, %sub3A_565 : i32
              %get3A_567 = arith.index_cast %sub3A_566 : i32 to index
              %get3A_568 = tpu.vector_load %arg8[%get3A_567] {strides = array<i32>} : memref<2592xf32, #tpu.memory_space<vmem>>, vector<16xf32>,
              %get3A_569 = vector.shape_cast %get3A_568 : vector<16xf32> to vector<16xf32>
              %get3A_570 = arith.index_cast %add3A_564 : i32 to index
              %get3A_571 = tpu.vector_load %arg8[%get3A_570] {strides = array<i32>} : memref<2592xf32, #tpu.memory_space<vmem>>, vector<16xf32>,
              %get3A_572 = vector.shape_cast %get3A_571 : vector<16xf32> to vector<16xf32>
              %add3A_573 = arith.constant 1 : i32
              %add3A_574 = arith.addi %add3A_564, %add3A_573 : i32
              %get3A_575 = arith.index_cast %add3A_574 : i32 to index
              %get3A_576 = tpu.vector_load %arg8[%get3A_575] {strides = array<i32>} : memref<2592xf32, #tpu.memory_space<vmem>>, vector<16xf32>,
              %get3A_577 = vector.shape_cast %get3A_576 : vector<16xf32> to vector<16xf32>
              %min3A_578 = arith.minimumf %select_n3A_504, %scan3A_359 : vector<16xf32>
              %min3A_579 = arith.minimumf %select_n3A_516, %scan3A_353 : vector<16xf32>
              %min3A_580 = arith.minimumf %min3A_578, %min3A_579 : vector<16xf32>
              %min3A_581 = arith.minimumf %scan3A_355, %get3A_548 : vector<16xf32>
              %min3A_582 = arith.minimumf %get3A_551, %get3A_556 : vector<16xf32>
              %min3A_583 = arith.minimumf %min3A_581, %min3A_582 : vector<16xf32>
              %min3A_584 = arith.minimumf %min3A_580, %min3A_583 : vector<16xf32>
              %min3A_585 = arith.minimumf %select_n3A_528, %scan3A_360 : vector<16xf32>
              %min3A_586 = arith.minimumf %select_n3A_535, %scan3A_356 : vector<16xf32>
              %min3A_587 = arith.minimumf %min3A_585, %min3A_586 : vector<16xf32>
              %min3A_588 = arith.minimumf %scan3A_358, %get3A_569 : vector<16xf32>
              %min3A_589 = arith.minimumf %get3A_572, %get3A_577 : vector<16xf32>
              %min3A_590 = arith.minimumf %min3A_588, %min3A_589 : vector<16xf32>
              %min3A_591 = arith.minimumf %min3A_587, %min3A_590 : vector<16xf32>
              %add3A_592 = arith.addf %min3A_584, %get3A_370 : vector<16xf32>
              %min3A_593 = arith.minimumf %scan3A_354, %add3A_592 : vector<16xf32>
              %add3A_594 = arith.addf %min3A_591, %get3A_376 : vector<16xf32>
              %min3A_595 = arith.minimumf %scan3A_357, %add3A_594 : vector<16xf32>
              %mul3A_596 = arith.constant 36 : i32
              %mul3A_597 = arith.muli %add3A_362, %mul3A_596 : i32
              %add3A_598 = arith.constant 1296 : i32
              %add3A_599 = arith.addi %add3A_598, %mul3A_597 : i32
              %add3A_600 = arith.constant 1 : i32
              %add3A_601 = arith.addi %add3A_599, %add3A_600 : i32
              %swap3A_602 = arith.index_cast %add3A_601 : i32 to index
              %swap3A_603 = tpu.vector_load %arg8[%swap3A_602] {strides = array<i32>} : memref<2592xf32, #tpu.memory_space<vmem>>, vector<16xf32>,
              %swap3A_604 = vector.shape_cast %swap3A_603 : vector<16xf32> to vector<16xf32>
              %swap3A_605 = vector.shape_cast %min3A_593 : vector<16xf32> to vector<16xf32>
              tpu.vector_store %arg8[%swap3A_602], %swap3A_605 {strides = array<i32>} : memref<2592xf32, #tpu.memory_space<vmem>>, vector<16xf32>,
              %mul3A_606 = arith.constant 36 : i32
              %mul3A_607 = arith.muli %add3A_362, %mul3A_606 : i32
              %add3A_608 = arith.constant 1296 : i32
              %add3A_609 = arith.addi %add3A_608, %mul3A_607 : i32
              %add3A_610 = arith.constant 17 : i32
              %add3A_611 = arith.addi %add3A_609, %add3A_610 : i32
              %swap3A_612 = arith.index_cast %add3A_611 : i32 to index
              %swap3A_613 = tpu.vector_load %arg8[%swap3A_612] {strides = array<i32>} : memref<2592xf32, #tpu.memory_space<vmem>>, vector<16xf32>,
              %swap3A_614 = vector.shape_cast %swap3A_613 : vector<16xf32> to vector<16xf32>
              %swap3A_615 = vector.shape_cast %min3A_595 : vector<16xf32> to vector<16xf32>
              tpu.vector_store %arg8[%swap3A_612], %swap3A_615 {strides = array<i32>} : memref<2592xf32, #tpu.memory_space<vmem>>, vector<16xf32>,
              %sub3A_616 = arith.subf %scan3A_354, %min3A_593 : vector<16xf32>
              %sub3A_617 = arith.subf %scan3A_357, %min3A_595 : vector<16xf32>
              %max3A_618 = arith.maximumf %sub3A_616, %sub3A_617 : vector<16xf32>
              %max3A_619 = arith.maximumf %max3A_497, %max3A_618 : vector<16xf32>
              %scan3A_620 = arith.constant 1 : i32
              %scan3A_621 = arith.addi %scan3A_343, %scan3A_620 : i32
              %add3A_622 = arith.constant 1 : i32
              %add3A_623 = arith.addi %add3A_622, %scan3A_621 : i32
              %add3A_624 = arith.constant 1 : i32
              %add3A_625 = arith.addi %add3A_623, %add3A_624 : i32
              %sub3A_626 = arith.constant 1 : i32
              %sub3A_627 = arith.subi %add3A_623, %sub3A_626 : i32
              %get3A_628 = arith.index_cast %sub3A_627 : i32 to index
              %get3A_629 = arith.constant 0 : index
              %get3A_630 = tpu.vector_load %arg6[%get3A_628, %get3A_629] {strides = array<i32>} : memref<32x32xf32, #tpu.memory_space<vmem>>, vector<1x16xf32>,
              %get3A_631 = vector.shape_cast %get3A_630 : vector<1x16xf32> to vector<16xf32>
              %sub3A_632 = arith.constant 1 : i32
              %sub3A_633 = arith.subi %add3A_623, %sub3A_632 : i32
              %get3A_634 = arith.index_cast %sub3A_633 : i32 to index
              %get3A_635 = arith.constant 16 : index
              %get3A_636 = tpu.vector_load %arg6[%get3A_634, %get3A_635] {strides = array<i32>} : memref<32x32xf32, #tpu.memory_space<vmem>>, vector<1x16xf32>,
              %get3A_637 = vector.shape_cast %get3A_636 : vector<1x16xf32> to vector<16xf32>
              %eq3A_638 = arith.constant 0 : i32
              %eq3A_639 = vector.broadcast %eq3A_638 : i32 to vector<16xi32>
              %eq3A_640 = arith.cmpi eq, %iota3A, %eq3A_639 : vector<16xi32>
              %broadcast_in_dim3A_641 = vector.shape_cast %and3A_94 : vector<16xi32> to vector<16x1xi32>
              %gather3A_642 = vector.shape_cast %broadcast_in_dim3A_641 : vector<16x1xi32> to vector<16xi32>
              %gather3A_643 = tpu.dynamic_gather %min3A_471[%gather3A_642] in [0] : vector<16xf32>, vector<16xi32> -> vector<16xf32>
              %select_n3A_644 = arith.select %eq3A_640, %broadcast_in_dim3A_14, %gather3A_643 : vector<16xi1>, vector<16xf32>
              %broadcast_in_dim3A_645 = arith.constant 0 : i32
              %broadcast_in_dim3A_646 = vector.broadcast %broadcast_in_dim3A_645 : i32 to vector<16xi32>
              %broadcast_in_dim3A_647 = vector.shape_cast %broadcast_in_dim3A_646 : vector<16xi32> to vector<16x1xi32>
              %gather3A_648 = vector.shape_cast %broadcast_in_dim3A_647 : vector<16x1xi32> to vector<16xi32>
              %gather3A_649 = tpu.dynamic_gather %min3A_473[%gather3A_648] in [0] : vector<16xf32>, vector<16xi32> -> vector<16xf32>
              %eq3A_650 = arith.constant 15 : i32
              %eq3A_651 = vector.broadcast %eq3A_650 : i32 to vector<16xi32>
              %eq3A_652 = arith.cmpi eq, %iota3A, %eq3A_651 : vector<16xi32>
              %broadcast_in_dim3A_653 = vector.shape_cast %and3A_100 : vector<16xi32> to vector<16x1xi32>
              %gather3A_654 = vector.shape_cast %broadcast_in_dim3A_653 : vector<16x1xi32> to vector<16xi32>
              %gather3A_655 = tpu.dynamic_gather %min3A_471[%gather3A_654] in [0] : vector<16xf32>, vector<16xi32> -> vector<16xf32>
              %select_n3A_656 = arith.select %eq3A_652, %gather3A_649, %gather3A_655 : vector<16xi1>, vector<16xf32>
              %broadcast_in_dim3A_657 = arith.constant 15 : i32
              %broadcast_in_dim3A_658 = vector.broadcast %broadcast_in_dim3A_657 : i32 to vector<16xi32>
              %broadcast_in_dim3A_659 = vector.shape_cast %broadcast_in_dim3A_658 : vector<16xi32> to vector<16x1xi32>
              %gather3A_660 = vector.shape_cast %broadcast_in_dim3A_659 : vector<16x1xi32> to vector<16xi32>
              %gather3A_661 = tpu.dynamic_gather %min3A_471[%gather3A_660] in [0] : vector<16xf32>, vector<16xi32> -> vector<16xf32>
              %eq3A_662 = arith.constant 0 : i32
              %eq3A_663 = vector.broadcast %eq3A_662 : i32 to vector<16xi32>
              %eq3A_664 = arith.cmpi eq, %iota3A, %eq3A_663 : vector<16xi32>
              %broadcast_in_dim3A_665 = vector.shape_cast %and3A_94 : vector<16xi32> to vector<16x1xi32>
              %gather3A_666 = vector.shape_cast %broadcast_in_dim3A_665 : vector<16x1xi32> to vector<16xi32>
              %gather3A_667 = tpu.dynamic_gather %min3A_473[%gather3A_666] in [0] : vector<16xf32>, vector<16xi32> -> vector<16xf32>
              %select_n3A_668 = arith.select %eq3A_664, %gather3A_661, %gather3A_667 : vector<16xi1>, vector<16xf32>
              %eq3A_669 = arith.constant 15 : i32
              %eq3A_670 = vector.broadcast %eq3A_669 : i32 to vector<16xi32>
              %eq3A_671 = arith.cmpi eq, %iota3A, %eq3A_670 : vector<16xi32>
              %broadcast_in_dim3A_672 = vector.shape_cast %and3A_100 : vector<16xi32> to vector<16x1xi32>
              %gather3A_673 = vector.shape_cast %broadcast_in_dim3A_672 : vector<16x1xi32> to vector<16xi32>
              %gather3A_674 = tpu.dynamic_gather %min3A_473[%gather3A_673] in [0] : vector<16xf32>, vector<16xi32> -> vector<16xf32>
              %select_n3A_675 = arith.select %eq3A_671, %broadcast_in_dim3A_14, %gather3A_674 : vector<16xi1>, vector<16xf32>
              %mul3A_676 = arith.constant 36 : i32
              %mul3A_677 = arith.muli %add3A_625, %mul3A_676 : i32
              %add3A_678 = arith.constant 0 : i32
              %add3A_679 = arith.addi %add3A_678, %mul3A_677 : i32
              %add3A_680 = arith.constant 1 : i32
              %add3A_681 = arith.addi %add3A_679, %add3A_680 : i32
              %add3A_682 = arith.constant 0 : i32
              %add3A_683 = arith.addi %add3A_681, %add3A_682 : i32
              %sub3A_684 = arith.constant 1 : i32
              %sub3A_685 = arith.subi %add3A_683, %sub3A_684 : i32
              %get3A_686 = arith.index_cast %sub3A_685 : i32 to index
              %get3A_687 = tpu.vector_load %arg8[%get3A_686] {strides = array<i32>} : memref<2592xf32, #tpu.memory_space<vmem>>, vector<16xf32>,
              %get3A_688 = vector.shape_cast %get3A_687 : vector<16xf32> to vector<16xf32>
              %get3A_689 = arith.index_cast %add3A_683 : i32 to index
              %get3A_690 = tpu.vector_load %arg8[%get3A_689] {strides = array<i32>} : memref<2592xf32, #tpu.memory_space<vmem>>, vector<16xf32>,
              %get3A_691 = vector.shape_cast %get3A_690 : vector<16xf32> to vector<16xf32>
              %add3A_692 = arith.constant 1 : i32
              %add3A_693 = arith.addi %add3A_683, %add3A_692 : i32
              %get3A_694 = arith.index_cast %add3A_693 : i32 to index
              %get3A_695 = tpu.vector_load %arg8[%get3A_694] {strides = array<i32>} : memref<2592xf32, #tpu.memory_space<vmem>>, vector<16xf32>,
              %get3A_696 = vector.shape_cast %get3A_695 : vector<16xf32> to vector<16xf32>
              %mul3A_697 = arith.constant 36 : i32
              %mul3A_698 = arith.muli %add3A_625, %mul3A_697 : i32
              %add3A_699 = arith.constant 0 : i32
              %add3A_700 = arith.addi %add3A_699, %mul3A_698 : i32
              %add3A_701 = arith.constant 1 : i32
              %add3A_702 = arith.addi %add3A_700, %add3A_701 : i32
              %add3A_703 = arith.constant 16 : i32
              %add3A_704 = arith.addi %add3A_702, %add3A_703 : i32
              %sub3A_705 = arith.constant 1 : i32
              %sub3A_706 = arith.subi %add3A_704, %sub3A_705 : i32
              %get3A_707 = arith.index_cast %sub3A_706 : i32 to index
              %get3A_708 = tpu.vector_load %arg8[%get3A_707] {strides = array<i32>} : memref<2592xf32, #tpu.memory_space<vmem>>, vector<16xf32>,
              %get3A_709 = vector.shape_cast %get3A_708 : vector<16xf32> to vector<16xf32>
              %get3A_710 = arith.index_cast %add3A_704 : i32 to index
              %get3A_711 = tpu.vector_load %arg8[%get3A_710] {strides = array<i32>} : memref<2592xf32, #tpu.memory_space<vmem>>, vector<16xf32>,
              %get3A_712 = vector.shape_cast %get3A_711 : vector<16xf32> to vector<16xf32>
              %add3A_713 = arith.constant 1 : i32
              %add3A_714 = arith.addi %add3A_704, %add3A_713 : i32
              %get3A_715 = arith.index_cast %add3A_714 : i32 to index
              %get3A_716 = tpu.vector_load %arg8[%get3A_715] {strides = array<i32>} : memref<2592xf32, #tpu.memory_space<vmem>>, vector<16xf32>,
              %get3A_717 = vector.shape_cast %get3A_716 : vector<16xf32> to vector<16xf32>
              %min3A_718 = arith.minimumf %select_n3A_644, %min3A_471 : vector<16xf32>
              %min3A_719 = arith.minimumf %select_n3A_656, %get3A_427 : vector<16xf32>
              %min3A_720 = arith.minimumf %min3A_718, %min3A_719 : vector<16xf32>
              %min3A_721 = arith.minimumf %get3A_435, %get3A_688 : vector<16xf32>
              %min3A_722 = arith.minimumf %get3A_691, %get3A_696 : vector<16xf32>
              %min3A_723 = arith.minimumf %min3A_721, %min3A_722 : vector<16xf32>
              %min3A_724 = arith.minimumf %min3A_720, %min3A_723 : vector<16xf32>
              %min3A_725 = arith.minimumf %select_n3A_668, %min3A_473 : vector<16xf32>
              %min3A_726 = arith.minimumf %select_n3A_675, %get3A_448 : vector<16xf32>
              %min3A_727 = arith.minimumf %min3A_725, %min3A_726 : vector<16xf32>
              %min3A_728 = arith.minimumf %get3A_456, %get3A_709 : vector<16xf32>
              %min3A_729 = arith.minimumf %get3A_712, %get3A_717 : vector<16xf32>
              %min3A_730 = arith.minimumf %min3A_728, %min3A_729 : vector<16xf32>
              %min3A_731 = arith.minimumf %min3A_727, %min3A_730 : vector<16xf32>
              %add3A_732 = arith.addf %min3A_724, %get3A_631 : vector<16xf32>
              %min3A_733 = arith.minimumf %get3A_430, %add3A_732 : vector<16xf32>
              %add3A_734 = arith.addf %min3A_731, %get3A_637 : vector<16xf32>
              %min3A_735 = arith.minimumf %get3A_451, %add3A_734 : vector<16xf32>
              %mul3A_736 = arith.constant 36 : i32
              %mul3A_737 = arith.muli %add3A_623, %mul3A_736 : i32
              %add3A_738 = arith.constant 0 : i32
              %add3A_739 = arith.addi %add3A_738, %mul3A_737 : i32
              %add3A_740 = arith.constant 1 : i32
              %add3A_741 = arith.addi %add3A_739, %add3A_740 : i32
              %swap3A_742 = arith.index_cast %add3A_741 : i32 to index
              %swap3A_743 = tpu.vector_load %arg8[%swap3A_742] {strides = array<i32>} : memref<2592xf32, #tpu.memory_space<vmem>>, vector<16xf32>,
              %swap3A_744 = vector.shape_cast %swap3A_743 : vector<16xf32> to vector<16xf32>
              %swap3A_745 = vector.shape_cast %min3A_733 : vector<16xf32> to vector<16xf32>
              tpu.vector_store %arg8[%swap3A_742], %swap3A_745 {strides = array<i32>} : memref<2592xf32, #tpu.memory_space<vmem>>, vector<16xf32>,
              %mul3A_746 = arith.constant 36 : i32
              %mul3A_747 = arith.muli %add3A_623, %mul3A_746 : i32
              %add3A_748 = arith.constant 0 : i32
              %add3A_749 = arith.addi %add3A_748, %mul3A_747 : i32
              %add3A_750 = arith.constant 17 : i32
              %add3A_751 = arith.addi %add3A_749, %add3A_750 : i32
              %swap3A_752 = arith.index_cast %add3A_751 : i32 to index
              %swap3A_753 = tpu.vector_load %arg8[%swap3A_752] {strides = array<i32>} : memref<2592xf32, #tpu.memory_space<vmem>>, vector<16xf32>,
              %swap3A_754 = vector.shape_cast %swap3A_753 : vector<16xf32> to vector<16xf32>
              %swap3A_755 = vector.shape_cast %min3A_735 : vector<16xf32> to vector<16xf32>
              tpu.vector_store %arg8[%swap3A_752], %swap3A_755 {strides = array<i32>} : memref<2592xf32, #tpu.memory_space<vmem>>, vector<16xf32>,
              %sub3A_756 = arith.subf %get3A_430, %min3A_733 : vector<16xf32>
              %sub3A_757 = arith.subf %get3A_451, %min3A_735 : vector<16xf32>
              %max3A_758 = arith.maximumf %sub3A_756, %sub3A_757 : vector<16xf32>
              %max3A_759 = arith.maximumf %max3A_619, %max3A_758 : vector<16xf32>
              %eq3A_760 = arith.constant 0 : i32
              %eq3A_761 = vector.broadcast %eq3A_760 : i32 to vector<16xi32>
              %eq3A_762 = arith.cmpi eq, %iota3A, %eq3A_761 : vector<16xi32>
              %broadcast_in_dim3A_763 = vector.shape_cast %and3A_94 : vector<16xi32> to vector<16x1xi32>
              %gather3A_764 = vector.shape_cast %broadcast_in_dim3A_763 : vector<16x1xi32> to vector<16xi32>
              %gather3A_765 = tpu.dynamic_gather %min3A_593[%gather3A_764] in [0] : vector<16xf32>, vector<16xi32> -> vector<16xf32>
              %select_n3A_766 = arith.select %eq3A_762, %broadcast_in_dim3A_14, %gather3A_765 : vector<16xi1>, vector<16xf32>
              %broadcast_in_dim3A_767 = arith.constant 0 : i32
              %broadcast_in_dim3A_768 = vector.broadcast %broadcast_in_dim3A_767 : i32 to vector<16xi32>
              %broadcast_in_dim3A_769 = vector.shape_cast %broadcast_in_dim3A_768 : vector<16xi32> to vector<16x1xi32>
              %gather3A_770 = vector.shape_cast %broadcast_in_dim3A_769 : vector<16x1xi32> to vector<16xi32>
              %gather3A_771 = tpu.dynamic_gather %min3A_595[%gather3A_770] in [0] : vector<16xf32>, vector<16xi32> -> vector<16xf32>
              %eq3A_772 = arith.constant 15 : i32
              %eq3A_773 = vector.broadcast %eq3A_772 : i32 to vector<16xi32>
              %eq3A_774 = arith.cmpi eq, %iota3A, %eq3A_773 : vector<16xi32>
              %broadcast_in_dim3A_775 = vector.shape_cast %and3A_100 : vector<16xi32> to vector<16x1xi32>
              %gather3A_776 = vector.shape_cast %broadcast_in_dim3A_775 : vector<16x1xi32> to vector<16xi32>
              %gather3A_777 = tpu.dynamic_gather %min3A_593[%gather3A_776] in [0] : vector<16xf32>, vector<16xi32> -> vector<16xf32>
              %select_n3A_778 = arith.select %eq3A_774, %gather3A_771, %gather3A_777 : vector<16xi1>, vector<16xf32>
              %broadcast_in_dim3A_779 = arith.constant 15 : i32
              %broadcast_in_dim3A_780 = vector.broadcast %broadcast_in_dim3A_779 : i32 to vector<16xi32>
              %broadcast_in_dim3A_781 = vector.shape_cast %broadcast_in_dim3A_780 : vector<16xi32> to vector<16x1xi32>
              %gather3A_782 = vector.shape_cast %broadcast_in_dim3A_781 : vector<16x1xi32> to vector<16xi32>
              %gather3A_783 = tpu.dynamic_gather %min3A_593[%gather3A_782] in [0] : vector<16xf32>, vector<16xi32> -> vector<16xf32>
              %eq3A_784 = arith.constant 0 : i32
              %eq3A_785 = vector.broadcast %eq3A_784 : i32 to vector<16xi32>
              %eq3A_786 = arith.cmpi eq, %iota3A, %eq3A_785 : vector<16xi32>
              %broadcast_in_dim3A_787 = vector.shape_cast %and3A_94 : vector<16xi32> to vector<16x1xi32>
              %gather3A_788 = vector.shape_cast %broadcast_in_dim3A_787 : vector<16x1xi32> to vector<16xi32>
              %gather3A_789 = tpu.dynamic_gather %min3A_595[%gather3A_788] in [0] : vector<16xf32>, vector<16xi32> -> vector<16xf32>
              %select_n3A_790 = arith.select %eq3A_786, %gather3A_783, %gather3A_789 : vector<16xi1>, vector<16xf32>
              %eq3A_791 = arith.constant 15 : i32
              %eq3A_792 = vector.broadcast %eq3A_791 : i32 to vector<16xi32>
              %eq3A_793 = arith.cmpi eq, %iota3A, %eq3A_792 : vector<16xi32>
              %broadcast_in_dim3A_794 = vector.shape_cast %and3A_100 : vector<16xi32> to vector<16x1xi32>
              %gather3A_795 = vector.shape_cast %broadcast_in_dim3A_794 : vector<16x1xi32> to vector<16xi32>
              %gather3A_796 = tpu.dynamic_gather %min3A_595[%gather3A_795] in [0] : vector<16xf32>, vector<16xi32> -> vector<16xf32>
              %select_n3A_797 = arith.select %eq3A_793, %broadcast_in_dim3A_14, %gather3A_796 : vector<16xi1>, vector<16xf32>
              %mul3A_798 = arith.constant 36 : i32
              %mul3A_799 = arith.muli %add3A_625, %mul3A_798 : i32
              %add3A_800 = arith.constant 1296 : i32
              %add3A_801 = arith.addi %add3A_800, %mul3A_799 : i32
              %add3A_802 = arith.constant 1 : i32
              %add3A_803 = arith.addi %add3A_801, %add3A_802 : i32
              %add3A_804 = arith.constant 0 : i32
              %add3A_805 = arith.addi %add3A_803, %add3A_804 : i32
              %sub3A_806 = arith.constant 1 : i32
              %sub3A_807 = arith.subi %add3A_805, %sub3A_806 : i32
              %get3A_808 = arith.index_cast %sub3A_807 : i32 to index
              %get3A_809 = tpu.vector_load %arg8[%get3A_808] {strides = array<i32>} : memref<2592xf32, #tpu.memory_space<vmem>>, vector<16xf32>,
              %get3A_810 = vector.shape_cast %get3A_809 : vector<16xf32> to vector<16xf32>
              %get3A_811 = arith.index_cast %add3A_805 : i32 to index
              %get3A_812 = tpu.vector_load %arg8[%get3A_811] {strides = array<i32>} : memref<2592xf32, #tpu.memory_space<vmem>>, vector<16xf32>,
              %get3A_813 = vector.shape_cast %get3A_812 : vector<16xf32> to vector<16xf32>
              %add3A_814 = arith.constant 1 : i32
              %add3A_815 = arith.addi %add3A_805, %add3A_814 : i32
              %get3A_816 = arith.index_cast %add3A_815 : i32 to index
              %get3A_817 = tpu.vector_load %arg8[%get3A_816] {strides = array<i32>} : memref<2592xf32, #tpu.memory_space<vmem>>, vector<16xf32>,
              %get3A_818 = vector.shape_cast %get3A_817 : vector<16xf32> to vector<16xf32>
              %mul3A_819 = arith.constant 36 : i32
              %mul3A_820 = arith.muli %add3A_625, %mul3A_819 : i32
              %add3A_821 = arith.constant 1296 : i32
              %add3A_822 = arith.addi %add3A_821, %mul3A_820 : i32
              %add3A_823 = arith.constant 1 : i32
              %add3A_824 = arith.addi %add3A_822, %add3A_823 : i32
              %add3A_825 = arith.constant 16 : i32
              %add3A_826 = arith.addi %add3A_824, %add3A_825 : i32
              %sub3A_827 = arith.constant 1 : i32
              %sub3A_828 = arith.subi %add3A_826, %sub3A_827 : i32
              %get3A_829 = arith.index_cast %sub3A_828 : i32 to index
              %get3A_830 = tpu.vector_load %arg8[%get3A_829] {strides = array<i32>} : memref<2592xf32, #tpu.memory_space<vmem>>, vector<16xf32>,
              %get3A_831 = vector.shape_cast %get3A_830 : vector<16xf32> to vector<16xf32>
              %get3A_832 = arith.index_cast %add3A_826 : i32 to index
              %get3A_833 = tpu.vector_load %arg8[%get3A_832] {strides = array<i32>} : memref<2592xf32, #tpu.memory_space<vmem>>, vector<16xf32>,
              %get3A_834 = vector.shape_cast %get3A_833 : vector<16xf32> to vector<16xf32>
              %add3A_835 = arith.constant 1 : i32
              %add3A_836 = arith.addi %add3A_826, %add3A_835 : i32
              %get3A_837 = arith.index_cast %add3A_836 : i32 to index
              %get3A_838 = tpu.vector_load %arg8[%get3A_837] {strides = array<i32>} : memref<2592xf32, #tpu.memory_space<vmem>>, vector<16xf32>,
              %get3A_839 = vector.shape_cast %get3A_838 : vector<16xf32> to vector<16xf32>
              %min3A_840 = arith.minimumf %select_n3A_766, %min3A_593 : vector<16xf32>
              %min3A_841 = arith.minimumf %select_n3A_778, %get3A_548 : vector<16xf32>
              %min3A_842 = arith.minimumf %min3A_840, %min3A_841 : vector<16xf32>
              %min3A_843 = arith.minimumf %get3A_556, %get3A_810 : vector<16xf32>
              %min3A_844 = arith.minimumf %get3A_813, %get3A_818 : vector<16xf32>
              %min3A_845 = arith.minimumf %min3A_843, %min3A_844 : vector<16xf32>
              %min3A_846 = arith.minimumf %min3A_842, %min3A_845 : vector<16xf32>
              %min3A_847 = arith.minimumf %select_n3A_790, %min3A_595 : vector<16xf32>
              %min3A_848 = arith.minimumf %select_n3A_797, %get3A_569 : vector<16xf32>
              %min3A_849 = arith.minimumf %min3A_847, %min3A_848 : vector<16xf32>
              %min3A_850 = arith.minimumf %get3A_577, %get3A_831 : vector<16xf32>
              %min3A_851 = arith.minimumf %get3A_834, %get3A_839 : vector<16xf32>
              %min3A_852 = arith.minimumf %min3A_850, %min3A_851 : vector<16xf32>
              %min3A_853 = arith.minimumf %min3A_849, %min3A_852 : vector<16xf32>
              %add3A_854 = arith.addf %min3A_846, %get3A_631 : vector<16xf32>
              %min3A_855 = arith.minimumf %get3A_551, %add3A_854 : vector<16xf32>
              %add3A_856 = arith.addf %min3A_853, %get3A_637 : vector<16xf32>
              %min3A_857 = arith.minimumf %get3A_572, %add3A_856 : vector<16xf32>
              %mul3A_858 = arith.constant 36 : i32
              %mul3A_859 = arith.muli %add3A_623, %mul3A_858 : i32
              %add3A_860 = arith.constant 1296 : i32
              %add3A_861 = arith.addi %add3A_860, %mul3A_859 : i32
              %add3A_862 = arith.constant 1 : i32
              %add3A_863 = arith.addi %add3A_861, %add3A_862 : i32
              %swap3A_864 = arith.index_cast %add3A_863 : i32 to index
              %swap3A_865 = tpu.vector_load %arg8[%swap3A_864] {strides = array<i32>} : memref<2592xf32, #tpu.memory_space<vmem>>, vector<16xf32>,
              %swap3A_866 = vector.shape_cast %swap3A_865 : vector<16xf32> to vector<16xf32>
              %swap3A_867 = vector.shape_cast %min3A_855 : vector<16xf32> to vector<16xf32>
              tpu.vector_store %arg8[%swap3A_864], %swap3A_867 {strides = array<i32>} : memref<2592xf32, #tpu.memory_space<vmem>>, vector<16xf32>,
              %mul3A_868 = arith.constant 36 : i32
              %mul3A_869 = arith.muli %add3A_623, %mul3A_868 : i32
              %add3A_870 = arith.constant 1296 : i32
              %add3A_871 = arith.addi %add3A_870, %mul3A_869 : i32
              %add3A_872 = arith.constant 17 : i32
              %add3A_873 = arith.addi %add3A_871, %add3A_872 : i32
              %swap3A_874 = arith.index_cast %add3A_873 : i32 to index
              %swap3A_875 = tpu.vector_load %arg8[%swap3A_874] {strides = array<i32>} : memref<2592xf32, #tpu.memory_space<vmem>>, vector<16xf32>,
              %swap3A_876 = vector.shape_cast %swap3A_875 : vector<16xf32> to vector<16xf32>
              %swap3A_877 = vector.shape_cast %min3A_857 : vector<16xf32> to vector<16xf32>
              tpu.vector_store %arg8[%swap3A_874], %swap3A_877 {strides = array<i32>} : memref<2592xf32, #tpu.memory_space<vmem>>, vector<16xf32>,
              %sub3A_878 = arith.subf %get3A_551, %min3A_855 : vector<16xf32>
              %sub3A_879 = arith.subf %get3A_572, %min3A_857 : vector<16xf32>
              %max3A_880 = arith.maximumf %sub3A_878, %sub3A_879 : vector<16xf32>
              %max3A_881 = arith.maximumf %max3A_759, %max3A_880 : vector<16xf32>
              %scan3A_882 = arith.constant 2 : i32
              %scan3A_883 = arith.addi %scan3A_343, %scan3A_882 : i32
              %add3A_884 = arith.constant 1 : i32
              %add3A_885 = arith.addi %add3A_884, %scan3A_883 : i32
              %add3A_886 = arith.constant 1 : i32
              %add3A_887 = arith.addi %add3A_885, %add3A_886 : i32
              %sub3A_888 = arith.constant 1 : i32
              %sub3A_889 = arith.subi %add3A_885, %sub3A_888 : i32
              %get3A_890 = arith.index_cast %sub3A_889 : i32 to index
              %get3A_891 = arith.constant 0 : index
              %get3A_892 = tpu.vector_load %arg6[%get3A_890, %get3A_891] {strides = array<i32>} : memref<32x32xf32, #tpu.memory_space<vmem>>, vector<1x16xf32>,
              %get3A_893 = vector.shape_cast %get3A_892 : vector<1x16xf32> to vector<16xf32>
              %sub3A_894 = arith.constant 1 : i32
              %sub3A_895 = arith.subi %add3A_885, %sub3A_894 : i32
              %get3A_896 = arith.index_cast %sub3A_895 : i32 to index
              %get3A_897 = arith.constant 16 : index
              %get3A_898 = tpu.vector_load %arg6[%get3A_896, %get3A_897] {strides = array<i32>} : memref<32x32xf32, #tpu.memory_space<vmem>>, vector<1x16xf32>,
              %get3A_899 = vector.shape_cast %get3A_898 : vector<1x16xf32> to vector<16xf32>
              %eq3A_900 = arith.constant 0 : i32
              %eq3A_901 = vector.broadcast %eq3A_900 : i32 to vector<16xi32>
              %eq3A_902 = arith.cmpi eq, %iota3A, %eq3A_901 : vector<16xi32>
              %broadcast_in_dim3A_903 = vector.shape_cast %and3A_94 : vector<16xi32> to vector<16x1xi32>
              %gather3A_904 = vector.shape_cast %broadcast_in_dim3A_903 : vector<16x1xi32> to vector<16xi32>
              %gather3A_905 = tpu.dynamic_gather %min3A_733[%gather3A_904] in [0] : vector<16xf32>, vector<16xi32> -> vector<16xf32>
              %select_n3A_906 = arith.select %eq3A_902, %broadcast_in_dim3A_14, %gather3A_905 : vector<16xi1>, vector<16xf32>
              %broadcast_in_dim3A_907 = arith.constant 0 : i32
              %broadcast_in_dim3A_908 = vector.broadcast %broadcast_in_dim3A_907 : i32 to vector<16xi32>
              %broadcast_in_dim3A_909 = vector.shape_cast %broadcast_in_dim3A_908 : vector<16xi32> to vector<16x1xi32>
              %gather3A_910 = vector.shape_cast %broadcast_in_dim3A_909 : vector<16x1xi32> to vector<16xi32>
              %gather3A_911 = tpu.dynamic_gather %min3A_735[%gather3A_910] in [0] : vector<16xf32>, vector<16xi32> -> vector<16xf32>
              %eq3A_912 = arith.constant 15 : i32
              %eq3A_913 = vector.broadcast %eq3A_912 : i32 to vector<16xi32>
              %eq3A_914 = arith.cmpi eq, %iota3A, %eq3A_913 : vector<16xi32>
              %broadcast_in_dim3A_915 = vector.shape_cast %and3A_100 : vector<16xi32> to vector<16x1xi32>
              %gather3A_916 = vector.shape_cast %broadcast_in_dim3A_915 : vector<16x1xi32> to vector<16xi32>
              %gather3A_917 = tpu.dynamic_gather %min3A_733[%gather3A_916] in [0] : vector<16xf32>, vector<16xi32> -> vector<16xf32>
              %select_n3A_918 = arith.select %eq3A_914, %gather3A_911, %gather3A_917 : vector<16xi1>, vector<16xf32>
              %broadcast_in_dim3A_919 = arith.constant 15 : i32
              %broadcast_in_dim3A_920 = vector.broadcast %broadcast_in_dim3A_919 : i32 to vector<16xi32>
              %broadcast_in_dim3A_921 = vector.shape_cast %broadcast_in_dim3A_920 : vector<16xi32> to vector<16x1xi32>
              %gather3A_922 = vector.shape_cast %broadcast_in_dim3A_921 : vector<16x1xi32> to vector<16xi32>
              %gather3A_923 = tpu.dynamic_gather %min3A_733[%gather3A_922] in [0] : vector<16xf32>, vector<16xi32> -> vector<16xf32>
              %eq3A_924 = arith.constant 0 : i32
              %eq3A_925 = vector.broadcast %eq3A_924 : i32 to vector<16xi32>
              %eq3A_926 = arith.cmpi eq, %iota3A, %eq3A_925 : vector<16xi32>
              %broadcast_in_dim3A_927 = vector.shape_cast %and3A_94 : vector<16xi32> to vector<16x1xi32>
              %gather3A_928 = vector.shape_cast %broadcast_in_dim3A_927 : vector<16x1xi32> to vector<16xi32>
              %gather3A_929 = tpu.dynamic_gather %min3A_735[%gather3A_928] in [0] : vector<16xf32>, vector<16xi32> -> vector<16xf32>
              %select_n3A_930 = arith.select %eq3A_926, %gather3A_923, %gather3A_929 : vector<16xi1>, vector<16xf32>
              %eq3A_931 = arith.constant 15 : i32
              %eq3A_932 = vector.broadcast %eq3A_931 : i32 to vector<16xi32>
              %eq3A_933 = arith.cmpi eq, %iota3A, %eq3A_932 : vector<16xi32>
              %broadcast_in_dim3A_934 = vector.shape_cast %and3A_100 : vector<16xi32> to vector<16x1xi32>
              %gather3A_935 = vector.shape_cast %broadcast_in_dim3A_934 : vector<16x1xi32> to vector<16xi32>
              %gather3A_936 = tpu.dynamic_gather %min3A_735[%gather3A_935] in [0] : vector<16xf32>, vector<16xi32> -> vector<16xf32>
              %select_n3A_937 = arith.select %eq3A_933, %broadcast_in_dim3A_14, %gather3A_936 : vector<16xi1>, vector<16xf32>
              %mul3A_938 = arith.constant 36 : i32
              %mul3A_939 = arith.muli %add3A_887, %mul3A_938 : i32
              %add3A_940 = arith.constant 0 : i32
              %add3A_941 = arith.addi %add3A_940, %mul3A_939 : i32
              %add3A_942 = arith.constant 1 : i32
              %add3A_943 = arith.addi %add3A_941, %add3A_942 : i32
              %add3A_944 = arith.constant 0 : i32
              %add3A_945 = arith.addi %add3A_943, %add3A_944 : i32
              %sub3A_946 = arith.constant 1 : i32
              %sub3A_947 = arith.subi %add3A_945, %sub3A_946 : i32
              %get3A_948 = arith.index_cast %sub3A_947 : i32 to index
              %get3A_949 = tpu.vector_load %arg8[%get3A_948] {strides = array<i32>} : memref<2592xf32, #tpu.memory_space<vmem>>, vector<16xf32>,
              %get3A_950 = vector.shape_cast %get3A_949 : vector<16xf32> to vector<16xf32>
              %get3A_951 = arith.index_cast %add3A_945 : i32 to index
              %get3A_952 = tpu.vector_load %arg8[%get3A_951] {strides = array<i32>} : memref<2592xf32, #tpu.memory_space<vmem>>, vector<16xf32>,
              %get3A_953 = vector.shape_cast %get3A_952 : vector<16xf32> to vector<16xf32>
              %add3A_954 = arith.constant 1 : i32
              %add3A_955 = arith.addi %add3A_945, %add3A_954 : i32
              %get3A_956 = arith.index_cast %add3A_955 : i32 to index
              %get3A_957 = tpu.vector_load %arg8[%get3A_956] {strides = array<i32>} : memref<2592xf32, #tpu.memory_space<vmem>>, vector<16xf32>,
              %get3A_958 = vector.shape_cast %get3A_957 : vector<16xf32> to vector<16xf32>
              %mul3A_959 = arith.constant 36 : i32
              %mul3A_960 = arith.muli %add3A_887, %mul3A_959 : i32
              %add3A_961 = arith.constant 0 : i32
              %add3A_962 = arith.addi %add3A_961, %mul3A_960 : i32
              %add3A_963 = arith.constant 1 : i32
              %add3A_964 = arith.addi %add3A_962, %add3A_963 : i32
              %add3A_965 = arith.constant 16 : i32
              %add3A_966 = arith.addi %add3A_964, %add3A_965 : i32
              %sub3A_967 = arith.constant 1 : i32
              %sub3A_968 = arith.subi %add3A_966, %sub3A_967 : i32
              %get3A_969 = arith.index_cast %sub3A_968 : i32 to index
              %get3A_970 = tpu.vector_load %arg8[%get3A_969] {strides = array<i32>} : memref<2592xf32, #tpu.memory_space<vmem>>, vector<16xf32>,
              %get3A_971 = vector.shape_cast %get3A_970 : vector<16xf32> to vector<16xf32>
              %get3A_972 = arith.index_cast %add3A_966 : i32 to index
              %get3A_973 = tpu.vector_load %arg8[%get3A_972] {strides = array<i32>} : memref<2592xf32, #tpu.memory_space<vmem>>, vector<16xf32>,
              %get3A_974 = vector.shape_cast %get3A_973 : vector<16xf32> to vector<16xf32>
              %add3A_975 = arith.constant 1 : i32
              %add3A_976 = arith.addi %add3A_966, %add3A_975 : i32
              %get3A_977 = arith.index_cast %add3A_976 : i32 to index
              %get3A_978 = tpu.vector_load %arg8[%get3A_977] {strides = array<i32>} : memref<2592xf32, #tpu.memory_space<vmem>>, vector<16xf32>,
              %get3A_979 = vector.shape_cast %get3A_978 : vector<16xf32> to vector<16xf32>
              %min3A_980 = arith.minimumf %select_n3A_906, %min3A_733 : vector<16xf32>
              %min3A_981 = arith.minimumf %select_n3A_918, %get3A_688 : vector<16xf32>
              %min3A_982 = arith.minimumf %min3A_980, %min3A_981 : vector<16xf32>
              %min3A_983 = arith.minimumf %get3A_696, %get3A_950 : vector<16xf32>
              %min3A_984 = arith.minimumf %get3A_953, %get3A_958 : vector<16xf32>
              %min3A_985 = arith.minimumf %min3A_983, %min3A_984 : vector<16xf32>
              %min3A_986 = arith.minimumf %min3A_982, %min3A_985 : vector<16xf32>
              %min3A_987 = arith.minimumf %select_n3A_930, %min3A_735 : vector<16xf32>
              %min3A_988 = arith.minimumf %select_n3A_937, %get3A_709 : vector<16xf32>
              %min3A_989 = arith.minimumf %min3A_987, %min3A_988 : vector<16xf32>
              %min3A_990 = arith.minimumf %get3A_717, %get3A_971 : vector<16xf32>
              %min3A_991 = arith.minimumf %get3A_974, %get3A_979 : vector<16xf32>
              %min3A_992 = arith.minimumf %min3A_990, %min3A_991 : vector<16xf32>
              %min3A_993 = arith.minimumf %min3A_989, %min3A_992 : vector<16xf32>
              %add3A_994 = arith.addf %min3A_986, %get3A_893 : vector<16xf32>
              %min3A_995 = arith.minimumf %get3A_691, %add3A_994 : vector<16xf32>
              %add3A_996 = arith.addf %min3A_993, %get3A_899 : vector<16xf32>
              %min3A_997 = arith.minimumf %get3A_712, %add3A_996 : vector<16xf32>
              %mul3A_998 = arith.constant 36 : i32
              %mul3A_999 = arith.muli %add3A_885, %mul3A_998 : i32
              %add3A_1000 = arith.constant 0 : i32
              %add3A_1001 = arith.addi %add3A_1000, %mul3A_999 : i32
              %add3A_1002 = arith.constant 1 : i32
              %add3A_1003 = arith.addi %add3A_1001, %add3A_1002 : i32
              %swap3A_1004 = arith.index_cast %add3A_1003 : i32 to index
              %swap3A_1005 = tpu.vector_load %arg8[%swap3A_1004] {strides = array<i32>} : memref<2592xf32, #tpu.memory_space<vmem>>, vector<16xf32>,
              %swap3A_1006 = vector.shape_cast %swap3A_1005 : vector<16xf32> to vector<16xf32>
              %swap3A_1007 = vector.shape_cast %min3A_995 : vector<16xf32> to vector<16xf32>
              tpu.vector_store %arg8[%swap3A_1004], %swap3A_1007 {strides = array<i32>} : memref<2592xf32, #tpu.memory_space<vmem>>, vector<16xf32>,
              %mul3A_1008 = arith.constant 36 : i32
              %mul3A_1009 = arith.muli %add3A_885, %mul3A_1008 : i32
              %add3A_1010 = arith.constant 0 : i32
              %add3A_1011 = arith.addi %add3A_1010, %mul3A_1009 : i32
              %add3A_1012 = arith.constant 17 : i32
              %add3A_1013 = arith.addi %add3A_1011, %add3A_1012 : i32
              %swap3A_1014 = arith.index_cast %add3A_1013 : i32 to index
              %swap3A_1015 = tpu.vector_load %arg8[%swap3A_1014] {strides = array<i32>} : memref<2592xf32, #tpu.memory_space<vmem>>, vector<16xf32>,
              %swap3A_1016 = vector.shape_cast %swap3A_1015 : vector<16xf32> to vector<16xf32>
              %swap3A_1017 = vector.shape_cast %min3A_997 : vector<16xf32> to vector<16xf32>
              tpu.vector_store %arg8[%swap3A_1014], %swap3A_1017 {strides = array<i32>} : memref<2592xf32, #tpu.memory_space<vmem>>, vector<16xf32>,
              %sub3A_1018 = arith.subf %get3A_691, %min3A_995 : vector<16xf32>
              %sub3A_1019 = arith.subf %get3A_712, %min3A_997 : vector<16xf32>
              %max3A_1020 = arith.maximumf %sub3A_1018, %sub3A_1019 : vector<16xf32>
              %max3A_1021 = arith.maximumf %max3A_881, %max3A_1020 : vector<16xf32>
              %eq3A_1022 = arith.constant 0 : i32
              %eq3A_1023 = vector.broadcast %eq3A_1022 : i32 to vector<16xi32>
              %eq3A_1024 = arith.cmpi eq, %iota3A, %eq3A_1023 : vector<16xi32>
              %broadcast_in_dim3A_1025 = vector.shape_cast %and3A_94 : vector<16xi32> to vector<16x1xi32>
              %gather3A_1026 = vector.shape_cast %broadcast_in_dim3A_1025 : vector<16x1xi32> to vector<16xi32>
              %gather3A_1027 = tpu.dynamic_gather %min3A_855[%gather3A_1026] in [0] : vector<16xf32>, vector<16xi32> -> vector<16xf32>
              %select_n3A_1028 = arith.select %eq3A_1024, %broadcast_in_dim3A_14, %gather3A_1027 : vector<16xi1>, vector<16xf32>
              %broadcast_in_dim3A_1029 = arith.constant 0 : i32
              %broadcast_in_dim3A_1030 = vector.broadcast %broadcast_in_dim3A_1029 : i32 to vector<16xi32>
              %broadcast_in_dim3A_1031 = vector.shape_cast %broadcast_in_dim3A_1030 : vector<16xi32> to vector<16x1xi32>
              %gather3A_1032 = vector.shape_cast %broadcast_in_dim3A_1031 : vector<16x1xi32> to vector<16xi32>
              %gather3A_1033 = tpu.dynamic_gather %min3A_857[%gather3A_1032] in [0] : vector<16xf32>, vector<16xi32> -> vector<16xf32>
              %eq3A_1034 = arith.constant 15 : i32
              %eq3A_1035 = vector.broadcast %eq3A_1034 : i32 to vector<16xi32>
              %eq3A_1036 = arith.cmpi eq, %iota3A, %eq3A_1035 : vector<16xi32>
              %broadcast_in_dim3A_1037 = vector.shape_cast %and3A_100 : vector<16xi32> to vector<16x1xi32>
              %gather3A_1038 = vector.shape_cast %broadcast_in_dim3A_1037 : vector<16x1xi32> to vector<16xi32>
              %gather3A_1039 = tpu.dynamic_gather %min3A_855[%gather3A_1038] in [0] : vector<16xf32>, vector<16xi32> -> vector<16xf32>
              %select_n3A_1040 = arith.select %eq3A_1036, %gather3A_1033, %gather3A_1039 : vector<16xi1>, vector<16xf32>
              %broadcast_in_dim3A_1041 = arith.constant 15 : i32
              %broadcast_in_dim3A_1042 = vector.broadcast %broadcast_in_dim3A_1041 : i32 to vector<16xi32>
              %broadcast_in_dim3A_1043 = vector.shape_cast %broadcast_in_dim3A_1042 : vector<16xi32> to vector<16x1xi32>
              %gather3A_1044 = vector.shape_cast %broadcast_in_dim3A_1043 : vector<16x1xi32> to vector<16xi32>
              %gather3A_1045 = tpu.dynamic_gather %min3A_855[%gather3A_1044] in [0] : vector<16xf32>, vector<16xi32> -> vector<16xf32>
              %eq3A_1046 = arith.constant 0 : i32
              %eq3A_1047 = vector.broadcast %eq3A_1046 : i32 to vector<16xi32>
              %eq3A_1048 = arith.cmpi eq, %iota3A, %eq3A_1047 : vector<16xi32>
              %broadcast_in_dim3A_1049 = vector.shape_cast %and3A_94 : vector<16xi32> to vector<16x1xi32>
              %gather3A_1050 = vector.shape_cast %broadcast_in_dim3A_1049 : vector<16x1xi32> to vector<16xi32>
              %gather3A_1051 = tpu.dynamic_gather %min3A_857[%gather3A_1050] in [0] : vector<16xf32>, vector<16xi32> -> vector<16xf32>
              %select_n3A_1052 = arith.select %eq3A_1048, %gather3A_1045, %gather3A_1051 : vector<16xi1>, vector<16xf32>
              %eq3A_1053 = arith.constant 15 : i32
              %eq3A_1054 = vector.broadcast %eq3A_1053 : i32 to vector<16xi32>
              %eq3A_1055 = arith.cmpi eq, %iota3A, %eq3A_1054 : vector<16xi32>
              %broadcast_in_dim3A_1056 = vector.shape_cast %and3A_100 : vector<16xi32> to vector<16x1xi32>
              %gather3A_1057 = vector.shape_cast %broadcast_in_dim3A_1056 : vector<16x1xi32> to vector<16xi32>
              %gather3A_1058 = tpu.dynamic_gather %min3A_857[%gather3A_1057] in [0] : vector<16xf32>, vector<16xi32> -> vector<16xf32>
              %select_n3A_1059 = arith.select %eq3A_1055, %broadcast_in_dim3A_14, %gather3A_1058 : vector<16xi1>, vector<16xf32>
              %mul3A_1060 = arith.constant 36 : i32
              %mul3A_1061 = arith.muli %add3A_887, %mul3A_1060 : i32
              %add3A_1062 = arith.constant 1296 : i32
              %add3A_1063 = arith.addi %add3A_1062, %mul3A_1061 : i32
              %add3A_1064 = arith.constant 1 : i32
              %add3A_1065 = arith.addi %add3A_1063, %add3A_1064 : i32
              %add3A_1066 = arith.constant 0 : i32
              %add3A_1067 = arith.addi %add3A_1065, %add3A_1066 : i32
              %sub3A_1068 = arith.constant 1 : i32
              %sub3A_1069 = arith.subi %add3A_1067, %sub3A_1068 : i32
              %get3A_1070 = arith.index_cast %sub3A_1069 : i32 to index
              %get3A_1071 = tpu.vector_load %arg8[%get3A_1070] {strides = array<i32>} : memref<2592xf32, #tpu.memory_space<vmem>>, vector<16xf32>,
              %get3A_1072 = vector.shape_cast %get3A_1071 : vector<16xf32> to vector<16xf32>
              %get3A_1073 = arith.index_cast %add3A_1067 : i32 to index
              %get3A_1074 = tpu.vector_load %arg8[%get3A_1073] {strides = array<i32>} : memref<2592xf32, #tpu.memory_space<vmem>>, vector<16xf32>,
              %get3A_1075 = vector.shape_cast %get3A_1074 : vector<16xf32> to vector<16xf32>
              %add3A_1076 = arith.constant 1 : i32
              %add3A_1077 = arith.addi %add3A_1067, %add3A_1076 : i32
              %get3A_1078 = arith.index_cast %add3A_1077 : i32 to index
              %get3A_1079 = tpu.vector_load %arg8[%get3A_1078] {strides = array<i32>} : memref<2592xf32, #tpu.memory_space<vmem>>, vector<16xf32>,
              %get3A_1080 = vector.shape_cast %get3A_1079 : vector<16xf32> to vector<16xf32>
              %mul3A_1081 = arith.constant 36 : i32
              %mul3A_1082 = arith.muli %add3A_887, %mul3A_1081 : i32
              %add3A_1083 = arith.constant 1296 : i32
              %add3A_1084 = arith.addi %add3A_1083, %mul3A_1082 : i32
              %add3A_1085 = arith.constant 1 : i32
              %add3A_1086 = arith.addi %add3A_1084, %add3A_1085 : i32
              %add3A_1087 = arith.constant 16 : i32
              %add3A_1088 = arith.addi %add3A_1086, %add3A_1087 : i32
              %sub3A_1089 = arith.constant 1 : i32
              %sub3A_1090 = arith.subi %add3A_1088, %sub3A_1089 : i32
              %get3A_1091 = arith.index_cast %sub3A_1090 : i32 to index
              %get3A_1092 = tpu.vector_load %arg8[%get3A_1091] {strides = array<i32>} : memref<2592xf32, #tpu.memory_space<vmem>>, vector<16xf32>,
              %get3A_1093 = vector.shape_cast %get3A_1092 : vector<16xf32> to vector<16xf32>
              %get3A_1094 = arith.index_cast %add3A_1088 : i32 to index
              %get3A_1095 = tpu.vector_load %arg8[%get3A_1094] {strides = array<i32>} : memref<2592xf32, #tpu.memory_space<vmem>>, vector<16xf32>,
              %get3A_1096 = vector.shape_cast %get3A_1095 : vector<16xf32> to vector<16xf32>
              %add3A_1097 = arith.constant 1 : i32
              %add3A_1098 = arith.addi %add3A_1088, %add3A_1097 : i32
              %get3A_1099 = arith.index_cast %add3A_1098 : i32 to index
              %get3A_1100 = tpu.vector_load %arg8[%get3A_1099] {strides = array<i32>} : memref<2592xf32, #tpu.memory_space<vmem>>, vector<16xf32>,
              %get3A_1101 = vector.shape_cast %get3A_1100 : vector<16xf32> to vector<16xf32>
              %min3A_1102 = arith.minimumf %select_n3A_1028, %min3A_855 : vector<16xf32>
              %min3A_1103 = arith.minimumf %select_n3A_1040, %get3A_810 : vector<16xf32>
              %min3A_1104 = arith.minimumf %min3A_1102, %min3A_1103 : vector<16xf32>
              %min3A_1105 = arith.minimumf %get3A_818, %get3A_1072 : vector<16xf32>
              %min3A_1106 = arith.minimumf %get3A_1075, %get3A_1080 : vector<16xf32>
              %min3A_1107 = arith.minimumf %min3A_1105, %min3A_1106 : vector<16xf32>
              %min3A_1108 = arith.minimumf %min3A_1104, %min3A_1107 : vector<16xf32>
              %min3A_1109 = arith.minimumf %select_n3A_1052, %min3A_857 : vector<16xf32>
              %min3A_1110 = arith.minimumf %select_n3A_1059, %get3A_831 : vector<16xf32>
              %min3A_1111 = arith.minimumf %min3A_1109, %min3A_1110 : vector<16xf32>
              %min3A_1112 = arith.minimumf %get3A_839, %get3A_1093 : vector<16xf32>
              %min3A_1113 = arith.minimumf %get3A_1096, %get3A_1101 : vector<16xf32>
              %min3A_1114 = arith.minimumf %min3A_1112, %min3A_1113 : vector<16xf32>
              %min3A_1115 = arith.minimumf %min3A_1111, %min3A_1114 : vector<16xf32>
              %add3A_1116 = arith.addf %min3A_1108, %get3A_893 : vector<16xf32>
              %min3A_1117 = arith.minimumf %get3A_813, %add3A_1116 : vector<16xf32>
              %add3A_1118 = arith.addf %min3A_1115, %get3A_899 : vector<16xf32>
              %min3A_1119 = arith.minimumf %get3A_834, %add3A_1118 : vector<16xf32>
              %mul3A_1120 = arith.constant 36 : i32
              %mul3A_1121 = arith.muli %add3A_885, %mul3A_1120 : i32
              %add3A_1122 = arith.constant 1296 : i32
              %add3A_1123 = arith.addi %add3A_1122, %mul3A_1121 : i32
              %add3A_1124 = arith.constant 1 : i32
              %add3A_1125 = arith.addi %add3A_1123, %add3A_1124 : i32
              %swap3A_1126 = arith.index_cast %add3A_1125 : i32 to index
              %swap3A_1127 = tpu.vector_load %arg8[%swap3A_1126] {strides = array<i32>} : memref<2592xf32, #tpu.memory_space<vmem>>, vector<16xf32>,
              %swap3A_1128 = vector.shape_cast %swap3A_1127 : vector<16xf32> to vector<16xf32>
              %swap3A_1129 = vector.shape_cast %min3A_1117 : vector<16xf32> to vector<16xf32>
              tpu.vector_store %arg8[%swap3A_1126], %swap3A_1129 {strides = array<i32>} : memref<2592xf32, #tpu.memory_space<vmem>>, vector<16xf32>,
              %mul3A_1130 = arith.constant 36 : i32
              %mul3A_1131 = arith.muli %add3A_885, %mul3A_1130 : i32
              %add3A_1132 = arith.constant 1296 : i32
              %add3A_1133 = arith.addi %add3A_1132, %mul3A_1131 : i32
              %add3A_1134 = arith.constant 17 : i32
              %add3A_1135 = arith.addi %add3A_1133, %add3A_1134 : i32
              %swap3A_1136 = arith.index_cast %add3A_1135 : i32 to index
              %swap3A_1137 = tpu.vector_load %arg8[%swap3A_1136] {strides = array<i32>} : memref<2592xf32, #tpu.memory_space<vmem>>, vector<16xf32>,
              %swap3A_1138 = vector.shape_cast %swap3A_1137 : vector<16xf32> to vector<16xf32>
              %swap3A_1139 = vector.shape_cast %min3A_1119 : vector<16xf32> to vector<16xf32>
              tpu.vector_store %arg8[%swap3A_1136], %swap3A_1139 {strides = array<i32>} : memref<2592xf32, #tpu.memory_space<vmem>>, vector<16xf32>,
              %sub3A_1140 = arith.subf %get3A_813, %min3A_1117 : vector<16xf32>
              %sub3A_1141 = arith.subf %get3A_834, %min3A_1119 : vector<16xf32>
              %max3A_1142 = arith.maximumf %sub3A_1140, %sub3A_1141 : vector<16xf32>
              %max3A_1143 = arith.maximumf %max3A_1021, %max3A_1142 : vector<16xf32>
              %scan3A_1144 = arith.constant 3 : i32
              %scan3A_1145 = arith.addi %scan3A_343, %scan3A_1144 : i32
              %add3A_1146 = arith.constant 1 : i32
              %add3A_1147 = arith.addi %add3A_1146, %scan3A_1145 : i32
              %add3A_1148 = arith.constant 1 : i32
              %add3A_1149 = arith.addi %add3A_1147, %add3A_1148 : i32
              %sub3A_1150 = arith.constant 1 : i32
              %sub3A_1151 = arith.subi %add3A_1147, %sub3A_1150 : i32
              %get3A_1152 = arith.index_cast %sub3A_1151 : i32 to index
              %get3A_1153 = arith.constant 0 : index
              %get3A_1154 = tpu.vector_load %arg6[%get3A_1152, %get3A_1153] {strides = array<i32>} : memref<32x32xf32, #tpu.memory_space<vmem>>, vector<1x16xf32>,
              %get3A_1155 = vector.shape_cast %get3A_1154 : vector<1x16xf32> to vector<16xf32>
              %sub3A_1156 = arith.constant 1 : i32
              %sub3A_1157 = arith.subi %add3A_1147, %sub3A_1156 : i32
              %get3A_1158 = arith.index_cast %sub3A_1157 : i32 to index
              %get3A_1159 = arith.constant 16 : index
              %get3A_1160 = tpu.vector_load %arg6[%get3A_1158, %get3A_1159] {strides = array<i32>} : memref<32x32xf32, #tpu.memory_space<vmem>>, vector<1x16xf32>,
              %get3A_1161 = vector.shape_cast %get3A_1160 : vector<1x16xf32> to vector<16xf32>
              %eq3A_1162 = arith.constant 0 : i32
              %eq3A_1163 = vector.broadcast %eq3A_1162 : i32 to vector<16xi32>
              %eq3A_1164 = arith.cmpi eq, %iota3A, %eq3A_1163 : vector<16xi32>
              %broadcast_in_dim3A_1165 = vector.shape_cast %and3A_94 : vector<16xi32> to vector<16x1xi32>
              %gather3A_1166 = vector.shape_cast %broadcast_in_dim3A_1165 : vector<16x1xi32> to vector<16xi32>
              %gather3A_1167 = tpu.dynamic_gather %min3A_995[%gather3A_1166] in [0] : vector<16xf32>, vector<16xi32> -> vector<16xf32>
              %select_n3A_1168 = arith.select %eq3A_1164, %broadcast_in_dim3A_14, %gather3A_1167 : vector<16xi1>, vector<16xf32>
              %broadcast_in_dim3A_1169 = arith.constant 0 : i32
              %broadcast_in_dim3A_1170 = vector.broadcast %broadcast_in_dim3A_1169 : i32 to vector<16xi32>
              %broadcast_in_dim3A_1171 = vector.shape_cast %broadcast_in_dim3A_1170 : vector<16xi32> to vector<16x1xi32>
              %gather3A_1172 = vector.shape_cast %broadcast_in_dim3A_1171 : vector<16x1xi32> to vector<16xi32>
              %gather3A_1173 = tpu.dynamic_gather %min3A_997[%gather3A_1172] in [0] : vector<16xf32>, vector<16xi32> -> vector<16xf32>
              %eq3A_1174 = arith.constant 15 : i32
              %eq3A_1175 = vector.broadcast %eq3A_1174 : i32 to vector<16xi32>
              %eq3A_1176 = arith.cmpi eq, %iota3A, %eq3A_1175 : vector<16xi32>
              %broadcast_in_dim3A_1177 = vector.shape_cast %and3A_100 : vector<16xi32> to vector<16x1xi32>
              %gather3A_1178 = vector.shape_cast %broadcast_in_dim3A_1177 : vector<16x1xi32> to vector<16xi32>
              %gather3A_1179 = tpu.dynamic_gather %min3A_995[%gather3A_1178] in [0] : vector<16xf32>, vector<16xi32> -> vector<16xf32>
              %select_n3A_1180 = arith.select %eq3A_1176, %gather3A_1173, %gather3A_1179 : vector<16xi1>, vector<16xf32>
              %broadcast_in_dim3A_1181 = arith.constant 15 : i32
              %broadcast_in_dim3A_1182 = vector.broadcast %broadcast_in_dim3A_1181 : i32 to vector<16xi32>
              %broadcast_in_dim3A_1183 = vector.shape_cast %broadcast_in_dim3A_1182 : vector<16xi32> to vector<16x1xi32>
              %gather3A_1184 = vector.shape_cast %broadcast_in_dim3A_1183 : vector<16x1xi32> to vector<16xi32>
              %gather3A_1185 = tpu.dynamic_gather %min3A_995[%gather3A_1184] in [0] : vector<16xf32>, vector<16xi32> -> vector<16xf32>
              %eq3A_1186 = arith.constant 0 : i32
              %eq3A_1187 = vector.broadcast %eq3A_1186 : i32 to vector<16xi32>
              %eq3A_1188 = arith.cmpi eq, %iota3A, %eq3A_1187 : vector<16xi32>
              %broadcast_in_dim3A_1189 = vector.shape_cast %and3A_94 : vector<16xi32> to vector<16x1xi32>
              %gather3A_1190 = vector.shape_cast %broadcast_in_dim3A_1189 : vector<16x1xi32> to vector<16xi32>
              %gather3A_1191 = tpu.dynamic_gather %min3A_997[%gather3A_1190] in [0] : vector<16xf32>, vector<16xi32> -> vector<16xf32>
              %select_n3A_1192 = arith.select %eq3A_1188, %gather3A_1185, %gather3A_1191 : vector<16xi1>, vector<16xf32>
              %eq3A_1193 = arith.constant 15 : i32
              %eq3A_1194 = vector.broadcast %eq3A_1193 : i32 to vector<16xi32>
              %eq3A_1195 = arith.cmpi eq, %iota3A, %eq3A_1194 : vector<16xi32>
              %broadcast_in_dim3A_1196 = vector.shape_cast %and3A_100 : vector<16xi32> to vector<16x1xi32>
              %gather3A_1197 = vector.shape_cast %broadcast_in_dim3A_1196 : vector<16x1xi32> to vector<16xi32>
              %gather3A_1198 = tpu.dynamic_gather %min3A_997[%gather3A_1197] in [0] : vector<16xf32>, vector<16xi32> -> vector<16xf32>
              %select_n3A_1199 = arith.select %eq3A_1195, %broadcast_in_dim3A_14, %gather3A_1198 : vector<16xi1>, vector<16xf32>
              %mul3A_1200 = arith.constant 36 : i32
              %mul3A_1201 = arith.muli %add3A_1149, %mul3A_1200 : i32
              %add3A_1202 = arith.constant 0 : i32
              %add3A_1203 = arith.addi %add3A_1202, %mul3A_1201 : i32
              %add3A_1204 = arith.constant 1 : i32
              %add3A_1205 = arith.addi %add3A_1203, %add3A_1204 : i32
              %add3A_1206 = arith.constant 0 : i32
              %add3A_1207 = arith.addi %add3A_1205, %add3A_1206 : i32
              %sub3A_1208 = arith.constant 1 : i32
              %sub3A_1209 = arith.subi %add3A_1207, %sub3A_1208 : i32
              %get3A_1210 = arith.index_cast %sub3A_1209 : i32 to index
              %get3A_1211 = tpu.vector_load %arg8[%get3A_1210] {strides = array<i32>} : memref<2592xf32, #tpu.memory_space<vmem>>, vector<16xf32>,
              %get3A_1212 = vector.shape_cast %get3A_1211 : vector<16xf32> to vector<16xf32>
              %get3A_1213 = arith.index_cast %add3A_1207 : i32 to index
              %get3A_1214 = tpu.vector_load %arg8[%get3A_1213] {strides = array<i32>} : memref<2592xf32, #tpu.memory_space<vmem>>, vector<16xf32>,
              %get3A_1215 = vector.shape_cast %get3A_1214 : vector<16xf32> to vector<16xf32>
              %add3A_1216 = arith.constant 1 : i32
              %add3A_1217 = arith.addi %add3A_1207, %add3A_1216 : i32
              %get3A_1218 = arith.index_cast %add3A_1217 : i32 to index
              %get3A_1219 = tpu.vector_load %arg8[%get3A_1218] {strides = array<i32>} : memref<2592xf32, #tpu.memory_space<vmem>>, vector<16xf32>,
              %get3A_1220 = vector.shape_cast %get3A_1219 : vector<16xf32> to vector<16xf32>
              %mul3A_1221 = arith.constant 36 : i32
              %mul3A_1222 = arith.muli %add3A_1149, %mul3A_1221 : i32
              %add3A_1223 = arith.constant 0 : i32
              %add3A_1224 = arith.addi %add3A_1223, %mul3A_1222 : i32
              %add3A_1225 = arith.constant 1 : i32
              %add3A_1226 = arith.addi %add3A_1224, %add3A_1225 : i32
              %add3A_1227 = arith.constant 16 : i32
              %add3A_1228 = arith.addi %add3A_1226, %add3A_1227 : i32
              %sub3A_1229 = arith.constant 1 : i32
              %sub3A_1230 = arith.subi %add3A_1228, %sub3A_1229 : i32
              %get3A_1231 = arith.index_cast %sub3A_1230 : i32 to index
              %get3A_1232 = tpu.vector_load %arg8[%get3A_1231] {strides = array<i32>} : memref<2592xf32, #tpu.memory_space<vmem>>, vector<16xf32>,
              %get3A_1233 = vector.shape_cast %get3A_1232 : vector<16xf32> to vector<16xf32>
              %get3A_1234 = arith.index_cast %add3A_1228 : i32 to index
              %get3A_1235 = tpu.vector_load %arg8[%get3A_1234] {strides = array<i32>} : memref<2592xf32, #tpu.memory_space<vmem>>, vector<16xf32>,
              %get3A_1236 = vector.shape_cast %get3A_1235 : vector<16xf32> to vector<16xf32>
              %add3A_1237 = arith.constant 1 : i32
              %add3A_1238 = arith.addi %add3A_1228, %add3A_1237 : i32
              %get3A_1239 = arith.index_cast %add3A_1238 : i32 to index
              %get3A_1240 = tpu.vector_load %arg8[%get3A_1239] {strides = array<i32>} : memref<2592xf32, #tpu.memory_space<vmem>>, vector<16xf32>,
              %get3A_1241 = vector.shape_cast %get3A_1240 : vector<16xf32> to vector<16xf32>
              %min3A_1242 = arith.minimumf %select_n3A_1168, %min3A_995 : vector<16xf32>
              %min3A_1243 = arith.minimumf %select_n3A_1180, %get3A_950 : vector<16xf32>
              %min3A_1244 = arith.minimumf %min3A_1242, %min3A_1243 : vector<16xf32>
              %min3A_1245 = arith.minimumf %get3A_958, %get3A_1212 : vector<16xf32>
              %min3A_1246 = arith.minimumf %get3A_1215, %get3A_1220 : vector<16xf32>
              %min3A_1247 = arith.minimumf %min3A_1245, %min3A_1246 : vector<16xf32>
              %min3A_1248 = arith.minimumf %min3A_1244, %min3A_1247 : vector<16xf32>
              %min3A_1249 = arith.minimumf %select_n3A_1192, %min3A_997 : vector<16xf32>
              %min3A_1250 = arith.minimumf %select_n3A_1199, %get3A_971 : vector<16xf32>
              %min3A_1251 = arith.minimumf %min3A_1249, %min3A_1250 : vector<16xf32>
              %min3A_1252 = arith.minimumf %get3A_979, %get3A_1233 : vector<16xf32>
              %min3A_1253 = arith.minimumf %get3A_1236, %get3A_1241 : vector<16xf32>
              %min3A_1254 = arith.minimumf %min3A_1252, %min3A_1253 : vector<16xf32>
              %min3A_1255 = arith.minimumf %min3A_1251, %min3A_1254 : vector<16xf32>
              %add3A_1256 = arith.addf %min3A_1248, %get3A_1155 : vector<16xf32>
              %min3A_1257 = arith.minimumf %get3A_953, %add3A_1256 : vector<16xf32>
              %add3A_1258 = arith.addf %min3A_1255, %get3A_1161 : vector<16xf32>
              %min3A_1259 = arith.minimumf %get3A_974, %add3A_1258 : vector<16xf32>
              %mul3A_1260 = arith.constant 36 : i32
              %mul3A_1261 = arith.muli %add3A_1147, %mul3A_1260 : i32
              %add3A_1262 = arith.constant 0 : i32
              %add3A_1263 = arith.addi %add3A_1262, %mul3A_1261 : i32
              %add3A_1264 = arith.constant 1 : i32
              %add3A_1265 = arith.addi %add3A_1263, %add3A_1264 : i32
              %swap3A_1266 = arith.index_cast %add3A_1265 : i32 to index
              %swap3A_1267 = tpu.vector_load %arg8[%swap3A_1266] {strides = array<i32>} : memref<2592xf32, #tpu.memory_space<vmem>>, vector<16xf32>,
              %swap3A_1268 = vector.shape_cast %swap3A_1267 : vector<16xf32> to vector<16xf32>
              %swap3A_1269 = vector.shape_cast %min3A_1257 : vector<16xf32> to vector<16xf32>
              tpu.vector_store %arg8[%swap3A_1266], %swap3A_1269 {strides = array<i32>} : memref<2592xf32, #tpu.memory_space<vmem>>, vector<16xf32>,
              %mul3A_1270 = arith.constant 36 : i32
              %mul3A_1271 = arith.muli %add3A_1147, %mul3A_1270 : i32
              %add3A_1272 = arith.constant 0 : i32
              %add3A_1273 = arith.addi %add3A_1272, %mul3A_1271 : i32
              %add3A_1274 = arith.constant 17 : i32
              %add3A_1275 = arith.addi %add3A_1273, %add3A_1274 : i32
              %swap3A_1276 = arith.index_cast %add3A_1275 : i32 to index
              %swap3A_1277 = tpu.vector_load %arg8[%swap3A_1276] {strides = array<i32>} : memref<2592xf32, #tpu.memory_space<vmem>>, vector<16xf32>,
              %swap3A_1278 = vector.shape_cast %swap3A_1277 : vector<16xf32> to vector<16xf32>
              %swap3A_1279 = vector.shape_cast %min3A_1259 : vector<16xf32> to vector<16xf32>
              tpu.vector_store %arg8[%swap3A_1276], %swap3A_1279 {strides = array<i32>} : memref<2592xf32, #tpu.memory_space<vmem>>, vector<16xf32>,
              %sub3A_1280 = arith.subf %get3A_953, %min3A_1257 : vector<16xf32>
              %sub3A_1281 = arith.subf %get3A_974, %min3A_1259 : vector<16xf32>
              %max3A_1282 = arith.maximumf %sub3A_1280, %sub3A_1281 : vector<16xf32>
              %max3A_1283 = arith.maximumf %max3A_1143, %max3A_1282 : vector<16xf32>
              %eq3A_1284 = arith.constant 0 : i32
              %eq3A_1285 = vector.broadcast %eq3A_1284 : i32 to vector<16xi32>
              %eq3A_1286 = arith.cmpi eq, %iota3A, %eq3A_1285 : vector<16xi32>
              %broadcast_in_dim3A_1287 = vector.shape_cast %and3A_94 : vector<16xi32> to vector<16x1xi32>
              %gather3A_1288 = vector.shape_cast %broadcast_in_dim3A_1287 : vector<16x1xi32> to vector<16xi32>
              %gather3A_1289 = tpu.dynamic_gather %min3A_1117[%gather3A_1288] in [0] : vector<16xf32>, vector<16xi32> -> vector<16xf32>
              %select_n3A_1290 = arith.select %eq3A_1286, %broadcast_in_dim3A_14, %gather3A_1289 : vector<16xi1>, vector<16xf32>
              %broadcast_in_dim3A_1291 = arith.constant 0 : i32
              %broadcast_in_dim3A_1292 = vector.broadcast %broadcast_in_dim3A_1291 : i32 to vector<16xi32>
              %broadcast_in_dim3A_1293 = vector.shape_cast %broadcast_in_dim3A_1292 : vector<16xi32> to vector<16x1xi32>
              %gather3A_1294 = vector.shape_cast %broadcast_in_dim3A_1293 : vector<16x1xi32> to vector<16xi32>
              %gather3A_1295 = tpu.dynamic_gather %min3A_1119[%gather3A_1294] in [0] : vector<16xf32>, vector<16xi32> -> vector<16xf32>
              %eq3A_1296 = arith.constant 15 : i32
              %eq3A_1297 = vector.broadcast %eq3A_1296 : i32 to vector<16xi32>
              %eq3A_1298 = arith.cmpi eq, %iota3A, %eq3A_1297 : vector<16xi32>
              %broadcast_in_dim3A_1299 = vector.shape_cast %and3A_100 : vector<16xi32> to vector<16x1xi32>
              %gather3A_1300 = vector.shape_cast %broadcast_in_dim3A_1299 : vector<16x1xi32> to vector<16xi32>
              %gather3A_1301 = tpu.dynamic_gather %min3A_1117[%gather3A_1300] in [0] : vector<16xf32>, vector<16xi32> -> vector<16xf32>
              %select_n3A_1302 = arith.select %eq3A_1298, %gather3A_1295, %gather3A_1301 : vector<16xi1>, vector<16xf32>
              %broadcast_in_dim3A_1303 = arith.constant 15 : i32
              %broadcast_in_dim3A_1304 = vector.broadcast %broadcast_in_dim3A_1303 : i32 to vector<16xi32>
              %broadcast_in_dim3A_1305 = vector.shape_cast %broadcast_in_dim3A_1304 : vector<16xi32> to vector<16x1xi32>
              %gather3A_1306 = vector.shape_cast %broadcast_in_dim3A_1305 : vector<16x1xi32> to vector<16xi32>
              %gather3A_1307 = tpu.dynamic_gather %min3A_1117[%gather3A_1306] in [0] : vector<16xf32>, vector<16xi32> -> vector<16xf32>
              %eq3A_1308 = arith.constant 0 : i32
              %eq3A_1309 = vector.broadcast %eq3A_1308 : i32 to vector<16xi32>
              %eq3A_1310 = arith.cmpi eq, %iota3A, %eq3A_1309 : vector<16xi32>
              %broadcast_in_dim3A_1311 = vector.shape_cast %and3A_94 : vector<16xi32> to vector<16x1xi32>
              %gather3A_1312 = vector.shape_cast %broadcast_in_dim3A_1311 : vector<16x1xi32> to vector<16xi32>
              %gather3A_1313 = tpu.dynamic_gather %min3A_1119[%gather3A_1312] in [0] : vector<16xf32>, vector<16xi32> -> vector<16xf32>
              %select_n3A_1314 = arith.select %eq3A_1310, %gather3A_1307, %gather3A_1313 : vector<16xi1>, vector<16xf32>
              %eq3A_1315 = arith.constant 15 : i32
              %eq3A_1316 = vector.broadcast %eq3A_1315 : i32 to vector<16xi32>
              %eq3A_1317 = arith.cmpi eq, %iota3A, %eq3A_1316 : vector<16xi32>
              %broadcast_in_dim3A_1318 = vector.shape_cast %and3A_100 : vector<16xi32> to vector<16x1xi32>
              %gather3A_1319 = vector.shape_cast %broadcast_in_dim3A_1318 : vector<16x1xi32> to vector<16xi32>
              %gather3A_1320 = tpu.dynamic_gather %min3A_1119[%gather3A_1319] in [0] : vector<16xf32>, vector<16xi32> -> vector<16xf32>
              %select_n3A_1321 = arith.select %eq3A_1317, %broadcast_in_dim3A_14, %gather3A_1320 : vector<16xi1>, vector<16xf32>
              %mul3A_1322 = arith.constant 36 : i32
              %mul3A_1323 = arith.muli %add3A_1149, %mul3A_1322 : i32
              %add3A_1324 = arith.constant 1296 : i32
              %add3A_1325 = arith.addi %add3A_1324, %mul3A_1323 : i32
              %add3A_1326 = arith.constant 1 : i32
              %add3A_1327 = arith.addi %add3A_1325, %add3A_1326 : i32
              %add3A_1328 = arith.constant 0 : i32
              %add3A_1329 = arith.addi %add3A_1327, %add3A_1328 : i32
              %sub3A_1330 = arith.constant 1 : i32
              %sub3A_1331 = arith.subi %add3A_1329, %sub3A_1330 : i32
              %get3A_1332 = arith.index_cast %sub3A_1331 : i32 to index
              %get3A_1333 = tpu.vector_load %arg8[%get3A_1332] {strides = array<i32>} : memref<2592xf32, #tpu.memory_space<vmem>>, vector<16xf32>,
              %get3A_1334 = vector.shape_cast %get3A_1333 : vector<16xf32> to vector<16xf32>
              %get3A_1335 = arith.index_cast %add3A_1329 : i32 to index
              %get3A_1336 = tpu.vector_load %arg8[%get3A_1335] {strides = array<i32>} : memref<2592xf32, #tpu.memory_space<vmem>>, vector<16xf32>,
              %get3A_1337 = vector.shape_cast %get3A_1336 : vector<16xf32> to vector<16xf32>
              %add3A_1338 = arith.constant 1 : i32
              %add3A_1339 = arith.addi %add3A_1329, %add3A_1338 : i32
              %get3A_1340 = arith.index_cast %add3A_1339 : i32 to index
              %get3A_1341 = tpu.vector_load %arg8[%get3A_1340] {strides = array<i32>} : memref<2592xf32, #tpu.memory_space<vmem>>, vector<16xf32>,
              %get3A_1342 = vector.shape_cast %get3A_1341 : vector<16xf32> to vector<16xf32>
              %mul3A_1343 = arith.constant 36 : i32
              %mul3A_1344 = arith.muli %add3A_1149, %mul3A_1343 : i32
              %add3A_1345 = arith.constant 1296 : i32
              %add3A_1346 = arith.addi %add3A_1345, %mul3A_1344 : i32
              %add3A_1347 = arith.constant 1 : i32
              %add3A_1348 = arith.addi %add3A_1346, %add3A_1347 : i32
              %add3A_1349 = arith.constant 16 : i32
              %add3A_1350 = arith.addi %add3A_1348, %add3A_1349 : i32
              %sub3A_1351 = arith.constant 1 : i32
              %sub3A_1352 = arith.subi %add3A_1350, %sub3A_1351 : i32
              %get3A_1353 = arith.index_cast %sub3A_1352 : i32 to index
              %get3A_1354 = tpu.vector_load %arg8[%get3A_1353] {strides = array<i32>} : memref<2592xf32, #tpu.memory_space<vmem>>, vector<16xf32>,
              %get3A_1355 = vector.shape_cast %get3A_1354 : vector<16xf32> to vector<16xf32>
              %get3A_1356 = arith.index_cast %add3A_1350 : i32 to index
              %get3A_1357 = tpu.vector_load %arg8[%get3A_1356] {strides = array<i32>} : memref<2592xf32, #tpu.memory_space<vmem>>, vector<16xf32>,
              %get3A_1358 = vector.shape_cast %get3A_1357 : vector<16xf32> to vector<16xf32>
              %add3A_1359 = arith.constant 1 : i32
              %add3A_1360 = arith.addi %add3A_1350, %add3A_1359 : i32
              %get3A_1361 = arith.index_cast %add3A_1360 : i32 to index
              %get3A_1362 = tpu.vector_load %arg8[%get3A_1361] {strides = array<i32>} : memref<2592xf32, #tpu.memory_space<vmem>>, vector<16xf32>,
              %get3A_1363 = vector.shape_cast %get3A_1362 : vector<16xf32> to vector<16xf32>
              %min3A_1364 = arith.minimumf %select_n3A_1290, %min3A_1117 : vector<16xf32>
              %min3A_1365 = arith.minimumf %select_n3A_1302, %get3A_1072 : vector<16xf32>
              %min3A_1366 = arith.minimumf %min3A_1364, %min3A_1365 : vector<16xf32>
              %min3A_1367 = arith.minimumf %get3A_1080, %get3A_1334 : vector<16xf32>
              %min3A_1368 = arith.minimumf %get3A_1337, %get3A_1342 : vector<16xf32>
              %min3A_1369 = arith.minimumf %min3A_1367, %min3A_1368 : vector<16xf32>
              %min3A_1370 = arith.minimumf %min3A_1366, %min3A_1369 : vector<16xf32>
              %min3A_1371 = arith.minimumf %select_n3A_1314, %min3A_1119 : vector<16xf32>
              %min3A_1372 = arith.minimumf %select_n3A_1321, %get3A_1093 : vector<16xf32>
              %min3A_1373 = arith.minimumf %min3A_1371, %min3A_1372 : vector<16xf32>
              %min3A_1374 = arith.minimumf %get3A_1101, %get3A_1355 : vector<16xf32>
              %min3A_1375 = arith.minimumf %get3A_1358, %get3A_1363 : vector<16xf32>
              %min3A_1376 = arith.minimumf %min3A_1374, %min3A_1375 : vector<16xf32>
              %min3A_1377 = arith.minimumf %min3A_1373, %min3A_1376 : vector<16xf32>
              %add3A_1378 = arith.addf %min3A_1370, %get3A_1155 : vector<16xf32>
              %min3A_1379 = arith.minimumf %get3A_1075, %add3A_1378 : vector<16xf32>
              %add3A_1380 = arith.addf %min3A_1377, %get3A_1161 : vector<16xf32>
              %min3A_1381 = arith.minimumf %get3A_1096, %add3A_1380 : vector<16xf32>
              %mul3A_1382 = arith.constant 36 : i32
              %mul3A_1383 = arith.muli %add3A_1147, %mul3A_1382 : i32
              %add3A_1384 = arith.constant 1296 : i32
              %add3A_1385 = arith.addi %add3A_1384, %mul3A_1383 : i32
              %add3A_1386 = arith.constant 1 : i32
              %add3A_1387 = arith.addi %add3A_1385, %add3A_1386 : i32
              %swap3A_1388 = arith.index_cast %add3A_1387 : i32 to index
              %swap3A_1389 = tpu.vector_load %arg8[%swap3A_1388] {strides = array<i32>} : memref<2592xf32, #tpu.memory_space<vmem>>, vector<16xf32>,
              %swap3A_1390 = vector.shape_cast %swap3A_1389 : vector<16xf32> to vector<16xf32>
              %swap3A_1391 = vector.shape_cast %min3A_1379 : vector<16xf32> to vector<16xf32>
              tpu.vector_store %arg8[%swap3A_1388], %swap3A_1391 {strides = array<i32>} : memref<2592xf32, #tpu.memory_space<vmem>>, vector<16xf32>,
              %mul3A_1392 = arith.constant 36 : i32
              %mul3A_1393 = arith.muli %add3A_1147, %mul3A_1392 : i32
              %add3A_1394 = arith.constant 1296 : i32
              %add3A_1395 = arith.addi %add3A_1394, %mul3A_1393 : i32
              %add3A_1396 = arith.constant 17 : i32
              %add3A_1397 = arith.addi %add3A_1395, %add3A_1396 : i32
              %swap3A_1398 = arith.index_cast %add3A_1397 : i32 to index
              %swap3A_1399 = tpu.vector_load %arg8[%swap3A_1398] {strides = array<i32>} : memref<2592xf32, #tpu.memory_space<vmem>>, vector<16xf32>,
              %swap3A_1400 = vector.shape_cast %swap3A_1399 : vector<16xf32> to vector<16xf32>
              %swap3A_1401 = vector.shape_cast %min3A_1381 : vector<16xf32> to vector<16xf32>
              tpu.vector_store %arg8[%swap3A_1398], %swap3A_1401 {strides = array<i32>} : memref<2592xf32, #tpu.memory_space<vmem>>, vector<16xf32>,
              %sub3A_1402 = arith.subf %get3A_1075, %min3A_1379 : vector<16xf32>
              %sub3A_1403 = arith.subf %get3A_1096, %min3A_1381 : vector<16xf32>
              %max3A_1404 = arith.maximumf %sub3A_1402, %sub3A_1403 : vector<16xf32>
              %max3A_1405 = arith.maximumf %max3A_1283, %max3A_1404 : vector<16xf32>
              scf.yield %max3A_1405, %get3A_1212, %get3A_1215, %get3A_1220, %get3A_1233, %get3A_1236, %get3A_1241, %min3A_1257, %min3A_1259, %get3A_1334, %get3A_1337, %get3A_1342, %get3A_1355, %get3A_1358, %get3A_1363, %min3A_1379, %min3A_1381 : vector<16xf32>, vector<16xf32>, vector<16xf32>, vector<16xf32>, vector<16xf32>, vector<16xf32>, vector<16xf32>, vector<16xf32>, vector<16xf32>, vector<16xf32>, vector<16xf32>, vector<16xf32>, vector<16xf32>, vector<16xf32>, vector<16xf32>, vector<16xf32>, vector<16xf32>
            }
            %scan3A_240 = arith.constant 32 : i32
            %xor3A = arith.constant 1 : i32
            %xor3A_241 = vector.broadcast %xor3A : i32 to vector<16xi32>
            %xor3A_242 = arith.xori %iota3A, %xor3A_241 : vector<16xi32>
            %broadcast_in_dim3A_243 = vector.shape_cast %xor3A_242 : vector<16xi32> to vector<16x1xi32>
            %gather3A_244 = vector.shape_cast %broadcast_in_dim3A_243 : vector<16x1xi32> to vector<16xi32>
            %gather3A_245 = tpu.dynamic_gather %scan3A_239#0[%gather3A_244] in [0] : vector<16xf32>, vector<16xi32> -> vector<16xf32>
            %max3A = arith.maximumf %scan3A_239#0, %gather3A_245 : vector<16xf32>
            %xor3A_246 = arith.constant 2 : i32
            %xor3A_247 = vector.broadcast %xor3A_246 : i32 to vector<16xi32>
            %xor3A_248 = arith.xori %iota3A, %xor3A_247 : vector<16xi32>
            %broadcast_in_dim3A_249 = vector.shape_cast %xor3A_248 : vector<16xi32> to vector<16x1xi32>
            %gather3A_250 = vector.shape_cast %broadcast_in_dim3A_249 : vector<16x1xi32> to vector<16xi32>
            %gather3A_251 = tpu.dynamic_gather %max3A[%gather3A_250] in [0] : vector<16xf32>, vector<16xi32> -> vector<16xf32>
            %max3A_252 = arith.maximumf %max3A, %gather3A_251 : vector<16xf32>
            %xor3A_253 = arith.constant 4 : i32
            %xor3A_254 = vector.broadcast %xor3A_253 : i32 to vector<16xi32>
            %xor3A_255 = arith.xori %iota3A, %xor3A_254 : vector<16xi32>
            %broadcast_in_dim3A_256 = vector.shape_cast %xor3A_255 : vector<16xi32> to vector<16x1xi32>
            %gather3A_257 = vector.shape_cast %broadcast_in_dim3A_256 : vector<16x1xi32> to vector<16xi32>
            %gather3A_258 = tpu.dynamic_gather %max3A_252[%gather3A_257] in [0] : vector<16xf32>, vector<16xi32> -> vector<16xf32>
            %max3A_259 = arith.maximumf %max3A_252, %gather3A_258 : vector<16xf32>
            %xor3A_260 = arith.constant 8 : i32
            %xor3A_261 = vector.broadcast %xor3A_260 : i32 to vector<16xi32>
            %xor3A_262 = arith.xori %iota3A, %xor3A_261 : vector<16xi32>
            %broadcast_in_dim3A_263 = vector.shape_cast %xor3A_262 : vector<16xi32> to vector<16x1xi32>
            %gather3A_264 = vector.shape_cast %broadcast_in_dim3A_263 : vector<16x1xi32> to vector<16xi32>
            %gather3A_265 = tpu.dynamic_gather %max3A_259[%gather3A_264] in [0] : vector<16xf32>, vector<16xi32> -> vector<16xf32>
            %max3A_266 = arith.maximumf %max3A_259, %gather3A_265 : vector<16xf32>
            %get3A_267 = arith.constant 1152 : index
            %get3A_268 = tpu.vector_load %arg8[%get3A_267] {strides = array<i32>} : memref<2592xf32, #tpu.memory_space<vmem>>, vector<16xf32>,
            %get3A_269 = vector.shape_cast %get3A_268 : vector<16xf32> to vector<16xf32>
            %get3A_270 = arith.constant 1153 : index
            %get3A_271 = tpu.vector_load %arg8[%get3A_270] {strides = array<i32>} : memref<2592xf32, #tpu.memory_space<vmem>>, vector<16xf32>,
            %get3A_272 = vector.shape_cast %get3A_271 : vector<16xf32> to vector<16xf32>
            %get3A_273 = arith.constant 1154 : index
            %get3A_274 = tpu.vector_load %arg8[%get3A_273] {strides = array<i32>} : memref<2592xf32, #tpu.memory_space<vmem>>, vector<16xf32>,
            %get3A_275 = vector.shape_cast %get3A_274 : vector<16xf32> to vector<16xf32>
            %get3A_276 = arith.constant 1168 : index
            %get3A_277 = tpu.vector_load %arg8[%get3A_276] {strides = array<i32>} : memref<2592xf32, #tpu.memory_space<vmem>>, vector<16xf32>,
            %get3A_278 = vector.shape_cast %get3A_277 : vector<16xf32> to vector<16xf32>
            %get3A_279 = arith.constant 1169 : index
            %get3A_280 = tpu.vector_load %arg8[%get3A_279] {strides = array<i32>} : memref<2592xf32, #tpu.memory_space<vmem>>, vector<16xf32>,
            %get3A_281 = vector.shape_cast %get3A_280 : vector<16xf32> to vector<16xf32>
            %get3A_282 = arith.constant 1170 : index
            %get3A_283 = tpu.vector_load %arg8[%get3A_282] {strides = array<i32>} : memref<2592xf32, #tpu.memory_space<vmem>>, vector<16xf32>,
            %get3A_284 = vector.shape_cast %get3A_283 : vector<16xf32> to vector<16xf32>
            %get3A_285 = arith.constant 2448 : index
            %get3A_286 = tpu.vector_load %arg8[%get3A_285] {strides = array<i32>} : memref<2592xf32, #tpu.memory_space<vmem>>, vector<16xf32>,
            %get3A_287 = vector.shape_cast %get3A_286 : vector<16xf32> to vector<16xf32>
            %get3A_288 = arith.constant 2449 : index
            %get3A_289 = tpu.vector_load %arg8[%get3A_288] {strides = array<i32>} : memref<2592xf32, #tpu.memory_space<vmem>>, vector<16xf32>,
            %get3A_290 = vector.shape_cast %get3A_289 : vector<16xf32> to vector<16xf32>
            %get3A_291 = arith.constant 2450 : index
            %get3A_292 = tpu.vector_load %arg8[%get3A_291] {strides = array<i32>} : memref<2592xf32, #tpu.memory_space<vmem>>, vector<16xf32>,
            %get3A_293 = vector.shape_cast %get3A_292 : vector<16xf32> to vector<16xf32>
            %get3A_294 = arith.constant 2464 : index
            %get3A_295 = tpu.vector_load %arg8[%get3A_294] {strides = array<i32>} : memref<2592xf32, #tpu.memory_space<vmem>>, vector<16xf32>,
            %get3A_296 = vector.shape_cast %get3A_295 : vector<16xf32> to vector<16xf32>
            %get3A_297 = arith.constant 2465 : index
            %get3A_298 = tpu.vector_load %arg8[%get3A_297] {strides = array<i32>} : memref<2592xf32, #tpu.memory_space<vmem>>, vector<16xf32>,
            %get3A_299 = vector.shape_cast %get3A_298 : vector<16xf32> to vector<16xf32>
            %get3A_300 = arith.constant 2466 : index
            %get3A_301 = tpu.vector_load %arg8[%get3A_300] {strides = array<i32>} : memref<2592xf32, #tpu.memory_space<vmem>>, vector<16xf32>,
            %get3A_302 = vector.shape_cast %get3A_301 : vector<16xf32> to vector<16xf32>
            %broadcast_in_dim3A_303 = arith.constant 0.000000e+00 : f32
            %broadcast_in_dim3A_304 = vector.broadcast %broadcast_in_dim3A_303 : f32 to vector<16xf32>
            %scan3A_305 = arith.constant 0 : i32
            %scan3A_306 = arith.constant 32 : i32
            %scan3A_307 = arith.addi %scan3A_305, %scan3A_306 : i32
            %scan3A_308 = arith.constant 4 : i32
            %scan3A_309:17 = scf.for %scan3A_343 = %scan3A_305 to %scan3A_307 step %scan3A_308 iter_args(%scan3A_344 = %broadcast_in_dim3A_304, %scan3A_345 = %get3A_269, %scan3A_346 = %get3A_272, %scan3A_347 = %get3A_275, %scan3A_348 = %get3A_278, %scan3A_349 = %get3A_281, %scan3A_350 = %get3A_284, %scan3A_351 = %broadcast_in_dim3A_14, %scan3A_352 = %broadcast_in_dim3A_14, %scan3A_353 = %get3A_287, %scan3A_354 = %get3A_290, %scan3A_355 = %get3A_293, %scan3A_356 = %get3A_296, %scan3A_357 = %get3A_299, %scan3A_358 = %get3A_302, %scan3A_359 = %broadcast_in_dim3A_14, %scan3A_360 = %broadcast_in_dim3A_14) -> (vector<16xf32>, vector<16xf32>, vector<16xf32>, vector<16xf32>, vector<16xf32>, vector<16xf32>, vector<16xf32>, vector<16xf32>, vector<16xf32>, vector<16xf32>, vector<16xf32>, vector<16xf32>, vector<16xf32>, vector<16xf32>, vector<16xf32>, vector<16xf32>, vector<16xf32>)  : i32 {
              %sub3A_361 = arith.constant 32 : i32
              %sub3A_362 = arith.subi %sub3A_361, %scan3A_343 : i32
              %add3A_363 = arith.constant -1 : i32
              %add3A_364 = arith.addi %sub3A_362, %add3A_363 : i32
              %sub3A_365 = arith.constant 1 : i32
              %sub3A_366 = arith.subi %sub3A_362, %sub3A_365 : i32
              %get3A_367 = arith.index_cast %sub3A_366 : i32 to index
              %get3A_368 = arith.constant 0 : index
              %get3A_369 = tpu.vector_load %arg6[%get3A_367, %get3A_368] {strides = array<i32>} : memref<32x32xf32, #tpu.memory_space<vmem>>, vector<1x16xf32>,
              %get3A_370 = vector.shape_cast %get3A_369 : vector<1x16xf32> to vector<16xf32>
              %sub3A_371 = arith.constant 1 : i32
              %sub3A_372 = arith.subi %sub3A_362, %sub3A_371 : i32
              %get3A_373 = arith.index_cast %sub3A_372 : i32 to index
              %get3A_374 = arith.constant 16 : index
              %get3A_375 = tpu.vector_load %arg6[%get3A_373, %get3A_374] {strides = array<i32>} : memref<32x32xf32, #tpu.memory_space<vmem>>, vector<1x16xf32>,
              %get3A_376 = vector.shape_cast %get3A_375 : vector<1x16xf32> to vector<16xf32>
              %eq3A_377 = arith.constant 0 : i32
              %eq3A_378 = vector.broadcast %eq3A_377 : i32 to vector<16xi32>
              %eq3A_379 = arith.cmpi eq, %iota3A, %eq3A_378 : vector<16xi32>
              %broadcast_in_dim3A_380 = vector.shape_cast %and3A_94 : vector<16xi32> to vector<16x1xi32>
              %gather3A_381 = vector.shape_cast %broadcast_in_dim3A_380 : vector<16x1xi32> to vector<16xi32>
              %gather3A_382 = tpu.dynamic_gather %scan3A_351[%gather3A_381] in [0] : vector<16xf32>, vector<16xi32> -> vector<16xf32>
              %select_n3A_383 = arith.select %eq3A_379, %broadcast_in_dim3A_14, %gather3A_382 : vector<16xi1>, vector<16xf32>
              %broadcast_in_dim3A_384 = arith.constant 0 : i32
              %broadcast_in_dim3A_385 = vector.broadcast %broadcast_in_dim3A_384 : i32 to vector<16xi32>
              %broadcast_in_dim3A_386 = vector.shape_cast %broadcast_in_dim3A_385 : vector<16xi32> to vector<16x1xi32>
              %gather3A_387 = vector.shape_cast %broadcast_in_dim3A_386 : vector<16x1xi32> to vector<16xi32>
              %gather3A_388 = tpu.dynamic_gather %scan3A_352[%gather3A_387] in [0] : vector<16xf32>, vector<16xi32> -> vector<16xf32>
              %eq3A_389 = arith.constant 15 : i32
              %eq3A_390 = vector.broadcast %eq3A_389 : i32 to vector<16xi32>
              %eq3A_391 = arith.cmpi eq, %iota3A, %eq3A_390 : vector<16xi32>
              %broadcast_in_dim3A_392 = vector.shape_cast %and3A_100 : vector<16xi32> to vector<16x1xi32>
              %gather3A_393 = vector.shape_cast %broadcast_in_dim3A_392 : vector<16x1xi32> to vector<16xi32>
              %gather3A_394 = tpu.dynamic_gather %scan3A_351[%gather3A_393] in [0] : vector<16xf32>, vector<16xi32> -> vector<16xf32>
              %select_n3A_395 = arith.select %eq3A_391, %gather3A_388, %gather3A_394 : vector<16xi1>, vector<16xf32>
              %broadcast_in_dim3A_396 = arith.constant 15 : i32
              %broadcast_in_dim3A_397 = vector.broadcast %broadcast_in_dim3A_396 : i32 to vector<16xi32>
              %broadcast_in_dim3A_398 = vector.shape_cast %broadcast_in_dim3A_397 : vector<16xi32> to vector<16x1xi32>
              %gather3A_399 = vector.shape_cast %broadcast_in_dim3A_398 : vector<16x1xi32> to vector<16xi32>
              %gather3A_400 = tpu.dynamic_gather %scan3A_351[%gather3A_399] in [0] : vector<16xf32>, vector<16xi32> -> vector<16xf32>
              %eq3A_401 = arith.constant 0 : i32
              %eq3A_402 = vector.broadcast %eq3A_401 : i32 to vector<16xi32>
              %eq3A_403 = arith.cmpi eq, %iota3A, %eq3A_402 : vector<16xi32>
              %broadcast_in_dim3A_404 = vector.shape_cast %and3A_94 : vector<16xi32> to vector<16x1xi32>
              %gather3A_405 = vector.shape_cast %broadcast_in_dim3A_404 : vector<16x1xi32> to vector<16xi32>
              %gather3A_406 = tpu.dynamic_gather %scan3A_352[%gather3A_405] in [0] : vector<16xf32>, vector<16xi32> -> vector<16xf32>
              %select_n3A_407 = arith.select %eq3A_403, %gather3A_400, %gather3A_406 : vector<16xi1>, vector<16xf32>
              %eq3A_408 = arith.constant 15 : i32
              %eq3A_409 = vector.broadcast %eq3A_408 : i32 to vector<16xi32>
              %eq3A_410 = arith.cmpi eq, %iota3A, %eq3A_409 : vector<16xi32>
              %broadcast_in_dim3A_411 = vector.shape_cast %and3A_100 : vector<16xi32> to vector<16x1xi32>
              %gather3A_412 = vector.shape_cast %broadcast_in_dim3A_411 : vector<16x1xi32> to vector<16xi32>
              %gather3A_413 = tpu.dynamic_gather %scan3A_352[%gather3A_412] in [0] : vector<16xf32>, vector<16xi32> -> vector<16xf32>
              %select_n3A_414 = arith.select %eq3A_410, %broadcast_in_dim3A_14, %gather3A_413 : vector<16xi1>, vector<16xf32>
              %mul3A_415 = arith.constant 36 : i32
              %mul3A_416 = arith.muli %add3A_364, %mul3A_415 : i32
              %add3A_417 = arith.constant 0 : i32
              %add3A_418 = arith.addi %add3A_417, %mul3A_416 : i32
              %add3A_419 = arith.constant 1 : i32
              %add3A_420 = arith.addi %add3A_418, %add3A_419 : i32
              %add3A_421 = arith.constant 0 : i32
              %add3A_422 = arith.addi %add3A_420, %add3A_421 : i32
              %sub3A_423 = arith.constant 1 : i32
              %sub3A_424 = arith.subi %add3A_422, %sub3A_423 : i32
              %get3A_425 = arith.index_cast %sub3A_424 : i32 to index
              %get3A_426 = tpu.vector_load %arg8[%get3A_425] {strides = array<i32>} : memref<2592xf32, #tpu.memory_space<vmem>>, vector<16xf32>,
              %get3A_427 = vector.shape_cast %get3A_426 : vector<16xf32> to vector<16xf32>
              %get3A_428 = arith.index_cast %add3A_422 : i32 to index
              %get3A_429 = tpu.vector_load %arg8[%get3A_428] {strides = array<i32>} : memref<2592xf32, #tpu.memory_space<vmem>>, vector<16xf32>,
              %get3A_430 = vector.shape_cast %get3A_429 : vector<16xf32> to vector<16xf32>
              %add3A_431 = arith.constant 1 : i32
              %add3A_432 = arith.addi %add3A_422, %add3A_431 : i32
              %get3A_433 = arith.index_cast %add3A_432 : i32 to index
              %get3A_434 = tpu.vector_load %arg8[%get3A_433] {strides = array<i32>} : memref<2592xf32, #tpu.memory_space<vmem>>, vector<16xf32>,
              %get3A_435 = vector.shape_cast %get3A_434 : vector<16xf32> to vector<16xf32>
              %mul3A_436 = arith.constant 36 : i32
              %mul3A_437 = arith.muli %add3A_364, %mul3A_436 : i32
              %add3A_438 = arith.constant 0 : i32
              %add3A_439 = arith.addi %add3A_438, %mul3A_437 : i32
              %add3A_440 = arith.constant 1 : i32
              %add3A_441 = arith.addi %add3A_439, %add3A_440 : i32
              %add3A_442 = arith.constant 16 : i32
              %add3A_443 = arith.addi %add3A_441, %add3A_442 : i32
              %sub3A_444 = arith.constant 1 : i32
              %sub3A_445 = arith.subi %add3A_443, %sub3A_444 : i32
              %get3A_446 = arith.index_cast %sub3A_445 : i32 to index
              %get3A_447 = tpu.vector_load %arg8[%get3A_446] {strides = array<i32>} : memref<2592xf32, #tpu.memory_space<vmem>>, vector<16xf32>,
              %get3A_448 = vector.shape_cast %get3A_447 : vector<16xf32> to vector<16xf32>
              %get3A_449 = arith.index_cast %add3A_443 : i32 to index
              %get3A_450 = tpu.vector_load %arg8[%get3A_449] {strides = array<i32>} : memref<2592xf32, #tpu.memory_space<vmem>>, vector<16xf32>,
              %get3A_451 = vector.shape_cast %get3A_450 : vector<16xf32> to vector<16xf32>
              %add3A_452 = arith.constant 1 : i32
              %add3A_453 = arith.addi %add3A_443, %add3A_452 : i32
              %get3A_454 = arith.index_cast %add3A_453 : i32 to index
              %get3A_455 = tpu.vector_load %arg8[%get3A_454] {strides = array<i32>} : memref<2592xf32, #tpu.memory_space<vmem>>, vector<16xf32>,
              %get3A_456 = vector.shape_cast %get3A_455 : vector<16xf32> to vector<16xf32>
              %min3A = arith.minimumf %select_n3A_383, %scan3A_351 : vector<16xf32>
              %min3A_457 = arith.minimumf %select_n3A_395, %scan3A_345 : vector<16xf32>
              %min3A_458 = arith.minimumf %min3A, %min3A_457 : vector<16xf32>
              %min3A_459 = arith.minimumf %scan3A_347, %get3A_427 : vector<16xf32>
              %min3A_460 = arith.minimumf %get3A_430, %get3A_435 : vector<16xf32>
              %min3A_461 = arith.minimumf %min3A_459, %min3A_460 : vector<16xf32>
              %min3A_462 = arith.minimumf %min3A_458, %min3A_461 : vector<16xf32>
              %min3A_463 = arith.minimumf %select_n3A_407, %scan3A_352 : vector<16xf32>
              %min3A_464 = arith.minimumf %select_n3A_414, %scan3A_348 : vector<16xf32>
              %min3A_465 = arith.minimumf %min3A_463, %min3A_464 : vector<16xf32>
              %min3A_466 = arith.minimumf %scan3A_350, %get3A_448 : vector<16xf32>
              %min3A_467 = arith.minimumf %get3A_451, %get3A_456 : vector<16xf32>
              %min3A_468 = arith.minimumf %min3A_466, %min3A_467 : vector<16xf32>
              %min3A_469 = arith.minimumf %min3A_465, %min3A_468 : vector<16xf32>
              %add3A_470 = arith.addf %min3A_462, %get3A_370 : vector<16xf32>
              %min3A_471 = arith.minimumf %scan3A_346, %add3A_470 : vector<16xf32>
              %add3A_472 = arith.addf %min3A_469, %get3A_376 : vector<16xf32>
              %min3A_473 = arith.minimumf %scan3A_349, %add3A_472 : vector<16xf32>
              %mul3A_474 = arith.constant 36 : i32
              %mul3A_475 = arith.muli %sub3A_362, %mul3A_474 : i32
              %add3A_476 = arith.constant 0 : i32
              %add3A_477 = arith.addi %add3A_476, %mul3A_475 : i32
              %add3A_478 = arith.constant 1 : i32
              %add3A_479 = arith.addi %add3A_477, %add3A_478 : i32
              %swap3A_480 = arith.index_cast %add3A_479 : i32 to index
              %swap3A_481 = tpu.vector_load %arg8[%swap3A_480] {strides = array<i32>} : memref<2592xf32, #tpu.memory_space<vmem>>, vector<16xf32>,
              %swap3A_482 = vector.shape_cast %swap3A_481 : vector<16xf32> to vector<16xf32>
              %swap3A_483 = vector.shape_cast %min3A_471 : vector<16xf32> to vector<16xf32>
              tpu.vector_store %arg8[%swap3A_480], %swap3A_483 {strides = array<i32>} : memref<2592xf32, #tpu.memory_space<vmem>>, vector<16xf32>,
              %mul3A_484 = arith.constant 36 : i32
              %mul3A_485 = arith.muli %sub3A_362, %mul3A_484 : i32
              %add3A_486 = arith.constant 0 : i32
              %add3A_487 = arith.addi %add3A_486, %mul3A_485 : i32
              %add3A_488 = arith.constant 17 : i32
              %add3A_489 = arith.addi %add3A_487, %add3A_488 : i32
              %swap3A_490 = arith.index_cast %add3A_489 : i32 to index
              %swap3A_491 = tpu.vector_load %arg8[%swap3A_490] {strides = array<i32>} : memref<2592xf32, #tpu.memory_space<vmem>>, vector<16xf32>,
              %swap3A_492 = vector.shape_cast %swap3A_491 : vector<16xf32> to vector<16xf32>
              %swap3A_493 = vector.shape_cast %min3A_473 : vector<16xf32> to vector<16xf32>
              tpu.vector_store %arg8[%swap3A_490], %swap3A_493 {strides = array<i32>} : memref<2592xf32, #tpu.memory_space<vmem>>, vector<16xf32>,
              %sub3A_494 = arith.subf %scan3A_346, %min3A_471 : vector<16xf32>
              %sub3A_495 = arith.subf %scan3A_349, %min3A_473 : vector<16xf32>
              %max3A_496 = arith.maximumf %sub3A_494, %sub3A_495 : vector<16xf32>
              %max3A_497 = arith.maximumf %scan3A_344, %max3A_496 : vector<16xf32>
              %eq3A_498 = arith.constant 0 : i32
              %eq3A_499 = vector.broadcast %eq3A_498 : i32 to vector<16xi32>
              %eq3A_500 = arith.cmpi eq, %iota3A, %eq3A_499 : vector<16xi32>
              %broadcast_in_dim3A_501 = vector.shape_cast %and3A_94 : vector<16xi32> to vector<16x1xi32>
              %gather3A_502 = vector.shape_cast %broadcast_in_dim3A_501 : vector<16x1xi32> to vector<16xi32>
              %gather3A_503 = tpu.dynamic_gather %scan3A_359[%gather3A_502] in [0] : vector<16xf32>, vector<16xi32> -> vector<16xf32>
              %select_n3A_504 = arith.select %eq3A_500, %broadcast_in_dim3A_14, %gather3A_503 : vector<16xi1>, vector<16xf32>
              %broadcast_in_dim3A_505 = arith.constant 0 : i32
              %broadcast_in_dim3A_506 = vector.broadcast %broadcast_in_dim3A_505 : i32 to vector<16xi32>
              %broadcast_in_dim3A_507 = vector.shape_cast %broadcast_in_dim3A_506 : vector<16xi32> to vector<16x1xi32>
              %gather3A_508 = vector.shape_cast %broadcast_in_dim3A_507 : vector<16x1xi32> to vector<16xi32>
              %gather3A_509 = tpu.dynamic_gather %scan3A_360[%gather3A_508] in [0] : vector<16xf32>, vector<16xi32> -> vector<16xf32>
              %eq3A_510 = arith.constant 15 : i32
              %eq3A_511 = vector.broadcast %eq3A_510 : i32 to vector<16xi32>
              %eq3A_512 = arith.cmpi eq, %iota3A, %eq3A_511 : vector<16xi32>
              %broadcast_in_dim3A_513 = vector.shape_cast %and3A_100 : vector<16xi32> to vector<16x1xi32>
              %gather3A_514 = vector.shape_cast %broadcast_in_dim3A_513 : vector<16x1xi32> to vector<16xi32>
              %gather3A_515 = tpu.dynamic_gather %scan3A_359[%gather3A_514] in [0] : vector<16xf32>, vector<16xi32> -> vector<16xf32>
              %select_n3A_516 = arith.select %eq3A_512, %gather3A_509, %gather3A_515 : vector<16xi1>, vector<16xf32>
              %broadcast_in_dim3A_517 = arith.constant 15 : i32
              %broadcast_in_dim3A_518 = vector.broadcast %broadcast_in_dim3A_517 : i32 to vector<16xi32>
              %broadcast_in_dim3A_519 = vector.shape_cast %broadcast_in_dim3A_518 : vector<16xi32> to vector<16x1xi32>
              %gather3A_520 = vector.shape_cast %broadcast_in_dim3A_519 : vector<16x1xi32> to vector<16xi32>
              %gather3A_521 = tpu.dynamic_gather %scan3A_359[%gather3A_520] in [0] : vector<16xf32>, vector<16xi32> -> vector<16xf32>
              %eq3A_522 = arith.constant 0 : i32
              %eq3A_523 = vector.broadcast %eq3A_522 : i32 to vector<16xi32>
              %eq3A_524 = arith.cmpi eq, %iota3A, %eq3A_523 : vector<16xi32>
              %broadcast_in_dim3A_525 = vector.shape_cast %and3A_94 : vector<16xi32> to vector<16x1xi32>
              %gather3A_526 = vector.shape_cast %broadcast_in_dim3A_525 : vector<16x1xi32> to vector<16xi32>
              %gather3A_527 = tpu.dynamic_gather %scan3A_360[%gather3A_526] in [0] : vector<16xf32>, vector<16xi32> -> vector<16xf32>
              %select_n3A_528 = arith.select %eq3A_524, %gather3A_521, %gather3A_527 : vector<16xi1>, vector<16xf32>
              %eq3A_529 = arith.constant 15 : i32
              %eq3A_530 = vector.broadcast %eq3A_529 : i32 to vector<16xi32>
              %eq3A_531 = arith.cmpi eq, %iota3A, %eq3A_530 : vector<16xi32>
              %broadcast_in_dim3A_532 = vector.shape_cast %and3A_100 : vector<16xi32> to vector<16x1xi32>
              %gather3A_533 = vector.shape_cast %broadcast_in_dim3A_532 : vector<16x1xi32> to vector<16xi32>
              %gather3A_534 = tpu.dynamic_gather %scan3A_360[%gather3A_533] in [0] : vector<16xf32>, vector<16xi32> -> vector<16xf32>
              %select_n3A_535 = arith.select %eq3A_531, %broadcast_in_dim3A_14, %gather3A_534 : vector<16xi1>, vector<16xf32>
              %mul3A_536 = arith.constant 36 : i32
              %mul3A_537 = arith.muli %add3A_364, %mul3A_536 : i32
              %add3A_538 = arith.constant 1296 : i32
              %add3A_539 = arith.addi %add3A_538, %mul3A_537 : i32
              %add3A_540 = arith.constant 1 : i32
              %add3A_541 = arith.addi %add3A_539, %add3A_540 : i32
              %add3A_542 = arith.constant 0 : i32
              %add3A_543 = arith.addi %add3A_541, %add3A_542 : i32
              %sub3A_544 = arith.constant 1 : i32
              %sub3A_545 = arith.subi %add3A_543, %sub3A_544 : i32
              %get3A_546 = arith.index_cast %sub3A_545 : i32 to index
              %get3A_547 = tpu.vector_load %arg8[%get3A_546] {strides = array<i32>} : memref<2592xf32, #tpu.memory_space<vmem>>, vector<16xf32>,
              %get3A_548 = vector.shape_cast %get3A_547 : vector<16xf32> to vector<16xf32>
              %get3A_549 = arith.index_cast %add3A_543 : i32 to index
              %get3A_550 = tpu.vector_load %arg8[%get3A_549] {strides = array<i32>} : memref<2592xf32, #tpu.memory_space<vmem>>, vector<16xf32>,
              %get3A_551 = vector.shape_cast %get3A_550 : vector<16xf32> to vector<16xf32>
              %add3A_552 = arith.constant 1 : i32
              %add3A_553 = arith.addi %add3A_543, %add3A_552 : i32
              %get3A_554 = arith.index_cast %add3A_553 : i32 to index
              %get3A_555 = tpu.vector_load %arg8[%get3A_554] {strides = array<i32>} : memref<2592xf32, #tpu.memory_space<vmem>>, vector<16xf32>,
              %get3A_556 = vector.shape_cast %get3A_555 : vector<16xf32> to vector<16xf32>
              %mul3A_557 = arith.constant 36 : i32
              %mul3A_558 = arith.muli %add3A_364, %mul3A_557 : i32
              %add3A_559 = arith.constant 1296 : i32
              %add3A_560 = arith.addi %add3A_559, %mul3A_558 : i32
              %add3A_561 = arith.constant 1 : i32
              %add3A_562 = arith.addi %add3A_560, %add3A_561 : i32
              %add3A_563 = arith.constant 16 : i32
              %add3A_564 = arith.addi %add3A_562, %add3A_563 : i32
              %sub3A_565 = arith.constant 1 : i32
              %sub3A_566 = arith.subi %add3A_564, %sub3A_565 : i32
              %get3A_567 = arith.index_cast %sub3A_566 : i32 to index
              %get3A_568 = tpu.vector_load %arg8[%get3A_567] {strides = array<i32>} : memref<2592xf32, #tpu.memory_space<vmem>>, vector<16xf32>,
              %get3A_569 = vector.shape_cast %get3A_568 : vector<16xf32> to vector<16xf32>
              %get3A_570 = arith.index_cast %add3A_564 : i32 to index
              %get3A_571 = tpu.vector_load %arg8[%get3A_570] {strides = array<i32>} : memref<2592xf32, #tpu.memory_space<vmem>>, vector<16xf32>,
              %get3A_572 = vector.shape_cast %get3A_571 : vector<16xf32> to vector<16xf32>
              %add3A_573 = arith.constant 1 : i32
              %add3A_574 = arith.addi %add3A_564, %add3A_573 : i32
              %get3A_575 = arith.index_cast %add3A_574 : i32 to index
              %get3A_576 = tpu.vector_load %arg8[%get3A_575] {strides = array<i32>} : memref<2592xf32, #tpu.memory_space<vmem>>, vector<16xf32>,
              %get3A_577 = vector.shape_cast %get3A_576 : vector<16xf32> to vector<16xf32>
              %min3A_578 = arith.minimumf %select_n3A_504, %scan3A_359 : vector<16xf32>
              %min3A_579 = arith.minimumf %select_n3A_516, %scan3A_353 : vector<16xf32>
              %min3A_580 = arith.minimumf %min3A_578, %min3A_579 : vector<16xf32>
              %min3A_581 = arith.minimumf %scan3A_355, %get3A_548 : vector<16xf32>
              %min3A_582 = arith.minimumf %get3A_551, %get3A_556 : vector<16xf32>
              %min3A_583 = arith.minimumf %min3A_581, %min3A_582 : vector<16xf32>
              %min3A_584 = arith.minimumf %min3A_580, %min3A_583 : vector<16xf32>
              %min3A_585 = arith.minimumf %select_n3A_528, %scan3A_360 : vector<16xf32>
              %min3A_586 = arith.minimumf %select_n3A_535, %scan3A_356 : vector<16xf32>
              %min3A_587 = arith.minimumf %min3A_585, %min3A_586 : vector<16xf32>
              %min3A_588 = arith.minimumf %scan3A_358, %get3A_569 : vector<16xf32>
              %min3A_589 = arith.minimumf %get3A_572, %get3A_577 : vector<16xf32>
              %min3A_590 = arith.minimumf %min3A_588, %min3A_589 : vector<16xf32>
              %min3A_591 = arith.minimumf %min3A_587, %min3A_590 : vector<16xf32>
              %add3A_592 = arith.addf %min3A_584, %get3A_370 : vector<16xf32>
              %min3A_593 = arith.minimumf %scan3A_354, %add3A_592 : vector<16xf32>
              %add3A_594 = arith.addf %min3A_591, %get3A_376 : vector<16xf32>
              %min3A_595 = arith.minimumf %scan3A_357, %add3A_594 : vector<16xf32>
              %mul3A_596 = arith.constant 36 : i32
              %mul3A_597 = arith.muli %sub3A_362, %mul3A_596 : i32
              %add3A_598 = arith.constant 1296 : i32
              %add3A_599 = arith.addi %add3A_598, %mul3A_597 : i32
              %add3A_600 = arith.constant 1 : i32
              %add3A_601 = arith.addi %add3A_599, %add3A_600 : i32
              %swap3A_602 = arith.index_cast %add3A_601 : i32 to index
              %swap3A_603 = tpu.vector_load %arg8[%swap3A_602] {strides = array<i32>} : memref<2592xf32, #tpu.memory_space<vmem>>, vector<16xf32>,
              %swap3A_604 = vector.shape_cast %swap3A_603 : vector<16xf32> to vector<16xf32>
              %swap3A_605 = vector.shape_cast %min3A_593 : vector<16xf32> to vector<16xf32>
              tpu.vector_store %arg8[%swap3A_602], %swap3A_605 {strides = array<i32>} : memref<2592xf32, #tpu.memory_space<vmem>>, vector<16xf32>,
              %mul3A_606 = arith.constant 36 : i32
              %mul3A_607 = arith.muli %sub3A_362, %mul3A_606 : i32
              %add3A_608 = arith.constant 1296 : i32
              %add3A_609 = arith.addi %add3A_608, %mul3A_607 : i32
              %add3A_610 = arith.constant 17 : i32
              %add3A_611 = arith.addi %add3A_609, %add3A_610 : i32
              %swap3A_612 = arith.index_cast %add3A_611 : i32 to index
              %swap3A_613 = tpu.vector_load %arg8[%swap3A_612] {strides = array<i32>} : memref<2592xf32, #tpu.memory_space<vmem>>, vector<16xf32>,
              %swap3A_614 = vector.shape_cast %swap3A_613 : vector<16xf32> to vector<16xf32>
              %swap3A_615 = vector.shape_cast %min3A_595 : vector<16xf32> to vector<16xf32>
              tpu.vector_store %arg8[%swap3A_612], %swap3A_615 {strides = array<i32>} : memref<2592xf32, #tpu.memory_space<vmem>>, vector<16xf32>,
              %sub3A_616 = arith.subf %scan3A_354, %min3A_593 : vector<16xf32>
              %sub3A_617 = arith.subf %scan3A_357, %min3A_595 : vector<16xf32>
              %max3A_618 = arith.maximumf %sub3A_616, %sub3A_617 : vector<16xf32>
              %max3A_619 = arith.maximumf %max3A_497, %max3A_618 : vector<16xf32>
              %scan3A_620 = arith.constant 1 : i32
              %scan3A_621 = arith.addi %scan3A_343, %scan3A_620 : i32
              %sub3A_622 = arith.constant 32 : i32
              %sub3A_623 = arith.subi %sub3A_622, %scan3A_621 : i32
              %add3A_624 = arith.constant -1 : i32
              %add3A_625 = arith.addi %sub3A_623, %add3A_624 : i32
              %sub3A_626 = arith.constant 1 : i32
              %sub3A_627 = arith.subi %sub3A_623, %sub3A_626 : i32
              %get3A_628 = arith.index_cast %sub3A_627 : i32 to index
              %get3A_629 = arith.constant 0 : index
              %get3A_630 = tpu.vector_load %arg6[%get3A_628, %get3A_629] {strides = array<i32>} : memref<32x32xf32, #tpu.memory_space<vmem>>, vector<1x16xf32>,
              %get3A_631 = vector.shape_cast %get3A_630 : vector<1x16xf32> to vector<16xf32>
              %sub3A_632 = arith.constant 1 : i32
              %sub3A_633 = arith.subi %sub3A_623, %sub3A_632 : i32
              %get3A_634 = arith.index_cast %sub3A_633 : i32 to index
              %get3A_635 = arith.constant 16 : index
              %get3A_636 = tpu.vector_load %arg6[%get3A_634, %get3A_635] {strides = array<i32>} : memref<32x32xf32, #tpu.memory_space<vmem>>, vector<1x16xf32>,
              %get3A_637 = vector.shape_cast %get3A_636 : vector<1x16xf32> to vector<16xf32>
              %eq3A_638 = arith.constant 0 : i32
              %eq3A_639 = vector.broadcast %eq3A_638 : i32 to vector<16xi32>
              %eq3A_640 = arith.cmpi eq, %iota3A, %eq3A_639 : vector<16xi32>
              %broadcast_in_dim3A_641 = vector.shape_cast %and3A_94 : vector<16xi32> to vector<16x1xi32>
              %gather3A_642 = vector.shape_cast %broadcast_in_dim3A_641 : vector<16x1xi32> to vector<16xi32>
              %gather3A_643 = tpu.dynamic_gather %min3A_471[%gather3A_642] in [0] : vector<16xf32>, vector<16xi32> -> vector<16xf32>
              %select_n3A_644 = arith.select %eq3A_640, %broadcast_in_dim3A_14, %gather3A_643 : vector<16xi1>, vector<16xf32>
              %broadcast_in_dim3A_645 = arith.constant 0 : i32
              %broadcast_in_dim3A_646 = vector.broadcast %broadcast_in_dim3A_645 : i32 to vector<16xi32>
              %broadcast_in_dim3A_647 = vector.shape_cast %broadcast_in_dim3A_646 : vector<16xi32> to vector<16x1xi32>
              %gather3A_648 = vector.shape_cast %broadcast_in_dim3A_647 : vector<16x1xi32> to vector<16xi32>
              %gather3A_649 = tpu.dynamic_gather %min3A_473[%gather3A_648] in [0] : vector<16xf32>, vector<16xi32> -> vector<16xf32>
              %eq3A_650 = arith.constant 15 : i32
              %eq3A_651 = vector.broadcast %eq3A_650 : i32 to vector<16xi32>
              %eq3A_652 = arith.cmpi eq, %iota3A, %eq3A_651 : vector<16xi32>
              %broadcast_in_dim3A_653 = vector.shape_cast %and3A_100 : vector<16xi32> to vector<16x1xi32>
              %gather3A_654 = vector.shape_cast %broadcast_in_dim3A_653 : vector<16x1xi32> to vector<16xi32>
              %gather3A_655 = tpu.dynamic_gather %min3A_471[%gather3A_654] in [0] : vector<16xf32>, vector<16xi32> -> vector<16xf32>
              %select_n3A_656 = arith.select %eq3A_652, %gather3A_649, %gather3A_655 : vector<16xi1>, vector<16xf32>
              %broadcast_in_dim3A_657 = arith.constant 15 : i32
              %broadcast_in_dim3A_658 = vector.broadcast %broadcast_in_dim3A_657 : i32 to vector<16xi32>
              %broadcast_in_dim3A_659 = vector.shape_cast %broadcast_in_dim3A_658 : vector<16xi32> to vector<16x1xi32>
              %gather3A_660 = vector.shape_cast %broadcast_in_dim3A_659 : vector<16x1xi32> to vector<16xi32>
              %gather3A_661 = tpu.dynamic_gather %min3A_471[%gather3A_660] in [0] : vector<16xf32>, vector<16xi32> -> vector<16xf32>
              %eq3A_662 = arith.constant 0 : i32
              %eq3A_663 = vector.broadcast %eq3A_662 : i32 to vector<16xi32>
              %eq3A_664 = arith.cmpi eq, %iota3A, %eq3A_663 : vector<16xi32>
              %broadcast_in_dim3A_665 = vector.shape_cast %and3A_94 : vector<16xi32> to vector<16x1xi32>
              %gather3A_666 = vector.shape_cast %broadcast_in_dim3A_665 : vector<16x1xi32> to vector<16xi32>
              %gather3A_667 = tpu.dynamic_gather %min3A_473[%gather3A_666] in [0] : vector<16xf32>, vector<16xi32> -> vector<16xf32>
              %select_n3A_668 = arith.select %eq3A_664, %gather3A_661, %gather3A_667 : vector<16xi1>, vector<16xf32>
              %eq3A_669 = arith.constant 15 : i32
              %eq3A_670 = vector.broadcast %eq3A_669 : i32 to vector<16xi32>
              %eq3A_671 = arith.cmpi eq, %iota3A, %eq3A_670 : vector<16xi32>
              %broadcast_in_dim3A_672 = vector.shape_cast %and3A_100 : vector<16xi32> to vector<16x1xi32>
              %gather3A_673 = vector.shape_cast %broadcast_in_dim3A_672 : vector<16x1xi32> to vector<16xi32>
              %gather3A_674 = tpu.dynamic_gather %min3A_473[%gather3A_673] in [0] : vector<16xf32>, vector<16xi32> -> vector<16xf32>
              %select_n3A_675 = arith.select %eq3A_671, %broadcast_in_dim3A_14, %gather3A_674 : vector<16xi1>, vector<16xf32>
              %mul3A_676 = arith.constant 36 : i32
              %mul3A_677 = arith.muli %add3A_625, %mul3A_676 : i32
              %add3A_678 = arith.constant 0 : i32
              %add3A_679 = arith.addi %add3A_678, %mul3A_677 : i32
              %add3A_680 = arith.constant 1 : i32
              %add3A_681 = arith.addi %add3A_679, %add3A_680 : i32
              %add3A_682 = arith.constant 0 : i32
              %add3A_683 = arith.addi %add3A_681, %add3A_682 : i32
              %sub3A_684 = arith.constant 1 : i32
              %sub3A_685 = arith.subi %add3A_683, %sub3A_684 : i32
              %get3A_686 = arith.index_cast %sub3A_685 : i32 to index
              %get3A_687 = tpu.vector_load %arg8[%get3A_686] {strides = array<i32>} : memref<2592xf32, #tpu.memory_space<vmem>>, vector<16xf32>,
              %get3A_688 = vector.shape_cast %get3A_687 : vector<16xf32> to vector<16xf32>
              %get3A_689 = arith.index_cast %add3A_683 : i32 to index
              %get3A_690 = tpu.vector_load %arg8[%get3A_689] {strides = array<i32>} : memref<2592xf32, #tpu.memory_space<vmem>>, vector<16xf32>,
              %get3A_691 = vector.shape_cast %get3A_690 : vector<16xf32> to vector<16xf32>
              %add3A_692 = arith.constant 1 : i32
              %add3A_693 = arith.addi %add3A_683, %add3A_692 : i32
              %get3A_694 = arith.index_cast %add3A_693 : i32 to index
              %get3A_695 = tpu.vector_load %arg8[%get3A_694] {strides = array<i32>} : memref<2592xf32, #tpu.memory_space<vmem>>, vector<16xf32>,
              %get3A_696 = vector.shape_cast %get3A_695 : vector<16xf32> to vector<16xf32>
              %mul3A_697 = arith.constant 36 : i32
              %mul3A_698 = arith.muli %add3A_625, %mul3A_697 : i32
              %add3A_699 = arith.constant 0 : i32
              %add3A_700 = arith.addi %add3A_699, %mul3A_698 : i32
              %add3A_701 = arith.constant 1 : i32
              %add3A_702 = arith.addi %add3A_700, %add3A_701 : i32
              %add3A_703 = arith.constant 16 : i32
              %add3A_704 = arith.addi %add3A_702, %add3A_703 : i32
              %sub3A_705 = arith.constant 1 : i32
              %sub3A_706 = arith.subi %add3A_704, %sub3A_705 : i32
              %get3A_707 = arith.index_cast %sub3A_706 : i32 to index
              %get3A_708 = tpu.vector_load %arg8[%get3A_707] {strides = array<i32>} : memref<2592xf32, #tpu.memory_space<vmem>>, vector<16xf32>,
              %get3A_709 = vector.shape_cast %get3A_708 : vector<16xf32> to vector<16xf32>
              %get3A_710 = arith.index_cast %add3A_704 : i32 to index
              %get3A_711 = tpu.vector_load %arg8[%get3A_710] {strides = array<i32>} : memref<2592xf32, #tpu.memory_space<vmem>>, vector<16xf32>,
              %get3A_712 = vector.shape_cast %get3A_711 : vector<16xf32> to vector<16xf32>
              %add3A_713 = arith.constant 1 : i32
              %add3A_714 = arith.addi %add3A_704, %add3A_713 : i32
              %get3A_715 = arith.index_cast %add3A_714 : i32 to index
              %get3A_716 = tpu.vector_load %arg8[%get3A_715] {strides = array<i32>} : memref<2592xf32, #tpu.memory_space<vmem>>, vector<16xf32>,
              %get3A_717 = vector.shape_cast %get3A_716 : vector<16xf32> to vector<16xf32>
              %min3A_718 = arith.minimumf %select_n3A_644, %min3A_471 : vector<16xf32>
              %min3A_719 = arith.minimumf %select_n3A_656, %get3A_427 : vector<16xf32>
              %min3A_720 = arith.minimumf %min3A_718, %min3A_719 : vector<16xf32>
              %min3A_721 = arith.minimumf %get3A_435, %get3A_688 : vector<16xf32>
              %min3A_722 = arith.minimumf %get3A_691, %get3A_696 : vector<16xf32>
              %min3A_723 = arith.minimumf %min3A_721, %min3A_722 : vector<16xf32>
              %min3A_724 = arith.minimumf %min3A_720, %min3A_723 : vector<16xf32>
              %min3A_725 = arith.minimumf %select_n3A_668, %min3A_473 : vector<16xf32>
              %min3A_726 = arith.minimumf %select_n3A_675, %get3A_448 : vector<16xf32>
              %min3A_727 = arith.minimumf %min3A_725, %min3A_726 : vector<16xf32>
              %min3A_728 = arith.minimumf %get3A_456, %get3A_709 : vector<16xf32>
              %min3A_729 = arith.minimumf %get3A_712, %get3A_717 : vector<16xf32>
              %min3A_730 = arith.minimumf %min3A_728, %min3A_729 : vector<16xf32>
              %min3A_731 = arith.minimumf %min3A_727, %min3A_730 : vector<16xf32>
              %add3A_732 = arith.addf %min3A_724, %get3A_631 : vector<16xf32>
              %min3A_733 = arith.minimumf %get3A_430, %add3A_732 : vector<16xf32>
              %add3A_734 = arith.addf %min3A_731, %get3A_637 : vector<16xf32>
              %min3A_735 = arith.minimumf %get3A_451, %add3A_734 : vector<16xf32>
              %mul3A_736 = arith.constant 36 : i32
              %mul3A_737 = arith.muli %sub3A_623, %mul3A_736 : i32
              %add3A_738 = arith.constant 0 : i32
              %add3A_739 = arith.addi %add3A_738, %mul3A_737 : i32
              %add3A_740 = arith.constant 1 : i32
              %add3A_741 = arith.addi %add3A_739, %add3A_740 : i32
              %swap3A_742 = arith.index_cast %add3A_741 : i32 to index
              %swap3A_743 = tpu.vector_load %arg8[%swap3A_742] {strides = array<i32>} : memref<2592xf32, #tpu.memory_space<vmem>>, vector<16xf32>,
              %swap3A_744 = vector.shape_cast %swap3A_743 : vector<16xf32> to vector<16xf32>
              %swap3A_745 = vector.shape_cast %min3A_733 : vector<16xf32> to vector<16xf32>
              tpu.vector_store %arg8[%swap3A_742], %swap3A_745 {strides = array<i32>} : memref<2592xf32, #tpu.memory_space<vmem>>, vector<16xf32>,
              %mul3A_746 = arith.constant 36 : i32
              %mul3A_747 = arith.muli %sub3A_623, %mul3A_746 : i32
              %add3A_748 = arith.constant 0 : i32
              %add3A_749 = arith.addi %add3A_748, %mul3A_747 : i32
              %add3A_750 = arith.constant 17 : i32
              %add3A_751 = arith.addi %add3A_749, %add3A_750 : i32
              %swap3A_752 = arith.index_cast %add3A_751 : i32 to index
              %swap3A_753 = tpu.vector_load %arg8[%swap3A_752] {strides = array<i32>} : memref<2592xf32, #tpu.memory_space<vmem>>, vector<16xf32>,
              %swap3A_754 = vector.shape_cast %swap3A_753 : vector<16xf32> to vector<16xf32>
              %swap3A_755 = vector.shape_cast %min3A_735 : vector<16xf32> to vector<16xf32>
              tpu.vector_store %arg8[%swap3A_752], %swap3A_755 {strides = array<i32>} : memref<2592xf32, #tpu.memory_space<vmem>>, vector<16xf32>,
              %sub3A_756 = arith.subf %get3A_430, %min3A_733 : vector<16xf32>
              %sub3A_757 = arith.subf %get3A_451, %min3A_735 : vector<16xf32>
              %max3A_758 = arith.maximumf %sub3A_756, %sub3A_757 : vector<16xf32>
              %max3A_759 = arith.maximumf %max3A_619, %max3A_758 : vector<16xf32>
              %eq3A_760 = arith.constant 0 : i32
              %eq3A_761 = vector.broadcast %eq3A_760 : i32 to vector<16xi32>
              %eq3A_762 = arith.cmpi eq, %iota3A, %eq3A_761 : vector<16xi32>
              %broadcast_in_dim3A_763 = vector.shape_cast %and3A_94 : vector<16xi32> to vector<16x1xi32>
              %gather3A_764 = vector.shape_cast %broadcast_in_dim3A_763 : vector<16x1xi32> to vector<16xi32>
              %gather3A_765 = tpu.dynamic_gather %min3A_593[%gather3A_764] in [0] : vector<16xf32>, vector<16xi32> -> vector<16xf32>
              %select_n3A_766 = arith.select %eq3A_762, %broadcast_in_dim3A_14, %gather3A_765 : vector<16xi1>, vector<16xf32>
              %broadcast_in_dim3A_767 = arith.constant 0 : i32
              %broadcast_in_dim3A_768 = vector.broadcast %broadcast_in_dim3A_767 : i32 to vector<16xi32>
              %broadcast_in_dim3A_769 = vector.shape_cast %broadcast_in_dim3A_768 : vector<16xi32> to vector<16x1xi32>
              %gather3A_770 = vector.shape_cast %broadcast_in_dim3A_769 : vector<16x1xi32> to vector<16xi32>
              %gather3A_771 = tpu.dynamic_gather %min3A_595[%gather3A_770] in [0] : vector<16xf32>, vector<16xi32> -> vector<16xf32>
              %eq3A_772 = arith.constant 15 : i32
              %eq3A_773 = vector.broadcast %eq3A_772 : i32 to vector<16xi32>
              %eq3A_774 = arith.cmpi eq, %iota3A, %eq3A_773 : vector<16xi32>
              %broadcast_in_dim3A_775 = vector.shape_cast %and3A_100 : vector<16xi32> to vector<16x1xi32>
              %gather3A_776 = vector.shape_cast %broadcast_in_dim3A_775 : vector<16x1xi32> to vector<16xi32>
              %gather3A_777 = tpu.dynamic_gather %min3A_593[%gather3A_776] in [0] : vector<16xf32>, vector<16xi32> -> vector<16xf32>
              %select_n3A_778 = arith.select %eq3A_774, %gather3A_771, %gather3A_777 : vector<16xi1>, vector<16xf32>
              %broadcast_in_dim3A_779 = arith.constant 15 : i32
              %broadcast_in_dim3A_780 = vector.broadcast %broadcast_in_dim3A_779 : i32 to vector<16xi32>
              %broadcast_in_dim3A_781 = vector.shape_cast %broadcast_in_dim3A_780 : vector<16xi32> to vector<16x1xi32>
              %gather3A_782 = vector.shape_cast %broadcast_in_dim3A_781 : vector<16x1xi32> to vector<16xi32>
              %gather3A_783 = tpu.dynamic_gather %min3A_593[%gather3A_782] in [0] : vector<16xf32>, vector<16xi32> -> vector<16xf32>
              %eq3A_784 = arith.constant 0 : i32
              %eq3A_785 = vector.broadcast %eq3A_784 : i32 to vector<16xi32>
              %eq3A_786 = arith.cmpi eq, %iota3A, %eq3A_785 : vector<16xi32>
              %broadcast_in_dim3A_787 = vector.shape_cast %and3A_94 : vector<16xi32> to vector<16x1xi32>
              %gather3A_788 = vector.shape_cast %broadcast_in_dim3A_787 : vector<16x1xi32> to vector<16xi32>
              %gather3A_789 = tpu.dynamic_gather %min3A_595[%gather3A_788] in [0] : vector<16xf32>, vector<16xi32> -> vector<16xf32>
              %select_n3A_790 = arith.select %eq3A_786, %gather3A_783, %gather3A_789 : vector<16xi1>, vector<16xf32>
              %eq3A_791 = arith.constant 15 : i32
              %eq3A_792 = vector.broadcast %eq3A_791 : i32 to vector<16xi32>
              %eq3A_793 = arith.cmpi eq, %iota3A, %eq3A_792 : vector<16xi32>
              %broadcast_in_dim3A_794 = vector.shape_cast %and3A_100 : vector<16xi32> to vector<16x1xi32>
              %gather3A_795 = vector.shape_cast %broadcast_in_dim3A_794 : vector<16x1xi32> to vector<16xi32>
              %gather3A_796 = tpu.dynamic_gather %min3A_595[%gather3A_795] in [0] : vector<16xf32>, vector<16xi32> -> vector<16xf32>
              %select_n3A_797 = arith.select %eq3A_793, %broadcast_in_dim3A_14, %gather3A_796 : vector<16xi1>, vector<16xf32>
              %mul3A_798 = arith.constant 36 : i32
              %mul3A_799 = arith.muli %add3A_625, %mul3A_798 : i32
              %add3A_800 = arith.constant 1296 : i32
              %add3A_801 = arith.addi %add3A_800, %mul3A_799 : i32
              %add3A_802 = arith.constant 1 : i32
              %add3A_803 = arith.addi %add3A_801, %add3A_802 : i32
              %add3A_804 = arith.constant 0 : i32
              %add3A_805 = arith.addi %add3A_803, %add3A_804 : i32
              %sub3A_806 = arith.constant 1 : i32
              %sub3A_807 = arith.subi %add3A_805, %sub3A_806 : i32
              %get3A_808 = arith.index_cast %sub3A_807 : i32 to index
              %get3A_809 = tpu.vector_load %arg8[%get3A_808] {strides = array<i32>} : memref<2592xf32, #tpu.memory_space<vmem>>, vector<16xf32>,
              %get3A_810 = vector.shape_cast %get3A_809 : vector<16xf32> to vector<16xf32>
              %get3A_811 = arith.index_cast %add3A_805 : i32 to index
              %get3A_812 = tpu.vector_load %arg8[%get3A_811] {strides = array<i32>} : memref<2592xf32, #tpu.memory_space<vmem>>, vector<16xf32>,
              %get3A_813 = vector.shape_cast %get3A_812 : vector<16xf32> to vector<16xf32>
              %add3A_814 = arith.constant 1 : i32
              %add3A_815 = arith.addi %add3A_805, %add3A_814 : i32
              %get3A_816 = arith.index_cast %add3A_815 : i32 to index
              %get3A_817 = tpu.vector_load %arg8[%get3A_816] {strides = array<i32>} : memref<2592xf32, #tpu.memory_space<vmem>>, vector<16xf32>,
              %get3A_818 = vector.shape_cast %get3A_817 : vector<16xf32> to vector<16xf32>
              %mul3A_819 = arith.constant 36 : i32
              %mul3A_820 = arith.muli %add3A_625, %mul3A_819 : i32
              %add3A_821 = arith.constant 1296 : i32
              %add3A_822 = arith.addi %add3A_821, %mul3A_820 : i32
              %add3A_823 = arith.constant 1 : i32
              %add3A_824 = arith.addi %add3A_822, %add3A_823 : i32
              %add3A_825 = arith.constant 16 : i32
              %add3A_826 = arith.addi %add3A_824, %add3A_825 : i32
              %sub3A_827 = arith.constant 1 : i32
              %sub3A_828 = arith.subi %add3A_826, %sub3A_827 : i32
              %get3A_829 = arith.index_cast %sub3A_828 : i32 to index
              %get3A_830 = tpu.vector_load %arg8[%get3A_829] {strides = array<i32>} : memref<2592xf32, #tpu.memory_space<vmem>>, vector<16xf32>,
              %get3A_831 = vector.shape_cast %get3A_830 : vector<16xf32> to vector<16xf32>
              %get3A_832 = arith.index_cast %add3A_826 : i32 to index
              %get3A_833 = tpu.vector_load %arg8[%get3A_832] {strides = array<i32>} : memref<2592xf32, #tpu.memory_space<vmem>>, vector<16xf32>,
              %get3A_834 = vector.shape_cast %get3A_833 : vector<16xf32> to vector<16xf32>
              %add3A_835 = arith.constant 1 : i32
              %add3A_836 = arith.addi %add3A_826, %add3A_835 : i32
              %get3A_837 = arith.index_cast %add3A_836 : i32 to index
              %get3A_838 = tpu.vector_load %arg8[%get3A_837] {strides = array<i32>} : memref<2592xf32, #tpu.memory_space<vmem>>, vector<16xf32>,
              %get3A_839 = vector.shape_cast %get3A_838 : vector<16xf32> to vector<16xf32>
              %min3A_840 = arith.minimumf %select_n3A_766, %min3A_593 : vector<16xf32>
              %min3A_841 = arith.minimumf %select_n3A_778, %get3A_548 : vector<16xf32>
              %min3A_842 = arith.minimumf %min3A_840, %min3A_841 : vector<16xf32>
              %min3A_843 = arith.minimumf %get3A_556, %get3A_810 : vector<16xf32>
              %min3A_844 = arith.minimumf %get3A_813, %get3A_818 : vector<16xf32>
              %min3A_845 = arith.minimumf %min3A_843, %min3A_844 : vector<16xf32>
              %min3A_846 = arith.minimumf %min3A_842, %min3A_845 : vector<16xf32>
              %min3A_847 = arith.minimumf %select_n3A_790, %min3A_595 : vector<16xf32>
              %min3A_848 = arith.minimumf %select_n3A_797, %get3A_569 : vector<16xf32>
              %min3A_849 = arith.minimumf %min3A_847, %min3A_848 : vector<16xf32>
              %min3A_850 = arith.minimumf %get3A_577, %get3A_831 : vector<16xf32>
              %min3A_851 = arith.minimumf %get3A_834, %get3A_839 : vector<16xf32>
              %min3A_852 = arith.minimumf %min3A_850, %min3A_851 : vector<16xf32>
              %min3A_853 = arith.minimumf %min3A_849, %min3A_852 : vector<16xf32>
              %add3A_854 = arith.addf %min3A_846, %get3A_631 : vector<16xf32>
              %min3A_855 = arith.minimumf %get3A_551, %add3A_854 : vector<16xf32>
              %add3A_856 = arith.addf %min3A_853, %get3A_637 : vector<16xf32>
              %min3A_857 = arith.minimumf %get3A_572, %add3A_856 : vector<16xf32>
              %mul3A_858 = arith.constant 36 : i32
              %mul3A_859 = arith.muli %sub3A_623, %mul3A_858 : i32
              %add3A_860 = arith.constant 1296 : i32
              %add3A_861 = arith.addi %add3A_860, %mul3A_859 : i32
              %add3A_862 = arith.constant 1 : i32
              %add3A_863 = arith.addi %add3A_861, %add3A_862 : i32
              %swap3A_864 = arith.index_cast %add3A_863 : i32 to index
              %swap3A_865 = tpu.vector_load %arg8[%swap3A_864] {strides = array<i32>} : memref<2592xf32, #tpu.memory_space<vmem>>, vector<16xf32>,
              %swap3A_866 = vector.shape_cast %swap3A_865 : vector<16xf32> to vector<16xf32>
              %swap3A_867 = vector.shape_cast %min3A_855 : vector<16xf32> to vector<16xf32>
              tpu.vector_store %arg8[%swap3A_864], %swap3A_867 {strides = array<i32>} : memref<2592xf32, #tpu.memory_space<vmem>>, vector<16xf32>,
              %mul3A_868 = arith.constant 36 : i32
              %mul3A_869 = arith.muli %sub3A_623, %mul3A_868 : i32
              %add3A_870 = arith.constant 1296 : i32
              %add3A_871 = arith.addi %add3A_870, %mul3A_869 : i32
              %add3A_872 = arith.constant 17 : i32
              %add3A_873 = arith.addi %add3A_871, %add3A_872 : i32
              %swap3A_874 = arith.index_cast %add3A_873 : i32 to index
              %swap3A_875 = tpu.vector_load %arg8[%swap3A_874] {strides = array<i32>} : memref<2592xf32, #tpu.memory_space<vmem>>, vector<16xf32>,
              %swap3A_876 = vector.shape_cast %swap3A_875 : vector<16xf32> to vector<16xf32>
              %swap3A_877 = vector.shape_cast %min3A_857 : vector<16xf32> to vector<16xf32>
              tpu.vector_store %arg8[%swap3A_874], %swap3A_877 {strides = array<i32>} : memref<2592xf32, #tpu.memory_space<vmem>>, vector<16xf32>,
              %sub3A_878 = arith.subf %get3A_551, %min3A_855 : vector<16xf32>
              %sub3A_879 = arith.subf %get3A_572, %min3A_857 : vector<16xf32>
              %max3A_880 = arith.maximumf %sub3A_878, %sub3A_879 : vector<16xf32>
              %max3A_881 = arith.maximumf %max3A_759, %max3A_880 : vector<16xf32>
              %scan3A_882 = arith.constant 2 : i32
              %scan3A_883 = arith.addi %scan3A_343, %scan3A_882 : i32
              %sub3A_884 = arith.constant 32 : i32
              %sub3A_885 = arith.subi %sub3A_884, %scan3A_883 : i32
              %add3A_886 = arith.constant -1 : i32
              %add3A_887 = arith.addi %sub3A_885, %add3A_886 : i32
              %sub3A_888 = arith.constant 1 : i32
              %sub3A_889 = arith.subi %sub3A_885, %sub3A_888 : i32
              %get3A_890 = arith.index_cast %sub3A_889 : i32 to index
              %get3A_891 = arith.constant 0 : index
              %get3A_892 = tpu.vector_load %arg6[%get3A_890, %get3A_891] {strides = array<i32>} : memref<32x32xf32, #tpu.memory_space<vmem>>, vector<1x16xf32>,
              %get3A_893 = vector.shape_cast %get3A_892 : vector<1x16xf32> to vector<16xf32>
              %sub3A_894 = arith.constant 1 : i32
              %sub3A_895 = arith.subi %sub3A_885, %sub3A_894 : i32
              %get3A_896 = arith.index_cast %sub3A_895 : i32 to index
              %get3A_897 = arith.constant 16 : index
              %get3A_898 = tpu.vector_load %arg6[%get3A_896, %get3A_897] {strides = array<i32>} : memref<32x32xf32, #tpu.memory_space<vmem>>, vector<1x16xf32>,
              %get3A_899 = vector.shape_cast %get3A_898 : vector<1x16xf32> to vector<16xf32>
              %eq3A_900 = arith.constant 0 : i32
              %eq3A_901 = vector.broadcast %eq3A_900 : i32 to vector<16xi32>
              %eq3A_902 = arith.cmpi eq, %iota3A, %eq3A_901 : vector<16xi32>
              %broadcast_in_dim3A_903 = vector.shape_cast %and3A_94 : vector<16xi32> to vector<16x1xi32>
              %gather3A_904 = vector.shape_cast %broadcast_in_dim3A_903 : vector<16x1xi32> to vector<16xi32>
              %gather3A_905 = tpu.dynamic_gather %min3A_733[%gather3A_904] in [0] : vector<16xf32>, vector<16xi32> -> vector<16xf32>
              %select_n3A_906 = arith.select %eq3A_902, %broadcast_in_dim3A_14, %gather3A_905 : vector<16xi1>, vector<16xf32>
              %broadcast_in_dim3A_907 = arith.constant 0 : i32
              %broadcast_in_dim3A_908 = vector.broadcast %broadcast_in_dim3A_907 : i32 to vector<16xi32>
              %broadcast_in_dim3A_909 = vector.shape_cast %broadcast_in_dim3A_908 : vector<16xi32> to vector<16x1xi32>
              %gather3A_910 = vector.shape_cast %broadcast_in_dim3A_909 : vector<16x1xi32> to vector<16xi32>
              %gather3A_911 = tpu.dynamic_gather %min3A_735[%gather3A_910] in [0] : vector<16xf32>, vector<16xi32> -> vector<16xf32>
              %eq3A_912 = arith.constant 15 : i32
              %eq3A_913 = vector.broadcast %eq3A_912 : i32 to vector<16xi32>
              %eq3A_914 = arith.cmpi eq, %iota3A, %eq3A_913 : vector<16xi32>
              %broadcast_in_dim3A_915 = vector.shape_cast %and3A_100 : vector<16xi32> to vector<16x1xi32>
              %gather3A_916 = vector.shape_cast %broadcast_in_dim3A_915 : vector<16x1xi32> to vector<16xi32>
              %gather3A_917 = tpu.dynamic_gather %min3A_733[%gather3A_916] in [0] : vector<16xf32>, vector<16xi32> -> vector<16xf32>
              %select_n3A_918 = arith.select %eq3A_914, %gather3A_911, %gather3A_917 : vector<16xi1>, vector<16xf32>
              %broadcast_in_dim3A_919 = arith.constant 15 : i32
              %broadcast_in_dim3A_920 = vector.broadcast %broadcast_in_dim3A_919 : i32 to vector<16xi32>
              %broadcast_in_dim3A_921 = vector.shape_cast %broadcast_in_dim3A_920 : vector<16xi32> to vector<16x1xi32>
              %gather3A_922 = vector.shape_cast %broadcast_in_dim3A_921 : vector<16x1xi32> to vector<16xi32>
              %gather3A_923 = tpu.dynamic_gather %min3A_733[%gather3A_922] in [0] : vector<16xf32>, vector<16xi32> -> vector<16xf32>
              %eq3A_924 = arith.constant 0 : i32
              %eq3A_925 = vector.broadcast %eq3A_924 : i32 to vector<16xi32>
              %eq3A_926 = arith.cmpi eq, %iota3A, %eq3A_925 : vector<16xi32>
              %broadcast_in_dim3A_927 = vector.shape_cast %and3A_94 : vector<16xi32> to vector<16x1xi32>
              %gather3A_928 = vector.shape_cast %broadcast_in_dim3A_927 : vector<16x1xi32> to vector<16xi32>
              %gather3A_929 = tpu.dynamic_gather %min3A_735[%gather3A_928] in [0] : vector<16xf32>, vector<16xi32> -> vector<16xf32>
              %select_n3A_930 = arith.select %eq3A_926, %gather3A_923, %gather3A_929 : vector<16xi1>, vector<16xf32>
              %eq3A_931 = arith.constant 15 : i32
              %eq3A_932 = vector.broadcast %eq3A_931 : i32 to vector<16xi32>
              %eq3A_933 = arith.cmpi eq, %iota3A, %eq3A_932 : vector<16xi32>
              %broadcast_in_dim3A_934 = vector.shape_cast %and3A_100 : vector<16xi32> to vector<16x1xi32>
              %gather3A_935 = vector.shape_cast %broadcast_in_dim3A_934 : vector<16x1xi32> to vector<16xi32>
              %gather3A_936 = tpu.dynamic_gather %min3A_735[%gather3A_935] in [0] : vector<16xf32>, vector<16xi32> -> vector<16xf32>
              %select_n3A_937 = arith.select %eq3A_933, %broadcast_in_dim3A_14, %gather3A_936 : vector<16xi1>, vector<16xf32>
              %mul3A_938 = arith.constant 36 : i32
              %mul3A_939 = arith.muli %add3A_887, %mul3A_938 : i32
              %add3A_940 = arith.constant 0 : i32
              %add3A_941 = arith.addi %add3A_940, %mul3A_939 : i32
              %add3A_942 = arith.constant 1 : i32
              %add3A_943 = arith.addi %add3A_941, %add3A_942 : i32
              %add3A_944 = arith.constant 0 : i32
              %add3A_945 = arith.addi %add3A_943, %add3A_944 : i32
              %sub3A_946 = arith.constant 1 : i32
              %sub3A_947 = arith.subi %add3A_945, %sub3A_946 : i32
              %get3A_948 = arith.index_cast %sub3A_947 : i32 to index
              %get3A_949 = tpu.vector_load %arg8[%get3A_948] {strides = array<i32>} : memref<2592xf32, #tpu.memory_space<vmem>>, vector<16xf32>,
              %get3A_950 = vector.shape_cast %get3A_949 : vector<16xf32> to vector<16xf32>
              %get3A_951 = arith.index_cast %add3A_945 : i32 to index
              %get3A_952 = tpu.vector_load %arg8[%get3A_951] {strides = array<i32>} : memref<2592xf32, #tpu.memory_space<vmem>>, vector<16xf32>,
              %get3A_953 = vector.shape_cast %get3A_952 : vector<16xf32> to vector<16xf32>
              %add3A_954 = arith.constant 1 : i32
              %add3A_955 = arith.addi %add3A_945, %add3A_954 : i32
              %get3A_956 = arith.index_cast %add3A_955 : i32 to index
              %get3A_957 = tpu.vector_load %arg8[%get3A_956] {strides = array<i32>} : memref<2592xf32, #tpu.memory_space<vmem>>, vector<16xf32>,
              %get3A_958 = vector.shape_cast %get3A_957 : vector<16xf32> to vector<16xf32>
              %mul3A_959 = arith.constant 36 : i32
              %mul3A_960 = arith.muli %add3A_887, %mul3A_959 : i32
              %add3A_961 = arith.constant 0 : i32
              %add3A_962 = arith.addi %add3A_961, %mul3A_960 : i32
              %add3A_963 = arith.constant 1 : i32
              %add3A_964 = arith.addi %add3A_962, %add3A_963 : i32
              %add3A_965 = arith.constant 16 : i32
              %add3A_966 = arith.addi %add3A_964, %add3A_965 : i32
              %sub3A_967 = arith.constant 1 : i32
              %sub3A_968 = arith.subi %add3A_966, %sub3A_967 : i32
              %get3A_969 = arith.index_cast %sub3A_968 : i32 to index
              %get3A_970 = tpu.vector_load %arg8[%get3A_969] {strides = array<i32>} : memref<2592xf32, #tpu.memory_space<vmem>>, vector<16xf32>,
              %get3A_971 = vector.shape_cast %get3A_970 : vector<16xf32> to vector<16xf32>
              %get3A_972 = arith.index_cast %add3A_966 : i32 to index
              %get3A_973 = tpu.vector_load %arg8[%get3A_972] {strides = array<i32>} : memref<2592xf32, #tpu.memory_space<vmem>>, vector<16xf32>,
              %get3A_974 = vector.shape_cast %get3A_973 : vector<16xf32> to vector<16xf32>
              %add3A_975 = arith.constant 1 : i32
              %add3A_976 = arith.addi %add3A_966, %add3A_975 : i32
              %get3A_977 = arith.index_cast %add3A_976 : i32 to index
              %get3A_978 = tpu.vector_load %arg8[%get3A_977] {strides = array<i32>} : memref<2592xf32, #tpu.memory_space<vmem>>, vector<16xf32>,
              %get3A_979 = vector.shape_cast %get3A_978 : vector<16xf32> to vector<16xf32>
              %min3A_980 = arith.minimumf %select_n3A_906, %min3A_733 : vector<16xf32>
              %min3A_981 = arith.minimumf %select_n3A_918, %get3A_688 : vector<16xf32>
              %min3A_982 = arith.minimumf %min3A_980, %min3A_981 : vector<16xf32>
              %min3A_983 = arith.minimumf %get3A_696, %get3A_950 : vector<16xf32>
              %min3A_984 = arith.minimumf %get3A_953, %get3A_958 : vector<16xf32>
              %min3A_985 = arith.minimumf %min3A_983, %min3A_984 : vector<16xf32>
              %min3A_986 = arith.minimumf %min3A_982, %min3A_985 : vector<16xf32>
              %min3A_987 = arith.minimumf %select_n3A_930, %min3A_735 : vector<16xf32>
              %min3A_988 = arith.minimumf %select_n3A_937, %get3A_709 : vector<16xf32>
              %min3A_989 = arith.minimumf %min3A_987, %min3A_988 : vector<16xf32>
              %min3A_990 = arith.minimumf %get3A_717, %get3A_971 : vector<16xf32>
              %min3A_991 = arith.minimumf %get3A_974, %get3A_979 : vector<16xf32>
              %min3A_992 = arith.minimumf %min3A_990, %min3A_991 : vector<16xf32>
              %min3A_993 = arith.minimumf %min3A_989, %min3A_992 : vector<16xf32>
              %add3A_994 = arith.addf %min3A_986, %get3A_893 : vector<16xf32>
              %min3A_995 = arith.minimumf %get3A_691, %add3A_994 : vector<16xf32>
              %add3A_996 = arith.addf %min3A_993, %get3A_899 : vector<16xf32>
              %min3A_997 = arith.minimumf %get3A_712, %add3A_996 : vector<16xf32>
              %mul3A_998 = arith.constant 36 : i32
              %mul3A_999 = arith.muli %sub3A_885, %mul3A_998 : i32
              %add3A_1000 = arith.constant 0 : i32
              %add3A_1001 = arith.addi %add3A_1000, %mul3A_999 : i32
              %add3A_1002 = arith.constant 1 : i32
              %add3A_1003 = arith.addi %add3A_1001, %add3A_1002 : i32
              %swap3A_1004 = arith.index_cast %add3A_1003 : i32 to index
              %swap3A_1005 = tpu.vector_load %arg8[%swap3A_1004] {strides = array<i32>} : memref<2592xf32, #tpu.memory_space<vmem>>, vector<16xf32>,
              %swap3A_1006 = vector.shape_cast %swap3A_1005 : vector<16xf32> to vector<16xf32>
              %swap3A_1007 = vector.shape_cast %min3A_995 : vector<16xf32> to vector<16xf32>
              tpu.vector_store %arg8[%swap3A_1004], %swap3A_1007 {strides = array<i32>} : memref<2592xf32, #tpu.memory_space<vmem>>, vector<16xf32>,
              %mul3A_1008 = arith.constant 36 : i32
              %mul3A_1009 = arith.muli %sub3A_885, %mul3A_1008 : i32
              %add3A_1010 = arith.constant 0 : i32
              %add3A_1011 = arith.addi %add3A_1010, %mul3A_1009 : i32
              %add3A_1012 = arith.constant 17 : i32
              %add3A_1013 = arith.addi %add3A_1011, %add3A_1012 : i32
              %swap3A_1014 = arith.index_cast %add3A_1013 : i32 to index
              %swap3A_1015 = tpu.vector_load %arg8[%swap3A_1014] {strides = array<i32>} : memref<2592xf32, #tpu.memory_space<vmem>>, vector<16xf32>,
              %swap3A_1016 = vector.shape_cast %swap3A_1015 : vector<16xf32> to vector<16xf32>
              %swap3A_1017 = vector.shape_cast %min3A_997 : vector<16xf32> to vector<16xf32>
              tpu.vector_store %arg8[%swap3A_1014], %swap3A_1017 {strides = array<i32>} : memref<2592xf32, #tpu.memory_space<vmem>>, vector<16xf32>,
              %sub3A_1018 = arith.subf %get3A_691, %min3A_995 : vector<16xf32>
              %sub3A_1019 = arith.subf %get3A_712, %min3A_997 : vector<16xf32>
              %max3A_1020 = arith.maximumf %sub3A_1018, %sub3A_1019 : vector<16xf32>
              %max3A_1021 = arith.maximumf %max3A_881, %max3A_1020 : vector<16xf32>
              %eq3A_1022 = arith.constant 0 : i32
              %eq3A_1023 = vector.broadcast %eq3A_1022 : i32 to vector<16xi32>
              %eq3A_1024 = arith.cmpi eq, %iota3A, %eq3A_1023 : vector<16xi32>
              %broadcast_in_dim3A_1025 = vector.shape_cast %and3A_94 : vector<16xi32> to vector<16x1xi32>
              %gather3A_1026 = vector.shape_cast %broadcast_in_dim3A_1025 : vector<16x1xi32> to vector<16xi32>
              %gather3A_1027 = tpu.dynamic_gather %min3A_855[%gather3A_1026] in [0] : vector<16xf32>, vector<16xi32> -> vector<16xf32>
              %select_n3A_1028 = arith.select %eq3A_1024, %broadcast_in_dim3A_14, %gather3A_1027 : vector<16xi1>, vector<16xf32>
              %broadcast_in_dim3A_1029 = arith.constant 0 : i32
              %broadcast_in_dim3A_1030 = vector.broadcast %broadcast_in_dim3A_1029 : i32 to vector<16xi32>
              %broadcast_in_dim3A_1031 = vector.shape_cast %broadcast_in_dim3A_1030 : vector<16xi32> to vector<16x1xi32>
              %gather3A_1032 = vector.shape_cast %broadcast_in_dim3A_1031 : vector<16x1xi32> to vector<16xi32>
              %gather3A_1033 = tpu.dynamic_gather %min3A_857[%gather3A_1032] in [0] : vector<16xf32>, vector<16xi32> -> vector<16xf32>
              %eq3A_1034 = arith.constant 15 : i32
              %eq3A_1035 = vector.broadcast %eq3A_1034 : i32 to vector<16xi32>
              %eq3A_1036 = arith.cmpi eq, %iota3A, %eq3A_1035 : vector<16xi32>
              %broadcast_in_dim3A_1037 = vector.shape_cast %and3A_100 : vector<16xi32> to vector<16x1xi32>
              %gather3A_1038 = vector.shape_cast %broadcast_in_dim3A_1037 : vector<16x1xi32> to vector<16xi32>
              %gather3A_1039 = tpu.dynamic_gather %min3A_855[%gather3A_1038] in [0] : vector<16xf32>, vector<16xi32> -> vector<16xf32>
              %select_n3A_1040 = arith.select %eq3A_1036, %gather3A_1033, %gather3A_1039 : vector<16xi1>, vector<16xf32>
              %broadcast_in_dim3A_1041 = arith.constant 15 : i32
              %broadcast_in_dim3A_1042 = vector.broadcast %broadcast_in_dim3A_1041 : i32 to vector<16xi32>
              %broadcast_in_dim3A_1043 = vector.shape_cast %broadcast_in_dim3A_1042 : vector<16xi32> to vector<16x1xi32>
              %gather3A_1044 = vector.shape_cast %broadcast_in_dim3A_1043 : vector<16x1xi32> to vector<16xi32>
              %gather3A_1045 = tpu.dynamic_gather %min3A_855[%gather3A_1044] in [0] : vector<16xf32>, vector<16xi32> -> vector<16xf32>
              %eq3A_1046 = arith.constant 0 : i32
              %eq3A_1047 = vector.broadcast %eq3A_1046 : i32 to vector<16xi32>
              %eq3A_1048 = arith.cmpi eq, %iota3A, %eq3A_1047 : vector<16xi32>
              %broadcast_in_dim3A_1049 = vector.shape_cast %and3A_94 : vector<16xi32> to vector<16x1xi32>
              %gather3A_1050 = vector.shape_cast %broadcast_in_dim3A_1049 : vector<16x1xi32> to vector<16xi32>
              %gather3A_1051 = tpu.dynamic_gather %min3A_857[%gather3A_1050] in [0] : vector<16xf32>, vector<16xi32> -> vector<16xf32>
              %select_n3A_1052 = arith.select %eq3A_1048, %gather3A_1045, %gather3A_1051 : vector<16xi1>, vector<16xf32>
              %eq3A_1053 = arith.constant 15 : i32
              %eq3A_1054 = vector.broadcast %eq3A_1053 : i32 to vector<16xi32>
              %eq3A_1055 = arith.cmpi eq, %iota3A, %eq3A_1054 : vector<16xi32>
              %broadcast_in_dim3A_1056 = vector.shape_cast %and3A_100 : vector<16xi32> to vector<16x1xi32>
              %gather3A_1057 = vector.shape_cast %broadcast_in_dim3A_1056 : vector<16x1xi32> to vector<16xi32>
              %gather3A_1058 = tpu.dynamic_gather %min3A_857[%gather3A_1057] in [0] : vector<16xf32>, vector<16xi32> -> vector<16xf32>
              %select_n3A_1059 = arith.select %eq3A_1055, %broadcast_in_dim3A_14, %gather3A_1058 : vector<16xi1>, vector<16xf32>
              %mul3A_1060 = arith.constant 36 : i32
              %mul3A_1061 = arith.muli %add3A_887, %mul3A_1060 : i32
              %add3A_1062 = arith.constant 1296 : i32
              %add3A_1063 = arith.addi %add3A_1062, %mul3A_1061 : i32
              %add3A_1064 = arith.constant 1 : i32
              %add3A_1065 = arith.addi %add3A_1063, %add3A_1064 : i32
              %add3A_1066 = arith.constant 0 : i32
              %add3A_1067 = arith.addi %add3A_1065, %add3A_1066 : i32
              %sub3A_1068 = arith.constant 1 : i32
              %sub3A_1069 = arith.subi %add3A_1067, %sub3A_1068 : i32
              %get3A_1070 = arith.index_cast %sub3A_1069 : i32 to index
              %get3A_1071 = tpu.vector_load %arg8[%get3A_1070] {strides = array<i32>} : memref<2592xf32, #tpu.memory_space<vmem>>, vector<16xf32>,
              %get3A_1072 = vector.shape_cast %get3A_1071 : vector<16xf32> to vector<16xf32>
              %get3A_1073 = arith.index_cast %add3A_1067 : i32 to index
              %get3A_1074 = tpu.vector_load %arg8[%get3A_1073] {strides = array<i32>} : memref<2592xf32, #tpu.memory_space<vmem>>, vector<16xf32>,
              %get3A_1075 = vector.shape_cast %get3A_1074 : vector<16xf32> to vector<16xf32>
              %add3A_1076 = arith.constant 1 : i32
              %add3A_1077 = arith.addi %add3A_1067, %add3A_1076 : i32
              %get3A_1078 = arith.index_cast %add3A_1077 : i32 to index
              %get3A_1079 = tpu.vector_load %arg8[%get3A_1078] {strides = array<i32>} : memref<2592xf32, #tpu.memory_space<vmem>>, vector<16xf32>,
              %get3A_1080 = vector.shape_cast %get3A_1079 : vector<16xf32> to vector<16xf32>
              %mul3A_1081 = arith.constant 36 : i32
              %mul3A_1082 = arith.muli %add3A_887, %mul3A_1081 : i32
              %add3A_1083 = arith.constant 1296 : i32
              %add3A_1084 = arith.addi %add3A_1083, %mul3A_1082 : i32
              %add3A_1085 = arith.constant 1 : i32
              %add3A_1086 = arith.addi %add3A_1084, %add3A_1085 : i32
              %add3A_1087 = arith.constant 16 : i32
              %add3A_1088 = arith.addi %add3A_1086, %add3A_1087 : i32
              %sub3A_1089 = arith.constant 1 : i32
              %sub3A_1090 = arith.subi %add3A_1088, %sub3A_1089 : i32
              %get3A_1091 = arith.index_cast %sub3A_1090 : i32 to index
              %get3A_1092 = tpu.vector_load %arg8[%get3A_1091] {strides = array<i32>} : memref<2592xf32, #tpu.memory_space<vmem>>, vector<16xf32>,
              %get3A_1093 = vector.shape_cast %get3A_1092 : vector<16xf32> to vector<16xf32>
              %get3A_1094 = arith.index_cast %add3A_1088 : i32 to index
              %get3A_1095 = tpu.vector_load %arg8[%get3A_1094] {strides = array<i32>} : memref<2592xf32, #tpu.memory_space<vmem>>, vector<16xf32>,
              %get3A_1096 = vector.shape_cast %get3A_1095 : vector<16xf32> to vector<16xf32>
              %add3A_1097 = arith.constant 1 : i32
              %add3A_1098 = arith.addi %add3A_1088, %add3A_1097 : i32
              %get3A_1099 = arith.index_cast %add3A_1098 : i32 to index
              %get3A_1100 = tpu.vector_load %arg8[%get3A_1099] {strides = array<i32>} : memref<2592xf32, #tpu.memory_space<vmem>>, vector<16xf32>,
              %get3A_1101 = vector.shape_cast %get3A_1100 : vector<16xf32> to vector<16xf32>
              %min3A_1102 = arith.minimumf %select_n3A_1028, %min3A_855 : vector<16xf32>
              %min3A_1103 = arith.minimumf %select_n3A_1040, %get3A_810 : vector<16xf32>
              %min3A_1104 = arith.minimumf %min3A_1102, %min3A_1103 : vector<16xf32>
              %min3A_1105 = arith.minimumf %get3A_818, %get3A_1072 : vector<16xf32>
              %min3A_1106 = arith.minimumf %get3A_1075, %get3A_1080 : vector<16xf32>
              %min3A_1107 = arith.minimumf %min3A_1105, %min3A_1106 : vector<16xf32>
              %min3A_1108 = arith.minimumf %min3A_1104, %min3A_1107 : vector<16xf32>
              %min3A_1109 = arith.minimumf %select_n3A_1052, %min3A_857 : vector<16xf32>
              %min3A_1110 = arith.minimumf %select_n3A_1059, %get3A_831 : vector<16xf32>
              %min3A_1111 = arith.minimumf %min3A_1109, %min3A_1110 : vector<16xf32>
              %min3A_1112 = arith.minimumf %get3A_839, %get3A_1093 : vector<16xf32>
              %min3A_1113 = arith.minimumf %get3A_1096, %get3A_1101 : vector<16xf32>
              %min3A_1114 = arith.minimumf %min3A_1112, %min3A_1113 : vector<16xf32>
              %min3A_1115 = arith.minimumf %min3A_1111, %min3A_1114 : vector<16xf32>
              %add3A_1116 = arith.addf %min3A_1108, %get3A_893 : vector<16xf32>
              %min3A_1117 = arith.minimumf %get3A_813, %add3A_1116 : vector<16xf32>
              %add3A_1118 = arith.addf %min3A_1115, %get3A_899 : vector<16xf32>
              %min3A_1119 = arith.minimumf %get3A_834, %add3A_1118 : vector<16xf32>
              %mul3A_1120 = arith.constant 36 : i32
              %mul3A_1121 = arith.muli %sub3A_885, %mul3A_1120 : i32
              %add3A_1122 = arith.constant 1296 : i32
              %add3A_1123 = arith.addi %add3A_1122, %mul3A_1121 : i32
              %add3A_1124 = arith.constant 1 : i32
              %add3A_1125 = arith.addi %add3A_1123, %add3A_1124 : i32
              %swap3A_1126 = arith.index_cast %add3A_1125 : i32 to index
              %swap3A_1127 = tpu.vector_load %arg8[%swap3A_1126] {strides = array<i32>} : memref<2592xf32, #tpu.memory_space<vmem>>, vector<16xf32>,
              %swap3A_1128 = vector.shape_cast %swap3A_1127 : vector<16xf32> to vector<16xf32>
              %swap3A_1129 = vector.shape_cast %min3A_1117 : vector<16xf32> to vector<16xf32>
              tpu.vector_store %arg8[%swap3A_1126], %swap3A_1129 {strides = array<i32>} : memref<2592xf32, #tpu.memory_space<vmem>>, vector<16xf32>,
              %mul3A_1130 = arith.constant 36 : i32
              %mul3A_1131 = arith.muli %sub3A_885, %mul3A_1130 : i32
              %add3A_1132 = arith.constant 1296 : i32
              %add3A_1133 = arith.addi %add3A_1132, %mul3A_1131 : i32
              %add3A_1134 = arith.constant 17 : i32
              %add3A_1135 = arith.addi %add3A_1133, %add3A_1134 : i32
              %swap3A_1136 = arith.index_cast %add3A_1135 : i32 to index
              %swap3A_1137 = tpu.vector_load %arg8[%swap3A_1136] {strides = array<i32>} : memref<2592xf32, #tpu.memory_space<vmem>>, vector<16xf32>,
              %swap3A_1138 = vector.shape_cast %swap3A_1137 : vector<16xf32> to vector<16xf32>
              %swap3A_1139 = vector.shape_cast %min3A_1119 : vector<16xf32> to vector<16xf32>
              tpu.vector_store %arg8[%swap3A_1136], %swap3A_1139 {strides = array<i32>} : memref<2592xf32, #tpu.memory_space<vmem>>, vector<16xf32>,
              %sub3A_1140 = arith.subf %get3A_813, %min3A_1117 : vector<16xf32>
              %sub3A_1141 = arith.subf %get3A_834, %min3A_1119 : vector<16xf32>
              %max3A_1142 = arith.maximumf %sub3A_1140, %sub3A_1141 : vector<16xf32>
              %max3A_1143 = arith.maximumf %max3A_1021, %max3A_1142 : vector<16xf32>
              %scan3A_1144 = arith.constant 3 : i32
              %scan3A_1145 = arith.addi %scan3A_343, %scan3A_1144 : i32
              %sub3A_1146 = arith.constant 32 : i32
              %sub3A_1147 = arith.subi %sub3A_1146, %scan3A_1145 : i32
              %add3A_1148 = arith.constant -1 : i32
              %add3A_1149 = arith.addi %sub3A_1147, %add3A_1148 : i32
              %sub3A_1150 = arith.constant 1 : i32
              %sub3A_1151 = arith.subi %sub3A_1147, %sub3A_1150 : i32
              %get3A_1152 = arith.index_cast %sub3A_1151 : i32 to index
              %get3A_1153 = arith.constant 0 : index
              %get3A_1154 = tpu.vector_load %arg6[%get3A_1152, %get3A_1153] {strides = array<i32>} : memref<32x32xf32, #tpu.memory_space<vmem>>, vector<1x16xf32>,
              %get3A_1155 = vector.shape_cast %get3A_1154 : vector<1x16xf32> to vector<16xf32>
              %sub3A_1156 = arith.constant 1 : i32
              %sub3A_1157 = arith.subi %sub3A_1147, %sub3A_1156 : i32
              %get3A_1158 = arith.index_cast %sub3A_1157 : i32 to index
              %get3A_1159 = arith.constant 16 : index
              %get3A_1160 = tpu.vector_load %arg6[%get3A_1158, %get3A_1159] {strides = array<i32>} : memref<32x32xf32, #tpu.memory_space<vmem>>, vector<1x16xf32>,
              %get3A_1161 = vector.shape_cast %get3A_1160 : vector<1x16xf32> to vector<16xf32>
              %eq3A_1162 = arith.constant 0 : i32
              %eq3A_1163 = vector.broadcast %eq3A_1162 : i32 to vector<16xi32>
              %eq3A_1164 = arith.cmpi eq, %iota3A, %eq3A_1163 : vector<16xi32>
              %broadcast_in_dim3A_1165 = vector.shape_cast %and3A_94 : vector<16xi32> to vector<16x1xi32>
              %gather3A_1166 = vector.shape_cast %broadcast_in_dim3A_1165 : vector<16x1xi32> to vector<16xi32>
              %gather3A_1167 = tpu.dynamic_gather %min3A_995[%gather3A_1166] in [0] : vector<16xf32>, vector<16xi32> -> vector<16xf32>
              %select_n3A_1168 = arith.select %eq3A_1164, %broadcast_in_dim3A_14, %gather3A_1167 : vector<16xi1>, vector<16xf32>
              %broadcast_in_dim3A_1169 = arith.constant 0 : i32
              %broadcast_in_dim3A_1170 = vector.broadcast %broadcast_in_dim3A_1169 : i32 to vector<16xi32>
              %broadcast_in_dim3A_1171 = vector.shape_cast %broadcast_in_dim3A_1170 : vector<16xi32> to vector<16x1xi32>
              %gather3A_1172 = vector.shape_cast %broadcast_in_dim3A_1171 : vector<16x1xi32> to vector<16xi32>
              %gather3A_1173 = tpu.dynamic_gather %min3A_997[%gather3A_1172] in [0] : vector<16xf32>, vector<16xi32> -> vector<16xf32>
              %eq3A_1174 = arith.constant 15 : i32
              %eq3A_1175 = vector.broadcast %eq3A_1174 : i32 to vector<16xi32>
              %eq3A_1176 = arith.cmpi eq, %iota3A, %eq3A_1175 : vector<16xi32>
              %broadcast_in_dim3A_1177 = vector.shape_cast %and3A_100 : vector<16xi32> to vector<16x1xi32>
              %gather3A_1178 = vector.shape_cast %broadcast_in_dim3A_1177 : vector<16x1xi32> to vector<16xi32>
              %gather3A_1179 = tpu.dynamic_gather %min3A_995[%gather3A_1178] in [0] : vector<16xf32>, vector<16xi32> -> vector<16xf32>
              %select_n3A_1180 = arith.select %eq3A_1176, %gather3A_1173, %gather3A_1179 : vector<16xi1>, vector<16xf32>
              %broadcast_in_dim3A_1181 = arith.constant 15 : i32
              %broadcast_in_dim3A_1182 = vector.broadcast %broadcast_in_dim3A_1181 : i32 to vector<16xi32>
              %broadcast_in_dim3A_1183 = vector.shape_cast %broadcast_in_dim3A_1182 : vector<16xi32> to vector<16x1xi32>
              %gather3A_1184 = vector.shape_cast %broadcast_in_dim3A_1183 : vector<16x1xi32> to vector<16xi32>
              %gather3A_1185 = tpu.dynamic_gather %min3A_995[%gather3A_1184] in [0] : vector<16xf32>, vector<16xi32> -> vector<16xf32>
              %eq3A_1186 = arith.constant 0 : i32
              %eq3A_1187 = vector.broadcast %eq3A_1186 : i32 to vector<16xi32>
              %eq3A_1188 = arith.cmpi eq, %iota3A, %eq3A_1187 : vector<16xi32>
              %broadcast_in_dim3A_1189 = vector.shape_cast %and3A_94 : vector<16xi32> to vector<16x1xi32>
              %gather3A_1190 = vector.shape_cast %broadcast_in_dim3A_1189 : vector<16x1xi32> to vector<16xi32>
              %gather3A_1191 = tpu.dynamic_gather %min3A_997[%gather3A_1190] in [0] : vector<16xf32>, vector<16xi32> -> vector<16xf32>
              %select_n3A_1192 = arith.select %eq3A_1188, %gather3A_1185, %gather3A_1191 : vector<16xi1>, vector<16xf32>
              %eq3A_1193 = arith.constant 15 : i32
              %eq3A_1194 = vector.broadcast %eq3A_1193 : i32 to vector<16xi32>
              %eq3A_1195 = arith.cmpi eq, %iota3A, %eq3A_1194 : vector<16xi32>
              %broadcast_in_dim3A_1196 = vector.shape_cast %and3A_100 : vector<16xi32> to vector<16x1xi32>
              %gather3A_1197 = vector.shape_cast %broadcast_in_dim3A_1196 : vector<16x1xi32> to vector<16xi32>
              %gather3A_1198 = tpu.dynamic_gather %min3A_997[%gather3A_1197] in [0] : vector<16xf32>, vector<16xi32> -> vector<16xf32>
              %select_n3A_1199 = arith.select %eq3A_1195, %broadcast_in_dim3A_14, %gather3A_1198 : vector<16xi1>, vector<16xf32>
              %mul3A_1200 = arith.constant 36 : i32
              %mul3A_1201 = arith.muli %add3A_1149, %mul3A_1200 : i32
              %add3A_1202 = arith.constant 0 : i32
              %add3A_1203 = arith.addi %add3A_1202, %mul3A_1201 : i32
              %add3A_1204 = arith.constant 1 : i32
              %add3A_1205 = arith.addi %add3A_1203, %add3A_1204 : i32
              %add3A_1206 = arith.constant 0 : i32
              %add3A_1207 = arith.addi %add3A_1205, %add3A_1206 : i32
              %sub3A_1208 = arith.constant 1 : i32
              %sub3A_1209 = arith.subi %add3A_1207, %sub3A_1208 : i32
              %get3A_1210 = arith.index_cast %sub3A_1209 : i32 to index
              %get3A_1211 = tpu.vector_load %arg8[%get3A_1210] {strides = array<i32>} : memref<2592xf32, #tpu.memory_space<vmem>>, vector<16xf32>,
              %get3A_1212 = vector.shape_cast %get3A_1211 : vector<16xf32> to vector<16xf32>
              %get3A_1213 = arith.index_cast %add3A_1207 : i32 to index
              %get3A_1214 = tpu.vector_load %arg8[%get3A_1213] {strides = array<i32>} : memref<2592xf32, #tpu.memory_space<vmem>>, vector<16xf32>,
              %get3A_1215 = vector.shape_cast %get3A_1214 : vector<16xf32> to vector<16xf32>
              %add3A_1216 = arith.constant 1 : i32
              %add3A_1217 = arith.addi %add3A_1207, %add3A_1216 : i32
              %get3A_1218 = arith.index_cast %add3A_1217 : i32 to index
              %get3A_1219 = tpu.vector_load %arg8[%get3A_1218] {strides = array<i32>} : memref<2592xf32, #tpu.memory_space<vmem>>, vector<16xf32>,
              %get3A_1220 = vector.shape_cast %get3A_1219 : vector<16xf32> to vector<16xf32>
              %mul3A_1221 = arith.constant 36 : i32
              %mul3A_1222 = arith.muli %add3A_1149, %mul3A_1221 : i32
              %add3A_1223 = arith.constant 0 : i32
              %add3A_1224 = arith.addi %add3A_1223, %mul3A_1222 : i32
              %add3A_1225 = arith.constant 1 : i32
              %add3A_1226 = arith.addi %add3A_1224, %add3A_1225 : i32
              %add3A_1227 = arith.constant 16 : i32
              %add3A_1228 = arith.addi %add3A_1226, %add3A_1227 : i32
              %sub3A_1229 = arith.constant 1 : i32
              %sub3A_1230 = arith.subi %add3A_1228, %sub3A_1229 : i32
              %get3A_1231 = arith.index_cast %sub3A_1230 : i32 to index
              %get3A_1232 = tpu.vector_load %arg8[%get3A_1231] {strides = array<i32>} : memref<2592xf32, #tpu.memory_space<vmem>>, vector<16xf32>,
              %get3A_1233 = vector.shape_cast %get3A_1232 : vector<16xf32> to vector<16xf32>
              %get3A_1234 = arith.index_cast %add3A_1228 : i32 to index
              %get3A_1235 = tpu.vector_load %arg8[%get3A_1234] {strides = array<i32>} : memref<2592xf32, #tpu.memory_space<vmem>>, vector<16xf32>,
              %get3A_1236 = vector.shape_cast %get3A_1235 : vector<16xf32> to vector<16xf32>
              %add3A_1237 = arith.constant 1 : i32
              %add3A_1238 = arith.addi %add3A_1228, %add3A_1237 : i32
              %get3A_1239 = arith.index_cast %add3A_1238 : i32 to index
              %get3A_1240 = tpu.vector_load %arg8[%get3A_1239] {strides = array<i32>} : memref<2592xf32, #tpu.memory_space<vmem>>, vector<16xf32>,
              %get3A_1241 = vector.shape_cast %get3A_1240 : vector<16xf32> to vector<16xf32>
              %min3A_1242 = arith.minimumf %select_n3A_1168, %min3A_995 : vector<16xf32>
              %min3A_1243 = arith.minimumf %select_n3A_1180, %get3A_950 : vector<16xf32>
              %min3A_1244 = arith.minimumf %min3A_1242, %min3A_1243 : vector<16xf32>
              %min3A_1245 = arith.minimumf %get3A_958, %get3A_1212 : vector<16xf32>
              %min3A_1246 = arith.minimumf %get3A_1215, %get3A_1220 : vector<16xf32>
              %min3A_1247 = arith.minimumf %min3A_1245, %min3A_1246 : vector<16xf32>
              %min3A_1248 = arith.minimumf %min3A_1244, %min3A_1247 : vector<16xf32>
              %min3A_1249 = arith.minimumf %select_n3A_1192, %min3A_997 : vector<16xf32>
              %min3A_1250 = arith.minimumf %select_n3A_1199, %get3A_971 : vector<16xf32>
              %min3A_1251 = arith.minimumf %min3A_1249, %min3A_1250 : vector<16xf32>
              %min3A_1252 = arith.minimumf %get3A_979, %get3A_1233 : vector<16xf32>
              %min3A_1253 = arith.minimumf %get3A_1236, %get3A_1241 : vector<16xf32>
              %min3A_1254 = arith.minimumf %min3A_1252, %min3A_1253 : vector<16xf32>
              %min3A_1255 = arith.minimumf %min3A_1251, %min3A_1254 : vector<16xf32>
              %add3A_1256 = arith.addf %min3A_1248, %get3A_1155 : vector<16xf32>
              %min3A_1257 = arith.minimumf %get3A_953, %add3A_1256 : vector<16xf32>
              %add3A_1258 = arith.addf %min3A_1255, %get3A_1161 : vector<16xf32>
              %min3A_1259 = arith.minimumf %get3A_974, %add3A_1258 : vector<16xf32>
              %mul3A_1260 = arith.constant 36 : i32
              %mul3A_1261 = arith.muli %sub3A_1147, %mul3A_1260 : i32
              %add3A_1262 = arith.constant 0 : i32
              %add3A_1263 = arith.addi %add3A_1262, %mul3A_1261 : i32
              %add3A_1264 = arith.constant 1 : i32
              %add3A_1265 = arith.addi %add3A_1263, %add3A_1264 : i32
              %swap3A_1266 = arith.index_cast %add3A_1265 : i32 to index
              %swap3A_1267 = tpu.vector_load %arg8[%swap3A_1266] {strides = array<i32>} : memref<2592xf32, #tpu.memory_space<vmem>>, vector<16xf32>,
              %swap3A_1268 = vector.shape_cast %swap3A_1267 : vector<16xf32> to vector<16xf32>
              %swap3A_1269 = vector.shape_cast %min3A_1257 : vector<16xf32> to vector<16xf32>
              tpu.vector_store %arg8[%swap3A_1266], %swap3A_1269 {strides = array<i32>} : memref<2592xf32, #tpu.memory_space<vmem>>, vector<16xf32>,
              %mul3A_1270 = arith.constant 36 : i32
              %mul3A_1271 = arith.muli %sub3A_1147, %mul3A_1270 : i32
              %add3A_1272 = arith.constant 0 : i32
              %add3A_1273 = arith.addi %add3A_1272, %mul3A_1271 : i32
              %add3A_1274 = arith.constant 17 : i32
              %add3A_1275 = arith.addi %add3A_1273, %add3A_1274 : i32
              %swap3A_1276 = arith.index_cast %add3A_1275 : i32 to index
              %swap3A_1277 = tpu.vector_load %arg8[%swap3A_1276] {strides = array<i32>} : memref<2592xf32, #tpu.memory_space<vmem>>, vector<16xf32>,
              %swap3A_1278 = vector.shape_cast %swap3A_1277 : vector<16xf32> to vector<16xf32>
              %swap3A_1279 = vector.shape_cast %min3A_1259 : vector<16xf32> to vector<16xf32>
              tpu.vector_store %arg8[%swap3A_1276], %swap3A_1279 {strides = array<i32>} : memref<2592xf32, #tpu.memory_space<vmem>>, vector<16xf32>,
              %sub3A_1280 = arith.subf %get3A_953, %min3A_1257 : vector<16xf32>
              %sub3A_1281 = arith.subf %get3A_974, %min3A_1259 : vector<16xf32>
              %max3A_1282 = arith.maximumf %sub3A_1280, %sub3A_1281 : vector<16xf32>
              %max3A_1283 = arith.maximumf %max3A_1143, %max3A_1282 : vector<16xf32>
              %eq3A_1284 = arith.constant 0 : i32
              %eq3A_1285 = vector.broadcast %eq3A_1284 : i32 to vector<16xi32>
              %eq3A_1286 = arith.cmpi eq, %iota3A, %eq3A_1285 : vector<16xi32>
              %broadcast_in_dim3A_1287 = vector.shape_cast %and3A_94 : vector<16xi32> to vector<16x1xi32>
              %gather3A_1288 = vector.shape_cast %broadcast_in_dim3A_1287 : vector<16x1xi32> to vector<16xi32>
              %gather3A_1289 = tpu.dynamic_gather %min3A_1117[%gather3A_1288] in [0] : vector<16xf32>, vector<16xi32> -> vector<16xf32>
              %select_n3A_1290 = arith.select %eq3A_1286, %broadcast_in_dim3A_14, %gather3A_1289 : vector<16xi1>, vector<16xf32>
              %broadcast_in_dim3A_1291 = arith.constant 0 : i32
              %broadcast_in_dim3A_1292 = vector.broadcast %broadcast_in_dim3A_1291 : i32 to vector<16xi32>
              %broadcast_in_dim3A_1293 = vector.shape_cast %broadcast_in_dim3A_1292 : vector<16xi32> to vector<16x1xi32>
              %gather3A_1294 = vector.shape_cast %broadcast_in_dim3A_1293 : vector<16x1xi32> to vector<16xi32>
              %gather3A_1295 = tpu.dynamic_gather %min3A_1119[%gather3A_1294] in [0] : vector<16xf32>, vector<16xi32> -> vector<16xf32>
              %eq3A_1296 = arith.constant 15 : i32
              %eq3A_1297 = vector.broadcast %eq3A_1296 : i32 to vector<16xi32>
              %eq3A_1298 = arith.cmpi eq, %iota3A, %eq3A_1297 : vector<16xi32>
              %broadcast_in_dim3A_1299 = vector.shape_cast %and3A_100 : vector<16xi32> to vector<16x1xi32>
              %gather3A_1300 = vector.shape_cast %broadcast_in_dim3A_1299 : vector<16x1xi32> to vector<16xi32>
              %gather3A_1301 = tpu.dynamic_gather %min3A_1117[%gather3A_1300] in [0] : vector<16xf32>, vector<16xi32> -> vector<16xf32>
              %select_n3A_1302 = arith.select %eq3A_1298, %gather3A_1295, %gather3A_1301 : vector<16xi1>, vector<16xf32>
              %broadcast_in_dim3A_1303 = arith.constant 15 : i32
              %broadcast_in_dim3A_1304 = vector.broadcast %broadcast_in_dim3A_1303 : i32 to vector<16xi32>
              %broadcast_in_dim3A_1305 = vector.shape_cast %broadcast_in_dim3A_1304 : vector<16xi32> to vector<16x1xi32>
              %gather3A_1306 = vector.shape_cast %broadcast_in_dim3A_1305 : vector<16x1xi32> to vector<16xi32>
              %gather3A_1307 = tpu.dynamic_gather %min3A_1117[%gather3A_1306] in [0] : vector<16xf32>, vector<16xi32> -> vector<16xf32>
              %eq3A_1308 = arith.constant 0 : i32
              %eq3A_1309 = vector.broadcast %eq3A_1308 : i32 to vector<16xi32>
              %eq3A_1310 = arith.cmpi eq, %iota3A, %eq3A_1309 : vector<16xi32>
              %broadcast_in_dim3A_1311 = vector.shape_cast %and3A_94 : vector<16xi32> to vector<16x1xi32>
              %gather3A_1312 = vector.shape_cast %broadcast_in_dim3A_1311 : vector<16x1xi32> to vector<16xi32>
              %gather3A_1313 = tpu.dynamic_gather %min3A_1119[%gather3A_1312] in [0] : vector<16xf32>, vector<16xi32> -> vector<16xf32>
              %select_n3A_1314 = arith.select %eq3A_1310, %gather3A_1307, %gather3A_1313 : vector<16xi1>, vector<16xf32>
              %eq3A_1315 = arith.constant 15 : i32
              %eq3A_1316 = vector.broadcast %eq3A_1315 : i32 to vector<16xi32>
              %eq3A_1317 = arith.cmpi eq, %iota3A, %eq3A_1316 : vector<16xi32>
              %broadcast_in_dim3A_1318 = vector.shape_cast %and3A_100 : vector<16xi32> to vector<16x1xi32>
              %gather3A_1319 = vector.shape_cast %broadcast_in_dim3A_1318 : vector<16x1xi32> to vector<16xi32>
              %gather3A_1320 = tpu.dynamic_gather %min3A_1119[%gather3A_1319] in [0] : vector<16xf32>, vector<16xi32> -> vector<16xf32>
              %select_n3A_1321 = arith.select %eq3A_1317, %broadcast_in_dim3A_14, %gather3A_1320 : vector<16xi1>, vector<16xf32>
              %mul3A_1322 = arith.constant 36 : i32
              %mul3A_1323 = arith.muli %add3A_1149, %mul3A_1322 : i32
              %add3A_1324 = arith.constant 1296 : i32
              %add3A_1325 = arith.addi %add3A_1324, %mul3A_1323 : i32
              %add3A_1326 = arith.constant 1 : i32
              %add3A_1327 = arith.addi %add3A_1325, %add3A_1326 : i32
              %add3A_1328 = arith.constant 0 : i32
              %add3A_1329 = arith.addi %add3A_1327, %add3A_1328 : i32
              %sub3A_1330 = arith.constant 1 : i32
              %sub3A_1331 = arith.subi %add3A_1329, %sub3A_1330 : i32
              %get3A_1332 = arith.index_cast %sub3A_1331 : i32 to index
              %get3A_1333 = tpu.vector_load %arg8[%get3A_1332] {strides = array<i32>} : memref<2592xf32, #tpu.memory_space<vmem>>, vector<16xf32>,
              %get3A_1334 = vector.shape_cast %get3A_1333 : vector<16xf32> to vector<16xf32>
              %get3A_1335 = arith.index_cast %add3A_1329 : i32 to index
              %get3A_1336 = tpu.vector_load %arg8[%get3A_1335] {strides = array<i32>} : memref<2592xf32, #tpu.memory_space<vmem>>, vector<16xf32>,
              %get3A_1337 = vector.shape_cast %get3A_1336 : vector<16xf32> to vector<16xf32>
              %add3A_1338 = arith.constant 1 : i32
              %add3A_1339 = arith.addi %add3A_1329, %add3A_1338 : i32
              %get3A_1340 = arith.index_cast %add3A_1339 : i32 to index
              %get3A_1341 = tpu.vector_load %arg8[%get3A_1340] {strides = array<i32>} : memref<2592xf32, #tpu.memory_space<vmem>>, vector<16xf32>,
              %get3A_1342 = vector.shape_cast %get3A_1341 : vector<16xf32> to vector<16xf32>
              %mul3A_1343 = arith.constant 36 : i32
              %mul3A_1344 = arith.muli %add3A_1149, %mul3A_1343 : i32
              %add3A_1345 = arith.constant 1296 : i32
              %add3A_1346 = arith.addi %add3A_1345, %mul3A_1344 : i32
              %add3A_1347 = arith.constant 1 : i32
              %add3A_1348 = arith.addi %add3A_1346, %add3A_1347 : i32
              %add3A_1349 = arith.constant 16 : i32
              %add3A_1350 = arith.addi %add3A_1348, %add3A_1349 : i32
              %sub3A_1351 = arith.constant 1 : i32
              %sub3A_1352 = arith.subi %add3A_1350, %sub3A_1351 : i32
              %get3A_1353 = arith.index_cast %sub3A_1352 : i32 to index
              %get3A_1354 = tpu.vector_load %arg8[%get3A_1353] {strides = array<i32>} : memref<2592xf32, #tpu.memory_space<vmem>>, vector<16xf32>,
              %get3A_1355 = vector.shape_cast %get3A_1354 : vector<16xf32> to vector<16xf32>
              %get3A_1356 = arith.index_cast %add3A_1350 : i32 to index
              %get3A_1357 = tpu.vector_load %arg8[%get3A_1356] {strides = array<i32>} : memref<2592xf32, #tpu.memory_space<vmem>>, vector<16xf32>,
              %get3A_1358 = vector.shape_cast %get3A_1357 : vector<16xf32> to vector<16xf32>
              %add3A_1359 = arith.constant 1 : i32
              %add3A_1360 = arith.addi %add3A_1350, %add3A_1359 : i32
              %get3A_1361 = arith.index_cast %add3A_1360 : i32 to index
              %get3A_1362 = tpu.vector_load %arg8[%get3A_1361] {strides = array<i32>} : memref<2592xf32, #tpu.memory_space<vmem>>, vector<16xf32>,
              %get3A_1363 = vector.shape_cast %get3A_1362 : vector<16xf32> to vector<16xf32>
              %min3A_1364 = arith.minimumf %select_n3A_1290, %min3A_1117 : vector<16xf32>
              %min3A_1365 = arith.minimumf %select_n3A_1302, %get3A_1072 : vector<16xf32>
              %min3A_1366 = arith.minimumf %min3A_1364, %min3A_1365 : vector<16xf32>
              %min3A_1367 = arith.minimumf %get3A_1080, %get3A_1334 : vector<16xf32>
              %min3A_1368 = arith.minimumf %get3A_1337, %get3A_1342 : vector<16xf32>
              %min3A_1369 = arith.minimumf %min3A_1367, %min3A_1368 : vector<16xf32>
              %min3A_1370 = arith.minimumf %min3A_1366, %min3A_1369 : vector<16xf32>
              %min3A_1371 = arith.minimumf %select_n3A_1314, %min3A_1119 : vector<16xf32>
              %min3A_1372 = arith.minimumf %select_n3A_1321, %get3A_1093 : vector<16xf32>
              %min3A_1373 = arith.minimumf %min3A_1371, %min3A_1372 : vector<16xf32>
              %min3A_1374 = arith.minimumf %get3A_1101, %get3A_1355 : vector<16xf32>
              %min3A_1375 = arith.minimumf %get3A_1358, %get3A_1363 : vector<16xf32>
              %min3A_1376 = arith.minimumf %min3A_1374, %min3A_1375 : vector<16xf32>
              %min3A_1377 = arith.minimumf %min3A_1373, %min3A_1376 : vector<16xf32>
              %add3A_1378 = arith.addf %min3A_1370, %get3A_1155 : vector<16xf32>
              %min3A_1379 = arith.minimumf %get3A_1075, %add3A_1378 : vector<16xf32>
              %add3A_1380 = arith.addf %min3A_1377, %get3A_1161 : vector<16xf32>
              %min3A_1381 = arith.minimumf %get3A_1096, %add3A_1380 : vector<16xf32>
              %mul3A_1382 = arith.constant 36 : i32
              %mul3A_1383 = arith.muli %sub3A_1147, %mul3A_1382 : i32
              %add3A_1384 = arith.constant 1296 : i32
              %add3A_1385 = arith.addi %add3A_1384, %mul3A_1383 : i32
              %add3A_1386 = arith.constant 1 : i32
              %add3A_1387 = arith.addi %add3A_1385, %add3A_1386 : i32
              %swap3A_1388 = arith.index_cast %add3A_1387 : i32 to index
              %swap3A_1389 = tpu.vector_load %arg8[%swap3A_1388] {strides = array<i32>} : memref<2592xf32, #tpu.memory_space<vmem>>, vector<16xf32>,
              %swap3A_1390 = vector.shape_cast %swap3A_1389 : vector<16xf32> to vector<16xf32>
              %swap3A_1391 = vector.shape_cast %min3A_1379 : vector<16xf32> to vector<16xf32>
              tpu.vector_store %arg8[%swap3A_1388], %swap3A_1391 {strides = array<i32>} : memref<2592xf32, #tpu.memory_space<vmem>>, vector<16xf32>,
              %mul3A_1392 = arith.constant 36 : i32
              %mul3A_1393 = arith.muli %sub3A_1147, %mul3A_1392 : i32
              %add3A_1394 = arith.constant 1296 : i32
              %add3A_1395 = arith.addi %add3A_1394, %mul3A_1393 : i32
              %add3A_1396 = arith.constant 17 : i32
              %add3A_1397 = arith.addi %add3A_1395, %add3A_1396 : i32
              %swap3A_1398 = arith.index_cast %add3A_1397 : i32 to index
              %swap3A_1399 = tpu.vector_load %arg8[%swap3A_1398] {strides = array<i32>} : memref<2592xf32, #tpu.memory_space<vmem>>, vector<16xf32>,
              %swap3A_1400 = vector.shape_cast %swap3A_1399 : vector<16xf32> to vector<16xf32>
              %swap3A_1401 = vector.shape_cast %min3A_1381 : vector<16xf32> to vector<16xf32>
              tpu.vector_store %arg8[%swap3A_1398], %swap3A_1401 {strides = array<i32>} : memref<2592xf32, #tpu.memory_space<vmem>>, vector<16xf32>,
              %sub3A_1402 = arith.subf %get3A_1075, %min3A_1379 : vector<16xf32>
              %sub3A_1403 = arith.subf %get3A_1096, %min3A_1381 : vector<16xf32>
              %max3A_1404 = arith.maximumf %sub3A_1402, %sub3A_1403 : vector<16xf32>
              %max3A_1405 = arith.maximumf %max3A_1283, %max3A_1404 : vector<16xf32>
              scf.yield %max3A_1405, %get3A_1212, %get3A_1215, %get3A_1220, %get3A_1233, %get3A_1236, %get3A_1241, %min3A_1257, %min3A_1259, %get3A_1334, %get3A_1337, %get3A_1342, %get3A_1355, %get3A_1358, %get3A_1363, %min3A_1379, %min3A_1381 : vector<16xf32>, vector<16xf32>, vector<16xf32>, vector<16xf32>, vector<16xf32>, vector<16xf32>, vector<16xf32>, vector<16xf32>, vector<16xf32>, vector<16xf32>, vector<16xf32>, vector<16xf32>, vector<16xf32>, vector<16xf32>, vector<16xf32>, vector<16xf32>, vector<16xf32>
            }
            %scan3A_310 = arith.constant 32 : i32
            %xor3A_311 = arith.constant 1 : i32
            %xor3A_312 = vector.broadcast %xor3A_311 : i32 to vector<16xi32>
            %xor3A_313 = arith.xori %iota3A, %xor3A_312 : vector<16xi32>
            %broadcast_in_dim3A_314 = vector.shape_cast %xor3A_313 : vector<16xi32> to vector<16x1xi32>
            %gather3A_315 = vector.shape_cast %broadcast_in_dim3A_314 : vector<16x1xi32> to vector<16xi32>
            %gather3A_316 = tpu.dynamic_gather %scan3A_309#0[%gather3A_315] in [0] : vector<16xf32>, vector<16xi32> -> vector<16xf32>
            %max3A_317 = arith.maximumf %scan3A_309#0, %gather3A_316 : vector<16xf32>
            %xor3A_318 = arith.constant 2 : i32
            %xor3A_319 = vector.broadcast %xor3A_318 : i32 to vector<16xi32>
            %xor3A_320 = arith.xori %iota3A, %xor3A_319 : vector<16xi32>
            %broadcast_in_dim3A_321 = vector.shape_cast %xor3A_320 : vector<16xi32> to vector<16x1xi32>
            %gather3A_322 = vector.shape_cast %broadcast_in_dim3A_321 : vector<16x1xi32> to vector<16xi32>
            %gather3A_323 = tpu.dynamic_gather %max3A_317[%gather3A_322] in [0] : vector<16xf32>, vector<16xi32> -> vector<16xf32>
            %max3A_324 = arith.maximumf %max3A_317, %gather3A_323 : vector<16xf32>
            %xor3A_325 = arith.constant 4 : i32
            %xor3A_326 = vector.broadcast %xor3A_325 : i32 to vector<16xi32>
            %xor3A_327 = arith.xori %iota3A, %xor3A_326 : vector<16xi32>
            %broadcast_in_dim3A_328 = vector.shape_cast %xor3A_327 : vector<16xi32> to vector<16x1xi32>
            %gather3A_329 = vector.shape_cast %broadcast_in_dim3A_328 : vector<16x1xi32> to vector<16xi32>
            %gather3A_330 = tpu.dynamic_gather %max3A_324[%gather3A_329] in [0] : vector<16xf32>, vector<16xi32> -> vector<16xf32>
            %max3A_331 = arith.maximumf %max3A_324, %gather3A_330 : vector<16xf32>
            %xor3A_332 = arith.constant 8 : i32
            %xor3A_333 = vector.broadcast %xor3A_332 : i32 to vector<16xi32>
            %xor3A_334 = arith.xori %iota3A, %xor3A_333 : vector<16xi32>
            %broadcast_in_dim3A_335 = vector.shape_cast %xor3A_334 : vector<16xi32> to vector<16x1xi32>
            %gather3A_336 = vector.shape_cast %broadcast_in_dim3A_335 : vector<16x1xi32> to vector<16xi32>
            %gather3A_337 = tpu.dynamic_gather %max3A_331[%gather3A_336] in [0] : vector<16xf32>, vector<16xi32> -> vector<16xf32>
            %max3A_338 = arith.maximumf %max3A_331, %gather3A_337 : vector<16xf32>
            %swap3A_339 = arith.constant 0 : index
            %swap3A_340 = tpu.vector_load %arg11[%swap3A_339] {strides = array<i32>} : memref<16xf32, #tpu.memory_space<vmem>>, vector<16xf32>,
            %swap3A_341 = vector.shape_cast %swap3A_340 : vector<16xf32> to vector<16xf32>
            %swap3A_342 = vector.shape_cast %max3A_338 : vector<16xf32> to vector<16xf32>
            tpu.vector_store %arg11[%swap3A_339], %swap3A_342 {strides = array<i32>} : memref<16xf32, #tpu.memory_space<vmem>>, vector<16xf32>,
          } else {
          }
        }
        %scan3A_185 = arith.constant 8 : i32
      } else {
      }
    }
    %scan3A_112 = arith.constant 16 : i32
    %add3A_113 = arith.constant 0 : i32
    %add3A_114 = arith.addi %add3A_113, %squeeze3A_44 : i32
    %and3A_115 = arith.constant -16 : i32
    %and3A_116 = arith.andi %add3A_114, %and3A_115 : i32
    %get3A_117 = arith.index_cast %and3A_116 : i32 to index
    %get3A_118 = tpu.vector_load %arg8[%get3A_117] {strides = array<i32>} : memref<2592xf32, #tpu.memory_space<vmem>>, vector<16xf32>,
    %get3A_119 = vector.shape_cast %get3A_118 : vector<16xf32> to vector<16xf32>
    %and3A_120 = arith.constant 15 : i32
    %and3A_121 = arith.andi %add3A_114, %and3A_120 : i32
    %broadcast_in_dim3A_122 = vector.broadcast %and3A_121 : i32 to vector<16xi32>
    %broadcast_in_dim3A_123 = vector.shape_cast %broadcast_in_dim3A_122 : vector<16xi32> to vector<16x1xi32>
    %gather3A_124 = vector.shape_cast %broadcast_in_dim3A_123 : vector<16x1xi32> to vector<16xi32>
    %gather3A_125 = tpu.dynamic_gather %get3A_119[%gather3A_124] in [0] : vector<16xf32>, vector<16xi32> -> vector<16xf32>
    %add3A_126 = arith.constant 9.99999974E-5 : f32
    %add3A_127 = vector.broadcast %add3A_126 : f32 to vector<16xf32>
    %add3A_128 = arith.addf %gather3A_125, %add3A_127 : vector<16xf32>
    %broadcast_in_dim3A_129 = arith.constant 1.000000e+00 : f32
    %broadcast_in_dim3A_130 = vector.broadcast %broadcast_in_dim3A_129 : f32 to vector<16xf32>
    %broadcast_in_dim3A_131 = arith.constant 0.000000e+00 : f32
    %broadcast_in_dim3A_132 = vector.broadcast %broadcast_in_dim3A_131 : f32 to vector<16xf32>
    %scan3A_133 = arith.constant 0 : i32
    %scan3A_134 = arith.constant 5.000000e+08 : f32
    %scan3A_135 = arith.constant 1 : i32
    %scan3A_136 = arith.constant 32 : i32
    %scan3A_137 = arith.addi %scan3A_135, %scan3A_136 : i32
    %scan3A_138 = arith.constant 8 : i32
    scf.for %scan3A_172 = %scan3A_135 to %scan3A_137 step %scan3A_138  : i32 {
      %mul3A_173 = arith.constant 36 : i32
      %mul3A_174 = arith.muli %scan3A_172, %mul3A_173 : i32
      %add3A_175 = arith.constant 1 : i32
      %add3A_176 = arith.addi %mul3A_174, %add3A_175 : i32
      %add3A_177 = arith.constant 0 : i32
      %add3A_178 = arith.addi %add3A_177, %add3A_176 : i32
      %add3A_179 = arith.constant 0 : i32
      %add3A_180 = arith.addi %add3A_178, %add3A_179 : i32
      %get3A_181 = arith.index_cast %add3A_180 : i32 to index
      %get3A_182 = tpu.vector_load %arg8[%get3A_181] {strides = array<i32>} : memref<2592xf32, #tpu.memory_space<vmem>>, vector<16xf32>,
      %get3A_183 = vector.shape_cast %get3A_182 : vector<16xf32> to vector<16xf32>
      %add3A_184 = arith.constant 1296 : i32
      %add3A_185 = arith.addi %add3A_184, %add3A_176 : i32
      %add3A_186 = arith.constant 0 : i32
      %add3A_187 = arith.addi %add3A_185, %add3A_186 : i32
      %get3A_188 = arith.index_cast %add3A_187 : i32 to index
      %get3A_189 = tpu.vector_load %arg8[%get3A_188] {strides = array<i32>} : memref<2592xf32, #tpu.memory_space<vmem>>, vector<16xf32>,
      %get3A_190 = vector.shape_cast %get3A_189 : vector<16xf32> to vector<16xf32>
      %sub3A_191 = arith.constant 1 : i32
      %sub3A_192 = arith.subi %scan3A_172, %sub3A_191 : i32
      %get3A_193 = arith.index_cast %sub3A_192 : i32 to index
      %get3A_194 = arith.constant 0 : index
      %get3A_195 = tpu.vector_load %arg6[%get3A_193, %get3A_194] {strides = array<i32>} : memref<32x32xf32, #tpu.memory_space<vmem>>, vector<1x16xf32>,
      %get3A_196 = vector.shape_cast %get3A_195 : vector<1x16xf32> to vector<16xf32>
      %add3A_197 = arith.addf %get3A_183, %get3A_190 : vector<16xf32>
      %sub3A_198 = arith.subf %add3A_197, %get3A_196 : vector<16xf32>
      %le3A = arith.cmpf ole, %sub3A_198, %add3A_128 : vector<16xf32>
      %lt3A = vector.broadcast %scan3A_134 : f32 to vector<16xf32>
      %lt3A_199 = arith.cmpf olt, %get3A_183, %lt3A : vector<16xf32>
      %and3A_200 = arith.andi %le3A, %lt3A_199 : vector<16xi1>
      %lt3A_201 = vector.broadcast %scan3A_134 : f32 to vector<16xf32>
      %lt3A_202 = arith.cmpf olt, %get3A_190, %lt3A_201 : vector<16xf32>
      %and3A_203 = arith.andi %and3A_200, %lt3A_202 : vector<16xi1>
      %select_n3A_204 = arith.select %and3A_203, %broadcast_in_dim3A_130, %broadcast_in_dim3A_132 : vector<16xi1>, vector<16xf32>
      %sub3A_205 = arith.constant 1 : i32
      %sub3A_206 = arith.subi %scan3A_172, %sub3A_205 : i32
      %swap3A_207 = arith.index_cast %sub3A_206 : i32 to index
      %swap3A_208 = arith.constant 0 : index
      %swap3A_209 = tpu.vector_load %arg9[%swap3A_207, %swap3A_208] {strides = array<i32>} : memref<32x32xf32, #tpu.memory_space<vmem>>, vector<1x16xf32>,
      %swap3A_210 = vector.shape_cast %swap3A_209 : vector<1x16xf32> to vector<16xf32>
      %swap3A_211 = vector.shape_cast %select_n3A_204 : vector<16xf32> to vector<1x16xf32>
      tpu.vector_store %arg9[%swap3A_207, %swap3A_208], %swap3A_211 {strides = array<i32>} : memref<32x32xf32, #tpu.memory_space<vmem>>, vector<1x16xf32>,
      %lt3A_212 = vector.broadcast %scan3A_134 : f32 to vector<16xf32>
      %lt3A_213 = arith.cmpf olt, %get3A_183, %lt3A_212 : vector<16xf32>
      %select_n3A_214 = arith.select %lt3A_213, %broadcast_in_dim3A_130, %broadcast_in_dim3A_132 : vector<16xi1>, vector<16xf32>
      %sub3A_215 = arith.constant 1 : i32
      %sub3A_216 = arith.subi %scan3A_172, %sub3A_215 : i32
      %swap3A_217 = arith.index_cast %sub3A_216 : i32 to index
      %swap3A_218 = arith.constant 0 : index
      %swap3A_219 = tpu.vector_load %arg10[%swap3A_217, %swap3A_218] {strides = array<i32>} : memref<32x32xf32, #tpu.memory_space<vmem>>, vector<1x16xf32>,
      %swap3A_220 = vector.shape_cast %swap3A_219 : vector<1x16xf32> to vector<16xf32>
      %swap3A_221 = vector.shape_cast %select_n3A_214 : vector<16xf32> to vector<1x16xf32>
      tpu.vector_store %arg10[%swap3A_217, %swap3A_218], %swap3A_221 {strides = array<i32>} : memref<32x32xf32, #tpu.memory_space<vmem>>, vector<1x16xf32>,
      %add3A_222 = arith.constant 0 : i32
      %add3A_223 = arith.addi %add3A_222, %add3A_176 : i32
      %add3A_224 = arith.constant 16 : i32
      %add3A_225 = arith.addi %add3A_223, %add3A_224 : i32
      %get3A_226 = arith.index_cast %add3A_225 : i32 to index
      %get3A_227 = tpu.vector_load %arg8[%get3A_226] {strides = array<i32>} : memref<2592xf32, #tpu.memory_space<vmem>>, vector<16xf32>,
      %get3A_228 = vector.shape_cast %get3A_227 : vector<16xf32> to vector<16xf32>
      %add3A_229 = arith.constant 1296 : i32
      %add3A_230 = arith.addi %add3A_229, %add3A_176 : i32
      %add3A_231 = arith.constant 16 : i32
      %add3A_232 = arith.addi %add3A_230, %add3A_231 : i32
      %get3A_233 = arith.index_cast %add3A_232 : i32 to index
      %get3A_234 = tpu.vector_load %arg8[%get3A_233] {strides = array<i32>} : memref<2592xf32, #tpu.memory_space<vmem>>, vector<16xf32>,
      %get3A_235 = vector.shape_cast %get3A_234 : vector<16xf32> to vector<16xf32>
      %sub3A_236 = arith.constant 1 : i32
      %sub3A_237 = arith.subi %scan3A_172, %sub3A_236 : i32
      %get3A_238 = arith.index_cast %sub3A_237 : i32 to index
      %get3A_239 = arith.constant 16 : index
      %get3A_240 = tpu.vector_load %arg6[%get3A_238, %get3A_239] {strides = array<i32>} : memref<32x32xf32, #tpu.memory_space<vmem>>, vector<1x16xf32>,
      %get3A_241 = vector.shape_cast %get3A_240 : vector<1x16xf32> to vector<16xf32>
      %add3A_242 = arith.addf %get3A_228, %get3A_235 : vector<16xf32>
      %sub3A_243 = arith.subf %add3A_242, %get3A_241 : vector<16xf32>
      %le3A_244 = arith.cmpf ole, %sub3A_243, %add3A_128 : vector<16xf32>
      %lt3A_245 = vector.broadcast %scan3A_134 : f32 to vector<16xf32>
      %lt3A_246 = arith.cmpf olt, %get3A_228, %lt3A_245 : vector<16xf32>
      %and3A_247 = arith.andi %le3A_244, %lt3A_246 : vector<16xi1>
      %lt3A_248 = vector.broadcast %scan3A_134 : f32 to vector<16xf32>
      %lt3A_249 = arith.cmpf olt, %get3A_235, %lt3A_248 : vector<16xf32>
      %and3A_250 = arith.andi %and3A_247, %lt3A_249 : vector<16xi1>
      %select_n3A_251 = arith.select %and3A_250, %broadcast_in_dim3A_130, %broadcast_in_dim3A_132 : vector<16xi1>, vector<16xf32>
      %sub3A_252 = arith.constant 1 : i32
      %sub3A_253 = arith.subi %scan3A_172, %sub3A_252 : i32
      %swap3A_254 = arith.index_cast %sub3A_253 : i32 to index
      %swap3A_255 = arith.constant 16 : index
      %swap3A_256 = tpu.vector_load %arg9[%swap3A_254, %swap3A_255] {strides = array<i32>} : memref<32x32xf32, #tpu.memory_space<vmem>>, vector<1x16xf32>,
      %swap3A_257 = vector.shape_cast %swap3A_256 : vector<1x16xf32> to vector<16xf32>
      %swap3A_258 = vector.shape_cast %select_n3A_251 : vector<16xf32> to vector<1x16xf32>
      tpu.vector_store %arg9[%swap3A_254, %swap3A_255], %swap3A_258 {strides = array<i32>} : memref<32x32xf32, #tpu.memory_space<vmem>>, vector<1x16xf32>,
      %lt3A_259 = vector.broadcast %scan3A_134 : f32 to vector<16xf32>
      %lt3A_260 = arith.cmpf olt, %get3A_228, %lt3A_259 : vector<16xf32>
      %select_n3A_261 = arith.select %lt3A_260, %broadcast_in_dim3A_130, %broadcast_in_dim3A_132 : vector<16xi1>, vector<16xf32>
      %sub3A_262 = arith.constant 1 : i32
      %sub3A_263 = arith.subi %scan3A_172, %sub3A_262 : i32
      %swap3A_264 = arith.index_cast %sub3A_263 : i32 to index
      %swap3A_265 = arith.constant 16 : index
      %swap3A_266 = tpu.vector_load %arg10[%swap3A_264, %swap3A_265] {strides = array<i32>} : memref<32x32xf32, #tpu.memory_space<vmem>>, vector<1x16xf32>,
      %swap3A_267 = vector.shape_cast %swap3A_266 : vector<1x16xf32> to vector<16xf32>
      %swap3A_268 = vector.shape_cast %select_n3A_261 : vector<16xf32> to vector<1x16xf32>
      tpu.vector_store %arg10[%swap3A_264, %swap3A_265], %swap3A_268 {strides = array<i32>} : memref<32x32xf32, #tpu.memory_space<vmem>>, vector<1x16xf32>,
      %scan3A_269 = arith.constant 1 : i32
      %scan3A_270 = arith.addi %scan3A_172, %scan3A_269 : i32
      %mul3A_271 = arith.constant 36 : i32
      %mul3A_272 = arith.muli %scan3A_270, %mul3A_271 : i32
      %add3A_273 = arith.constant 1 : i32
      %add3A_274 = arith.addi %mul3A_272, %add3A_273 : i32
      %add3A_275 = arith.constant 0 : i32
      %add3A_276 = arith.addi %add3A_275, %add3A_274 : i32
      %add3A_277 = arith.constant 0 : i32
      %add3A_278 = arith.addi %add3A_276, %add3A_277 : i32
      %get3A_279 = arith.index_cast %add3A_278 : i32 to index
      %get3A_280 = tpu.vector_load %arg8[%get3A_279] {strides = array<i32>} : memref<2592xf32, #tpu.memory_space<vmem>>, vector<16xf32>,
      %get3A_281 = vector.shape_cast %get3A_280 : vector<16xf32> to vector<16xf32>
      %add3A_282 = arith.constant 1296 : i32
      %add3A_283 = arith.addi %add3A_282, %add3A_274 : i32
      %add3A_284 = arith.constant 0 : i32
      %add3A_285 = arith.addi %add3A_283, %add3A_284 : i32
      %get3A_286 = arith.index_cast %add3A_285 : i32 to index
      %get3A_287 = tpu.vector_load %arg8[%get3A_286] {strides = array<i32>} : memref<2592xf32, #tpu.memory_space<vmem>>, vector<16xf32>,
      %get3A_288 = vector.shape_cast %get3A_287 : vector<16xf32> to vector<16xf32>
      %sub3A_289 = arith.constant 1 : i32
      %sub3A_290 = arith.subi %scan3A_270, %sub3A_289 : i32
      %get3A_291 = arith.index_cast %sub3A_290 : i32 to index
      %get3A_292 = arith.constant 0 : index
      %get3A_293 = tpu.vector_load %arg6[%get3A_291, %get3A_292] {strides = array<i32>} : memref<32x32xf32, #tpu.memory_space<vmem>>, vector<1x16xf32>,
      %get3A_294 = vector.shape_cast %get3A_293 : vector<1x16xf32> to vector<16xf32>
      %add3A_295 = arith.addf %get3A_281, %get3A_288 : vector<16xf32>
      %sub3A_296 = arith.subf %add3A_295, %get3A_294 : vector<16xf32>
      %le3A_297 = arith.cmpf ole, %sub3A_296, %add3A_128 : vector<16xf32>
      %lt3A_298 = vector.broadcast %scan3A_134 : f32 to vector<16xf32>
      %lt3A_299 = arith.cmpf olt, %get3A_281, %lt3A_298 : vector<16xf32>
      %and3A_300 = arith.andi %le3A_297, %lt3A_299 : vector<16xi1>
      %lt3A_301 = vector.broadcast %scan3A_134 : f32 to vector<16xf32>
      %lt3A_302 = arith.cmpf olt, %get3A_288, %lt3A_301 : vector<16xf32>
      %and3A_303 = arith.andi %and3A_300, %lt3A_302 : vector<16xi1>
      %select_n3A_304 = arith.select %and3A_303, %broadcast_in_dim3A_130, %broadcast_in_dim3A_132 : vector<16xi1>, vector<16xf32>
      %sub3A_305 = arith.constant 1 : i32
      %sub3A_306 = arith.subi %scan3A_270, %sub3A_305 : i32
      %swap3A_307 = arith.index_cast %sub3A_306 : i32 to index
      %swap3A_308 = arith.constant 0 : index
      %swap3A_309 = tpu.vector_load %arg9[%swap3A_307, %swap3A_308] {strides = array<i32>} : memref<32x32xf32, #tpu.memory_space<vmem>>, vector<1x16xf32>,
      %swap3A_310 = vector.shape_cast %swap3A_309 : vector<1x16xf32> to vector<16xf32>
      %swap3A_311 = vector.shape_cast %select_n3A_304 : vector<16xf32> to vector<1x16xf32>
      tpu.vector_store %arg9[%swap3A_307, %swap3A_308], %swap3A_311 {strides = array<i32>} : memref<32x32xf32, #tpu.memory_space<vmem>>, vector<1x16xf32>,
      %lt3A_312 = vector.broadcast %scan3A_134 : f32 to vector<16xf32>
      %lt3A_313 = arith.cmpf olt, %get3A_281, %lt3A_312 : vector<16xf32>
      %select_n3A_314 = arith.select %lt3A_313, %broadcast_in_dim3A_130, %broadcast_in_dim3A_132 : vector<16xi1>, vector<16xf32>
      %sub3A_315 = arith.constant 1 : i32
      %sub3A_316 = arith.subi %scan3A_270, %sub3A_315 : i32
      %swap3A_317 = arith.index_cast %sub3A_316 : i32 to index
      %swap3A_318 = arith.constant 0 : index
      %swap3A_319 = tpu.vector_load %arg10[%swap3A_317, %swap3A_318] {strides = array<i32>} : memref<32x32xf32, #tpu.memory_space<vmem>>, vector<1x16xf32>,
      %swap3A_320 = vector.shape_cast %swap3A_319 : vector<1x16xf32> to vector<16xf32>
      %swap3A_321 = vector.shape_cast %select_n3A_314 : vector<16xf32> to vector<1x16xf32>
      tpu.vector_store %arg10[%swap3A_317, %swap3A_318], %swap3A_321 {strides = array<i32>} : memref<32x32xf32, #tpu.memory_space<vmem>>, vector<1x16xf32>,
      %add3A_322 = arith.constant 0 : i32
      %add3A_323 = arith.addi %add3A_322, %add3A_274 : i32
      %add3A_324 = arith.constant 16 : i32
      %add3A_325 = arith.addi %add3A_323, %add3A_324 : i32
      %get3A_326 = arith.index_cast %add3A_325 : i32 to index
      %get3A_327 = tpu.vector_load %arg8[%get3A_326] {strides = array<i32>} : memref<2592xf32, #tpu.memory_space<vmem>>, vector<16xf32>,
      %get3A_328 = vector.shape_cast %get3A_327 : vector<16xf32> to vector<16xf32>
      %add3A_329 = arith.constant 1296 : i32
      %add3A_330 = arith.addi %add3A_329, %add3A_274 : i32
      %add3A_331 = arith.constant 16 : i32
      %add3A_332 = arith.addi %add3A_330, %add3A_331 : i32
      %get3A_333 = arith.index_cast %add3A_332 : i32 to index
      %get3A_334 = tpu.vector_load %arg8[%get3A_333] {strides = array<i32>} : memref<2592xf32, #tpu.memory_space<vmem>>, vector<16xf32>,
      %get3A_335 = vector.shape_cast %get3A_334 : vector<16xf32> to vector<16xf32>
      %sub3A_336 = arith.constant 1 : i32
      %sub3A_337 = arith.subi %scan3A_270, %sub3A_336 : i32
      %get3A_338 = arith.index_cast %sub3A_337 : i32 to index
      %get3A_339 = arith.constant 16 : index
      %get3A_340 = tpu.vector_load %arg6[%get3A_338, %get3A_339] {strides = array<i32>} : memref<32x32xf32, #tpu.memory_space<vmem>>, vector<1x16xf32>,
      %get3A_341 = vector.shape_cast %get3A_340 : vector<1x16xf32> to vector<16xf32>
      %add3A_342 = arith.addf %get3A_328, %get3A_335 : vector<16xf32>
      %sub3A_343 = arith.subf %add3A_342, %get3A_341 : vector<16xf32>
      %le3A_344 = arith.cmpf ole, %sub3A_343, %add3A_128 : vector<16xf32>
      %lt3A_345 = vector.broadcast %scan3A_134 : f32 to vector<16xf32>
      %lt3A_346 = arith.cmpf olt, %get3A_328, %lt3A_345 : vector<16xf32>
      %and3A_347 = arith.andi %le3A_344, %lt3A_346 : vector<16xi1>
      %lt3A_348 = vector.broadcast %scan3A_134 : f32 to vector<16xf32>
      %lt3A_349 = arith.cmpf olt, %get3A_335, %lt3A_348 : vector<16xf32>
      %and3A_350 = arith.andi %and3A_347, %lt3A_349 : vector<16xi1>
      %select_n3A_351 = arith.select %and3A_350, %broadcast_in_dim3A_130, %broadcast_in_dim3A_132 : vector<16xi1>, vector<16xf32>
      %sub3A_352 = arith.constant 1 : i32
      %sub3A_353 = arith.subi %scan3A_270, %sub3A_352 : i32
      %swap3A_354 = arith.index_cast %sub3A_353 : i32 to index
      %swap3A_355 = arith.constant 16 : index
      %swap3A_356 = tpu.vector_load %arg9[%swap3A_354, %swap3A_355] {strides = array<i32>} : memref<32x32xf32, #tpu.memory_space<vmem>>, vector<1x16xf32>,
      %swap3A_357 = vector.shape_cast %swap3A_356 : vector<1x16xf32> to vector<16xf32>
      %swap3A_358 = vector.shape_cast %select_n3A_351 : vector<16xf32> to vector<1x16xf32>
      tpu.vector_store %arg9[%swap3A_354, %swap3A_355], %swap3A_358 {strides = array<i32>} : memref<32x32xf32, #tpu.memory_space<vmem>>, vector<1x16xf32>,
      %lt3A_359 = vector.broadcast %scan3A_134 : f32 to vector<16xf32>
      %lt3A_360 = arith.cmpf olt, %get3A_328, %lt3A_359 : vector<16xf32>
      %select_n3A_361 = arith.select %lt3A_360, %broadcast_in_dim3A_130, %broadcast_in_dim3A_132 : vector<16xi1>, vector<16xf32>
      %sub3A_362 = arith.constant 1 : i32
      %sub3A_363 = arith.subi %scan3A_270, %sub3A_362 : i32
      %swap3A_364 = arith.index_cast %sub3A_363 : i32 to index
      %swap3A_365 = arith.constant 16 : index
      %swap3A_366 = tpu.vector_load %arg10[%swap3A_364, %swap3A_365] {strides = array<i32>} : memref<32x32xf32, #tpu.memory_space<vmem>>, vector<1x16xf32>,
      %swap3A_367 = vector.shape_cast %swap3A_366 : vector<1x16xf32> to vector<16xf32>
      %swap3A_368 = vector.shape_cast %select_n3A_361 : vector<16xf32> to vector<1x16xf32>
      tpu.vector_store %arg10[%swap3A_364, %swap3A_365], %swap3A_368 {strides = array<i32>} : memref<32x32xf32, #tpu.memory_space<vmem>>, vector<1x16xf32>,
      %scan3A_369 = arith.constant 2 : i32
      %scan3A_370 = arith.addi %scan3A_172, %scan3A_369 : i32
      %mul3A_371 = arith.constant 36 : i32
      %mul3A_372 = arith.muli %scan3A_370, %mul3A_371 : i32
      %add3A_373 = arith.constant 1 : i32
      %add3A_374 = arith.addi %mul3A_372, %add3A_373 : i32
      %add3A_375 = arith.constant 0 : i32
      %add3A_376 = arith.addi %add3A_375, %add3A_374 : i32
      %add3A_377 = arith.constant 0 : i32
      %add3A_378 = arith.addi %add3A_376, %add3A_377 : i32
      %get3A_379 = arith.index_cast %add3A_378 : i32 to index
      %get3A_380 = tpu.vector_load %arg8[%get3A_379] {strides = array<i32>} : memref<2592xf32, #tpu.memory_space<vmem>>, vector<16xf32>,
      %get3A_381 = vector.shape_cast %get3A_380 : vector<16xf32> to vector<16xf32>
      %add3A_382 = arith.constant 1296 : i32
      %add3A_383 = arith.addi %add3A_382, %add3A_374 : i32
      %add3A_384 = arith.constant 0 : i32
      %add3A_385 = arith.addi %add3A_383, %add3A_384 : i32
      %get3A_386 = arith.index_cast %add3A_385 : i32 to index
      %get3A_387 = tpu.vector_load %arg8[%get3A_386] {strides = array<i32>} : memref<2592xf32, #tpu.memory_space<vmem>>, vector<16xf32>,
      %get3A_388 = vector.shape_cast %get3A_387 : vector<16xf32> to vector<16xf32>
      %sub3A_389 = arith.constant 1 : i32
      %sub3A_390 = arith.subi %scan3A_370, %sub3A_389 : i32
      %get3A_391 = arith.index_cast %sub3A_390 : i32 to index
      %get3A_392 = arith.constant 0 : index
      %get3A_393 = tpu.vector_load %arg6[%get3A_391, %get3A_392] {strides = array<i32>} : memref<32x32xf32, #tpu.memory_space<vmem>>, vector<1x16xf32>,
      %get3A_394 = vector.shape_cast %get3A_393 : vector<1x16xf32> to vector<16xf32>
      %add3A_395 = arith.addf %get3A_381, %get3A_388 : vector<16xf32>
      %sub3A_396 = arith.subf %add3A_395, %get3A_394 : vector<16xf32>
      %le3A_397 = arith.cmpf ole, %sub3A_396, %add3A_128 : vector<16xf32>
      %lt3A_398 = vector.broadcast %scan3A_134 : f32 to vector<16xf32>
      %lt3A_399 = arith.cmpf olt, %get3A_381, %lt3A_398 : vector<16xf32>
      %and3A_400 = arith.andi %le3A_397, %lt3A_399 : vector<16xi1>
      %lt3A_401 = vector.broadcast %scan3A_134 : f32 to vector<16xf32>
      %lt3A_402 = arith.cmpf olt, %get3A_388, %lt3A_401 : vector<16xf32>
      %and3A_403 = arith.andi %and3A_400, %lt3A_402 : vector<16xi1>
      %select_n3A_404 = arith.select %and3A_403, %broadcast_in_dim3A_130, %broadcast_in_dim3A_132 : vector<16xi1>, vector<16xf32>
      %sub3A_405 = arith.constant 1 : i32
      %sub3A_406 = arith.subi %scan3A_370, %sub3A_405 : i32
      %swap3A_407 = arith.index_cast %sub3A_406 : i32 to index
      %swap3A_408 = arith.constant 0 : index
      %swap3A_409 = tpu.vector_load %arg9[%swap3A_407, %swap3A_408] {strides = array<i32>} : memref<32x32xf32, #tpu.memory_space<vmem>>, vector<1x16xf32>,
      %swap3A_410 = vector.shape_cast %swap3A_409 : vector<1x16xf32> to vector<16xf32>
      %swap3A_411 = vector.shape_cast %select_n3A_404 : vector<16xf32> to vector<1x16xf32>
      tpu.vector_store %arg9[%swap3A_407, %swap3A_408], %swap3A_411 {strides = array<i32>} : memref<32x32xf32, #tpu.memory_space<vmem>>, vector<1x16xf32>,
      %lt3A_412 = vector.broadcast %scan3A_134 : f32 to vector<16xf32>
      %lt3A_413 = arith.cmpf olt, %get3A_381, %lt3A_412 : vector<16xf32>
      %select_n3A_414 = arith.select %lt3A_413, %broadcast_in_dim3A_130, %broadcast_in_dim3A_132 : vector<16xi1>, vector<16xf32>
      %sub3A_415 = arith.constant 1 : i32
      %sub3A_416 = arith.subi %scan3A_370, %sub3A_415 : i32
      %swap3A_417 = arith.index_cast %sub3A_416 : i32 to index
      %swap3A_418 = arith.constant 0 : index
      %swap3A_419 = tpu.vector_load %arg10[%swap3A_417, %swap3A_418] {strides = array<i32>} : memref<32x32xf32, #tpu.memory_space<vmem>>, vector<1x16xf32>,
      %swap3A_420 = vector.shape_cast %swap3A_419 : vector<1x16xf32> to vector<16xf32>
      %swap3A_421 = vector.shape_cast %select_n3A_414 : vector<16xf32> to vector<1x16xf32>
      tpu.vector_store %arg10[%swap3A_417, %swap3A_418], %swap3A_421 {strides = array<i32>} : memref<32x32xf32, #tpu.memory_space<vmem>>, vector<1x16xf32>,
      %add3A_422 = arith.constant 0 : i32
      %add3A_423 = arith.addi %add3A_422, %add3A_374 : i32
      %add3A_424 = arith.constant 16 : i32
      %add3A_425 = arith.addi %add3A_423, %add3A_424 : i32
      %get3A_426 = arith.index_cast %add3A_425 : i32 to index
      %get3A_427 = tpu.vector_load %arg8[%get3A_426] {strides = array<i32>} : memref<2592xf32, #tpu.memory_space<vmem>>, vector<16xf32>,
      %get3A_428 = vector.shape_cast %get3A_427 : vector<16xf32> to vector<16xf32>
      %add3A_429 = arith.constant 1296 : i32
      %add3A_430 = arith.addi %add3A_429, %add3A_374 : i32
      %add3A_431 = arith.constant 16 : i32
      %add3A_432 = arith.addi %add3A_430, %add3A_431 : i32
      %get3A_433 = arith.index_cast %add3A_432 : i32 to index
      %get3A_434 = tpu.vector_load %arg8[%get3A_433] {strides = array<i32>} : memref<2592xf32, #tpu.memory_space<vmem>>, vector<16xf32>,
      %get3A_435 = vector.shape_cast %get3A_434 : vector<16xf32> to vector<16xf32>
      %sub3A_436 = arith.constant 1 : i32
      %sub3A_437 = arith.subi %scan3A_370, %sub3A_436 : i32
      %get3A_438 = arith.index_cast %sub3A_437 : i32 to index
      %get3A_439 = arith.constant 16 : index
      %get3A_440 = tpu.vector_load %arg6[%get3A_438, %get3A_439] {strides = array<i32>} : memref<32x32xf32, #tpu.memory_space<vmem>>, vector<1x16xf32>,
      %get3A_441 = vector.shape_cast %get3A_440 : vector<1x16xf32> to vector<16xf32>
      %add3A_442 = arith.addf %get3A_428, %get3A_435 : vector<16xf32>
      %sub3A_443 = arith.subf %add3A_442, %get3A_441 : vector<16xf32>
      %le3A_444 = arith.cmpf ole, %sub3A_443, %add3A_128 : vector<16xf32>
      %lt3A_445 = vector.broadcast %scan3A_134 : f32 to vector<16xf32>
      %lt3A_446 = arith.cmpf olt, %get3A_428, %lt3A_445 : vector<16xf32>
      %and3A_447 = arith.andi %le3A_444, %lt3A_446 : vector<16xi1>
      %lt3A_448 = vector.broadcast %scan3A_134 : f32 to vector<16xf32>
      %lt3A_449 = arith.cmpf olt, %get3A_435, %lt3A_448 : vector<16xf32>
      %and3A_450 = arith.andi %and3A_447, %lt3A_449 : vector<16xi1>
      %select_n3A_451 = arith.select %and3A_450, %broadcast_in_dim3A_130, %broadcast_in_dim3A_132 : vector<16xi1>, vector<16xf32>
      %sub3A_452 = arith.constant 1 : i32
      %sub3A_453 = arith.subi %scan3A_370, %sub3A_452 : i32
      %swap3A_454 = arith.index_cast %sub3A_453 : i32 to index
      %swap3A_455 = arith.constant 16 : index
      %swap3A_456 = tpu.vector_load %arg9[%swap3A_454, %swap3A_455] {strides = array<i32>} : memref<32x32xf32, #tpu.memory_space<vmem>>, vector<1x16xf32>,
      %swap3A_457 = vector.shape_cast %swap3A_456 : vector<1x16xf32> to vector<16xf32>
      %swap3A_458 = vector.shape_cast %select_n3A_451 : vector<16xf32> to vector<1x16xf32>
      tpu.vector_store %arg9[%swap3A_454, %swap3A_455], %swap3A_458 {strides = array<i32>} : memref<32x32xf32, #tpu.memory_space<vmem>>, vector<1x16xf32>,
      %lt3A_459 = vector.broadcast %scan3A_134 : f32 to vector<16xf32>
      %lt3A_460 = arith.cmpf olt, %get3A_428, %lt3A_459 : vector<16xf32>
      %select_n3A_461 = arith.select %lt3A_460, %broadcast_in_dim3A_130, %broadcast_in_dim3A_132 : vector<16xi1>, vector<16xf32>
      %sub3A_462 = arith.constant 1 : i32
      %sub3A_463 = arith.subi %scan3A_370, %sub3A_462 : i32
      %swap3A_464 = arith.index_cast %sub3A_463 : i32 to index
      %swap3A_465 = arith.constant 16 : index
      %swap3A_466 = tpu.vector_load %arg10[%swap3A_464, %swap3A_465] {strides = array<i32>} : memref<32x32xf32, #tpu.memory_space<vmem>>, vector<1x16xf32>,
      %swap3A_467 = vector.shape_cast %swap3A_466 : vector<1x16xf32> to vector<16xf32>
      %swap3A_468 = vector.shape_cast %select_n3A_461 : vector<16xf32> to vector<1x16xf32>
      tpu.vector_store %arg10[%swap3A_464, %swap3A_465], %swap3A_468 {strides = array<i32>} : memref<32x32xf32, #tpu.memory_space<vmem>>, vector<1x16xf32>,
      %scan3A_469 = arith.constant 3 : i32
      %scan3A_470 = arith.addi %scan3A_172, %scan3A_469 : i32
      %mul3A_471 = arith.constant 36 : i32
      %mul3A_472 = arith.muli %scan3A_470, %mul3A_471 : i32
      %add3A_473 = arith.constant 1 : i32
      %add3A_474 = arith.addi %mul3A_472, %add3A_473 : i32
      %add3A_475 = arith.constant 0 : i32
      %add3A_476 = arith.addi %add3A_475, %add3A_474 : i32
      %add3A_477 = arith.constant 0 : i32
      %add3A_478 = arith.addi %add3A_476, %add3A_477 : i32
      %get3A_479 = arith.index_cast %add3A_478 : i32 to index
      %get3A_480 = tpu.vector_load %arg8[%get3A_479] {strides = array<i32>} : memref<2592xf32, #tpu.memory_space<vmem>>, vector<16xf32>,
      %get3A_481 = vector.shape_cast %get3A_480 : vector<16xf32> to vector<16xf32>
      %add3A_482 = arith.constant 1296 : i32
      %add3A_483 = arith.addi %add3A_482, %add3A_474 : i32
      %add3A_484 = arith.constant 0 : i32
      %add3A_485 = arith.addi %add3A_483, %add3A_484 : i32
      %get3A_486 = arith.index_cast %add3A_485 : i32 to index
      %get3A_487 = tpu.vector_load %arg8[%get3A_486] {strides = array<i32>} : memref<2592xf32, #tpu.memory_space<vmem>>, vector<16xf32>,
      %get3A_488 = vector.shape_cast %get3A_487 : vector<16xf32> to vector<16xf32>
      %sub3A_489 = arith.constant 1 : i32
      %sub3A_490 = arith.subi %scan3A_470, %sub3A_489 : i32
      %get3A_491 = arith.index_cast %sub3A_490 : i32 to index
      %get3A_492 = arith.constant 0 : index
      %get3A_493 = tpu.vector_load %arg6[%get3A_491, %get3A_492] {strides = array<i32>} : memref<32x32xf32, #tpu.memory_space<vmem>>, vector<1x16xf32>,
      %get3A_494 = vector.shape_cast %get3A_493 : vector<1x16xf32> to vector<16xf32>
      %add3A_495 = arith.addf %get3A_481, %get3A_488 : vector<16xf32>
      %sub3A_496 = arith.subf %add3A_495, %get3A_494 : vector<16xf32>
      %le3A_497 = arith.cmpf ole, %sub3A_496, %add3A_128 : vector<16xf32>
      %lt3A_498 = vector.broadcast %scan3A_134 : f32 to vector<16xf32>
      %lt3A_499 = arith.cmpf olt, %get3A_481, %lt3A_498 : vector<16xf32>
      %and3A_500 = arith.andi %le3A_497, %lt3A_499 : vector<16xi1>
      %lt3A_501 = vector.broadcast %scan3A_134 : f32 to vector<16xf32>
      %lt3A_502 = arith.cmpf olt, %get3A_488, %lt3A_501 : vector<16xf32>
      %and3A_503 = arith.andi %and3A_500, %lt3A_502 : vector<16xi1>
      %select_n3A_504 = arith.select %and3A_503, %broadcast_in_dim3A_130, %broadcast_in_dim3A_132 : vector<16xi1>, vector<16xf32>
      %sub3A_505 = arith.constant 1 : i32
      %sub3A_506 = arith.subi %scan3A_470, %sub3A_505 : i32
      %swap3A_507 = arith.index_cast %sub3A_506 : i32 to index
      %swap3A_508 = arith.constant 0 : index
      %swap3A_509 = tpu.vector_load %arg9[%swap3A_507, %swap3A_508] {strides = array<i32>} : memref<32x32xf32, #tpu.memory_space<vmem>>, vector<1x16xf32>,
      %swap3A_510 = vector.shape_cast %swap3A_509 : vector<1x16xf32> to vector<16xf32>
      %swap3A_511 = vector.shape_cast %select_n3A_504 : vector<16xf32> to vector<1x16xf32>
      tpu.vector_store %arg9[%swap3A_507, %swap3A_508], %swap3A_511 {strides = array<i32>} : memref<32x32xf32, #tpu.memory_space<vmem>>, vector<1x16xf32>,
      %lt3A_512 = vector.broadcast %scan3A_134 : f32 to vector<16xf32>
      %lt3A_513 = arith.cmpf olt, %get3A_481, %lt3A_512 : vector<16xf32>
      %select_n3A_514 = arith.select %lt3A_513, %broadcast_in_dim3A_130, %broadcast_in_dim3A_132 : vector<16xi1>, vector<16xf32>
      %sub3A_515 = arith.constant 1 : i32
      %sub3A_516 = arith.subi %scan3A_470, %sub3A_515 : i32
      %swap3A_517 = arith.index_cast %sub3A_516 : i32 to index
      %swap3A_518 = arith.constant 0 : index
      %swap3A_519 = tpu.vector_load %arg10[%swap3A_517, %swap3A_518] {strides = array<i32>} : memref<32x32xf32, #tpu.memory_space<vmem>>, vector<1x16xf32>,
      %swap3A_520 = vector.shape_cast %swap3A_519 : vector<1x16xf32> to vector<16xf32>
      %swap3A_521 = vector.shape_cast %select_n3A_514 : vector<16xf32> to vector<1x16xf32>
      tpu.vector_store %arg10[%swap3A_517, %swap3A_518], %swap3A_521 {strides = array<i32>} : memref<32x32xf32, #tpu.memory_space<vmem>>, vector<1x16xf32>,
      %add3A_522 = arith.constant 0 : i32
      %add3A_523 = arith.addi %add3A_522, %add3A_474 : i32
      %add3A_524 = arith.constant 16 : i32
      %add3A_525 = arith.addi %add3A_523, %add3A_524 : i32
      %get3A_526 = arith.index_cast %add3A_525 : i32 to index
      %get3A_527 = tpu.vector_load %arg8[%get3A_526] {strides = array<i32>} : memref<2592xf32, #tpu.memory_space<vmem>>, vector<16xf32>,
      %get3A_528 = vector.shape_cast %get3A_527 : vector<16xf32> to vector<16xf32>
      %add3A_529 = arith.constant 1296 : i32
      %add3A_530 = arith.addi %add3A_529, %add3A_474 : i32
      %add3A_531 = arith.constant 16 : i32
      %add3A_532 = arith.addi %add3A_530, %add3A_531 : i32
      %get3A_533 = arith.index_cast %add3A_532 : i32 to index
      %get3A_534 = tpu.vector_load %arg8[%get3A_533] {strides = array<i32>} : memref<2592xf32, #tpu.memory_space<vmem>>, vector<16xf32>,
      %get3A_535 = vector.shape_cast %get3A_534 : vector<16xf32> to vector<16xf32>
      %sub3A_536 = arith.constant 1 : i32
      %sub3A_537 = arith.subi %scan3A_470, %sub3A_536 : i32
      %get3A_538 = arith.index_cast %sub3A_537 : i32 to index
      %get3A_539 = arith.constant 16 : index
      %get3A_540 = tpu.vector_load %arg6[%get3A_538, %get3A_539] {strides = array<i32>} : memref<32x32xf32, #tpu.memory_space<vmem>>, vector<1x16xf32>,
      %get3A_541 = vector.shape_cast %get3A_540 : vector<1x16xf32> to vector<16xf32>
      %add3A_542 = arith.addf %get3A_528, %get3A_535 : vector<16xf32>
      %sub3A_543 = arith.subf %add3A_542, %get3A_541 : vector<16xf32>
      %le3A_544 = arith.cmpf ole, %sub3A_543, %add3A_128 : vector<16xf32>
      %lt3A_545 = vector.broadcast %scan3A_134 : f32 to vector<16xf32>
      %lt3A_546 = arith.cmpf olt, %get3A_528, %lt3A_545 : vector<16xf32>
      %and3A_547 = arith.andi %le3A_544, %lt3A_546 : vector<16xi1>
      %lt3A_548 = vector.broadcast %scan3A_134 : f32 to vector<16xf32>
      %lt3A_549 = arith.cmpf olt, %get3A_535, %lt3A_548 : vector<16xf32>
      %and3A_550 = arith.andi %and3A_547, %lt3A_549 : vector<16xi1>
      %select_n3A_551 = arith.select %and3A_550, %broadcast_in_dim3A_130, %broadcast_in_dim3A_132 : vector<16xi1>, vector<16xf32>
      %sub3A_552 = arith.constant 1 : i32
      %sub3A_553 = arith.subi %scan3A_470, %sub3A_552 : i32
      %swap3A_554 = arith.index_cast %sub3A_553 : i32 to index
      %swap3A_555 = arith.constant 16 : index
      %swap3A_556 = tpu.vector_load %arg9[%swap3A_554, %swap3A_555] {strides = array<i32>} : memref<32x32xf32, #tpu.memory_space<vmem>>, vector<1x16xf32>,
      %swap3A_557 = vector.shape_cast %swap3A_556 : vector<1x16xf32> to vector<16xf32>
      %swap3A_558 = vector.shape_cast %select_n3A_551 : vector<16xf32> to vector<1x16xf32>
      tpu.vector_store %arg9[%swap3A_554, %swap3A_555], %swap3A_558 {strides = array<i32>} : memref<32x32xf32, #tpu.memory_space<vmem>>, vector<1x16xf32>,
      %lt3A_559 = vector.broadcast %scan3A_134 : f32 to vector<16xf32>
      %lt3A_560 = arith.cmpf olt, %get3A_528, %lt3A_559 : vector<16xf32>
      %select_n3A_561 = arith.select %lt3A_560, %broadcast_in_dim3A_130, %broadcast_in_dim3A_132 : vector<16xi1>, vector<16xf32>
      %sub3A_562 = arith.constant 1 : i32
      %sub3A_563 = arith.subi %scan3A_470, %sub3A_562 : i32
      %swap3A_564 = arith.index_cast %sub3A_563 : i32 to index
      %swap3A_565 = arith.constant 16 : index
      %swap3A_566 = tpu.vector_load %arg10[%swap3A_564, %swap3A_565] {strides = array<i32>} : memref<32x32xf32, #tpu.memory_space<vmem>>, vector<1x16xf32>,
      %swap3A_567 = vector.shape_cast %swap3A_566 : vector<1x16xf32> to vector<16xf32>
      %swap3A_568 = vector.shape_cast %select_n3A_561 : vector<16xf32> to vector<1x16xf32>
      tpu.vector_store %arg10[%swap3A_564, %swap3A_565], %swap3A_568 {strides = array<i32>} : memref<32x32xf32, #tpu.memory_space<vmem>>, vector<1x16xf32>,
      %scan3A_569 = arith.constant 4 : i32
      %scan3A_570 = arith.addi %scan3A_172, %scan3A_569 : i32
      %mul3A_571 = arith.constant 36 : i32
      %mul3A_572 = arith.muli %scan3A_570, %mul3A_571 : i32
      %add3A_573 = arith.constant 1 : i32
      %add3A_574 = arith.addi %mul3A_572, %add3A_573 : i32
      %add3A_575 = arith.constant 0 : i32
      %add3A_576 = arith.addi %add3A_575, %add3A_574 : i32
      %add3A_577 = arith.constant 0 : i32
      %add3A_578 = arith.addi %add3A_576, %add3A_577 : i32
      %get3A_579 = arith.index_cast %add3A_578 : i32 to index
      %get3A_580 = tpu.vector_load %arg8[%get3A_579] {strides = array<i32>} : memref<2592xf32, #tpu.memory_space<vmem>>, vector<16xf32>,
      %get3A_581 = vector.shape_cast %get3A_580 : vector<16xf32> to vector<16xf32>
      %add3A_582 = arith.constant 1296 : i32
      %add3A_583 = arith.addi %add3A_582, %add3A_574 : i32
      %add3A_584 = arith.constant 0 : i32
      %add3A_585 = arith.addi %add3A_583, %add3A_584 : i32
      %get3A_586 = arith.index_cast %add3A_585 : i32 to index
      %get3A_587 = tpu.vector_load %arg8[%get3A_586] {strides = array<i32>} : memref<2592xf32, #tpu.memory_space<vmem>>, vector<16xf32>,
      %get3A_588 = vector.shape_cast %get3A_587 : vector<16xf32> to vector<16xf32>
      %sub3A_589 = arith.constant 1 : i32
      %sub3A_590 = arith.subi %scan3A_570, %sub3A_589 : i32
      %get3A_591 = arith.index_cast %sub3A_590 : i32 to index
      %get3A_592 = arith.constant 0 : index
      %get3A_593 = tpu.vector_load %arg6[%get3A_591, %get3A_592] {strides = array<i32>} : memref<32x32xf32, #tpu.memory_space<vmem>>, vector<1x16xf32>,
      %get3A_594 = vector.shape_cast %get3A_593 : vector<1x16xf32> to vector<16xf32>
      %add3A_595 = arith.addf %get3A_581, %get3A_588 : vector<16xf32>
      %sub3A_596 = arith.subf %add3A_595, %get3A_594 : vector<16xf32>
      %le3A_597 = arith.cmpf ole, %sub3A_596, %add3A_128 : vector<16xf32>
      %lt3A_598 = vector.broadcast %scan3A_134 : f32 to vector<16xf32>
      %lt3A_599 = arith.cmpf olt, %get3A_581, %lt3A_598 : vector<16xf32>
      %and3A_600 = arith.andi %le3A_597, %lt3A_599 : vector<16xi1>
      %lt3A_601 = vector.broadcast %scan3A_134 : f32 to vector<16xf32>
      %lt3A_602 = arith.cmpf olt, %get3A_588, %lt3A_601 : vector<16xf32>
      %and3A_603 = arith.andi %and3A_600, %lt3A_602 : vector<16xi1>
      %select_n3A_604 = arith.select %and3A_603, %broadcast_in_dim3A_130, %broadcast_in_dim3A_132 : vector<16xi1>, vector<16xf32>
      %sub3A_605 = arith.constant 1 : i32
      %sub3A_606 = arith.subi %scan3A_570, %sub3A_605 : i32
      %swap3A_607 = arith.index_cast %sub3A_606 : i32 to index
      %swap3A_608 = arith.constant 0 : index
      %swap3A_609 = tpu.vector_load %arg9[%swap3A_607, %swap3A_608] {strides = array<i32>} : memref<32x32xf32, #tpu.memory_space<vmem>>, vector<1x16xf32>,
      %swap3A_610 = vector.shape_cast %swap3A_609 : vector<1x16xf32> to vector<16xf32>
      %swap3A_611 = vector.shape_cast %select_n3A_604 : vector<16xf32> to vector<1x16xf32>
      tpu.vector_store %arg9[%swap3A_607, %swap3A_608], %swap3A_611 {strides = array<i32>} : memref<32x32xf32, #tpu.memory_space<vmem>>, vector<1x16xf32>,
      %lt3A_612 = vector.broadcast %scan3A_134 : f32 to vector<16xf32>
      %lt3A_613 = arith.cmpf olt, %get3A_581, %lt3A_612 : vector<16xf32>
      %select_n3A_614 = arith.select %lt3A_613, %broadcast_in_dim3A_130, %broadcast_in_dim3A_132 : vector<16xi1>, vector<16xf32>
      %sub3A_615 = arith.constant 1 : i32
      %sub3A_616 = arith.subi %scan3A_570, %sub3A_615 : i32
      %swap3A_617 = arith.index_cast %sub3A_616 : i32 to index
      %swap3A_618 = arith.constant 0 : index
      %swap3A_619 = tpu.vector_load %arg10[%swap3A_617, %swap3A_618] {strides = array<i32>} : memref<32x32xf32, #tpu.memory_space<vmem>>, vector<1x16xf32>,
      %swap3A_620 = vector.shape_cast %swap3A_619 : vector<1x16xf32> to vector<16xf32>
      %swap3A_621 = vector.shape_cast %select_n3A_614 : vector<16xf32> to vector<1x16xf32>
      tpu.vector_store %arg10[%swap3A_617, %swap3A_618], %swap3A_621 {strides = array<i32>} : memref<32x32xf32, #tpu.memory_space<vmem>>, vector<1x16xf32>,
      %add3A_622 = arith.constant 0 : i32
      %add3A_623 = arith.addi %add3A_622, %add3A_574 : i32
      %add3A_624 = arith.constant 16 : i32
      %add3A_625 = arith.addi %add3A_623, %add3A_624 : i32
      %get3A_626 = arith.index_cast %add3A_625 : i32 to index
      %get3A_627 = tpu.vector_load %arg8[%get3A_626] {strides = array<i32>} : memref<2592xf32, #tpu.memory_space<vmem>>, vector<16xf32>,
      %get3A_628 = vector.shape_cast %get3A_627 : vector<16xf32> to vector<16xf32>
      %add3A_629 = arith.constant 1296 : i32
      %add3A_630 = arith.addi %add3A_629, %add3A_574 : i32
      %add3A_631 = arith.constant 16 : i32
      %add3A_632 = arith.addi %add3A_630, %add3A_631 : i32
      %get3A_633 = arith.index_cast %add3A_632 : i32 to index
      %get3A_634 = tpu.vector_load %arg8[%get3A_633] {strides = array<i32>} : memref<2592xf32, #tpu.memory_space<vmem>>, vector<16xf32>,
      %get3A_635 = vector.shape_cast %get3A_634 : vector<16xf32> to vector<16xf32>
      %sub3A_636 = arith.constant 1 : i32
      %sub3A_637 = arith.subi %scan3A_570, %sub3A_636 : i32
      %get3A_638 = arith.index_cast %sub3A_637 : i32 to index
      %get3A_639 = arith.constant 16 : index
      %get3A_640 = tpu.vector_load %arg6[%get3A_638, %get3A_639] {strides = array<i32>} : memref<32x32xf32, #tpu.memory_space<vmem>>, vector<1x16xf32>,
      %get3A_641 = vector.shape_cast %get3A_640 : vector<1x16xf32> to vector<16xf32>
      %add3A_642 = arith.addf %get3A_628, %get3A_635 : vector<16xf32>
      %sub3A_643 = arith.subf %add3A_642, %get3A_641 : vector<16xf32>
      %le3A_644 = arith.cmpf ole, %sub3A_643, %add3A_128 : vector<16xf32>
      %lt3A_645 = vector.broadcast %scan3A_134 : f32 to vector<16xf32>
      %lt3A_646 = arith.cmpf olt, %get3A_628, %lt3A_645 : vector<16xf32>
      %and3A_647 = arith.andi %le3A_644, %lt3A_646 : vector<16xi1>
      %lt3A_648 = vector.broadcast %scan3A_134 : f32 to vector<16xf32>
      %lt3A_649 = arith.cmpf olt, %get3A_635, %lt3A_648 : vector<16xf32>
      %and3A_650 = arith.andi %and3A_647, %lt3A_649 : vector<16xi1>
      %select_n3A_651 = arith.select %and3A_650, %broadcast_in_dim3A_130, %broadcast_in_dim3A_132 : vector<16xi1>, vector<16xf32>
      %sub3A_652 = arith.constant 1 : i32
      %sub3A_653 = arith.subi %scan3A_570, %sub3A_652 : i32
      %swap3A_654 = arith.index_cast %sub3A_653 : i32 to index
      %swap3A_655 = arith.constant 16 : index
      %swap3A_656 = tpu.vector_load %arg9[%swap3A_654, %swap3A_655] {strides = array<i32>} : memref<32x32xf32, #tpu.memory_space<vmem>>, vector<1x16xf32>,
      %swap3A_657 = vector.shape_cast %swap3A_656 : vector<1x16xf32> to vector<16xf32>
      %swap3A_658 = vector.shape_cast %select_n3A_651 : vector<16xf32> to vector<1x16xf32>
      tpu.vector_store %arg9[%swap3A_654, %swap3A_655], %swap3A_658 {strides = array<i32>} : memref<32x32xf32, #tpu.memory_space<vmem>>, vector<1x16xf32>,
      %lt3A_659 = vector.broadcast %scan3A_134 : f32 to vector<16xf32>
      %lt3A_660 = arith.cmpf olt, %get3A_628, %lt3A_659 : vector<16xf32>
      %select_n3A_661 = arith.select %lt3A_660, %broadcast_in_dim3A_130, %broadcast_in_dim3A_132 : vector<16xi1>, vector<16xf32>
      %sub3A_662 = arith.constant 1 : i32
      %sub3A_663 = arith.subi %scan3A_570, %sub3A_662 : i32
      %swap3A_664 = arith.index_cast %sub3A_663 : i32 to index
      %swap3A_665 = arith.constant 16 : index
      %swap3A_666 = tpu.vector_load %arg10[%swap3A_664, %swap3A_665] {strides = array<i32>} : memref<32x32xf32, #tpu.memory_space<vmem>>, vector<1x16xf32>,
      %swap3A_667 = vector.shape_cast %swap3A_666 : vector<1x16xf32> to vector<16xf32>
      %swap3A_668 = vector.shape_cast %select_n3A_661 : vector<16xf32> to vector<1x16xf32>
      tpu.vector_store %arg10[%swap3A_664, %swap3A_665], %swap3A_668 {strides = array<i32>} : memref<32x32xf32, #tpu.memory_space<vmem>>, vector<1x16xf32>,
      %scan3A_669 = arith.constant 5 : i32
      %scan3A_670 = arith.addi %scan3A_172, %scan3A_669 : i32
      %mul3A_671 = arith.constant 36 : i32
      %mul3A_672 = arith.muli %scan3A_670, %mul3A_671 : i32
      %add3A_673 = arith.constant 1 : i32
      %add3A_674 = arith.addi %mul3A_672, %add3A_673 : i32
      %add3A_675 = arith.constant 0 : i32
      %add3A_676 = arith.addi %add3A_675, %add3A_674 : i32
      %add3A_677 = arith.constant 0 : i32
      %add3A_678 = arith.addi %add3A_676, %add3A_677 : i32
      %get3A_679 = arith.index_cast %add3A_678 : i32 to index
      %get3A_680 = tpu.vector_load %arg8[%get3A_679] {strides = array<i32>} : memref<2592xf32, #tpu.memory_space<vmem>>, vector<16xf32>,
      %get3A_681 = vector.shape_cast %get3A_680 : vector<16xf32> to vector<16xf32>
      %add3A_682 = arith.constant 1296 : i32
      %add3A_683 = arith.addi %add3A_682, %add3A_674 : i32
      %add3A_684 = arith.constant 0 : i32
      %add3A_685 = arith.addi %add3A_683, %add3A_684 : i32
      %get3A_686 = arith.index_cast %add3A_685 : i32 to index
      %get3A_687 = tpu.vector_load %arg8[%get3A_686] {strides = array<i32>} : memref<2592xf32, #tpu.memory_space<vmem>>, vector<16xf32>,
      %get3A_688 = vector.shape_cast %get3A_687 : vector<16xf32> to vector<16xf32>
      %sub3A_689 = arith.constant 1 : i32
      %sub3A_690 = arith.subi %scan3A_670, %sub3A_689 : i32
      %get3A_691 = arith.index_cast %sub3A_690 : i32 to index
      %get3A_692 = arith.constant 0 : index
      %get3A_693 = tpu.vector_load %arg6[%get3A_691, %get3A_692] {strides = array<i32>} : memref<32x32xf32, #tpu.memory_space<vmem>>, vector<1x16xf32>,
      %get3A_694 = vector.shape_cast %get3A_693 : vector<1x16xf32> to vector<16xf32>
      %add3A_695 = arith.addf %get3A_681, %get3A_688 : vector<16xf32>
      %sub3A_696 = arith.subf %add3A_695, %get3A_694 : vector<16xf32>
      %le3A_697 = arith.cmpf ole, %sub3A_696, %add3A_128 : vector<16xf32>
      %lt3A_698 = vector.broadcast %scan3A_134 : f32 to vector<16xf32>
      %lt3A_699 = arith.cmpf olt, %get3A_681, %lt3A_698 : vector<16xf32>
      %and3A_700 = arith.andi %le3A_697, %lt3A_699 : vector<16xi1>
      %lt3A_701 = vector.broadcast %scan3A_134 : f32 to vector<16xf32>
      %lt3A_702 = arith.cmpf olt, %get3A_688, %lt3A_701 : vector<16xf32>
      %and3A_703 = arith.andi %and3A_700, %lt3A_702 : vector<16xi1>
      %select_n3A_704 = arith.select %and3A_703, %broadcast_in_dim3A_130, %broadcast_in_dim3A_132 : vector<16xi1>, vector<16xf32>
      %sub3A_705 = arith.constant 1 : i32
      %sub3A_706 = arith.subi %scan3A_670, %sub3A_705 : i32
      %swap3A_707 = arith.index_cast %sub3A_706 : i32 to index
      %swap3A_708 = arith.constant 0 : index
      %swap3A_709 = tpu.vector_load %arg9[%swap3A_707, %swap3A_708] {strides = array<i32>} : memref<32x32xf32, #tpu.memory_space<vmem>>, vector<1x16xf32>,
      %swap3A_710 = vector.shape_cast %swap3A_709 : vector<1x16xf32> to vector<16xf32>
      %swap3A_711 = vector.shape_cast %select_n3A_704 : vector<16xf32> to vector<1x16xf32>
      tpu.vector_store %arg9[%swap3A_707, %swap3A_708], %swap3A_711 {strides = array<i32>} : memref<32x32xf32, #tpu.memory_space<vmem>>, vector<1x16xf32>,
      %lt3A_712 = vector.broadcast %scan3A_134 : f32 to vector<16xf32>
      %lt3A_713 = arith.cmpf olt, %get3A_681, %lt3A_712 : vector<16xf32>
      %select_n3A_714 = arith.select %lt3A_713, %broadcast_in_dim3A_130, %broadcast_in_dim3A_132 : vector<16xi1>, vector<16xf32>
      %sub3A_715 = arith.constant 1 : i32
      %sub3A_716 = arith.subi %scan3A_670, %sub3A_715 : i32
      %swap3A_717 = arith.index_cast %sub3A_716 : i32 to index
      %swap3A_718 = arith.constant 0 : index
      %swap3A_719 = tpu.vector_load %arg10[%swap3A_717, %swap3A_718] {strides = array<i32>} : memref<32x32xf32, #tpu.memory_space<vmem>>, vector<1x16xf32>,
      %swap3A_720 = vector.shape_cast %swap3A_719 : vector<1x16xf32> to vector<16xf32>
      %swap3A_721 = vector.shape_cast %select_n3A_714 : vector<16xf32> to vector<1x16xf32>
      tpu.vector_store %arg10[%swap3A_717, %swap3A_718], %swap3A_721 {strides = array<i32>} : memref<32x32xf32, #tpu.memory_space<vmem>>, vector<1x16xf32>,
      %add3A_722 = arith.constant 0 : i32
      %add3A_723 = arith.addi %add3A_722, %add3A_674 : i32
      %add3A_724 = arith.constant 16 : i32
      %add3A_725 = arith.addi %add3A_723, %add3A_724 : i32
      %get3A_726 = arith.index_cast %add3A_725 : i32 to index
      %get3A_727 = tpu.vector_load %arg8[%get3A_726] {strides = array<i32>} : memref<2592xf32, #tpu.memory_space<vmem>>, vector<16xf32>,
      %get3A_728 = vector.shape_cast %get3A_727 : vector<16xf32> to vector<16xf32>
      %add3A_729 = arith.constant 1296 : i32
      %add3A_730 = arith.addi %add3A_729, %add3A_674 : i32
      %add3A_731 = arith.constant 16 : i32
      %add3A_732 = arith.addi %add3A_730, %add3A_731 : i32
      %get3A_733 = arith.index_cast %add3A_732 : i32 to index
      %get3A_734 = tpu.vector_load %arg8[%get3A_733] {strides = array<i32>} : memref<2592xf32, #tpu.memory_space<vmem>>, vector<16xf32>,
      %get3A_735 = vector.shape_cast %get3A_734 : vector<16xf32> to vector<16xf32>
      %sub3A_736 = arith.constant 1 : i32
      %sub3A_737 = arith.subi %scan3A_670, %sub3A_736 : i32
      %get3A_738 = arith.index_cast %sub3A_737 : i32 to index
      %get3A_739 = arith.constant 16 : index
      %get3A_740 = tpu.vector_load %arg6[%get3A_738, %get3A_739] {strides = array<i32>} : memref<32x32xf32, #tpu.memory_space<vmem>>, vector<1x16xf32>,
      %get3A_741 = vector.shape_cast %get3A_740 : vector<1x16xf32> to vector<16xf32>
      %add3A_742 = arith.addf %get3A_728, %get3A_735 : vector<16xf32>
      %sub3A_743 = arith.subf %add3A_742, %get3A_741 : vector<16xf32>
      %le3A_744 = arith.cmpf ole, %sub3A_743, %add3A_128 : vector<16xf32>
      %lt3A_745 = vector.broadcast %scan3A_134 : f32 to vector<16xf32>
      %lt3A_746 = arith.cmpf olt, %get3A_728, %lt3A_745 : vector<16xf32>
      %and3A_747 = arith.andi %le3A_744, %lt3A_746 : vector<16xi1>
      %lt3A_748 = vector.broadcast %scan3A_134 : f32 to vector<16xf32>
      %lt3A_749 = arith.cmpf olt, %get3A_735, %lt3A_748 : vector<16xf32>
      %and3A_750 = arith.andi %and3A_747, %lt3A_749 : vector<16xi1>
      %select_n3A_751 = arith.select %and3A_750, %broadcast_in_dim3A_130, %broadcast_in_dim3A_132 : vector<16xi1>, vector<16xf32>
      %sub3A_752 = arith.constant 1 : i32
      %sub3A_753 = arith.subi %scan3A_670, %sub3A_752 : i32
      %swap3A_754 = arith.index_cast %sub3A_753 : i32 to index
      %swap3A_755 = arith.constant 16 : index
      %swap3A_756 = tpu.vector_load %arg9[%swap3A_754, %swap3A_755] {strides = array<i32>} : memref<32x32xf32, #tpu.memory_space<vmem>>, vector<1x16xf32>,
      %swap3A_757 = vector.shape_cast %swap3A_756 : vector<1x16xf32> to vector<16xf32>
      %swap3A_758 = vector.shape_cast %select_n3A_751 : vector<16xf32> to vector<1x16xf32>
      tpu.vector_store %arg9[%swap3A_754, %swap3A_755], %swap3A_758 {strides = array<i32>} : memref<32x32xf32, #tpu.memory_space<vmem>>, vector<1x16xf32>,
      %lt3A_759 = vector.broadcast %scan3A_134 : f32 to vector<16xf32>
      %lt3A_760 = arith.cmpf olt, %get3A_728, %lt3A_759 : vector<16xf32>
      %select_n3A_761 = arith.select %lt3A_760, %broadcast_in_dim3A_130, %broadcast_in_dim3A_132 : vector<16xi1>, vector<16xf32>
      %sub3A_762 = arith.constant 1 : i32
      %sub3A_763 = arith.subi %scan3A_670, %sub3A_762 : i32
      %swap3A_764 = arith.index_cast %sub3A_763 : i32 to index
      %swap3A_765 = arith.constant 16 : index
      %swap3A_766 = tpu.vector_load %arg10[%swap3A_764, %swap3A_765] {strides = array<i32>} : memref<32x32xf32, #tpu.memory_space<vmem>>, vector<1x16xf32>,
      %swap3A_767 = vector.shape_cast %swap3A_766 : vector<1x16xf32> to vector<16xf32>
      %swap3A_768 = vector.shape_cast %select_n3A_761 : vector<16xf32> to vector<1x16xf32>
      tpu.vector_store %arg10[%swap3A_764, %swap3A_765], %swap3A_768 {strides = array<i32>} : memref<32x32xf32, #tpu.memory_space<vmem>>, vector<1x16xf32>,
      %scan3A_769 = arith.constant 6 : i32
      %scan3A_770 = arith.addi %scan3A_172, %scan3A_769 : i32
      %mul3A_771 = arith.constant 36 : i32
      %mul3A_772 = arith.muli %scan3A_770, %mul3A_771 : i32
      %add3A_773 = arith.constant 1 : i32
      %add3A_774 = arith.addi %mul3A_772, %add3A_773 : i32
      %add3A_775 = arith.constant 0 : i32
      %add3A_776 = arith.addi %add3A_775, %add3A_774 : i32
      %add3A_777 = arith.constant 0 : i32
      %add3A_778 = arith.addi %add3A_776, %add3A_777 : i32
      %get3A_779 = arith.index_cast %add3A_778 : i32 to index
      %get3A_780 = tpu.vector_load %arg8[%get3A_779] {strides = array<i32>} : memref<2592xf32, #tpu.memory_space<vmem>>, vector<16xf32>,
      %get3A_781 = vector.shape_cast %get3A_780 : vector<16xf32> to vector<16xf32>
      %add3A_782 = arith.constant 1296 : i32
      %add3A_783 = arith.addi %add3A_782, %add3A_774 : i32
      %add3A_784 = arith.constant 0 : i32
      %add3A_785 = arith.addi %add3A_783, %add3A_784 : i32
      %get3A_786 = arith.index_cast %add3A_785 : i32 to index
      %get3A_787 = tpu.vector_load %arg8[%get3A_786] {strides = array<i32>} : memref<2592xf32, #tpu.memory_space<vmem>>, vector<16xf32>,
      %get3A_788 = vector.shape_cast %get3A_787 : vector<16xf32> to vector<16xf32>
      %sub3A_789 = arith.constant 1 : i32
      %sub3A_790 = arith.subi %scan3A_770, %sub3A_789 : i32
      %get3A_791 = arith.index_cast %sub3A_790 : i32 to index
      %get3A_792 = arith.constant 0 : index
      %get3A_793 = tpu.vector_load %arg6[%get3A_791, %get3A_792] {strides = array<i32>} : memref<32x32xf32, #tpu.memory_space<vmem>>, vector<1x16xf32>,
      %get3A_794 = vector.shape_cast %get3A_793 : vector<1x16xf32> to vector<16xf32>
      %add3A_795 = arith.addf %get3A_781, %get3A_788 : vector<16xf32>
      %sub3A_796 = arith.subf %add3A_795, %get3A_794 : vector<16xf32>
      %le3A_797 = arith.cmpf ole, %sub3A_796, %add3A_128 : vector<16xf32>
      %lt3A_798 = vector.broadcast %scan3A_134 : f32 to vector<16xf32>
      %lt3A_799 = arith.cmpf olt, %get3A_781, %lt3A_798 : vector<16xf32>
      %and3A_800 = arith.andi %le3A_797, %lt3A_799 : vector<16xi1>
      %lt3A_801 = vector.broadcast %scan3A_134 : f32 to vector<16xf32>
      %lt3A_802 = arith.cmpf olt, %get3A_788, %lt3A_801 : vector<16xf32>
      %and3A_803 = arith.andi %and3A_800, %lt3A_802 : vector<16xi1>
      %select_n3A_804 = arith.select %and3A_803, %broadcast_in_dim3A_130, %broadcast_in_dim3A_132 : vector<16xi1>, vector<16xf32>
      %sub3A_805 = arith.constant 1 : i32
      %sub3A_806 = arith.subi %scan3A_770, %sub3A_805 : i32
      %swap3A_807 = arith.index_cast %sub3A_806 : i32 to index
      %swap3A_808 = arith.constant 0 : index
      %swap3A_809 = tpu.vector_load %arg9[%swap3A_807, %swap3A_808] {strides = array<i32>} : memref<32x32xf32, #tpu.memory_space<vmem>>, vector<1x16xf32>,
      %swap3A_810 = vector.shape_cast %swap3A_809 : vector<1x16xf32> to vector<16xf32>
      %swap3A_811 = vector.shape_cast %select_n3A_804 : vector<16xf32> to vector<1x16xf32>
      tpu.vector_store %arg9[%swap3A_807, %swap3A_808], %swap3A_811 {strides = array<i32>} : memref<32x32xf32, #tpu.memory_space<vmem>>, vector<1x16xf32>,
      %lt3A_812 = vector.broadcast %scan3A_134 : f32 to vector<16xf32>
      %lt3A_813 = arith.cmpf olt, %get3A_781, %lt3A_812 : vector<16xf32>
      %select_n3A_814 = arith.select %lt3A_813, %broadcast_in_dim3A_130, %broadcast_in_dim3A_132 : vector<16xi1>, vector<16xf32>
      %sub3A_815 = arith.constant 1 : i32
      %sub3A_816 = arith.subi %scan3A_770, %sub3A_815 : i32
      %swap3A_817 = arith.index_cast %sub3A_816 : i32 to index
      %swap3A_818 = arith.constant 0 : index
      %swap3A_819 = tpu.vector_load %arg10[%swap3A_817, %swap3A_818] {strides = array<i32>} : memref<32x32xf32, #tpu.memory_space<vmem>>, vector<1x16xf32>,
      %swap3A_820 = vector.shape_cast %swap3A_819 : vector<1x16xf32> to vector<16xf32>
      %swap3A_821 = vector.shape_cast %select_n3A_814 : vector<16xf32> to vector<1x16xf32>
      tpu.vector_store %arg10[%swap3A_817, %swap3A_818], %swap3A_821 {strides = array<i32>} : memref<32x32xf32, #tpu.memory_space<vmem>>, vector<1x16xf32>,
      %add3A_822 = arith.constant 0 : i32
      %add3A_823 = arith.addi %add3A_822, %add3A_774 : i32
      %add3A_824 = arith.constant 16 : i32
      %add3A_825 = arith.addi %add3A_823, %add3A_824 : i32
      %get3A_826 = arith.index_cast %add3A_825 : i32 to index
      %get3A_827 = tpu.vector_load %arg8[%get3A_826] {strides = array<i32>} : memref<2592xf32, #tpu.memory_space<vmem>>, vector<16xf32>,
      %get3A_828 = vector.shape_cast %get3A_827 : vector<16xf32> to vector<16xf32>
      %add3A_829 = arith.constant 1296 : i32
      %add3A_830 = arith.addi %add3A_829, %add3A_774 : i32
      %add3A_831 = arith.constant 16 : i32
      %add3A_832 = arith.addi %add3A_830, %add3A_831 : i32
      %get3A_833 = arith.index_cast %add3A_832 : i32 to index
      %get3A_834 = tpu.vector_load %arg8[%get3A_833] {strides = array<i32>} : memref<2592xf32, #tpu.memory_space<vmem>>, vector<16xf32>,
      %get3A_835 = vector.shape_cast %get3A_834 : vector<16xf32> to vector<16xf32>
      %sub3A_836 = arith.constant 1 : i32
      %sub3A_837 = arith.subi %scan3A_770, %sub3A_836 : i32
      %get3A_838 = arith.index_cast %sub3A_837 : i32 to index
      %get3A_839 = arith.constant 16 : index
      %get3A_840 = tpu.vector_load %arg6[%get3A_838, %get3A_839] {strides = array<i32>} : memref<32x32xf32, #tpu.memory_space<vmem>>, vector<1x16xf32>,
      %get3A_841 = vector.shape_cast %get3A_840 : vector<1x16xf32> to vector<16xf32>
      %add3A_842 = arith.addf %get3A_828, %get3A_835 : vector<16xf32>
      %sub3A_843 = arith.subf %add3A_842, %get3A_841 : vector<16xf32>
      %le3A_844 = arith.cmpf ole, %sub3A_843, %add3A_128 : vector<16xf32>
      %lt3A_845 = vector.broadcast %scan3A_134 : f32 to vector<16xf32>
      %lt3A_846 = arith.cmpf olt, %get3A_828, %lt3A_845 : vector<16xf32>
      %and3A_847 = arith.andi %le3A_844, %lt3A_846 : vector<16xi1>
      %lt3A_848 = vector.broadcast %scan3A_134 : f32 to vector<16xf32>
      %lt3A_849 = arith.cmpf olt, %get3A_835, %lt3A_848 : vector<16xf32>
      %and3A_850 = arith.andi %and3A_847, %lt3A_849 : vector<16xi1>
      %select_n3A_851 = arith.select %and3A_850, %broadcast_in_dim3A_130, %broadcast_in_dim3A_132 : vector<16xi1>, vector<16xf32>
      %sub3A_852 = arith.constant 1 : i32
      %sub3A_853 = arith.subi %scan3A_770, %sub3A_852 : i32
      %swap3A_854 = arith.index_cast %sub3A_853 : i32 to index
      %swap3A_855 = arith.constant 16 : index
      %swap3A_856 = tpu.vector_load %arg9[%swap3A_854, %swap3A_855] {strides = array<i32>} : memref<32x32xf32, #tpu.memory_space<vmem>>, vector<1x16xf32>,
      %swap3A_857 = vector.shape_cast %swap3A_856 : vector<1x16xf32> to vector<16xf32>
      %swap3A_858 = vector.shape_cast %select_n3A_851 : vector<16xf32> to vector<1x16xf32>
      tpu.vector_store %arg9[%swap3A_854, %swap3A_855], %swap3A_858 {strides = array<i32>} : memref<32x32xf32, #tpu.memory_space<vmem>>, vector<1x16xf32>,
      %lt3A_859 = vector.broadcast %scan3A_134 : f32 to vector<16xf32>
      %lt3A_860 = arith.cmpf olt, %get3A_828, %lt3A_859 : vector<16xf32>
      %select_n3A_861 = arith.select %lt3A_860, %broadcast_in_dim3A_130, %broadcast_in_dim3A_132 : vector<16xi1>, vector<16xf32>
      %sub3A_862 = arith.constant 1 : i32
      %sub3A_863 = arith.subi %scan3A_770, %sub3A_862 : i32
      %swap3A_864 = arith.index_cast %sub3A_863 : i32 to index
      %swap3A_865 = arith.constant 16 : index
      %swap3A_866 = tpu.vector_load %arg10[%swap3A_864, %swap3A_865] {strides = array<i32>} : memref<32x32xf32, #tpu.memory_space<vmem>>, vector<1x16xf32>,
      %swap3A_867 = vector.shape_cast %swap3A_866 : vector<1x16xf32> to vector<16xf32>
      %swap3A_868 = vector.shape_cast %select_n3A_861 : vector<16xf32> to vector<1x16xf32>
      tpu.vector_store %arg10[%swap3A_864, %swap3A_865], %swap3A_868 {strides = array<i32>} : memref<32x32xf32, #tpu.memory_space<vmem>>, vector<1x16xf32>,
      %scan3A_869 = arith.constant 7 : i32
      %scan3A_870 = arith.addi %scan3A_172, %scan3A_869 : i32
      %mul3A_871 = arith.constant 36 : i32
      %mul3A_872 = arith.muli %scan3A_870, %mul3A_871 : i32
      %add3A_873 = arith.constant 1 : i32
      %add3A_874 = arith.addi %mul3A_872, %add3A_873 : i32
      %add3A_875 = arith.constant 0 : i32
      %add3A_876 = arith.addi %add3A_875, %add3A_874 : i32
      %add3A_877 = arith.constant 0 : i32
      %add3A_878 = arith.addi %add3A_876, %add3A_877 : i32
      %get3A_879 = arith.index_cast %add3A_878 : i32 to index
      %get3A_880 = tpu.vector_load %arg8[%get3A_879] {strides = array<i32>} : memref<2592xf32, #tpu.memory_space<vmem>>, vector<16xf32>,
      %get3A_881 = vector.shape_cast %get3A_880 : vector<16xf32> to vector<16xf32>
      %add3A_882 = arith.constant 1296 : i32
      %add3A_883 = arith.addi %add3A_882, %add3A_874 : i32
      %add3A_884 = arith.constant 0 : i32
      %add3A_885 = arith.addi %add3A_883, %add3A_884 : i32
      %get3A_886 = arith.index_cast %add3A_885 : i32 to index
      %get3A_887 = tpu.vector_load %arg8[%get3A_886] {strides = array<i32>} : memref<2592xf32, #tpu.memory_space<vmem>>, vector<16xf32>,
      %get3A_888 = vector.shape_cast %get3A_887 : vector<16xf32> to vector<16xf32>
      %sub3A_889 = arith.constant 1 : i32
      %sub3A_890 = arith.subi %scan3A_870, %sub3A_889 : i32
      %get3A_891 = arith.index_cast %sub3A_890 : i32 to index
      %get3A_892 = arith.constant 0 : index
      %get3A_893 = tpu.vector_load %arg6[%get3A_891, %get3A_892] {strides = array<i32>} : memref<32x32xf32, #tpu.memory_space<vmem>>, vector<1x16xf32>,
      %get3A_894 = vector.shape_cast %get3A_893 : vector<1x16xf32> to vector<16xf32>
      %add3A_895 = arith.addf %get3A_881, %get3A_888 : vector<16xf32>
      %sub3A_896 = arith.subf %add3A_895, %get3A_894 : vector<16xf32>
      %le3A_897 = arith.cmpf ole, %sub3A_896, %add3A_128 : vector<16xf32>
      %lt3A_898 = vector.broadcast %scan3A_134 : f32 to vector<16xf32>
      %lt3A_899 = arith.cmpf olt, %get3A_881, %lt3A_898 : vector<16xf32>
      %and3A_900 = arith.andi %le3A_897, %lt3A_899 : vector<16xi1>
      %lt3A_901 = vector.broadcast %scan3A_134 : f32 to vector<16xf32>
      %lt3A_902 = arith.cmpf olt, %get3A_888, %lt3A_901 : vector<16xf32>
      %and3A_903 = arith.andi %and3A_900, %lt3A_902 : vector<16xi1>
      %select_n3A_904 = arith.select %and3A_903, %broadcast_in_dim3A_130, %broadcast_in_dim3A_132 : vector<16xi1>, vector<16xf32>
      %sub3A_905 = arith.constant 1 : i32
      %sub3A_906 = arith.subi %scan3A_870, %sub3A_905 : i32
      %swap3A_907 = arith.index_cast %sub3A_906 : i32 to index
      %swap3A_908 = arith.constant 0 : index
      %swap3A_909 = tpu.vector_load %arg9[%swap3A_907, %swap3A_908] {strides = array<i32>} : memref<32x32xf32, #tpu.memory_space<vmem>>, vector<1x16xf32>,
      %swap3A_910 = vector.shape_cast %swap3A_909 : vector<1x16xf32> to vector<16xf32>
      %swap3A_911 = vector.shape_cast %select_n3A_904 : vector<16xf32> to vector<1x16xf32>
      tpu.vector_store %arg9[%swap3A_907, %swap3A_908], %swap3A_911 {strides = array<i32>} : memref<32x32xf32, #tpu.memory_space<vmem>>, vector<1x16xf32>,
      %lt3A_912 = vector.broadcast %scan3A_134 : f32 to vector<16xf32>
      %lt3A_913 = arith.cmpf olt, %get3A_881, %lt3A_912 : vector<16xf32>
      %select_n3A_914 = arith.select %lt3A_913, %broadcast_in_dim3A_130, %broadcast_in_dim3A_132 : vector<16xi1>, vector<16xf32>
      %sub3A_915 = arith.constant 1 : i32
      %sub3A_916 = arith.subi %scan3A_870, %sub3A_915 : i32
      %swap3A_917 = arith.index_cast %sub3A_916 : i32 to index
      %swap3A_918 = arith.constant 0 : index
      %swap3A_919 = tpu.vector_load %arg10[%swap3A_917, %swap3A_918] {strides = array<i32>} : memref<32x32xf32, #tpu.memory_space<vmem>>, vector<1x16xf32>,
      %swap3A_920 = vector.shape_cast %swap3A_919 : vector<1x16xf32> to vector<16xf32>
      %swap3A_921 = vector.shape_cast %select_n3A_914 : vector<16xf32> to vector<1x16xf32>
      tpu.vector_store %arg10[%swap3A_917, %swap3A_918], %swap3A_921 {strides = array<i32>} : memref<32x32xf32, #tpu.memory_space<vmem>>, vector<1x16xf32>,
      %add3A_922 = arith.constant 0 : i32
      %add3A_923 = arith.addi %add3A_922, %add3A_874 : i32
      %add3A_924 = arith.constant 16 : i32
      %add3A_925 = arith.addi %add3A_923, %add3A_924 : i32
      %get3A_926 = arith.index_cast %add3A_925 : i32 to index
      %get3A_927 = tpu.vector_load %arg8[%get3A_926] {strides = array<i32>} : memref<2592xf32, #tpu.memory_space<vmem>>, vector<16xf32>,
      %get3A_928 = vector.shape_cast %get3A_927 : vector<16xf32> to vector<16xf32>
      %add3A_929 = arith.constant 1296 : i32
      %add3A_930 = arith.addi %add3A_929, %add3A_874 : i32
      %add3A_931 = arith.constant 16 : i32
      %add3A_932 = arith.addi %add3A_930, %add3A_931 : i32
      %get3A_933 = arith.index_cast %add3A_932 : i32 to index
      %get3A_934 = tpu.vector_load %arg8[%get3A_933] {strides = array<i32>} : memref<2592xf32, #tpu.memory_space<vmem>>, vector<16xf32>,
      %get3A_935 = vector.shape_cast %get3A_934 : vector<16xf32> to vector<16xf32>
      %sub3A_936 = arith.constant 1 : i32
      %sub3A_937 = arith.subi %scan3A_870, %sub3A_936 : i32
      %get3A_938 = arith.index_cast %sub3A_937 : i32 to index
      %get3A_939 = arith.constant 16 : index
      %get3A_940 = tpu.vector_load %arg6[%get3A_938, %get3A_939] {strides = array<i32>} : memref<32x32xf32, #tpu.memory_space<vmem>>, vector<1x16xf32>,
      %get3A_941 = vector.shape_cast %get3A_940 : vector<1x16xf32> to vector<16xf32>
      %add3A_942 = arith.addf %get3A_928, %get3A_935 : vector<16xf32>
      %sub3A_943 = arith.subf %add3A_942, %get3A_941 : vector<16xf32>
      %le3A_944 = arith.cmpf ole, %sub3A_943, %add3A_128 : vector<16xf32>
      %lt3A_945 = vector.broadcast %scan3A_134 : f32 to vector<16xf32>
      %lt3A_946 = arith.cmpf olt, %get3A_928, %lt3A_945 : vector<16xf32>
      %and3A_947 = arith.andi %le3A_944, %lt3A_946 : vector<16xi1>
      %lt3A_948 = vector.broadcast %scan3A_134 : f32 to vector<16xf32>
      %lt3A_949 = arith.cmpf olt, %get3A_935, %lt3A_948 : vector<16xf32>
      %and3A_950 = arith.andi %and3A_947, %lt3A_949 : vector<16xi1>
      %select_n3A_951 = arith.select %and3A_950, %broadcast_in_dim3A_130, %broadcast_in_dim3A_132 : vector<16xi1>, vector<16xf32>
      %sub3A_952 = arith.constant 1 : i32
      %sub3A_953 = arith.subi %scan3A_870, %sub3A_952 : i32
      %swap3A_954 = arith.index_cast %sub3A_953 : i32 to index
      %swap3A_955 = arith.constant 16 : index
      %swap3A_956 = tpu.vector_load %arg9[%swap3A_954, %swap3A_955] {strides = array<i32>} : memref<32x32xf32, #tpu.memory_space<vmem>>, vector<1x16xf32>,
      %swap3A_957 = vector.shape_cast %swap3A_956 : vector<1x16xf32> to vector<16xf32>
      %swap3A_958 = vector.shape_cast %select_n3A_951 : vector<16xf32> to vector<1x16xf32>
      tpu.vector_store %arg9[%swap3A_954, %swap3A_955], %swap3A_958 {strides = array<i32>} : memref<32x32xf32, #tpu.memory_space<vmem>>, vector<1x16xf32>,
      %lt3A_959 = vector.broadcast %scan3A_134 : f32 to vector<16xf32>
      %lt3A_960 = arith.cmpf olt, %get3A_928, %lt3A_959 : vector<16xf32>
      %select_n3A_961 = arith.select %lt3A_960, %broadcast_in_dim3A_130, %broadcast_in_dim3A_132 : vector<16xi1>, vector<16xf32>
      %sub3A_962 = arith.constant 1 : i32
      %sub3A_963 = arith.subi %scan3A_870, %sub3A_962 : i32
      %swap3A_964 = arith.index_cast %sub3A_963 : i32 to index
      %swap3A_965 = arith.constant 16 : index
      %swap3A_966 = tpu.vector_load %arg10[%swap3A_964, %swap3A_965] {strides = array<i32>} : memref<32x32xf32, #tpu.memory_space<vmem>>, vector<1x16xf32>,
      %swap3A_967 = vector.shape_cast %swap3A_966 : vector<1x16xf32> to vector<16xf32>
      %swap3A_968 = vector.shape_cast %select_n3A_961 : vector<16xf32> to vector<1x16xf32>
      tpu.vector_store %arg10[%swap3A_964, %swap3A_965], %swap3A_968 {strides = array<i32>} : memref<32x32xf32, #tpu.memory_space<vmem>>, vector<1x16xf32>,
    }
    %scan3A_139 = arith.constant 32 : i32
    %dma_start3A_140 = arith.constant 0 : i32
    %dma_start3A_141 = arith.constant 0 : i32
    %dma_start3A_142 = tpu.memref_slice %arg4[%add3A, %dma_start3A_140, %dma_start3A_141] : memref<32x32x32xf32, #tpu.memory_space<hbm>> -> memref<1x32x32xf32, #tpu.memory_space<hbm>>
    %dma_start3A_143 = tpu.memref_squeeze %dma_start3A_142 : memref<1x32x32xf32, #tpu.memory_space<hbm>> -> memref<32x32xf32, #tpu.memory_space<hbm>>
    %dma_start3A_144 = arith.constant 0 : i32
    %dma_start3A_145 = arith.constant 0 : i32
    %dma_start3A_146 = tpu.memref_slice %arg4[%add3A, %dma_start3A_144, %dma_start3A_145] : memref<32x32x32xf32, #tpu.memory_space<hbm>> -> memref<1x32x32xf32, #tpu.memory_space<hbm>>
    %dma_start3A_147 = tpu.memref_squeeze %dma_start3A_146 : memref<1x32x32xf32, #tpu.memory_space<hbm>> -> memref<32x32xf32, #tpu.memory_space<hbm>>
    tpu.enqueue_dma source(%arg9 : memref<32x32xf32, #tpu.memory_space<vmem>>) target(%dma_start3A_147 : memref<32x32xf32, #tpu.memory_space<hbm>>) target_semaphore(%arg14 : memref<!tpu.dma_semaphore, #tpu.memory_space<semaphore_mem>>)
    %dma_start3A_148 = arith.constant 0 : i32
    %dma_start3A_149 = arith.constant 0 : i32
    %dma_start3A_150 = tpu.memref_slice %arg5[%add3A, %dma_start3A_148, %dma_start3A_149] : memref<32x32x32xf32, #tpu.memory_space<hbm>> -> memref<1x32x32xf32, #tpu.memory_space<hbm>>
    %dma_start3A_151 = tpu.memref_squeeze %dma_start3A_150 : memref<1x32x32xf32, #tpu.memory_space<hbm>> -> memref<32x32xf32, #tpu.memory_space<hbm>>
    %dma_start3A_152 = arith.constant 0 : i32
    %dma_start3A_153 = arith.constant 0 : i32
    %dma_start3A_154 = tpu.memref_slice %arg5[%add3A, %dma_start3A_152, %dma_start3A_153] : memref<32x32x32xf32, #tpu.memory_space<hbm>> -> memref<1x32x32xf32, #tpu.memory_space<hbm>>
    %dma_start3A_155 = tpu.memref_squeeze %dma_start3A_154 : memref<1x32x32xf32, #tpu.memory_space<hbm>> -> memref<32x32xf32, #tpu.memory_space<hbm>>
    tpu.enqueue_dma source(%arg10 : memref<32x32xf32, #tpu.memory_space<vmem>>) target(%dma_start3A_155 : memref<32x32xf32, #tpu.memory_space<hbm>>) target_semaphore(%arg15 : memref<!tpu.dma_semaphore, #tpu.memory_space<semaphore_mem>>)
    %dma_wait3A_156 = arith.constant 0 : i32
    %dma_wait3A_157 = arith.constant 0 : i32
    %dma_wait3A_158 = tpu.memref_slice %arg4[%add3A, %dma_wait3A_156, %dma_wait3A_157] : memref<32x32x32xf32, #tpu.memory_space<hbm>> -> memref<1x32x32xf32, #tpu.memory_space<hbm>>
    %dma_wait3A_159 = tpu.memref_squeeze %dma_wait3A_158 : memref<1x32x32xf32, #tpu.memory_space<hbm>> -> memref<32x32xf32, #tpu.memory_space<hbm>>
    %dma_wait3A_160 = arith.constant 0 : i32
    %dma_wait3A_161 = arith.constant 0 : i32
    %dma_wait3A_162 = tpu.memref_slice %arg4[%add3A, %dma_wait3A_160, %dma_wait3A_161] : memref<32x32x32xf32, #tpu.memory_space<hbm>> -> memref<1x32x32xf32, #tpu.memory_space<hbm>>
    %dma_wait3A_163 = tpu.memref_squeeze %dma_wait3A_162 : memref<1x32x32xf32, #tpu.memory_space<hbm>> -> memref<32x32xf32, #tpu.memory_space<hbm>>
    tpu.wait_dma2 semaphore(%arg14 : memref<!tpu.dma_semaphore, #tpu.memory_space<semaphore_mem>>) src(%arg9 : memref<32x32xf32, #tpu.memory_space<vmem>>) dst(%dma_wait3A_163 : memref<32x32xf32, #tpu.memory_space<hbm>>)
    %dma_wait3A_164 = arith.constant 0 : i32
    %dma_wait3A_165 = arith.constant 0 : i32
    %dma_wait3A_166 = tpu.memref_slice %arg5[%add3A, %dma_wait3A_164, %dma_wait3A_165] : memref<32x32x32xf32, #tpu.memory_space<hbm>> -> memref<1x32x32xf32, #tpu.memory_space<hbm>>
    %dma_wait3A_167 = tpu.memref_squeeze %dma_wait3A_166 : memref<1x32x32xf32, #tpu.memory_space<hbm>> -> memref<32x32xf32, #tpu.memory_space<hbm>>
    %dma_wait3A_168 = arith.constant 0 : i32
    %dma_wait3A_169 = arith.constant 0 : i32
    %dma_wait3A_170 = tpu.memref_slice %arg5[%add3A, %dma_wait3A_168, %dma_wait3A_169] : memref<32x32x32xf32, #tpu.memory_space<hbm>> -> memref<1x32x32xf32, #tpu.memory_space<hbm>>
    %dma_wait3A_171 = tpu.memref_squeeze %dma_wait3A_170 : memref<1x32x32xf32, #tpu.memory_space<hbm>> -> memref<32x32xf32, #tpu.memory_space<hbm>>
    tpu.wait_dma2 semaphore(%arg15 : memref<!tpu.dma_semaphore, #tpu.memory_space<semaphore_mem>>) src(%arg10 : memref<32x32xf32, #tpu.memory_space<vmem>>) dst(%dma_wait3A_171 : memref<32x32xf32, #tpu.memory_space<hbm>>)
    return
  }
}

</mosaic_0001>

<sc_bundles>
// kernel: kernel.3.cloned.1.call-start
scs
__scs_entry_jumppad:
0x0: {  	(pc) =	sbr.rel $0x88, $3  }
0x1: {  	(tag) =	ssettag $0x0;
	lr =	simm.s32 $0x1  }
0x2: {  	[smem:$0x3F9E] =	sst lr;
	_ =	strace $0xD0000000  }
0x3: {  	_ = 	snop  }
0x4: {  	_ = 	snop  }
0x5: {  	_ = 	snop  }
0x6: {  	_ = 	snop  }
0x7: {  	_ = 	snop  }
__scs_overlays_trampoline_lowered:
0x8: {  	[smem:$0x3FAD] =	sst s0  }
0x9: {  	[smem:$0x3FAE] =	sst s1  }
0xa: {  	[smem:$0x3FAF] =	sst s2  }
0xb: {  	[smem:$0x3FB0] =	sst s3  }
0xc: {  	[smem:$0x3FB1] =	sst s4  }
0xd: {  	[smem:$0x3FB2] =	sst s5  }
0xe: {  	[smem:$0x3FB3] =	sst s6  }
0xf: {  	[smem:$0x3FB4] =	sst s7  }
0x10: {  	[smem:$0x3FB5] =	sst s8  }
0x11: {  	[smem:$0x3FB6] =	sst s9;
	s0 =	simm.s32 @!p0 $0x0  }
0x12: {  	s1 =	sld [smem:$0x3F9C];
	s0 =	simm.s32 @p0 $0x1  }
0x13: {  	[smem:$0x3FB7] =	sst s0;
	s0 =	simm.s32 @!p1 $0x0  }
0x14: {  	s2 =	sld [smem:$0x3F9B];
	s0 =	simm.s32 @p1 $0x1  }
0x15: {  	[smem:$0x3FB8] =	sst s0;
	s0 =	simm.s32 @!p2 $0x0  }
0x16: {  	s3 =	sld [smem:$0x3FDB];
	s0 =	simm.s32 @p2 $0x1  }
0x17: {  	s4 =	simm.s32 $0x1BF5;
	[smem:$0x3FBA] =	sst s0  }
0x18: {  	s0 =	sld [smem:$0x3F9D];
	_ =	swait.ge [sflag:s4], $0x0  }
0x19: {  	s7 =	sld [smem:$0x3F9E]  }
0x1a: {  	s8 =	sadd.s32 $0xFFFFE003, lr  }
0x1b: {  	s9 =	sadd.s32 $0xFFFFFEF7, lr;
	s5 =	simm.s32 $0xFFFFFFFF;
	p2 =	slt.u32 s8, $0xFFFFF086  }
0x1c: {  	p1 =	slt.u32 s9, $0xF7A;
	s5 =	simm.s32 @!p2 $0x0  }
0x1d: {  	s5 =	simm.s32 @p1 $0x1;
	p0 =	seq.s32 s7, s2  }
0x1e: {  	s7 =	smul.u32 @!p0 $0xF7A, s2;
	p2 =	seq.s32 @!p0 s5, $0x0  }
0x1f: {  	s9 =	smul.u32 $0xF7A, s1;
	s8 =	simm.s32 @!p0 $0x1BF5;
	p2 =	por !p2, p0  }
0x20: {  	[sflag:s8] =	ssyncset.s32 @!p0 $0xFFFFF086;
	s6 =	sadd.s32 @!p0 s3, s7;
	s7 =	simm.s32 @!p0 $0x108  }
0x21: {  	s3 =	sadd.s32 s3, s9;
	s6 =	sadd.s32 @!p0 $0x88, s6;
	s7 =	simm.s32 @p2 $0x1082  }
0x22: {  	[simem:s7], [sflag:s8] =	dma.local @!p0 [hbm:s6], $0xF7A  }
0x23: {  	s9 =	sor.u32 $0xD0000000, s2;
	s6 =	simm.s32 $0x108;
	_ =	swait.ge @!p0 [sflag:s8], $0x0  }
0x24: {  	s3 =	sadd.s32 $0x88, s3;
	s6 =	simm.s32 @!p1 $0x1082;
	[sflag:s4] =	ssyncset.s32 $0xFFFFF086  }
0x25: {  	[simem:s6], [sflag:s4] =	dma.local [hbm:s3], $0xF7A  }
0x26: {  	[smem:$0x3F9E] =	sst s1;
	(tag) =	ssettag s2;
	_ =	strace s9  }
0x27: {  	s1 =	sld [smem:$0x3FAE]  }
0x28: {  	s2 =	sld [smem:$0x3FAF]  }
0x29: {  	s4 =	sld [smem:$0x3FB1]  }
0x2a: {  	p0 =	seq.s32 s5, $0x0;
	s5 =	sld [smem:$0x3FB2]  }
0x2b: {  	s6 =	sld [smem:$0x3FB3]  }
0x2c: {  	s7 =	sld [smem:$0x3FB4]  }
0x2d: {  	s3 =	simm.s32 $0x108;
	s8 =	sld [smem:$0x3FB5]  }
0x2e: {  	s3 =	simm.s32 @!p0 $0x1082;
	s9 =	sld [smem:$0x3FB6]  }
0x2f: {  	lr =	sadd.s32 s0, s3;
	s0 =	sld [smem:$0x3FAD]  }
0x30: {  	s3 =	sld [smem:$0x3FB0]  }
0x31: {  	[smem:$0x3FB9] =	sst s10  }
0x32: {  	s10 =	sld [smem:$0x3FB7];
	_ =	sdelay $0x3  }
0x33: {  	p0 =	seq.s32 s10, $0x1;
	s10 =	sld [smem:$0x3FB9];
	_ =	sdelay $0x3  }
0x34: {  	[smem:$0x3FB9] =	sst s10  }
0x35: {  	s10 =	sld [smem:$0x3FB8];
	_ =	sdelay $0x3  }
0x36: {  	p1 =	seq.s32 s10, $0x1;
	s10 =	sld [smem:$0x3FB9];
	_ =	sdelay $0x3  }
0x37: {  	[smem:$0x3FB9] =	sst s10  }
0x38: {  	s10 =	sld [smem:$0x3FBA]  }
0x39: {  	_ = 	snop;
	(pc) =	sbr.ind lr, $3  }
0x3a: {  	_ = 	snop  }
0x3b: {  	_ = 	snop  }
0x3c: {  	p2 =	seq.s32 s10, $0x1;
	s10 =	sld [smem:$0x3FB9]  }
0x3d: {  	_ =	shalt  }
0x3e: {  	_ =	shalt  }
0x3f: {  	_ =	shalt  }
0x40: {  	_ =	shalt  }
0x41: {  	_ =	shalt  }
0x42: {  	_ =	shalt  }
0x43: {  	_ =	shalt  }
0x44: {  	_ =	shalt  }
0x45: {  	_ =	shalt  }
0x46: {  	_ =	shalt  }
0x47: {  	_ =	shalt  }
0x48: {  	_ =	shalt  }
0x49: {  	_ =	shalt  }
0x4a: {  	_ =	shalt  }
0x4b: {  	_ =	shalt  }
0x4c: {  	_ =	shalt  }
0x4d: {  	_ =	shalt  }
0x4e: {  	_ =	shalt  }
0x4f: {  	_ =	shalt  }
0x50: {  	_ =	shalt  }
0x51: {  	_ =	shalt  }
0x52: {  	_ =	shalt  }
0x53: {  	_ =	shalt  }
0x54: {  	_ =	shalt  }
0x55: {  	_ =	shalt  }
0x56: {  	_ =	shalt  }
0x57: {  	_ =	shalt  }
0x58: {  	_ =	shalt  }
0x59: {  	_ =	shalt  }
0x5a: {  	_ =	shalt  }
0x5b: {  	_ =	shalt  }
0x5c: {  	_ =	shalt  }
0x5d: {  	_ =	shalt  }
0x5e: {  	_ =	shalt  }
0x5f: {  	_ =	shalt  }
0x60: {  	_ =	shalt  }
0x61: {  	_ =	shalt  }
0x62: {  	_ =	shalt  }
0x63: {  	_ =	shalt  }
0x64: {  	_ =	shalt  }
0x65: {  	_ =	shalt  }
0x66: {  	_ =	shalt  }
0x67: {  	_ =	shalt  }
0x68: {  	_ =	shalt  }
0x69: {  	_ =	shalt  }
0x6a: {  	_ =	shalt  }
0x6b: {  	_ =	shalt  }
0x6c: {  	_ =	shalt  }
0x6d: {  	_ =	shalt  }
0x6e: {  	_ =	shalt  }
0x6f: {  	_ =	shalt  }
0x70: {  	_ =	shalt  }
0x71: {  	_ =	shalt  }
0x72: {  	_ =	shalt  }
0x73: {  	_ =	shalt  }
0x74: {  	_ =	shalt  }
0x75: {  	_ =	shalt  }
0x76: {  	_ =	shalt  }
0x77: {  	_ =	shalt  }
0x78: {  	_ =	shalt  }
0x79: {  	_ =	shalt  }
0x7a: {  	_ =	shalt  }
0x7b: {  	_ =	shalt  }
0x7c: {  	_ =	shalt  }
0x7d: {  	_ =	shalt  }
0x7e: {  	_ =	shalt  }
0x7f: {  	_ =	shalt  }
0x80: {  	_ =	shalt  }
0x81: {  	_ =	shalt  }
0x82: {  	_ =	shalt  }
0x83: {  	_ =	shalt  }
0x84: {  	_ =	shalt  }
0x85: {  	_ =	shalt  }
0x86: {  	_ =	shalt  }
0x87: {  	_ =	shalt  }
.Lfunc_end0:
.L_simem_size_0:
called_computation_lowered:
.L_overlay_start_0:
0x88: {  	s2 =	sld [smem:$0x3FD9]  }
0x89: {  	s3 =	sld [smem:$0x3FFE];
	_ =	sdelay $0x1  }
0x8a: {  	s1 =	srdreg.scid  }
0x8b: {  	s0 =	sand.u32 $0x1, s1  }
0x8c: {  	s14 =	sshll.u32 s0, $0xA;
	s2 =	sadd.s32 s3, s2  }
0x8d: {  	s2 =	sadd.s32 s2, s14  }
0x8e: {  	[smem:$0x3FC5] =	sst s2  }
0x8f: {  	_ = 	snop  }
0x90: {  	s2 =	sld [smem:$0x3FD0];
	_ =	sdelay $0x2  }
0x91: {  	s4 =	simm.s32 $0xA;
	s5 =	simm.s32 $0x10;
	s15 =	sld [smem:$0x3FC9]  }
0x92: {  	[smem:s5], [sflag:s4] =	dma.local [hbm:s2], $0x1  }
0x93: {  	_ =	swait.eq [sflag:s4], $0x1  }
0x94: {  	[sflag:s4] =	ssyncset.done $0x0  }
0x95: {  	s16 =	sld [smem:$0x10];
	[sflag:s4] =	ssyncadd.s32 $0xFFFFFFFF  }
0x96: {  	s17 =	sld [smem:$0x11];
	(tm) =	ssettm $0x1  }
0x97: {  	s18 =	sld [smem:$0x3FFB];
	_ =	sdelay $0x3  }
0x98: {  	_ =	strace s18  }
0x99: {  	s5 =	sld [smem:$0x3FFC];
	_ =	sdelay $0x3  }
0x9a: {  	_ =	strace s5  }
0x9b: {  	s5 =	sld [smem:$0x3FFD];
	_ =	sdelay $0x3  }
0x9c: {  	_ =	strace s5  }
0x9d: {  	_ =	strace $0x8FFFFFFF  }
0x9e: {  	s19 =	sld [smem:$0x3FDB];
	_ =	sdelay $0x1  }
0x9f: {  	s6 =	simm.s32 $_scs_section_size  }
0xa0: {  	s7 =	simm.s32 $_size__tile_overlayer_lowered;
	s8 =	simm.s32 $_tile_overlayer_lowered  }
0xa1: {  	s22 =	simm.s32 $0x1BFF;
	s21 =	sshll.u32 s8, $0x1;
	s5 =	sadd.s32 s6, s19  }
0xa2: {  	s9 =	simm.s32 $0x0;
	s20 =	sshll.u32 s7, $0x1;
	s7 =	sadd.s32 s21, s5  }
0xa3: {  	[timem:s9], [sflag:s22] =	dma.local [hbm:s7], s20  }
0xa4: {  	_ =	swait.ge [sflag:s22], s20  }
0xa5: {  	s6 =	ssub.s32 $0x0, s20;
	[sflag:s22] =	ssyncset.done $0x0  }
0xa6: {  	[sflag:s22] =	ssyncadd.s32 s6;
	_ =	sdelay $0x1  }
0xa7: {  	s23 =	simm.s32 $0x1B8B  }
0xa8: {  	_ =	swait.ge [sflag:s23], $0x1  }
0xa9: {  	[sflag:s23] =	ssyncset.done $0x0  }
0xaa: {  	s25 =	simm.s32 $0x1B8E;
	s24 =	sld [smem:$0x3FFE];
	[sflag:s23] =	ssyncadd.s32 $0xFFFFFFFF  }
0xab: {  	s26 =	simm.s32 $execute0_lowered;
	[smem:$0x3FD2] =	sst s25  }
0xac: {  	s7 =	sshll.u32 s26, $0x1;
	_ =	strace $0x80000046;
	[dreg:$0x1] =	wrdreg $0xFFFFFFFF  }
0xad: {  	s28 =	simm.s32 $_size_execute0_lowered;
	s5 =	sadd.s32 s5, s7;
	[dreg:$0x0] =	wrdreg $0x0  }
0xae: {  	s7 =	sshll.u32 s28, $0x1;
	[dreg:$0x2] =	wrdreg s5  }
0xaf: {  	[dreg:$0x3] =	wrdreg s7  }
0xb0: {  	[dreg:$0x4] =	wrdreg $0xC0  }
0xb1: {  	_ =	task [dreg:s9], $0x5FFFF  }
0xb2: {  	[dreg:$0x1] =	wrdreg $0xFFFFFFFF  }
0xb3: {  	[dreg:$0x0] =	wrdreg $0x60  }
0xb4: {  	[dreg:$0x2] =	wrdreg s15  }
0xb5: {  	[dreg:$0x3] =	wrdreg s24  }
0xb6: {  	[dreg:$0x4] =	wrdreg s16  }
0xb7: {  	[dreg:$0x5] =	wrdreg s17  }
0xb8: {  	[dreg:$0x6] =	wrdreg $0x9  }
0xb9: {  	_ =	task.clear_ibuf [dreg:s9], $0x7FFFF;
	_ =	strace $0x90000046  }
0xba: {  	s29 =	simm.s32 $0x9;
	_ =	strace $0x80000048  }
0xbb: {  	_ =	swait.ge [sflag:s29], $0x1  }
0xbc: {  	[sflag:s29] =	ssyncadd.s32 $0xFFFFFFFF  }
0xbd: {  	_ =	strace $0x90000048  }
0xbe: {  	_ =	sfence  }
0xbf: {  	s30 =	sld [smem:$0x0];
	_ =	sdelay $0x2  }
0xc0: {  	s31 =	sshll.u32 s1, $0xD;
	s1 =	sshrl.u32 s1, $0x2  }
0xc1: {  	s3 =	sand.u32 $0x4000, s31;
	s1 =	sadd.s32 s1, s30  }
0xc2: {  	s0 =	sor.u32 s3, s0;
	s1 =	sshll.u32 s1, $0x11  }
0xc3: {  	s0 =	sor.u32 s1, s0  }
0xc4: {  	s0 =	sadd.s32 $0x8F2B, s0  }
0xc5: {  	[sflag:s0] =	ssyncadd.remote.s32 $0x1  }
0xc6: {  	_ =	sfence.sel $0xFFFF  }
0xc7: {  	[dreg:$0x0] =	wrdreg $0xFFFFFFFF;
	(pc) =	sbr.abs _section_cstart, $3  }
0xc8: {  	[dreg:$0x1] =	wrdreg $0xFFFFFFFF  }
0xc9: {  	_ =	task.clear_ibuf [dreg:s9], $0x2FFFF;
	_ =	strace $0x9FFFFFFF  }
0xca: {  	(tm) =	ssettm $0x7FFFFFFF  }
0xcb: {  	_ =	shalt  }
tec
execute0_lowered:
.L_overlay_start_1:
0x0: {  	(tag) =	ssettag $0x1  }
0x1: {  	v0 =	vimm.s32 $0xEDCBA987  }
0x2: {  	v1 =	vimm.s32 $0x6543210F;
	v4 =	vimm.s32 $0xEFCDAB89;
	v6 =	vimm.s32 $0x67452301  }
0x3: {  	v7 =	vimm.s32 $0xDCFE98BA;
	v0 =	vunpack.c.l.s4.s8 v0;
	v1 =	vunpack.c.l.s4.s8 v1  }
0x4: {  	v8 =	vimm.s32 $0x54761032;
	v10 =	vimm.s32 $0x76543210;
	vm0 =	vmmov $0x7fff  }
0x5: {  	s3 =	rddreg [dreg:$0x0];
	v2 =	vunpack.c.0.s8.s32 v0;
	v1 =	vunpack.c.0.s8.s32 v1;
	v0 =	vimm.s32 $0xFEDCBA9  }
0x6: {  	s4 =	rddreg [dreg:$0x1];
	v4 =	vunpack.c.l.s4.s8 v4;
	v3 =	vunpack.c.l.s4.s8 v0;
	v0 =	vimm.s32 $0x87654321  }
0x7: {  	s5 =	rddreg [dreg:$0x2];
	v5 =	vunpack.c.l.s4.s8 v0;
	v2 =	vcombine.low v1, v2;
	v1 =	vunpack.c.l.s4.s8 v6  }
0x8: {  	s6 =	rddreg [dreg:$0x3];
	vm1 =	vmmov $0x1;
	v7 =	vunpack.c.l.s4.s8 v7;
	v4 =	vunpack.c.0.s8.s32 v4  }
0x9: {  	s0 =	rddreg [dreg:$0x4];
	v3 =	vunpack.c.0.s8.s32 v3;
	v5 =	vunpack.c.0.s8.s32 v5;
	v6 =	vunpack.c.0.s8.s32 v1  }
0xa: {  	s2 =	simm.s32 $0x0;
	s7 =	srdreg.scid;
	s1 =	stileid.u32;
	v8 =	vunpack.c.l.s4.s8 v8;
	v10 =	vunpack.c.l.s4.s8 v10;
	v0 =	vimm.f32 $1.000000000e+09  }
0xb: {  	s11 =	simm.s32 $0x1B00;
	s12 =	simm.s32 $0x2B00;
	s13 =	simm.s32 $0x3;
	v9 =	vcombine.low v5, v3;
	v3 =	vcombine.low v6, v4;
	v4 =	vunpack.c.0.s8.s32 v7  }
0xc: {  	s14 =	simm.s32 $0x4;
	s7 =	sand.u32 $0x1, s7;
	s8 =	sshll.u32 s1, $0x1;
	v5 =	vunpack.c.0.s8.s32 v8;
	v6 =	vimm.s32 $0xBA98FEDC;
	v8 =	vimm.s32 $0xFEDCBA98  }
0xd: {  	s15 =	simm.s32 $0x0;
	[smem:$0x7FF] =	sst s2;
	s8 =	sor.u32 s7, s8;
	v7 =	vimm.s32 $0x32107654;
	v6 =	vunpack.c.l.s4.s8 v6;
	v8 =	vunpack.c.l.s4.s8 v8  }
0xe: {  	_ =	strace $0x80000047;
	s7 =	ssub.s32 $0x2, s7;
	s9 =	sshll.u32 s8, $0x4;
	v1 =	vlaneseq.u32;
	v2 =	vand.u32 $0xF, v2;
	v7 =	vunpack.c.l.s4.s8 v7  }
0xf: {  	s10 =	sshrl.u32 s7, $0x1;
	s8 =	sshll.u32 s8, $0x9;
	s4 =	sadd.s32 s9, s4;
	v4 =	vcombine.low v5, v4;
	v11 =	vunpack.c.0.s8.s32 v6;
	v12 =	vunpack.c.0.s8.s32 v8  }
0x10: {  	s7 =	ssub.s32 s7, s10;
	s3 =	sadd.s32 s3, s8;
	s5 =	sadd.s32 s5, s8;
	v7 =	vunpack.c.0.s8.s32 v7;
	v6 =	vand.u32 $0xF, v9;
	v9 =	vunpack.c.0.s8.s32 v10  }
0x11: {  	s6 =	sadd.s32 s6, s8;
	s8 =	simm.s32 $0x1000;
	s9 =	simm.s32 $0x1;
	v5 =	vimm.s32 $0x0;
	v8 =	vimm.s32 $0xF;
	v10 =	vand.u32 $0xF, v12  }
0x12: {  	s10 =	simm.s32 $0x2;
	s4 =	sadd.s32 $0xC00, s4;
	s7 =	smax.u32 s7, $0x1;
	v7 =	vcombine.low v7, v11;
	v9 =	vcombine.low v10, v9;
	v10 =	vimm.f32 $0.0e+00  }
.LBB2_1:
0x13: {  	[tilespmem:s2], [sflag:$0x1] =	stream.linear.gather [hbm4b:s3+s2], $0x1000, $0x38;
	[tilespmem:$0x3B80] =	vst v63  }
0x14: {  	_ = 	snop  }
0x15: {  	[tilespmem:s8], [sflag:$0x2] =	stream.linear.gather [hbm4b:s4+s2], $0x80, $0x38;
	[tilespmem:$0x3B80] =	vst v63  }
0x16: {  	[tilespmem:$0x1080] =	vst v0  }
0x17: {  	[tilespmem:$0x1090] =	vst v0  }
0x18: {  	[tilespmem:$0x10A0] =	vst v0  }
0x19: {  	[tilespmem:$0x10B0] =	vst v0  }
0x1a: {  	[tilespmem:$0x10C0] =	vst v0  }
0x1b: {  	[tilespmem:$0x10D0] =	vst v0  }
0x1c: {  	[tilespmem:$0x10E0] =	vst v0  }
0x1d: {  	[tilespmem:$0x10F0] =	vst v0  }
0x1e: {  	[tilespmem:$0x1100] =	vst v0  }
0x1f: {  	[tilespmem:$0x1110] =	vst v0  }
0x20: {  	[tilespmem:$0x1120] =	vst v0  }
0x21: {  	[tilespmem:$0x1130] =	vst v0  }
0x22: {  	[tilespmem:$0x1140] =	vst v0  }
0x23: {  	[tilespmem:$0x1150] =	vst v0  }
0x24: {  	[tilespmem:$0x1160] =	vst v0  }
0x25: {  	[tilespmem:$0x1170] =	vst v0  }
0x26: {  	[tilespmem:$0x1180] =	vst v0  }
0x27: {  	[tilespmem:$0x1190] =	vst v0  }
0x28: {  	[tilespmem:$0x11A0] =	vst v0  }
0x29: {  	[tilespmem:$0x11B0] =	vst v0  }
0x2a: {  	[tilespmem:$0x11C0] =	vst v0  }
0x2b: {  	[tilespmem:$0x11D0] =	vst v0  }
0x2c: {  	[tilespmem:$0x11E0] =	vst v0  }
0x2d: {  	[tilespmem:$0x11F0] =	vst v0  }
0x2e: {  	[tilespmem:$0x1200] =	vst v0  }
0x2f: {  	[tilespmem:$0x1210] =	vst v0  }
0x30: {  	[tilespmem:$0x1220] =	vst v0  }
0x31: {  	[tilespmem:$0x1230] =	vst v0  }
0x32: {  	[tilespmem:$0x1240] =	vst v0  }
0x33: {  	[tilespmem:$0x1250] =	vst v0  }
0x34: {  	[tilespmem:$0x1260] =	vst v0  }
0x35: {  	[tilespmem:$0x1270] =	vst v0  }
0x36: {  	[tilespmem:$0x1280] =	vst v0  }
0x37: {  	[tilespmem:$0x1290] =	vst v0  }
0x38: {  	[tilespmem:$0x12A0] =	vst v0  }
0x39: {  	[tilespmem:$0x12B0] =	vst v0  }
0x3a: {  	[tilespmem:$0x12C0] =	vst v0  }
0x3b: {  	[tilespmem:$0x12D0] =	vst v0  }
0x3c: {  	[tilespmem:$0x12E0] =	vst v0  }
0x3d: {  	[tilespmem:$0x12F0] =	vst v0  }
0x3e: {  	[tilespmem:$0x1300] =	vst v0  }
0x3f: {  	[tilespmem:$0x1310] =	vst v0  }
0x40: {  	[tilespmem:$0x1320] =	vst v0  }
0x41: {  	[tilespmem:$0x1330] =	vst v0  }
0x42: {  	[tilespmem:$0x1340] =	vst v0  }
0x43: {  	[tilespmem:$0x1350] =	vst v0  }
0x44: {  	[tilespmem:$0x1360] =	vst v0  }
0x45: {  	[tilespmem:$0x1370] =	vst v0  }
0x46: {  	[tilespmem:$0x1380] =	vst v0  }
0x47: {  	[tilespmem:$0x1390] =	vst v0  }
0x48: {  	[tilespmem:$0x13A0] =	vst v0  }
0x49: {  	[tilespmem:$0x13B0] =	vst v0  }
0x4a: {  	[tilespmem:$0x13C0] =	vst v0  }
0x4b: {  	[tilespmem:$0x13D0] =	vst v0  }
0x4c: {  	[tilespmem:$0x13E0] =	vst v0  }
0x4d: {  	[tilespmem:$0x13F0] =	vst v0  }
0x4e: {  	[tilespmem:$0x1400] =	vst v0  }
0x4f: {  	[tilespmem:$0x1410] =	vst v0  }
0x50: {  	[tilespmem:$0x1420] =	vst v0  }
0x51: {  	[tilespmem:$0x1430] =	vst v0  }
0x52: {  	[tilespmem:$0x1440] =	vst v0  }
0x53: {  	[tilespmem:$0x1450] =	vst v0  }
0x54: {  	[tilespmem:$0x1460] =	vst v0  }
0x55: {  	[tilespmem:$0x1470] =	vst v0  }
0x56: {  	[tilespmem:$0x1480] =	vst v0  }
0x57: {  	[tilespmem:$0x1490] =	vst v0  }
0x58: {  	[tilespmem:$0x14A0] =	vst v0  }
0x59: {  	[tilespmem:$0x14B0] =	vst v0  }
0x5a: {  	[tilespmem:$0x14C0] =	vst v0  }
0x5b: {  	[tilespmem:$0x14D0] =	vst v0  }
0x5c: {  	[tilespmem:$0x14E0] =	vst v0  }
0x5d: {  	[tilespmem:$0x14F0] =	vst v0  }
0x5e: {  	[tilespmem:$0x1500] =	vst v0  }
0x5f: {  	[tilespmem:$0x1510] =	vst v0  }
0x60: {  	[tilespmem:$0x1520] =	vst v0  }
0x61: {  	[tilespmem:$0x1530] =	vst v0  }
0x62: {  	[tilespmem:$0x1540] =	vst v0  }
0x63: {  	[tilespmem:$0x1550] =	vst v0  }
0x64: {  	[tilespmem:$0x1560] =	vst v0  }
0x65: {  	[tilespmem:$0x1570] =	vst v0  }
0x66: {  	[tilespmem:$0x1580] =	vst v0  }
0x67: {  	[tilespmem:$0x1590] =	vst v0  }
0x68: {  	[tilespmem:$0x15A0] =	vst v0  }
0x69: {  	[tilespmem:$0x15B0] =	vst v0  }
0x6a: {  	[tilespmem:$0x15C0] =	vst v0  }
0x6b: {  	[tilespmem:$0x15D0] =	vst v0  }
0x6c: {  	[tilespmem:$0x15E0] =	vst v0  }
0x6d: {  	[tilespmem:$0x15F0] =	vst v0  }
0x6e: {  	[tilespmem:$0x1600] =	vst v0  }
0x6f: {  	[tilespmem:$0x1610] =	vst v0  }
0x70: {  	[tilespmem:$0x1620] =	vst v0  }
0x71: {  	[tilespmem:$0x1630] =	vst v0  }
0x72: {  	[tilespmem:$0x1640] =	vst v0  }
0x73: {  	[tilespmem:$0x1650] =	vst v0  }
0x74: {  	[tilespmem:$0x1660] =	vst v0  }
0x75: {  	[tilespmem:$0x1670] =	vst v0  }
0x76: {  	[tilespmem:$0x1680] =	vst v0  }
0x77: {  	[tilespmem:$0x1690] =	vst v0  }
0x78: {  	[tilespmem:$0x16A0] =	vst v0  }
0x79: {  	[tilespmem:$0x16B0] =	vst v0  }
0x7a: {  	[tilespmem:$0x16C0] =	vst v0  }
0x7b: {  	[tilespmem:$0x16D0] =	vst v0  }
0x7c: {  	[tilespmem:$0x16E0] =	vst v0  }
0x7d: {  	[tilespmem:$0x16F0] =	vst v0  }
0x7e: {  	[tilespmem:$0x1700] =	vst v0  }
0x7f: {  	[tilespmem:$0x1710] =	vst v0  }
0x80: {  	[tilespmem:$0x1720] =	vst v0  }
0x81: {  	[tilespmem:$0x1730] =	vst v0  }
0x82: {  	[tilespmem:$0x1740] =	vst v0  }
0x83: {  	[tilespmem:$0x1750] =	vst v0  }
0x84: {  	[tilespmem:$0x1760] =	vst v0  }
0x85: {  	[tilespmem:$0x1770] =	vst v0  }
0x86: {  	[tilespmem:$0x1780] =	vst v0  }
0x87: {  	[tilespmem:$0x1790] =	vst v0  }
0x88: {  	[tilespmem:$0x17A0] =	vst v0  }
0x89: {  	[tilespmem:$0x17B0] =	vst v0  }
0x8a: {  	[tilespmem:$0x17C0] =	vst v0  }
0x8b: {  	[tilespmem:$0x17D0] =	vst v0  }
0x8c: {  	[tilespmem:$0x17E0] =	vst v0  }
0x8d: {  	[tilespmem:$0x17F0] =	vst v0  }
0x8e: {  	[tilespmem:$0x1800] =	vst v0  }
0x8f: {  	[tilespmem:$0x1810] =	vst v0  }
0x90: {  	[tilespmem:$0x1820] =	vst v0  }
0x91: {  	[tilespmem:$0x1830] =	vst v0  }
0x92: {  	[tilespmem:$0x1840] =	vst v0  }
0x93: {  	[tilespmem:$0x1850] =	vst v0  }
0x94: {  	[tilespmem:$0x1860] =	vst v0  }
0x95: {  	[tilespmem:$0x1870] =	vst v0  }
0x96: {  	[tilespmem:$0x1880] =	vst v0  }
0x97: {  	[tilespmem:$0x1890] =	vst v0  }
0x98: {  	[tilespmem:$0x18A0] =	vst v0  }
0x99: {  	[tilespmem:$0x18B0] =	vst v0  }
0x9a: {  	[tilespmem:$0x18C0] =	vst v0  }
0x9b: {  	[tilespmem:$0x18D0] =	vst v0  }
0x9c: {  	[tilespmem:$0x18E0] =	vst v0  }
0x9d: {  	[tilespmem:$0x18F0] =	vst v0  }
0x9e: {  	[tilespmem:$0x1900] =	vst v0  }
0x9f: {  	[tilespmem:$0x1910] =	vst v0  }
0xa0: {  	[tilespmem:$0x1920] =	vst v0  }
0xa1: {  	[tilespmem:$0x1930] =	vst v0  }
0xa2: {  	[tilespmem:$0x1940] =	vst v0  }
0xa3: {  	[tilespmem:$0x1950] =	vst v0  }
0xa4: {  	[tilespmem:$0x1960] =	vst v0  }
0xa5: {  	[tilespmem:$0x1970] =	vst v0  }
0xa6: {  	[tilespmem:$0x1980] =	vst v0  }
0xa7: {  	[tilespmem:$0x1990] =	vst v0  }
0xa8: {  	[tilespmem:$0x19A0] =	vst v0  }
0xa9: {  	[tilespmem:$0x19B0] =	vst v0  }
0xaa: {  	[tilespmem:$0x19C0] =	vst v0  }
0xab: {  	[tilespmem:$0x19D0] =	vst v0  }
0xac: {  	[tilespmem:$0x19E0] =	vst v0  }
0xad: {  	[tilespmem:$0x19F0] =	vst v0  }
0xae: {  	[tilespmem:$0x1A00] =	vst v0  }
0xaf: {  	[tilespmem:$0x1A10] =	vst v0  }
0xb0: {  	[tilespmem:$0x1A20] =	vst v0  }
0xb1: {  	[tilespmem:$0x1A30] =	vst v0  }
0xb2: {  	[tilespmem:$0x1A40] =	vst v0  }
0xb3: {  	[tilespmem:$0x1A50] =	vst v0  }
0xb4: {  	[tilespmem:$0x1A60] =	vst v0  }
0xb5: {  	[tilespmem:$0x1A70] =	vst v0  }
0xb6: {  	[tilespmem:$0x1A80] =	vst v0  }
0xb7: {  	[tilespmem:$0x1A90] =	vst v0  }
0xb8: {  	_ =	swait.ge [sflag:s9], $0x1000  }
0xb9: {  	[sflag:s9] =	ssyncset.done $0x0  }
0xba: {  	[sflag:s9] =	ssyncadd.s32 $0xFFFFF000  }
0xbb: {  	_ =	swait.ge [sflag:s10], $0x80  }
0xbc: {  	[sflag:s10] =	ssyncset.done $0x0  }
0xbd: {  	[sflag:s10] =	ssyncadd.s32 $0xFFFFFF80  }
0xbe: {  	v11 =	vld [tilespmem:$0x1000];
	_ =	sdelay $0x4  }
0xbf: {  	(v2sf) =	vpush v11, $0x3  }
0xc0: {  	(v2sf) =	vpush v11, $0x5  }
0xc1: {  	v12 =	vshll.u32 v11, $0x9;
	(v2sf) =	vpush v11, $0x6  }
0xc2: {  	v12 =	vshra.s32 v12, $0x2;
	(v2sf) =	vpush v11, $0x7  }
0xc3: {  	(v2sf) =	vpush v12, $0x2  }
0xc4: {  	(v2sf) =	vpush v12, $0x4;
	_ =	sdelay $0x9  }
0xc5: {  	s16 =	spop (v2sf)  }
0xc6: {  	s17 =	spop (v2sf)  }
0xc7: {  	s18 =	spop (v2sf)  }
0xc8: {  	s19 =	spop (v2sf)  }
0xc9: {  	s21 =	sand.u32 $0xFFFFFF80, s16;
	s16 =	sand.u32 $0x70, s16;
	s20 =	spop (v2sf)  }
0xca: {  	s25 =	sand.u32 $0xFFFFFF80, s17;
	s20 =	sadd.s32 s21, s20;
	s22 =	spop (v2sf)  }
0xcb: {  	s17 =	sand.u32 $0x70, s17;
	s16 =	sor.u32 s16, s20;
	s26 =	sadd.s32 s25, s22  }
0xcc: {  	v12 =	vld [tilespmem:s16+$0x0];
	s28 =	sor.u32 s17, s26  }
0xcd: {  	v13 =	vld [tilespmem:s28+$0x0];
	_ =	sdelay $0x1  }
0xce: {  	v14 =	vbroadcast v11, $0x3  }
0xcf: {  	v11 =	vbroadcast v11, $0x5;
	s29 =	sand.u32 $0xF, s18  }
0xd0: {  	s30 =	sand.u32 $0xF, s19;
	v12 =	vperm.xlane v12, v14;
	v14 =	vmov s29  }
.Ltmp0:
0xd1: {  	v13 =	vperm.xlane v13, v11;
	vm2 =	veq.s32 v14, v1;
	v11 =	vmov s30;
	(pc) =	sbr.rel .LBB2_2-.Ltmp0, $4  }
0xd2: {  	s31 =	sand.u32 $0xFFFFFFF0, s18;
	v12 =	vnsel vm2, $0x4E6E6B28, v12;
	vm2 =	veq.s32 v11, v1  }
0xd3: {  	s16 =	sand.u32 $0xFFFFFFF0, s19;
	[tilespmem:s31+$0x1080] =	vst v12;
	v12 =	vnsel vm2, $0x4E6E6B28, v13  }
0xd4: {  	[tilespmem:s16+$0x1590] =	vst v12;
	v12 =	vimm.f32 $1.000000000e+00  }
0xd5: {  	s17 =	simm.s32 $0x0;
	[tilespmem:$0x3B00] =	vst v12  }
.LBB2_10:
0xd6: {  	s17 =	sadd.s32 $0x1, s17  }
0xd7: {  	p0 =	sne.s32 s17, $0x10  }
.Ltmp1:
0xd8: {  	_ = 	snop;
	(pc) =	sbr.rel @!p0 .LBB2_11-.Ltmp1, $1  }
0xd9: {  	_ =	sdelay $0x3  }
.LBB2_2:
0xda: {  	(v2sf) =	vpush v12, $0x0;
	_ =	sdelay $0xe  }
0xdb: {  	s18 =	spop (v2sf)  }
0xdc: {  	p0 =	sgt.f32 s18, $0.0e+00  }
.Ltmp2:
0xdd: {  	_ = 	snop;
	(pc) =	sbr.rel @!p0 .LBB2_10-.Ltmp2, $4  }
.Ltmp3:
0xde: {  	_ = 	snop;
	(pc) =	sbr.rel @p0 .LBB2_3-.Ltmp3, $4  }
0xdf: {  	_ = 	snop  }
0xe0: {  	_ = 	snop  }
0xe1: {  	s18 =	simm.s32 $0x0  }
0xe2: {  	_ = 	snop  }
.LBB2_9:
0xe3: {  	s18 =	sadd.s32 $0x1, s18  }
0xe4: {  	p0 =	sne.s32 s18, $0x8  }
.Ltmp4:
0xe5: {  	_ = 	snop;
	(pc) =	sbr.rel @!p0 .LBB2_10-.Ltmp4, $1  }
0xe6: {  	_ =	sdelay $0x3  }
.LBB2_3:
0xe7: {  	(v2sf) =	vpush v12, $0x0;
	_ =	sdelay $0xe  }
0xe8: {  	s19 =	spop (v2sf)  }
0xe9: {  	p0 =	sgt.f32 s19, $0.0e+00  }
.Ltmp5:
0xea: {  	_ = 	snop;
	(pc) =	sbr.rel @!p0 .LBB2_9-.Ltmp5, $1  }
0xeb: {  	_ =	sdelay $0x3  }
0xec: {  	v22 =	vld [tilespmem:$0x10A4]  }
0xed: {  	v24 =	vld [tilespmem:$0x10A6]  }
0xee: {  	v25 =	vld [tilespmem:$0x10B4]  }
0xef: {  	v26 =	vld [tilespmem:$0x10B6]  }
0xf0: {  	v29 =	vld [tilespmem:$0x15B4]  }
0xf1: {  	v30 =	vld [tilespmem:$0x15B5]  }
0xf2: {  	v31 =	vld [tilespmem:$0x15B6]  }
0xf3: {  	v32 =	vld [tilespmem:$0x15C4]  }
0xf4: {  	s19 =	simm.s32 $0x1656;
	v34 =	vld [tilespmem:$0x15C6]  }
0xf5: {  	v18 =	vld [tilespmem:s19+$0xFFFFFAEE]  }
0xf6: {  	v13 =	vld [tilespmem:s19+$0xFFFFFACA]  }
0xf7: {  	v12 =	vld [tilespmem:s19+$0xFFFFFACB]  }
0xf8: {  	v36 =	vld [tilespmem:s19+$0xFFFFFACC]  }
0xf9: {  	v14 =	vld [tilespmem:s19+$0xFFFFFFDA]  }
0xfa: {  	v27 =	vld [tilespmem:s19+$0xFFFFFFA6]  }
0xfb: {  	v38 =	vld [tilespmem:s19+$0xFFFFFAA8]  }
0xfc: {  	v19 =	vld [tilespmem:s19+$0xFFFFFAA7]  }
0xfd: {  	v39 =	vld [tilespmem:s19+$0xFFFFFFB8]  }
0xfe: {  	v28 =	vld [tilespmem:s19+$0xFFFFFAA6]  }
0xff: {  	v20 =	vld [tilespmem:s19+$0xFFFFFFB7]  }
0x100: {  	v23 =	vld [tilespmem:s19+$0xFFFFFFB6]  }
0x101: {  	v40 =	vld [tilespmem:s19+$0xFFFFFA84]  }
0x102: {  	v35 =	vimm.f32 $1.000000000e+09;
	v41 =	vld [tilespmem:s19+$0xFFFFFF94]  }
0x103: {  	v37 =	vperm.xlane v35, v2;
	v42 =	vperm.xlane v35, v8;
	v21 =	vld [tilespmem:s19+$0xFFFFFF93]  }
0x104: {  	vm3 =	veq.s32 v1, $0x0;
	v43 =	vperm.xlane v35, v6;
	v45 =	vperm.xlane v35, v5;
	v46 =	vld [tilespmem:s19+$0xFFFFFF84]  }
0x105: {  	vm2 =	veq.s32 v1, $0xF;
	v47 =	vld [tilespmem:s19+$0xFFFFFF83];
	v44 =	vsel vm3, $0x4E6E6B28, v37;
	v37 =	vsel vm1, v42, v37  }
0x106: {  	v49 =	vld [tilespmem:s19+$0xFFFFFF92];
	v60 =	vsel vm2, $0x4E6E6B28, v43;
	v61 =	vsel vm0, v43, v45;
	v59 =	vmin.f32 v44, v35  }
0x107: {  	s20 =	simm.s32 $0x100;
	v43 =	vld [tilespmem:s19+$0xFFFFFF82];
	v48 =	vmin.f32 v37, v35;
	v25 =	vmin.f32 v60, v25;
	v29 =	vmin.f32 v61, v29  }
0x108: {  	v53 =	vld [tilespmem:s20+$0xFFFFFF00];
	v45 =	vmin.f32 v61, v22;
	v32 =	vmin.f32 v60, v32;
	v25 =	vmin.f32 v48, v25  }
0x109: {  	v54 =	vld [tilespmem:s20+$0xFFFFFF10];
	v29 =	vmin.f32 v59, v29;
	v22 =	vmin.f32 v36, v18;
	v62 =	vmin.f32 v38, v13  }
0x10a: {  	v63 =	vld [tilespmem:s19+$0xFFFFFA74];
	v50 =	vmin.f32 v39, v14;
	v51 =	vmin.f32 v40, v28;
	v52 =	vmin.f32 v41, v23  }
0x10b: {  	v44 =	vld [tilespmem:s19+$0xFFFFFA82];
	v36 =	vmin.f32 v12, v36;
	v55 =	vmin.f32 v47, v46;
	v32 =	vmin.f32 v48, v32  }
0x10c: {  	v34 =	vmin.f32 v34, v49;
	v37 =	vmin.f32 v62, v36;
	v36 =	vld [tilespmem:s19+$0xFFFFFA83];
	v31 =	vmin.f32 v31, v43  }
0x10d: {  	v35 =	vld [tilespmem:s19+$0xFFFFFA96];
	v41 =	vmin.f32 v21, v41;
	v38 =	vmin.f32 v19, v38;
	v31 =	vmin.f32 v31, v55  }
0x10e: {  	v56 =	vmin.f32 v59, v45;
	v55 =	vmin.f32 v20, v39;
	v39 =	vld [tilespmem:s19+$0xFFFFFA73];
	v29 =	vmin.f32 v29, v31  }
0x10f: {  	v33 =	vld [tilespmem:$0x15C5];
	v38 =	vmin.f32 v51, v38;
	v31 =	vmin.f32 v34, v41;
	v29 =	vadd.f32 v29, v53  }
0x110: {  	v26 =	vmin.f32 v26, v44;
	v41 =	vld [tilespmem:s19+$0xFFFFFA72];
	v34 =	vmin.f32 v52, v55;
	v31 =	vmin.f32 v32, v31  }
0x111: {  	v31 =	vadd.f32 v31, v54;
	v40 =	vmin.f32 v36, v40;
	v29 =	vmin.f32 v30, v29  }
0x112: {  	v30 =	vmin.f32 v46, v27;
	v26 =	vmin.f32 v26, v40;
	v40 =	vmin.f32 v63, v35  }
0x113: {  	v52 =	vld [tilespmem:s19+$0xFFFFFFA7];
	v57 =	vperm.xlane v29, v8;
	v58 =	vperm.xlane v29, v6;
	v48 =	vmin.f32 v39, v63  }
0x114: {  	v25 =	vmin.f32 v25, v26;
	v26 =	vmin.f32 v33, v31;
	v31 =	vld [tilespmem:$0x10B5];
	v60 =	vperm.xlane v29, v2  }
0x115: {  	v33 =	vld [tilespmem:s19+$0xFFFFFFA8];
	v24 =	vmin.f32 v24, v41;
	v25 =	vadd.f32 v25, v54;
	v62 =	vperm.xlane v26, v2  }
0x116: {  	v59 =	vld [tilespmem:$0x10A5];
	v61 =	vperm.xlane v26, v5;
	v24 =	vmin.f32 v24, v48;
	v63 =	vsel vm3, $0x4E6E6B28, v60  }
0x117: {  	v24 =	vmin.f32 v56, v24;
	v56 =	vperm.xlane v26, v6;
	v42 =	vsel vm1, v57, v62  }
0x118: {  	v51 =	vmin.f32 v63, v29;
	v45 =	vsel vm0, v58, v61;
	v53 =	vadd.f32 v24, v53  }
0x119: {  	v32 =	vld [tilespmem:s19+$0xFFFFFFDC];
	[tilespmem:s19+$0xFFFFFF6F] =	vst v26;
	v26 =	vmin.f32 v42, v26;
	v43 =	vmin.f32 v45, v43;
	v57 =	vsel vm2, $0x4E6E6B28, v56  }
0x11a: {  	v46 =	vld [tilespmem:s19+$0xFFFFFA98];
	[tilespmem:s19+$0xFFFFFF5F] =	vst v29;
	v31 =	vmin.f32 v31, v25;
	v63 =	vmin.f32 v52, v33;
	v43 =	vmin.f32 v51, v43  }
0x11b: {  	v29 =	vld [tilespmem:s19+$0xFFFFFA97];
	v42 =	vmin.f32 v59, v53;
	v25 =	vmin.f32 v57, v49;
	v59 =	vperm.xlane v31, v6;
	[tilespmem:s19+$0xFFFFFA5F] =	vst v31  }
0x11c: {  	v24 =	vld [tilespmem:s19+$0xFFFFFABA];
	v53 =	vperm.xlane v31, v5;
	v61 =	vperm.xlane v31, v2;
	v30 =	vmin.f32 v30, v63;
	[tilespmem:s19+$0xFFFFFA4F] =	vst v42  }
0x11d: {  	v58 =	vperm.xlane v42, v2;
	v26 =	vmin.f32 v26, v25;
	v54 =	vperm.xlane v42, v8;
	v62 =	vld [tilespmem:s20+$0xFFFFFF90]  }
0x11e: {  	v30 =	vmin.f32 v43, v30;
	v49 =	vsel vm2, $0x4E6E6B28, v59;
	v56 =	vld [tilespmem:s20+$0xFFFFFF80];
	v26 =	vmin.f32 v26, v34  }
0x11f: {  	v25 =	vld [tilespmem:s19+$0xFFFFFFDB];
	v60 =	vsel vm3, $0x4E6E6B28, v58;
	v44 =	vmin.f32 v49, v44;
	v48 =	vsel vm1, v54, v61  }
0x120: {  	v45 =	vmin.f32 v60, v42;
	v42 =	vperm.xlane v42, v6;
	v31 =	vmin.f32 v48, v31  }
0x121: {  	v51 =	vmin.f32 v46, v24;
	v46 =	vmin.f32 v29, v46;
	v44 =	vmin.f32 v31, v44  }
0x122: {  	v15 =	vld [tilespmem:s19+$0xFFFFFFEF];
	v40 =	vmin.f32 v40, v46;
	v38 =	vmin.f32 v44, v38;
	v46 =	vsel vm0, v42, v53  }
0x123: {  	v16 =	vld [tilespmem:s19+$0xFFFFFFF0];
	v38 =	vadd.f32 v38, v62;
	v34 =	vmin.f32 v46, v41;
	v30 =	vadd.f32 v30, v56  }
0x124: {  	v54 =	vld [tilespmem:s19+$0xFFFFFFCC];
	v49 =	vmin.f32 v25, v32;
	v48 =	vadd.f32 v26, v62;
	v34 =	vmin.f32 v45, v34  }
0x125: {  	v31 =	vld [tilespmem:s19+$0xFFFFFFCA];
	v36 =	vmin.f32 v36, v38;
	v34 =	vmin.f32 v34, v40;
	v45 =	vmin.f32 v47, v30  }
0x126: {  	v26 =	vld [tilespmem:s19+$0xFFFFFFCB];
	v42 =	vmin.f32 v21, v48;
	v53 =	vperm.xlane v36, v6;
	v47 =	vperm.xlane v36, v2  }
0x127: {  	v43 =	vld [tilespmem:s19+$0xFFFFFABC];
	[tilespmem:s19+$0xFFFFFA83] =	vst v36;
	v21 =	vadd.f32 v34, v56;
	v55 =	vperm.xlane v42, v6;
	v56 =	vperm.xlane v42, v5  }
0x128: {  	v38 =	vmin.f32 v50, v49;
	v30 =	vld [tilespmem:s19+$0xFFFFFABB];
	[tilespmem:s19+$0xFFFFFF93] =	vst v42;
	v58 =	vperm.xlane v45, v6;
	v59 =	vperm.xlane v45, v2  }
0x129: {  	[tilespmem:s19+$0xFFFFFF83] =	vst v45;
	v60 =	vperm.xlane v45, v8;
	v39 =	vmin.f32 v39, v21;
	v40 =	vsel vm2, $0x4E6E6B28, v55;
	v21 =	vld [tilespmem:s19+$0xFFFFFFFF]  }
0x12a: {  	v61 =	vperm.xlane v42, v2;
	v34 =	vsel vm2, $0x4E6E6B28, v53;
	[tilespmem:s19+$0xFFFFFA73] =	vst v39;
	v53 =	vmin.f32 v40, v23;
	v23 =	vld [tilespmem:s19+$0xFFFFFADF]  }
0x12b: {  	v33 =	vmin.f32 v33, v31;
	v57 =	vmin.f32 v26, v54;
	v46 =	vsel vm0, v58, v56;
	v44 =	vld [tilespmem:s20+$0x0]  }
0x12c: {  	v49 =	vsel vm3, $0x4E6E6B28, v59;
	v48 =	vsel vm1, v60, v61;
	v62 =	vmin.f32 v46, v27;
	v27 =	vld [tilespmem:s19+$0xFFFFFAE0]  }
0x12d: {  	v33 =	vmin.f32 v33, v57;
	v57 =	vmin.f32 v34, v28;
	v28 =	vmin.f32 v49, v45;
	v34 =	vld [tilespmem:s19+$0xFFFFFFFE]  }
0x12e: {  	v40 =	vperm.xlane v39, v8;
	v42 =	vmin.f32 v48, v42;
	v46 =	vld [tilespmem:s20+$0x10];
	v28 =	vmin.f32 v28, v62  }
0x12f: {  	v17 =	vmin.f32 v15, v16;
	v60 =	vmin.f32 v42, v53;
	v42 =	vld [tilespmem:s19+$0xFFFFFADE];
	v33 =	vmin.f32 v28, v33  }
0x130: {  	v41 =	vperm.xlane v36, v5;
	v47 =	vsel vm1, v40, v47;
	v40 =	vld [tilespmem:s19+$0xFFFFFFEE];
	v33 =	vadd.f32 v33, v44  }
0x131: {  	v63 =	vperm.xlane v39, v2;
	v59 =	vperm.xlane v39, v6;
	v58 =	vmin.f32 v30, v43;
	v28 =	vld [tilespmem:s19+$0xFFFFFAEF]  }
0x132: {  	v45 =	vmin.f32 v51, v58;
	v36 =	vmin.f32 v47, v36;
	v47 =	vmin.f32 v52, v33;
	v33 =	vld [tilespmem:s19+$0xFFFFFAF0]  }
0x133: {  	v50 =	vsel vm3, $0x4E6E6B28, v63;
	v63 =	vsel vm0, v59, v41;
	v61 =	vmin.f32 v36, v57;
	v36 =	vld [tilespmem:s19+$0x0]  }
0x134: {  	v62 =	vmin.f32 v60, v38;
	v38 =	vmin.f32 v63, v35;
	v35 =	vmin.f32 v61, v37  }
0x135: {  	s23 =	simm.s32 $0x0;
	s21 =	simm.s32 $0x1656;
	s22 =	simm.s32 $0x100;
	v49 =	vadd.f32 v62, v46;
	v37 =	vmin.f32 v54, v40;
	v48 =	vperm.xlane v47, v2;
	[tilespmem:s19+$0xFFFFFFA7] =	vst v47  }
.LBB2_5:
0x136: {  	s23 =	sadd.s32 $0x4, s23;
	v41 =	vmin.f32 v50, v39;
	v50 =	vmin.f32 v43, v42;
	v51 =	vmin.f32 v32, v34;
	s19 =	sadd.s32 $0x90, s19;
	s20 =	sadd.s32 $0x200, s20;
	v39 =	vmovc v15  }
0x137: {  	v46 =	vadd.f32 v35, v46;
	v43 =	vmovc v16;
	v32 =	vmovc v21;
	v35 =	vmov v23;
	v15 =	vld [tilespmem:s19+$0xFFFFFFEF];
	p0 =	slt.u32 s23, $0x1C;
	v52 =	vmin.f32 v28, v33  }
0x138: {  	v53 =	vmin.f32 v23, v27;
	v54 =	vmovc v18;
	v16 =	vld [tilespmem:s19+$0xFFFFFFF0];
	v22 =	vmin.f32 v22, v52;
	v52 =	vmin.f32 v21, v36  }
0x139: {  	v18 =	vmin.f32 v19, v46;
	v19 =	vmin.f32 v20, v49;
	v20 =	vperm.xlane v47, v8;
	v21 =	vld [tilespmem:s19+$0xFFFFFFFF]  }
0x13a: {  	v38 =	vmin.f32 v41, v38;
	v46 =	vperm.xlane v47, v6;
	v41 =	vperm.xlane v19, v5;
	v23 =	vld [tilespmem:s19+$0xFFFFFADF];
	[tilespmem:s21+$0xFFFFFFB7] =	vst v19  }
0x13b: {  	v38 =	vmin.f32 v38, v45;
	v45 =	vperm.xlane v18, v6;
	v49 =	vperm.xlane v19, v2;
	[tilespmem:s21+$0xFFFFFAA7] =	vst v18  }
0x13c: {  	v38 =	vadd.f32 v38, v44;
	v44 =	vsel vm3, $0x4E6E6B28, v48;
	v41 =	vsel vm0, v46, v41  }
0x13d: {  	v44 =	vmin.f32 v44, v47;
	v20 =	vsel vm1, v20, v49;
	v31 =	vmin.f32 v41, v31  }
0x13e: {  	v17 =	vmin.f32 v37, v17;
	v29 =	vmin.f32 v29, v38;
	v31 =	vmin.f32 v44, v31  }
0x13f: {  	v38 =	vperm.xlane v18, v5;
	v37 =	vperm.xlane v29, v2;
	v17 =	vmin.f32 v31, v17;
	[tilespmem:s21+$0xFFFFFA97] =	vst v29  }
0x140: {  	v41 =	vperm.xlane v29, v8;
	v20 =	vmin.f32 v20, v19;
	v44 =	vmin.f32 v51, v52;
	v31 =	vld [tilespmem:s22+$0x80]  }
0x141: {  	v48 =	vperm.xlane v18, v2;
	v45 =	vsel vm2, $0x4E6E6B28, v45;
	v47 =	vperm.xlane v29, v6;
	v46 =	vld [tilespmem:s22+$0x90];
	s22 =	smov.u32 s20  }
0x142: {  	v49 =	vmin.f32 v50, v53;
	v19 =	vperm.xlane v19, v6;
	v37 =	vsel vm3, $0x4E6E6B28, v37  }
0x143: {  	v38 =	vsel vm0, v47, v38;
	v41 =	vsel vm1, v41, v48;
	v29 =	vmin.f32 v37, v29  }
0x144: {  	v13 =	vmin.f32 v45, v13;
	v19 =	vsel vm2, $0x4E6E6B28, v19;
	v18 =	vmin.f32 v41, v18  }
0x145: {  	v24 =	vmin.f32 v38, v24;
	v14 =	vmin.f32 v19, v14;
	v13 =	vmin.f32 v18, v13  }
0x146: {  	v18 =	vmin.f32 v29, v24;
	v13 =	vmin.f32 v13, v22;
	v17 =	vadd.f32 v17, v31  }
0x147: {  	v14 =	vmin.f32 v20, v14;
	v18 =	vmin.f32 v18, v49;
	v13 =	vadd.f32 v13, v46  }
0x148: {  	v14 =	vmin.f32 v14, v44;
	v18 =	vadd.f32 v18, v31;
	v19 =	vmin.f32 v26, v17  }
0x149: {  	v20 =	vperm.xlane v19, v2;
	v22 =	vmin.f32 v12, v13;
	v12 =	vadd.f32 v14, v46;
	[tilespmem:s21+$0xFFFFFFCB] =	vst v19  }
0x14a: {  	v17 =	vmin.f32 v15, v16;
	v24 =	vmin.f32 v30, v18;
	[tilespmem:s21+$0xFFFFFACB] =	vst v22  }
0x14b: {  	v14 =	vperm.xlane v24, v8;
	v26 =	vperm.xlane v19, v8;
	v25 =	vmin.f32 v25, v12;
	v18 =	vld [tilespmem:s19+$0xFFFFFAEE];
	[tilespmem:s21+$0xFFFFFABB] =	vst v24  }
0x14c: {  	v29 =	vperm.xlane v24, v2;
	v30 =	vperm.xlane v22, v2;
	v13 =	vld [tilespmem:s19+$0xFFFFFACA];
	[tilespmem:s21+$0xFFFFFFDB] =	vst v25;
	s21 =	smov.u32 s19  }
0x14d: {  	v12 =	vld [tilespmem:s19+$0xFFFFFACB]  }
0x14e: {  	v31 =	vperm.xlane v22, v6;
	v30 =	vsel vm1, v14, v30;
	v14 =	vsel vm3, $0x4E6E6B28, v20;
	v41 =	vld [tilespmem:s19+$0xFFFFFACC]  }
0x14f: {  	v20 =	vperm.xlane v25, v2;
	v38 =	vperm.xlane v25, v6;
	v44 =	vmin.f32 v14, v19;
	v14 =	vld [tilespmem:s19+$0xFFFFFFDA]  }
0x150: {  	v29 =	vsel vm3, $0x4E6E6B28, v29;
	v45 =	vperm.xlane v25, v5;
	v19 =	vperm.xlane v19, v6;
	v37 =	vld [tilespmem:s19+$0xFFFFFFA6]  }
0x151: {  	v47 =	vperm.xlane v24, v6;
	v46 =	vperm.xlane v22, v5;
	v31 =	vsel vm2, $0x4E6E6B28, v31;
	v48 =	vld [tilespmem:s19+$0xFFFFFAA8]  }
0x152: {  	v22 =	vmin.f32 v30, v22;
	v30 =	vmin.f32 v31, v54;
	v31 =	vsel vm0, v19, v45;
	v19 =	vld [tilespmem:s19+$0xFFFFFAA7]  }
0x153: {  	v45 =	vsel vm0, v47, v46;
	v46 =	vmin.f32 v22, v30;
	v22 =	vmin.f32 v31, v40;
	v31 =	vld [tilespmem:s19+$0xFFFFFFB8]  }
0x154: {  	v20 =	vsel vm1, v26, v20;
	v47 =	vmin.f32 v45, v42;
	v26 =	vmin.f32 v44, v22;
	v40 =	vld [tilespmem:s19+$0xFFFFFAA6]  }
0x155: {  	v49 =	vsel vm2, $0x4E6E6B28, v38;
	v25 =	vmin.f32 v20, v25;
	v22 =	vmin.f32 v41, v18;
	v20 =	vld [tilespmem:s19+$0xFFFFFFB7]  }
0x156: {  	v42 =	vld [tilespmem:s19+$0xFFFFFFB6];
	v50 =	vmin.f32 v48, v13  }
0x157: {  	v51 =	vld [tilespmem:s19+$0xFFFFFA84]  }
0x158: {  	v52 =	vld [tilespmem:s19+$0xFFFFFF94];
	v45 =	vmin.f32 v31, v14  }
0x159: {  	v30 =	vld [tilespmem:s19+$0xFFFFFF93]  }
0x15a: {  	v53 =	vld [tilespmem:s19+$0xFFFFFF84]  }
0x15b: {  	v44 =	vld [tilespmem:s19+$0xFFFFFF83]  }
0x15c: {  	v54 =	vld [tilespmem:s19+$0xFFFFFF82];
	v55 =	vmin.f32 v51, v40  }
0x15d: {  	v56 =	vld [tilespmem:s19+$0xFFFFFF92];
	v57 =	vmin.f32 v52, v42  }
0x15e: {  	v38 =	vld [tilespmem:s19+$0xFFFFFA96]  }
0x15f: {  	v41 =	vmin.f32 v12, v41;
	v58 =	vld [tilespmem:s20+$0xFFFFFF00]  }
0x160: {  	v34 =	vmin.f32 v49, v34;
	v41 =	vmin.f32 v50, v41;
	v59 =	vld [tilespmem:s20+$0xFFFFFF10];
	v60 =	vmin.f32 v44, v53  }
0x161: {  	v25 =	vmin.f32 v25, v34;
	v48 =	vmin.f32 v19, v48;
	v49 =	vld [tilespmem:s19+$0xFFFFFA83];
	v43 =	vmin.f32 v43, v54  }
0x162: {  	v50 =	vld [tilespmem:s19+$0xFFFFFA82];
	v34 =	vmin.f32 v43, v60;
	v36 =	vmin.f32 v36, v56;
	v43 =	vmin.f32 v30, v52  }
0x163: {  	v31 =	vmin.f32 v20, v31;
	v52 =	vld [tilespmem:s19+$0xFFFFFA74];
	v26 =	vmin.f32 v26, v34;
	v36 =	vmin.f32 v36, v43  }
0x164: {  	v43 =	vmin.f32 v55, v48;
	v34 =	vld [tilespmem:s19+$0xFFFFFA73];
	v25 =	vmin.f32 v25, v36;
	v26 =	vadd.f32 v26, v58  }
0x165: {  	v24 =	vmin.f32 v29, v24;
	v55 =	vmin.f32 v57, v31;
	v48 =	vld [tilespmem:s19+$0xFFFFFA72];
	v25 =	vadd.f32 v25, v59  }
0x166: {  	v24 =	vmin.f32 v24, v47;
	v26 =	vmin.f32 v39, v26;
	v39 =	vmin.f32 v53, v37  }
0x167: {  	v31 =	vmin.f32 v49, v51;
	v29 =	vmin.f32 v33, v50;
	v33 =	vperm.xlane v26, v8  }
0x168: {  	v29 =	vmin.f32 v29, v31;
	v47 =	vmin.f32 v52, v38;
	v31 =	vperm.xlane v26, v6  }
0x169: {  	v25 =	vmin.f32 v32, v25;
	v36 =	vmin.f32 v34, v52;
	v29 =	vmin.f32 v46, v29  }
0x16a: {  	v32 =	vperm.xlane v26, v2;
	v27 =	vmin.f32 v27, v48;
	v29 =	vadd.f32 v29, v59;
	[tilespmem:s19+$0xFFFFFF6F] =	vst v25  }
0x16b: {  	v51 =	vperm.xlane v25, v2;
	v46 =	vperm.xlane v25, v5;
	v27 =	vmin.f32 v27, v36;
	v36 =	vld [tilespmem:s19+$0xFFFFFFA7]  }
0x16c: {  	v52 =	vperm.xlane v25, v6;
	v24 =	vmin.f32 v24, v27;
	v27 =	vsel vm3, $0x4E6E6B28, v32;
	v32 =	vld [tilespmem:s19+$0xFFFFFFDC]  }
0x16d: {  	v33 =	vsel vm1, v33, v51;
	v53 =	vadd.f32 v24, v58;
	v27 =	vmin.f32 v27, v26;
	v24 =	vld [tilespmem:s19+$0xFFFFFABA]  }
0x16e: {  	v25 =	vmin.f32 v33, v25;
	[tilespmem:s19+$0xFFFFFF5F] =	vst v26;
	v26 =	vsel vm0, v31, v46;
	v31 =	vsel vm2, $0x4E6E6B28, v52;
	v46 =	vld [tilespmem:s19+$0xFFFFFFA8]  }
0x16f: {  	v28 =	vmin.f32 v28, v29;
	v33 =	vmin.f32 v35, v53;
	v35 =	vld [tilespmem:s19+$0xFFFFFA98];
	v31 =	vmin.f32 v31, v56  }
0x170: {  	v52 =	vperm.xlane v28, v6;
	[tilespmem:s19+$0xFFFFFA4F] =	vst v33;
	v51 =	vperm.xlane v33, v2;
	v29 =	vld [tilespmem:s19+$0xFFFFFA97];
	v53 =	vmin.f32 v25, v31  }
0x171: {  	v56 =	vperm.xlane v28, v5;
	v26 =	vmin.f32 v26, v54;
	v57 =	vperm.xlane v33, v8;
	[tilespmem:s19+$0xFFFFFA5F] =	vst v28;
	v31 =	vld [tilespmem:s19+$0xFFFFFFCA]  }
0x172: {  	v54 =	vperm.xlane v28, v2;
	v52 =	vsel vm2, $0x4E6E6B28, v52;
	v51 =	vsel vm3, $0x4E6E6B28, v51;
	v25 =	vld [tilespmem:s19+$0xFFFFFFDB]  }
0x173: {  	v50 =	vmin.f32 v52, v50;
	v58 =	vld [tilespmem:s20+$0xFFFFFF90];
	v51 =	vmin.f32 v51, v33;
	v52 =	vmin.f32 v36, v46  }
0x174: {  	v26 =	vmin.f32 v27, v26;
	v54 =	vsel vm1, v57, v54;
	v59 =	vld [tilespmem:s20+$0xFFFFFF80];
	v57 =	vmin.f32 v35, v24  }
0x175: {  	v27 =	vperm.xlane v33, v6;
	v28 =	vmin.f32 v54, v28;
	v33 =	vmin.f32 v39, v52  }
0x176: {  	v28 =	vmin.f32 v28, v50;
	v35 =	vmin.f32 v29, v35;
	v33 =	vmin.f32 v26, v33;
	v52 =	vld [tilespmem:s19+$0xFFFFFFCC]  }
0x177: {  	v39 =	vmin.f32 v53, v55;
	v28 =	vmin.f32 v28, v43;
	v35 =	vmin.f32 v47, v35;
	v26 =	vld [tilespmem:s19+$0xFFFFFFCB]  }
0x178: {  	v27 =	vsel vm0, v27, v56;
	v28 =	vadd.f32 v28, v58;
	v39 =	vadd.f32 v39, v58  }
0x179: {  	v27 =	vmin.f32 v27, v48;
	v43 =	vmin.f32 v25, v32;
	v33 =	vadd.f32 v33, v59  }
0x17a: {  	v27 =	vmin.f32 v51, v27;
	v48 =	vmin.f32 v45, v43;
	v47 =	vmin.f32 v49, v28  }
0x17b: {  	v27 =	vmin.f32 v27, v35;
	[tilespmem:s19+$0xFFFFFA83] =	vst v47;
	v35 =	vperm.xlane v47, v5;
	v28 =	vperm.xlane v47, v6  }
0x17c: {  	v49 =	vmin.f32 v30, v39;
	v33 =	vmin.f32 v44, v33;
	v45 =	vperm.xlane v47, v2  }
0x17d: {  	v27 =	vadd.f32 v27, v59;
	v44 =	vperm.xlane v49, v6;
	[tilespmem:s19+$0xFFFFFF93] =	vst v49;
	v28 =	vsel vm2, $0x4E6E6B28, v28  }
0x17e: {  	v46 =	vmin.f32 v46, v31;
	v50 =	vperm.xlane v49, v5;
	v51 =	vmin.f32 v26, v52;
	[tilespmem:s19+$0xFFFFFF83] =	vst v33;
	v30 =	vld [tilespmem:s19+$0xFFFFFABB]  }
0x17f: {  	v39 =	vmin.f32 v34, v27;
	v34 =	vperm.xlane v33, v6;
	v27 =	vsel vm2, $0x4E6E6B28, v44;
	v43 =	vld [tilespmem:s19+$0xFFFFFABC]  }
0x180: {  	v53 =	vperm.xlane v33, v2;
	v51 =	vmin.f32 v46, v51;
	v54 =	vmin.f32 v27, v42;
	[tilespmem:s19+$0xFFFFFA73] =	vst v39;
	v27 =	vld [tilespmem:s19+$0xFFFFFAE0]  }
0x181: {  	v42 =	vperm.xlane v39, v8;
	v34 =	vsel vm0, v34, v50;
	v50 =	vperm.xlane v33, v8;
	v44 =	vld [tilespmem:s20+$0x0]  }
0x182: {  	v55 =	vperm.xlane v49, v2;
	v53 =	vsel vm3, $0x4E6E6B28, v53;
	v34 =	vmin.f32 v34, v37;
	v46 =	vld [tilespmem:s20+$0x10]  }
0x183: {  	v56 =	vmin.f32 v28, v40;
	v37 =	vperm.xlane v39, v2;
	v33 =	vmin.f32 v53, v33;
	v28 =	vld [tilespmem:s19+$0xFFFFFAEF]  }
0x184: {  	v50 =	vsel vm1, v50, v55;
	v33 =	vmin.f32 v33, v34;
	v40 =	vmin.f32 v30, v43;
	v34 =	vld [tilespmem:s19+$0xFFFFFFFE]  }
0x185: {  	v42 =	vsel vm1, v42, v45;
	v33 =	vmin.f32 v33, v51;
	v45 =	vmin.f32 v57, v40;
	v40 =	vld [tilespmem:s19+$0xFFFFFFEE]  }
.Ltmp6:
0x186: {  	v47 =	vmin.f32 v42, v47;
	v49 =	vmin.f32 v50, v49;
	v51 =	vadd.f32 v33, v44;
	v42 =	vld [tilespmem:s19+$0xFFFFFADE];
	(pc) =	sbr.rel @p0 .LBB2_5-.Ltmp6, $4  }
0x187: {  	v50 =	vsel vm3, $0x4E6E6B28, v37;
	v37 =	vperm.xlane v39, v6;
	v49 =	vmin.f32 v49, v54;
	v33 =	vld [tilespmem:s19+$0xFFFFFAF0]  }
0x188: {  	v53 =	vmin.f32 v47, v56;
	v48 =	vmin.f32 v49, v48;
	v47 =	vmin.f32 v36, v51;
	v36 =	vld [tilespmem:s19+$0x0]  }
0x189: {  	v35 =	vsel vm0, v37, v35;
	v49 =	vadd.f32 v48, v46;
	[tilespmem:s19+$0xFFFFFFA7] =	vst v47;
	v48 =	vperm.xlane v47, v2  }
0x18a: {  	v38 =	vmin.f32 v35, v38;
	v35 =	vmin.f32 v53, v41;
	v37 =	vmin.f32 v52, v40  }
0x18b: {  	v15 =	vmin.f32 v50, v39;
	v16 =	vmin.f32 v43, v42  }
0x18c: {  	v18 =	vmin.f32 v32, v34;
	v55 =	vadd.f32 v35, v46;
	v23 =	vmin.f32 v23, v27  }
0x18d: {  	v20 =	vmin.f32 v20, v49;
	v27 =	vperm.xlane v47, v8;
	v56 =	vperm.xlane v47, v6  }
0x18e: {  	v59 =	vsel vm3, $0x4E6E6B28, v48;
	v17 =	vmin.f32 v37, v17;
	v28 =	vmin.f32 v28, v33  }
0x18f: {  	v15 =	vmin.f32 v15, v38;
	v58 =	vperm.xlane v20, v2;
	v60 =	vmin.f32 v59, v47  }
0x190: {  	v16 =	vmin.f32 v16, v23;
	v22 =	vmin.f32 v22, v28;
	v21 =	vmin.f32 v21, v36  }
0x191: {  	v19 =	vmin.f32 v19, v55;
	v28 =	vperm.xlane v20, v5;
	v15 =	vmin.f32 v15, v45  }
0x192: {  	v57 =	vperm.xlane v19, v6;
	v15 =	vadd.f32 v15, v44;
	v27 =	vsel vm1, v27, v58  }
0x193: {  	[tilespmem:s21+$0xFFFFFFB7] =	vst v20;
	v18 =	vmin.f32 v18, v21;
	v62 =	vperm.xlane v19, v2;
	v28 =	vsel vm0, v56, v28  }
0x194: {  	[tilespmem:s21+$0xFFFFFAA7] =	vst v19;
	v27 =	vmin.f32 v27, v20;
	v28 =	vmin.f32 v28, v31;
	v15 =	vmin.f32 v29, v15  }
0x195: {  	v20 =	vperm.xlane v20, v6;
	v31 =	vperm.xlane v19, v5;
	v28 =	vmin.f32 v60, v28;
	[tilespmem:s21+$0xFFFFFA97] =	vst v15  }
0x196: {  	v33 =	vsel vm2, $0x4E6E6B28, v57;
	v17 =	vmin.f32 v28, v17;
	v28 =	vperm.xlane v15, v8;
	v21 =	vld [tilespmem:s22+$0x80]  }
0x197: {  	v29 =	vperm.xlane v15, v2;
	v61 =	vperm.xlane v15, v6;
	v20 =	vsel vm2, $0x4E6E6B28, v20;
	v63 =	vld [tilespmem:s22+$0x90]  }
0x198: {  	v13 =	vmin.f32 v33, v13;
	v14 =	vmin.f32 v20, v14;
	v28 =	vsel vm1, v28, v62  }
0x199: {  	v29 =	vsel vm3, $0x4E6E6B28, v29;
	v23 =	vsel vm0, v61, v31;
	v19 =	vmin.f32 v28, v19  }
0x19a: {  	v15 =	vmin.f32 v29, v15;
	v23 =	vmin.f32 v23, v24;
	v13 =	vmin.f32 v19, v13  }
0x19b: {  	v15 =	vmin.f32 v15, v23;
	v13 =	vmin.f32 v13, v22;
	v17 =	vadd.f32 v17, v21  }
0x19c: {  	v14 =	vmin.f32 v27, v14;
	v15 =	vmin.f32 v15, v16;
	v13 =	vadd.f32 v13, v63  }
0x19d: {  	v14 =	vmin.f32 v14, v18;
	v15 =	vadd.f32 v15, v21;
	v16 =	vmin.f32 v26, v17  }
0x19e: {  	v12 =	vmin.f32 v12, v13;
	v13 =	vadd.f32 v14, v63;
	[tilespmem:s21+$0xFFFFFFCB] =	vst v16  }
0x19f: {  	v14 =	vmin.f32 v30, v15;
	[tilespmem:s21+$0xFFFFFACB] =	vst v12  }
0x1a0: {  	[tilespmem:s21+$0xFFFFFABB] =	vst v14;
	v12 =	vmin.f32 v25, v13  }
0x1a1: {  	[tilespmem:s21+$0xFFFFFFDB] =	vst v12  }
0x1a2: {  	v21 =	vld [tilespmem:$0x1500]  }
0x1a3: {  	v16 =	vld [tilespmem:$0x1501]  }
0x1a4: {  	v26 =	vld [tilespmem:$0x1502]  }
0x1a5: {  	v23 =	vld [tilespmem:$0x1510]  }
0x1a6: {  	v17 =	vld [tilespmem:$0x1511]  }
0x1a7: {  	v27 =	vld [tilespmem:$0x1512]  }
0x1a8: {  	v22 =	vld [tilespmem:$0x1A10]  }
0x1a9: {  	v14 =	vld [tilespmem:$0x1A11]  }
0x1aa: {  	v24 =	vld [tilespmem:$0x1A12]  }
0x1ab: {  	v25 =	vld [tilespmem:$0x1A20]  }
0x1ac: {  	s19 =	simm.s32 $0xFFFFFFFC;
	v29 =	vimm.f32 $1.000000000e+09;
	v15 =	vimm.f32 $1.000000000e+09;
	v18 =	vld [tilespmem:$0x1A21]  }
0x1ad: {  	s20 =	simm.s32 $0xF90;
	v30 =	vimm.f32 $1.000000000e+09;
	v13 =	vimm.f32 $1.000000000e+09;
	v12 =	vimm.f32 $0.0e+00;
	s21 =	simm.s32 $0x1980;
	v28 =	vld [tilespmem:$0x1A22]  }
.LBB2_7:
0x1ae: {  	v31 =	vld [tilespmem:s21+$0xFFFFFB5C];
	v33 =	vperm.xlane v30, v2  }
0x1af: {  	v19 =	vld [tilespmem:s21+$0xFFFFFB5D];
	v34 =	vperm.xlane v29, v5;
	v36 =	vperm.xlane v30, v6  }
0x1b0: {  	v32 =	vld [tilespmem:s21+$0xFFFFFB5E];
	v37 =	vperm.xlane v30, v8;
	v38 =	vperm.xlane v29, v2  }
0x1b1: {  	v35 =	vld [tilespmem:s21+$0xFFFFFB6C];
	v39 =	vperm.xlane v29, v6;
	v62 =	vperm.xlane v15, v2  }
0x1b2: {  	v20 =	vld [tilespmem:s21+$0xFFFFFB6D];
	vm3 =	veq.s32 v1, $0x0;
	v63 =	vperm.xlane v13, v5;
	v45 =	vperm.xlane v15, v6  }
0x1b3: {  	v40 =	vld [tilespmem:s21+$0xFFFFFB6E];
	vm2 =	veq.s32 v1, $0xF;
	v41 =	vperm.xlane v15, v8;
	v46 =	vperm.xlane v13, v2  }
0x1b4: {  	v58 =	vld [tilespmem:s20+$0xFFFFFFF0];
	v43 =	vperm.xlane v13, v6;
	v33 =	vsel vm3, $0x4E6E6B28, v33;
	v34 =	vsel vm0, v36, v34  }
0x1b5: {  	v60 =	vld [tilespmem:s20+$0x0];
	v37 =	vsel vm1, v37, v38;
	v59 =	vsel vm2, $0x4E6E6B28, v39;
	v38 =	vsel vm0, v45, v63  }
0x1b6: {  	v42 =	vld [tilespmem:s21+$0x7E];
	v30 =	vmin.f32 v33, v30;
	v21 =	vmin.f32 v34, v21;
	v29 =	vmin.f32 v37, v29  }
0x1b7: {  	v23 =	vmin.f32 v59, v23;
	v37 =	vld [tilespmem:s21+$0x7C];
	v34 =	vsel vm3, $0x4E6E6B28, v62;
	v22 =	vmin.f32 v38, v22  }
0x1b8: {  	v38 =	vld [tilespmem:s21+$0xFFFFFB4A];
	v21 =	vmin.f32 v30, v21;
	v26 =	vmin.f32 v26, v31;
	v61 =	vmin.f32 v19, v32  }
0x1b9: {  	v23 =	vmin.f32 v29, v23;
	v29 =	vld [tilespmem:s21+$0x6E];
	v15 =	vmin.f32 v34, v15;
	v26 =	vmin.f32 v26, v61  }
0x1ba: {  	v34 =	vld [tilespmem:s21+$0xFFFFFB49];
	v27 =	vmin.f32 v27, v35;
	v30 =	vmin.f32 v20, v40;
	v21 =	vmin.f32 v21, v26  }
0x1bb: {  	v26 =	vmin.f32 v27, v30;
	v27 =	vld [tilespmem:s21+$0x6C];
	v21 =	vadd.f32 v21, v58  }
0x1bc: {  	v47 =	vsel vm1, v41, v46;
	v48 =	vsel vm2, $0x4E6E6B28, v43;
	v26 =	vmin.f32 v23, v26;
	v23 =	vld [tilespmem:s21+$0x6D]  }
0x1bd: {  	v13 =	vmin.f32 v47, v13;
	v25 =	vmin.f32 v48, v25;
	v30 =	vmin.f32 v16, v21;
	v21 =	vld [tilespmem:s21+$0x7D]  }
0x1be: {  	v13 =	vmin.f32 v13, v25;
	v26 =	vadd.f32 v26, v60  }
0x1bf: {  	v15 =	vmin.f32 v15, v22;
	v28 =	vmin.f32 v28, v37;
	v56 =	vmin.f32 v34, v38  }
0x1c0: {  	v26 =	vmin.f32 v17, v26;
	v16 =	vsub.f32 v16, v30;
	v50 =	vperm.xlane v30, v6  }
0x1c1: {  	v36 =	vld [tilespmem:s21+$0x48];
	v17 =	vsub.f32 v17, v26;
	v22 =	vmin.f32 v24, v27;
	v24 =	vmin.f32 v23, v29  }
0x1c2: {  	v51 =	vperm.xlane v30, v8;
	v22 =	vmin.f32 v22, v24;
	v49 =	vmin.f32 v21, v42  }
0x1c3: {  	v17 =	vmax.f32 v16, v17;
	v16 =	vld [tilespmem:s21+$0xFFFFFB39];
	v15 =	vmin.f32 v15, v22;
	v24 =	vmin.f32 v28, v49  }
0x1c4: {  	v12 =	vmax.f32 v12, v17;
	v17 =	vld [tilespmem:s21+$0xFFFFFB3A];
	v15 =	vadd.f32 v15, v58;
	v13 =	vmin.f32 v13, v24  }
0x1c5: {  	v52 =	vperm.xlane v26, v2;
	v28 =	vperm.xlane v26, v5;
	v13 =	vadd.f32 v13, v60  }
0x1c6: {  	v53 =	vperm.xlane v26, v6;
	v29 =	vmin.f32 v29, v36;
	v15 =	vmin.f32 v14, v15  }
0x1c7: {  	v22 =	vld [tilespmem:s21+$0xFFFFFB38];
	v28 =	vsel vm0, v50, v28;
	v14 =	vsub.f32 v14, v15;
	v24 =	vmin.f32 v18, v13  }
0x1c8: {  	v25 =	vld [tilespmem:s21+$0xFFFFFB48];
	[tilespmem:s21+$0xFFFFFB81] =	vst v30;
	v58 =	vperm.xlane v15, v6;
	v13 =	vperm.xlane v30, v2;
	v18 =	vsub.f32 v18, v24  }
0x1c9: {  	[tilespmem:s21+$0xFFFFFB91] =	vst v26;
	v59 =	vperm.xlane v15, v8;
	v55 =	vmin.f32 v16, v17;
	v60 =	vperm.xlane v24, v2  }
0x1ca: {  	v44 =	vld [tilespmem:s21+$0x5A];
	[tilespmem:s21+$0x91] =	vst v15;
	v61 =	vperm.xlane v24, v6;
	v13 =	vsel vm3, $0x4E6E6B28, v13;
	v14 =	vmax.f32 v14, v18  }
0x1cb: {  	v45 =	vld [tilespmem:s21+$0xFFFFFB24];
	[tilespmem:s21+$0xA1] =	vst v24;
	v13 =	vmin.f32 v13, v30;
	v18 =	vmin.f32 v28, v31;
	v30 =	vsel vm1, v51, v52  }
0x1cc: {  	v28 =	vld [tilespmem:s20+$0xFFFFFF70];
	v31 =	vsel vm2, $0x4E6E6B28, v53;
	v18 =	vmin.f32 v13, v18;
	v13 =	vmin.f32 v32, v22  }
0x1cd: {  	v54 =	vld [tilespmem:s20+$0xFFFFFF80];
	v26 =	vmin.f32 v30, v26;
	v30 =	vmin.f32 v31, v35;
	v31 =	vmin.f32 v40, v25  }
0x1ce: {  	v32 =	vmin.f32 v13, v55;
	v26 =	vmin.f32 v26, v30;
	v30 =	vmin.f32 v31, v56;
	v13 =	vld [tilespmem:s21+$0x49]  }
0x1cf: {  	v14 =	vmax.f32 v12, v14;
	v12 =	vmin.f32 v18, v32;
	v18 =	vmin.f32 v26, v30;
	v26 =	vld [tilespmem:s21+$0x4A]  }
0x1d0: {  	v57 =	vperm.xlane v24, v5;
	v62 =	vsel vm1, v59, v60;
	v35 =	vld [tilespmem:s21+$0x58];
	v31 =	vperm.xlane v15, v2  }
0x1d1: {  	v63 =	vsel vm2, $0x4E6E6B28, v61;
	v24 =	vmin.f32 v62, v24;
	v30 =	vadd.f32 v12, v28;
	v12 =	vld [tilespmem:s21+$0x59]  }
0x1d2: {  	v32 =	vsel vm0, v58, v57;
	v18 =	vadd.f32 v18, v54;
	v31 =	vsel vm3, $0x4E6E6B28, v31  }
0x1d3: {  	v55 =	vmin.f32 v38, v45;
	v27 =	vmin.f32 v32, v27;
	v15 =	vmin.f32 v31, v15  }
0x1d4: {  	v18 =	vmin.f32 v20, v18;
	v15 =	vmin.f32 v15, v27;
	v31 =	vmin.f32 v13, v26  }
0x1d5: {  	v30 =	vmin.f32 v19, v30;
	v46 =	vperm.xlane v18, v5;
	v27 =	vmin.f32 v29, v31  }
0x1d6: {  	v29 =	vmin.f32 v63, v37;
	v31 =	vmin.f32 v42, v35;
	v43 =	vmin.f32 v12, v44  }
0x1d7: {  	v49 =	vld [tilespmem:s21+$0xFFFFFB26];
	v27 =	vmin.f32 v15, v27;
	v24 =	vmin.f32 v24, v29;
	v29 =	vmin.f32 v31, v43  }
0x1d8: {  	v37 =	vld [tilespmem:s21+$0xFFFFFB14];
	v31 =	vsub.f32 v19, v30;
	v19 =	vmin.f32 v24, v29;
	v24 =	vadd.f32 v27, v28  }
0x1d9: {  	[tilespmem:s21+$0xFFFFFB6D] =	vst v18;
	v50 =	vperm.xlane v18, v2;
	v47 =	vperm.xlane v30, v6;
	v15 =	vld [tilespmem:s21+$0xFFFFFB15];
	v27 =	vadd.f32 v19, v54  }
0x1da: {  	v51 =	vperm.xlane v18, v6;
	[tilespmem:s21+$0xFFFFFB5D] =	vst v30;
	v48 =	vperm.xlane v30, v8;
	v28 =	vld [tilespmem:s21+$0xFFFFFB16];
	v24 =	vmin.f32 v23, v24  }
0x1db: {  	v33 =	vsel vm0, v47, v46;
	v29 =	vperm.xlane v30, v2;
	v19 =	vld [tilespmem:s21+$0xFFFFFB25];
	v27 =	vmin.f32 v21, v27;
	[tilespmem:s21+$0x6D] =	vst v24  }
0x1dc: {  	v20 =	vsub.f32 v20, v18;
	v53 =	vsel vm1, v48, v50;
	v22 =	vmin.f32 v33, v22;
	[tilespmem:s21+$0x7D] =	vst v27  }
0x1dd: {  	v18 =	vmin.f32 v53, v18;
	v54 =	vsel vm2, $0x4E6E6B28, v51;
	v29 =	vsel vm3, $0x4E6E6B28, v29;
	v52 =	vld [tilespmem:s20+$0xFFFFFEF0]  }
0x1de: {  	v20 =	vmax.f32 v31, v20;
	v25 =	vmin.f32 v54, v25;
	v29 =	vmin.f32 v29, v30;
	v30 =	vld [tilespmem:s20+$0xFFFFFF00]  }
0x1df: {  	v17 =	vmin.f32 v17, v37;
	v23 =	vsub.f32 v23, v24;
	v18 =	vmin.f32 v18, v25  }
0x1e0: {  	v22 =	vmin.f32 v29, v22;
	v29 =	vmin.f32 v15, v28;
	v56 =	vmin.f32 v19, v49  }
0x1e1: {  	v21 =	vsub.f32 v21, v27;
	v17 =	vmin.f32 v17, v29;
	v25 =	vmin.f32 v55, v56  }
0x1e2: {  	v39 =	vld [tilespmem:s21+$0x35];
	v14 =	vmax.f32 v14, v20;
	v17 =	vmin.f32 v22, v17;
	v18 =	vmin.f32 v18, v25  }
0x1e3: {  	v60 =	vld [tilespmem:s21+$0x36];
	v21 =	vmax.f32 v23, v21;
	v17 =	vadd.f32 v17, v52;
	v18 =	vadd.f32 v18, v30  }
0x1e4: {  	v31 =	vld [tilespmem:s21+$0x26];
	v57 =	vperm.xlane v24, v6;
	v58 =	vperm.xlane v24, v8;
	v14 =	vmax.f32 v14, v21  }
0x1e5: {  	v29 =	vld [tilespmem:s21+$0x24];
	v21 =	vperm.xlane v27, v2;
	v22 =	vmin.f32 v16, v17;
	v18 =	vmin.f32 v34, v18  }
0x1e6: {  	v20 =	vld [tilespmem:s21+$0x25];
	v59 =	vperm.xlane v27, v6;
	v16 =	vsub.f32 v16, v22;
	v25 =	vsub.f32 v34, v18  }
0x1e7: {  	v33 =	vld [tilespmem:s21+$0x34];
	v23 =	vperm.xlane v27, v5;
	v21 =	vsel vm1, v58, v21;
	v17 =	vperm.xlane v24, v2  }
0x1e8: {  	v21 =	vmin.f32 v21, v27;
	v27 =	vperm.xlane v22, v2;
	v25 =	vmax.f32 v16, v25  }
0x1e9: {  	v16 =	vsel vm3, $0x4E6E6B28, v17;
	v17 =	vsel vm0, v57, v23;
	v23 =	vsel vm2, $0x4E6E6B28, v59  }
0x1ea: {  	v16 =	vmin.f32 v16, v24;
	v17 =	vmin.f32 v17, v36;
	v24 =	vmin.f32 v26, v29  }
0x1eb: {  	v26 =	vmin.f32 v20, v31;
	v23 =	vmin.f32 v23, v35;
	v16 =	vmin.f32 v16, v17  }
0x1ec: {  	v17 =	vmin.f32 v24, v26;
	v24 =	vmin.f32 v44, v33;
	v26 =	vmin.f32 v39, v60  }
0x1ed: {  	v16 =	vmin.f32 v16, v17;
	v17 =	vmin.f32 v21, v23;
	v23 =	vmin.f32 v24, v26;
	v21 =	vld [tilespmem:s21+$0xFFFFFAF0]  }
0x1ee: {  	v61 =	vperm.xlane v22, v6;
	v46 =	vsel vm3, $0x4E6E6B28, v27;
	v26 =	vld [tilespmem:s21+$0xFFFFFAF2];
	v17 =	vmin.f32 v17, v23  }
0x1ef: {  	v24 =	vadd.f32 v16, v52;
	v16 =	vld [tilespmem:s21+$0xFFFFFAF1];
	v17 =	vadd.f32 v17, v30;
	v30 =	vperm.xlane v18, v5  }
0x1f0: {  	[tilespmem:s21+$0xFFFFFB39] =	vst v22;
	v27 =	vld [tilespmem:s21+$0xFFFFFB02];
	v35 =	vmax.f32 v14, v25;
	v14 =	vperm.xlane v22, v8;
	v25 =	vperm.xlane v18, v2  }
0x1f1: {  	[tilespmem:s21+$0xFFFFFB49] =	vst v18;
	v22 =	vmin.f32 v46, v22;
	v23 =	vld [tilespmem:s21+$0xFFFFFB00];
	v62 =	vmin.f32 v13, v24;
	v30 =	vsel vm0, v61, v30  }
0x1f2: {  	v14 =	vsel vm1, v14, v25;
	v63 =	vmin.f32 v12, v17;
	v17 =	vld [tilespmem:s21+$0xFFFFFB01];
	[tilespmem:s21+$0x49] =	vst v62;
	v25 =	vmin.f32 v30, v37  }
0x1f3: {  	v24 =	vperm.xlane v18, v6;
	[tilespmem:s21+$0x59] =	vst v63;
	v30 =	vmin.f32 v22, v25;
	v22 =	vld [tilespmem:s21+$0x0]  }
0x1f4: {  	v48 =	vperm.xlane v62, v2;
	v25 =	vmin.f32 v28, v21;
	v28 =	vmin.f32 v16, v26;
	v56 =	vld [tilespmem:s20+$0xFFFFFE70]  }
0x1f5: {  	v24 =	vsel vm2, $0x4E6E6B28, v24;
	v28 =	vmin.f32 v25, v28;
	v25 =	vmin.f32 v14, v18;
	v14 =	vld [tilespmem:s21+$0x1]  }
0x1f6: {  	v51 =	vperm.xlane v62, v6;
	v52 =	vperm.xlane v62, v8;
	v24 =	vmin.f32 v24, v45;
	v18 =	vld [tilespmem:s21+$0x11]  }
0x1f7: {  	v55 =	vsub.f32 v13, v62;
	v50 =	vperm.xlane v63, v5;
	v32 =	vmin.f32 v25, v24;
	v24 =	vld [tilespmem:s21+$0x2]  }
0x1f8: {  	v53 =	vperm.xlane v63, v2;
	v58 =	vperm.xlane v63, v6;
	v47 =	vmin.f32 v49, v23;
	v25 =	vld [tilespmem:s21+$0x10]  }
0x1f9: {  	v37 =	vsel vm3, $0x4E6E6B28, v48;
	v54 =	vsel vm0, v51, v50;
	v30 =	vmin.f32 v30, v28;
	v28 =	vld [tilespmem:s21+$0x12]  }
0x1fa: {  	v13 =	vsel vm1, v52, v53;
	v36 =	vmin.f32 v37, v62;
	v49 =	vmin.f32 v17, v27  }
0x1fb: {  	v57 =	vld [tilespmem:s20+$0xFFFFFE80];
	v29 =	vmin.f32 v54, v29;
	v13 =	vmin.f32 v13, v63;
	v34 =	vmin.f32 v47, v49  }
0x1fc: {  	v29 =	vmin.f32 v36, v29;
	v32 =	vmin.f32 v32, v34;
	v34 =	vsel vm2, $0x4E6E6B28, v58  }
0x1fd: {  	v31 =	vmin.f32 v31, v22;
	v30 =	vadd.f32 v30, v56;
	v33 =	vmin.f32 v34, v33  }
0x1fe: {  	v59 =	vmin.f32 v14, v24;
	v60 =	vmin.f32 v60, v25;
	v61 =	vmin.f32 v18, v28  }
0x1ff: {  	v13 =	vmin.f32 v13, v33;
	v31 =	vmin.f32 v31, v59;
	v62 =	vmin.f32 v60, v61  }
0x200: {  	v32 =	vadd.f32 v32, v57;
	v29 =	vmin.f32 v29, v31;
	v13 =	vmin.f32 v13, v62  }
0x201: {  	s19 =	sadd.s32 $0x4, s19;
	v30 =	vmin.f32 v15, v30;
	v31 =	vadd.f32 v29, v56;
	v13 =	vadd.f32 v13, v57  }
0x202: {  	p0 =	slt.u32 s19, $0x1C;
	v12 =	vsub.f32 v12, v63;
	v63 =	vsub.f32 v15, v30;
	v29 =	vmin.f32 v19, v32  }
.Ltmp7:
0x203: {  	v19 =	vsub.f32 v19, v29;
	v15 =	vmin.f32 v20, v31;
	v13 =	vmin.f32 v39, v13;
	(pc) =	sbr.rel @p0 .LBB2_7-.Ltmp7, $4  }
0x204: {  	v12 =	vmax.f32 v55, v12;
	[tilespmem:s21+$0xFFFFFB15] =	vst v30;
	v20 =	vsub.f32 v20, v15;
	v31 =	vsub.f32 v39, v13  }
0x205: {  	v12 =	vmax.f32 v35, v12;
	[tilespmem:s21+$0xFFFFFB25] =	vst v29;
	v19 =	vmax.f32 v63, v19  }
0x206: {  	[tilespmem:s21+$0x25] =	vst v15;
	v12 =	vmax.f32 v12, v19;
	v19 =	vmax.f32 v20, v31  }
0x207: {  	s20 =	sadd.s32 $0xFFFFFE00, s20;
	[tilespmem:s21+$0x35] =	vst v13;
	s21 =	sadd.s32 $0xFFFFFF70, s21;
	v12 =	vmax.f32 v12, v19  }
0x208: {  	v13 =	vperm.xlane v12, v3;
	_ =	sdelay $0x1  }
0x209: {  	v12 =	vmax.f32 v12, v13  }
0x20a: {  	v13 =	vperm.xlane v12, v4;
	_ =	sdelay $0x1  }
0x20b: {  	v12 =	vmax.f32 v12, v13  }
0x20c: {  	v13 =	vperm.xlane v12, v7;
	_ =	sdelay $0x1  }
.Ltmp8:
0x20d: {  	v12 =	vmax.f32 v12, v13;
	(pc) =	sbr.rel .LBB2_9-.Ltmp8, $3  }
0x20e: {  	v13 =	vperm.xlane v12, v9;
	_ =	sdelay $0x1  }
0x20f: {  	v12 =	vmax.f32 v12, v13  }
0x210: {  	[tilespmem:$0x3B00] =	vst v12  }
.LBB2_11:
0x211: {  	v12 =	vld [tilespmem:s16+$0x1080];
	s18 =	simm.s32 $0x16C1  }
0x212: {  	v13 =	vld [tilespmem:s18+$0xFFFFFEF4]  }
0x213: {  	v14 =	vld [tilespmem:s18+$0xFFFFF9E4]  }
0x214: {  	s16 =	simm.s32 $0x200  }
0x215: {  	v15 =	vld [tilespmem:s16+$0xFFFFFE00];
	_ =	sdelay $0x2  }
0x216: {  	v11 =	vperm.xlane v12, v11;
	v12 =	vadd.f32 v13, v14;
	_ =	sdelay $0x1  }
0x217: {  	v11 =	vadd.f32 $9.999999740e-05, v11;
	v12 =	vsub.f32 v12, v15  }
0x218: {  	vm2 =	vlt.f32 v13, $5.000000000e+08;
	vm3 =	vlt.f32 v14, $5.000000000e+08  }
0x219: {  	vm2 =	vmand vm2, vm3;
	vm4 =	vle.f32 v12, v11  }
0x21a: {  	vm2 =	vmand vm2, vm4  }
0x21b: {  	s17 =	simm.s32 $0x1D00;
	v12 =	vsel vm2, $0x3F800000, v10  }
0x21c: {  	s19 =	simm.s32 $0x2D00;
	[tilespmem:s17+$0xFFFFFE00] =	vst v12;
	v12 =	vsel vm3, $0x3F800000, v10  }
0x21d: {  	[tilespmem:s19+$0xFFFFFE00] =	vst v12  }
0x21e: {  	v12 =	vld [tilespmem:s18+$0xFFFFF9F4]  }
0x21f: {  	v13 =	vld [tilespmem:s18+$0xFFFFFF04];
	_ =	sdelay $0x1  }
0x220: {  	v14 =	vld [tilespmem:s16+$0xFFFFFE10];
	_ =	sdelay $0x2  }
0x221: {  	v15 =	vadd.f32 v13, v12;
	_ =	sdelay $0x1  }
0x222: {  	v14 =	vsub.f32 v15, v14  }
0x223: {  	vm2 =	vlt.f32 v12, $5.000000000e+08;
	vm3 =	vlt.f32 v13, $5.000000000e+08  }
0x224: {  	vm3 =	vmand vm3, vm2;
	vm4 =	vle.f32 v14, v11  }
0x225: {  	vm3 =	vmand vm3, vm4  }
0x226: {  	v12 =	vsel vm3, $0x3F800000, v10  }
0x227: {  	[tilespmem:s17+$0xFFFFFE10] =	vst v12;
	v12 =	vsel vm2, $0x3F800000, v10  }
0x228: {  	[tilespmem:s19+$0xFFFFFE10] =	vst v12  }
0x229: {  	v12 =	vld [tilespmem:s18+$0xFFFFFA08]  }
0x22a: {  	v13 =	vld [tilespmem:s18+$0xFFFFFF18];
	_ =	sdelay $0x1  }
0x22b: {  	v14 =	vld [tilespmem:s16+$0xFFFFFE80];
	_ =	sdelay $0x2  }
0x22c: {  	v15 =	vadd.f32 v13, v12;
	_ =	sdelay $0x1  }
0x22d: {  	v14 =	vsub.f32 v15, v14  }
0x22e: {  	vm2 =	vlt.f32 v12, $5.000000000e+08;
	vm3 =	vlt.f32 v13, $5.000000000e+08  }
0x22f: {  	vm3 =	vmand vm3, vm2;
	vm4 =	vle.f32 v14, v11  }
0x230: {  	vm3 =	vmand vm3, vm4  }
0x231: {  	v12 =	vsel vm3, $0x3F800000, v10  }
0x232: {  	[tilespmem:s17+$0xFFFFFE80] =	vst v12;
	v12 =	vsel vm2, $0x3F800000, v10  }
0x233: {  	[tilespmem:s19+$0xFFFFFE80] =	vst v12  }
0x234: {  	v12 =	vld [tilespmem:s18+$0xFFFFFA18]  }
0x235: {  	v13 =	vld [tilespmem:s18+$0xFFFFFF28];
	_ =	sdelay $0x1  }
0x236: {  	v14 =	vld [tilespmem:s16+$0xFFFFFE90];
	_ =	sdelay $0x2  }
0x237: {  	v15 =	vadd.f32 v13, v12;
	_ =	sdelay $0x1  }
0x238: {  	v14 =	vsub.f32 v15, v14  }
0x239: {  	vm2 =	vlt.f32 v12, $5.000000000e+08;
	vm3 =	vlt.f32 v13, $5.000000000e+08  }
0x23a: {  	vm3 =	vmand vm3, vm2;
	vm4 =	vle.f32 v14, v11  }
0x23b: {  	vm3 =	vmand vm3, vm4  }
0x23c: {  	v12 =	vsel vm3, $0x3F800000, v10  }
0x23d: {  	[tilespmem:s17+$0xFFFFFE90] =	vst v12;
	v12 =	vsel vm2, $0x3F800000, v10  }
0x23e: {  	[tilespmem:s19+$0xFFFFFE90] =	vst v12  }
0x23f: {  	v12 =	vld [tilespmem:s18+$0xFFFFFA2C]  }
0x240: {  	v13 =	vld [tilespmem:s18+$0xFFFFFF3C];
	_ =	sdelay $0x1  }
0x241: {  	v14 =	vld [tilespmem:s16+$0xFFFFFF00];
	_ =	sdelay $0x2  }
0x242: {  	v15 =	vadd.f32 v13, v12;
	_ =	sdelay $0x1  }
0x243: {  	v14 =	vsub.f32 v15, v14  }
0x244: {  	vm2 =	vlt.f32 v13, $5.000000000e+08;
	vm3 =	vlt.f32 v12, $5.000000000e+08  }
0x245: {  	vm2 =	vmand vm2, vm3;
	vm4 =	vle.f32 v14, v11  }
0x246: {  	vm2 =	vmand vm2, vm4  }
0x247: {  	v12 =	vsel vm2, $0x3F800000, v10  }
0x248: {  	[tilespmem:s17+$0xFFFFFF00] =	vst v12;
	v12 =	vsel vm3, $0x3F800000, v10  }
0x249: {  	[tilespmem:s19+$0xFFFFFF00] =	vst v12  }
0x24a: {  	v12 =	vld [tilespmem:s18+$0xFFFFFA3C]  }
0x24b: {  	v13 =	vld [tilespmem:s18+$0xFFFFFF4C];
	_ =	sdelay $0x1  }
0x24c: {  	v14 =	vld [tilespmem:s16+$0xFFFFFF10];
	_ =	sdelay $0x2  }
0x24d: {  	v15 =	vadd.f32 v13, v12;
	_ =	sdelay $0x1  }
0x24e: {  	v14 =	vsub.f32 v15, v14  }
0x24f: {  	vm2 =	vlt.f32 v12, $5.000000000e+08;
	vm3 =	vlt.f32 v13, $5.000000000e+08  }
0x250: {  	vm3 =	vmand vm3, vm2;
	vm4 =	vle.f32 v14, v11  }
0x251: {  	vm3 =	vmand vm3, vm4  }
0x252: {  	v12 =	vsel vm3, $0x3F800000, v10  }
0x253: {  	[tilespmem:s17+$0xFFFFFF10] =	vst v12;
	v12 =	vsel vm2, $0x3F800000, v10  }
0x254: {  	[tilespmem:s19+$0xFFFFFF10] =	vst v12  }
0x255: {  	v12 =	vld [tilespmem:s18+$0xFFFFFA50]  }
0x256: {  	v13 =	vld [tilespmem:s18+$0xFFFFFF60];
	_ =	sdelay $0x1  }
0x257: {  	v14 =	vld [tilespmem:s16+$0xFFFFFF80];
	_ =	sdelay $0x2  }
0x258: {  	v15 =	vadd.f32 v13, v12;
	_ =	sdelay $0x1  }
0x259: {  	v14 =	vsub.f32 v15, v14  }
0x25a: {  	vm2 =	vlt.f32 v13, $5.000000000e+08;
	vm3 =	vlt.f32 v12, $5.000000000e+08  }
0x25b: {  	vm2 =	vmand vm2, vm3;
	vm4 =	vle.f32 v14, v11  }
0x25c: {  	vm2 =	vmand vm2, vm4  }
0x25d: {  	v12 =	vsel vm2, $0x3F800000, v10  }
0x25e: {  	[tilespmem:s17+$0xFFFFFF80] =	vst v12;
	v12 =	vsel vm3, $0x3F800000, v10  }
0x25f: {  	[tilespmem:s19+$0xFFFFFF80] =	vst v12  }
0x260: {  	v12 =	vld [tilespmem:s18+$0xFFFFFA60]  }
0x261: {  	v13 =	vld [tilespmem:s18+$0xFFFFFF70];
	_ =	sdelay $0x1  }
0x262: {  	v14 =	vld [tilespmem:s16+$0xFFFFFF90];
	_ =	sdelay $0x2  }
0x263: {  	v15 =	vadd.f32 v13, v12;
	_ =	sdelay $0x1  }
0x264: {  	v14 =	vsub.f32 v15, v14  }
0x265: {  	vm2 =	vlt.f32 v13, $5.000000000e+08;
	vm3 =	vlt.f32 v12, $5.000000000e+08  }
0x266: {  	vm2 =	vmand vm2, vm3;
	vm4 =	vle.f32 v14, v11  }
0x267: {  	vm2 =	vmand vm2, vm4  }
0x268: {  	v12 =	vsel vm2, $0x3F800000, v10  }
0x269: {  	[tilespmem:s17+$0xFFFFFF90] =	vst v12;
	v12 =	vsel vm3, $0x3F800000, v10  }
0x26a: {  	[tilespmem:s19+$0xFFFFFF90] =	vst v12  }
0x26b: {  	v12 =	vld [tilespmem:s18+$0xFFFFFA74]  }
0x26c: {  	v13 =	vld [tilespmem:s18+$0xFFFFFF84];
	_ =	sdelay $0x1  }
0x26d: {  	v14 =	vld [tilespmem:s16+$0x0];
	_ =	sdelay $0x2  }
0x26e: {  	v15 =	vadd.f32 v13, v12;
	_ =	sdelay $0x1  }
0x26f: {  	v14 =	vsub.f32 v15, v14  }
0x270: {  	vm2 =	vlt.f32 v12, $5.000000000e+08;
	vm3 =	vlt.f32 v13, $5.000000000e+08  }
0x271: {  	vm3 =	vmand vm3, vm2;
	vm4 =	vle.f32 v14, v11  }
0x272: {  	vm3 =	vmand vm3, vm4  }
0x273: {  	v12 =	vsel vm3, $0x3F800000, v10  }
0x274: {  	[tilespmem:s17+$0x0] =	vst v12;
	v12 =	vsel vm2, $0x3F800000, v10  }
0x275: {  	[tilespmem:s19+$0x0] =	vst v12  }
0x276: {  	v12 =	vld [tilespmem:s18+$0xFFFFFA84]  }
0x277: {  	v13 =	vld [tilespmem:s18+$0xFFFFFF94];
	_ =	sdelay $0x1  }
0x278: {  	v14 =	vld [tilespmem:s16+$0x10];
	_ =	sdelay $0x2  }
0x279: {  	v15 =	vadd.f32 v13, v12;
	_ =	sdelay $0x1  }
0x27a: {  	v14 =	vsub.f32 v15, v14  }
0x27b: {  	vm2 =	vlt.f32 v12, $5.000000000e+08;
	vm3 =	vlt.f32 v13, $5.000000000e+08  }
0x27c: {  	vm3 =	vmand vm3, vm2;
	vm4 =	vle.f32 v14, v11  }
0x27d: {  	vm3 =	vmand vm3, vm4  }
0x27e: {  	v12 =	vsel vm3, $0x3F800000, v10  }
0x27f: {  	[tilespmem:s17+$0x10] =	vst v12;
	v12 =	vsel vm2, $0x3F800000, v10  }
0x280: {  	[tilespmem:s19+$0x10] =	vst v12  }
0x281: {  	v12 =	vld [tilespmem:s18+$0xFFFFFA98]  }
0x282: {  	v13 =	vld [tilespmem:s18+$0xFFFFFFA8];
	_ =	sdelay $0x1  }
0x283: {  	v14 =	vld [tilespmem:s16+$0x80];
	_ =	sdelay $0x2  }
0x284: {  	v15 =	vadd.f32 v13, v12;
	_ =	sdelay $0x1  }
0x285: {  	v14 =	vsub.f32 v15, v14  }
0x286: {  	vm2 =	vlt.f32 v13, $5.000000000e+08;
	vm3 =	vlt.f32 v12, $5.000000000e+08  }
0x287: {  	vm2 =	vmand vm2, vm3;
	vm4 =	vle.f32 v14, v11  }
0x288: {  	vm2 =	vmand vm2, vm4  }
0x289: {  	v12 =	vsel vm2, $0x3F800000, v10  }
0x28a: {  	[tilespmem:s17+$0x80] =	vst v12;
	v12 =	vsel vm3, $0x3F800000, v10  }
0x28b: {  	[tilespmem:s19+$0x80] =	vst v12  }
0x28c: {  	v12 =	vld [tilespmem:s18+$0xFFFFFAA8]  }
0x28d: {  	v13 =	vld [tilespmem:s18+$0xFFFFFFB8];
	_ =	sdelay $0x1  }
0x28e: {  	v14 =	vld [tilespmem:s16+$0x90];
	_ =	sdelay $0x2  }
0x28f: {  	v15 =	vadd.f32 v13, v12;
	_ =	sdelay $0x1  }
0x290: {  	v14 =	vsub.f32 v15, v14  }
0x291: {  	vm2 =	vlt.f32 v13, $5.000000000e+08;
	vm3 =	vlt.f32 v12, $5.000000000e+08  }
0x292: {  	vm2 =	vmand vm2, vm3;
	vm4 =	vle.f32 v14, v11  }
0x293: {  	vm2 =	vmand vm2, vm4  }
0x294: {  	v12 =	vsel vm2, $0x3F800000, v10  }
0x295: {  	[tilespmem:s17+$0x90] =	vst v12;
	v12 =	vsel vm3, $0x3F800000, v10  }
0x296: {  	[tilespmem:s19+$0x90] =	vst v12  }
0x297: {  	v12 =	vld [tilespmem:s18+$0xFFFFFFCC]  }
0x298: {  	v13 =	vld [tilespmem:s18+$0xFFFFFABC];
	_ =	sdelay $0x1  }
0x299: {  	v14 =	vld [tilespmem:s16+$0x100];
	_ =	sdelay $0x2  }
0x29a: {  	v15 =	vadd.f32 v12, v13;
	_ =	sdelay $0x1  }
0x29b: {  	v14 =	vsub.f32 v15, v14  }
0x29c: {  	vm2 =	vlt.f32 v13, $5.000000000e+08;
	vm3 =	vlt.f32 v12, $5.000000000e+08  }
0x29d: {  	vm3 =	vmand vm3, vm2;
	vm4 =	vle.f32 v14, v11  }
0x29e: {  	vm3 =	vmand vm3, vm4  }
0x29f: {  	v12 =	vsel vm3, $0x3F800000, v10  }
0x2a0: {  	[tilespmem:s17+$0x100] =	vst v12;
	v12 =	vsel vm2, $0x3F800000, v10  }
0x2a1: {  	[tilespmem:s19+$0x100] =	vst v12  }
0x2a2: {  	v12 =	vld [tilespmem:s18+$0xFFFFFACC]  }
0x2a3: {  	v13 =	vld [tilespmem:s18+$0xFFFFFFDC];
	_ =	sdelay $0x1  }
0x2a4: {  	v14 =	vld [tilespmem:s16+$0x110];
	_ =	sdelay $0x2  }
0x2a5: {  	v15 =	vadd.f32 v13, v12;
	_ =	sdelay $0x1  }
0x2a6: {  	v14 =	vsub.f32 v15, v14  }
0x2a7: {  	vm2 =	vlt.f32 v13, $5.000000000e+08;
	vm3 =	vlt.f32 v12, $5.000000000e+08  }
0x2a8: {  	vm2 =	vmand vm2, vm3;
	vm4 =	vle.f32 v14, v11  }
0x2a9: {  	vm2 =	vmand vm2, vm4  }
0x2aa: {  	v12 =	vsel vm2, $0x3F800000, v10  }
0x2ab: {  	[tilespmem:s17+$0x110] =	vst v12;
	v12 =	vsel vm3, $0x3F800000, v10  }
0x2ac: {  	[tilespmem:s19+$0x110] =	vst v12  }
0x2ad: {  	v12 =	vld [tilespmem:s18+$0xFFFFFAE0]  }
0x2ae: {  	v13 =	vld [tilespmem:s18+$0xFFFFFFF0];
	_ =	sdelay $0x1  }
0x2af: {  	v14 =	vld [tilespmem:s16+$0x180];
	_ =	sdelay $0x2  }
0x2b0: {  	v15 =	vadd.f32 v13, v12  }
0x2b1: {  	s22 =	simm.s32 $0x1;
	s23 =	simm.s32 $0x2100  }
0x2b2: {  	s24 =	simm.s32 $0x600;
	s20 =	simm.s32 $0x2D00;
	s21 =	simm.s32 $0x16C1;
	vm2 =	vlt.f32 v12, $5.000000000e+08;
	vm3 =	vlt.f32 v13, $5.000000000e+08;
	v12 =	vsub.f32 v15, v14  }
.LBB2_12:
0x2b3: {  	s22 =	sadd.s32 $0x8, s22;
	s18 =	sadd.s32 $0x120, s18;
	s19 =	sadd.s32 $0x400, s19  }
0x2b4: {  	vm3 =	vmand vm3, vm2;
	p0 =	slt.u32 s22, $0x19;
	vm4 =	vle.f32 v12, v11  }
0x2b5: {  	vm3 =	vmand vm3, vm4  }
0x2b6: {  	v12 =	vsel vm3, $0x3F800000, v10  }
0x2b7: {  	[tilespmem:s17+$0x180] =	vst v12;
	v12 =	vsel vm2, $0x3F800000, v10  }
0x2b8: {  	[tilespmem:s20+$0x180] =	vst v12  }
0x2b9: {  	v12 =	vld [tilespmem:s21+$0xFFFFFAF0]  }
0x2ba: {  	v13 =	vld [tilespmem:s21+$0x0];
	s21 =	smov.u32 s18  }
0x2bb: {  	v14 =	vld [tilespmem:s16+$0x190];
	s16 =	smov.u32 s24;
	_ =	sdelay $0x3  }
0x2bc: {  	v15 =	vadd.f32 v13, v12;
	vm2 =	vlt.f32 v13, $5.000000000e+08  }
0x2bd: {  	vm3 =	vlt.f32 v12, $5.000000000e+08  }
0x2be: {  	vm2 =	vmand vm2, vm3;
	v12 =	vsub.f32 v15, v14;
	_ =	sdelay $0x1  }
0x2bf: {  	vm4 =	vle.f32 v12, v11  }
0x2c0: {  	v12 =	vsel vm3, $0x3F800000, v10;
	vm2 =	vmand vm2, vm4  }
0x2c1: {  	v13 =	vsel vm2, $0x3F800000, v10  }
0x2c2: {  	[tilespmem:s17+$0x190] =	vst v13;
	s17 =	smov.u32 s23  }
0x2c3: {  	[tilespmem:s20+$0x190] =	vst v12;
	s20 =	smov.u32 s19  }
0x2c4: {  	v12 =	vld [tilespmem:s18+$0xFFFFFEF4]  }
0x2c5: {  	v13 =	vld [tilespmem:s18+$0xFFFFF9E4];
	_ =	sdelay $0x1  }
0x2c6: {  	v14 =	vld [tilespmem:s24+$0xFFFFFE00];
	_ =	sdelay $0x2  }
0x2c7: {  	v15 =	vadd.f32 v12, v13;
	_ =	sdelay $0x1  }
0x2c8: {  	vm2 =	vlt.f32 v12, $5.000000000e+08;
	v14 =	vsub.f32 v15, v14  }
0x2c9: {  	vm3 =	vlt.f32 v13, $5.000000000e+08  }
0x2ca: {  	vm2 =	vmand vm2, vm3;
	vm4 =	vle.f32 v14, v11  }
0x2cb: {  	vm2 =	vmand vm2, vm4  }
0x2cc: {  	v12 =	vsel vm2, $0x3F800000, v10  }
0x2cd: {  	[tilespmem:s23+$0xFFFFFE00] =	vst v12;
	v12 =	vsel vm3, $0x3F800000, v10  }
0x2ce: {  	[tilespmem:s19+$0xFFFFFE00] =	vst v12  }
0x2cf: {  	v12 =	vld [tilespmem:s18+$0xFFFFF9F4]  }
0x2d0: {  	v13 =	vld [tilespmem:s18+$0xFFFFFF04];
	_ =	sdelay $0x1  }
0x2d1: {  	v14 =	vld [tilespmem:s24+$0xFFFFFE10];
	_ =	sdelay $0x1  }
0x2d2: {  	vm2 =	vlt.f32 v12, $5.000000000e+08  }
0x2d3: {  	v12 =	vadd.f32 v13, v12;
	vm3 =	vlt.f32 v13, $5.000000000e+08  }
0x2d4: {  	vm3 =	vmand vm3, vm2  }
0x2d5: {  	v12 =	vsub.f32 v12, v14;
	_ =	sdelay $0x1  }
0x2d6: {  	vm4 =	vle.f32 v12, v11  }
0x2d7: {  	vm3 =	vmand vm3, vm4  }
0x2d8: {  	v12 =	vsel vm3, $0x3F800000, v10  }
0x2d9: {  	[tilespmem:s23+$0xFFFFFE10] =	vst v12;
	v12 =	vsel vm2, $0x3F800000, v10  }
0x2da: {  	[tilespmem:s19+$0xFFFFFE10] =	vst v12  }
0x2db: {  	v12 =	vld [tilespmem:s18+$0xFFFFFA08]  }
0x2dc: {  	v13 =	vld [tilespmem:s18+$0xFFFFFF18];
	_ =	sdelay $0x1  }
0x2dd: {  	v14 =	vld [tilespmem:s24+$0xFFFFFE80];
	_ =	sdelay $0x1  }
0x2de: {  	vm2 =	vlt.f32 v12, $5.000000000e+08  }
0x2df: {  	v12 =	vadd.f32 v13, v12;
	vm3 =	vlt.f32 v13, $5.000000000e+08  }
0x2e0: {  	vm3 =	vmand vm3, vm2  }
0x2e1: {  	v12 =	vsub.f32 v12, v14;
	_ =	sdelay $0x1  }
0x2e2: {  	vm4 =	vle.f32 v12, v11  }
0x2e3: {  	vm3 =	vmand vm3, vm4  }
0x2e4: {  	v12 =	vsel vm3, $0x3F800000, v10  }
0x2e5: {  	[tilespmem:s23+$0xFFFFFE80] =	vst v12;
	v12 =	vsel vm2, $0x3F800000, v10  }
0x2e6: {  	[tilespmem:s19+$0xFFFFFE80] =	vst v12  }
0x2e7: {  	v12 =	vld [tilespmem:s18+$0xFFFFFA18]  }
0x2e8: {  	v13 =	vld [tilespmem:s18+$0xFFFFFF28];
	_ =	sdelay $0x1  }
0x2e9: {  	v14 =	vld [tilespmem:s24+$0xFFFFFE90];
	_ =	sdelay $0x2  }
0x2ea: {  	v15 =	vadd.f32 v13, v12;
	_ =	sdelay $0x1  }
0x2eb: {  	v14 =	vsub.f32 v15, v14  }
0x2ec: {  	vm2 =	vlt.f32 v12, $5.000000000e+08;
	vm3 =	vlt.f32 v13, $5.000000000e+08  }
0x2ed: {  	vm3 =	vmand vm3, vm2;
	vm4 =	vle.f32 v14, v11  }
0x2ee: {  	vm3 =	vmand vm3, vm4  }
0x2ef: {  	v12 =	vsel vm3, $0x3F800000, v10  }
0x2f0: {  	[tilespmem:s23+$0xFFFFFE90] =	vst v12;
	v12 =	vsel vm2, $0x3F800000, v10  }
0x2f1: {  	[tilespmem:s19+$0xFFFFFE90] =	vst v12  }
0x2f2: {  	v12 =	vld [tilespmem:s18+$0xFFFFFA2C]  }
0x2f3: {  	v13 =	vld [tilespmem:s18+$0xFFFFFF3C];
	_ =	sdelay $0x1  }
0x2f4: {  	v14 =	vld [tilespmem:s24+$0xFFFFFF00];
	_ =	sdelay $0x2  }
0x2f5: {  	v15 =	vadd.f32 v13, v12;
	vm2 =	vlt.f32 v13, $5.000000000e+08;
	_ =	sdelay $0x1  }
0x2f6: {  	v13 =	vsub.f32 v15, v14  }
0x2f7: {  	vm3 =	vlt.f32 v12, $5.000000000e+08  }
0x2f8: {  	vm2 =	vmand vm2, vm3;
	vm4 =	vle.f32 v13, v11  }
0x2f9: {  	vm2 =	vmand vm2, vm4  }
0x2fa: {  	v12 =	vsel vm2, $0x3F800000, v10  }
0x2fb: {  	[tilespmem:s23+$0xFFFFFF00] =	vst v12;
	v12 =	vsel vm3, $0x3F800000, v10  }
0x2fc: {  	[tilespmem:s19+$0xFFFFFF00] =	vst v12  }
0x2fd: {  	v12 =	vld [tilespmem:s18+$0xFFFFFA3C]  }
0x2fe: {  	v13 =	vld [tilespmem:s18+$0xFFFFFF4C]  }
0x2ff: {  	v14 =	vld [tilespmem:s24+$0xFFFFFF10];
	_ =	sdelay $0x3  }
0x300: {  	v15 =	vadd.f32 v13, v12;
	_ =	sdelay $0x1  }
0x301: {  	v14 =	vsub.f32 v15, v14  }
0x302: {  	vm2 =	vlt.f32 v12, $5.000000000e+08;
	vm3 =	vlt.f32 v13, $5.000000000e+08  }
0x303: {  	vm3 =	vmand vm3, vm2;
	vm4 =	vle.f32 v14, v11  }
0x304: {  	vm3 =	vmand vm3, vm4  }
0x305: {  	v12 =	vsel vm3, $0x3F800000, v10  }
0x306: {  	[tilespmem:s23+$0xFFFFFF10] =	vst v12;
	v12 =	vsel vm2, $0x3F800000, v10  }
0x307: {  	[tilespmem:s19+$0xFFFFFF10] =	vst v12  }
0x308: {  	v12 =	vld [tilespmem:s18+$0xFFFFFA50]  }
0x309: {  	v13 =	vld [tilespmem:s18+$0xFFFFFF60];
	_ =	sdelay $0x1  }
0x30a: {  	v14 =	vld [tilespmem:s24+$0xFFFFFF80];
	_ =	sdelay $0x2  }
0x30b: {  	v15 =	vadd.f32 v13, v12;
	vm2 =	vlt.f32 v13, $5.000000000e+08;
	_ =	sdelay $0x1  }
0x30c: {  	v13 =	vsub.f32 v15, v14  }
0x30d: {  	vm3 =	vlt.f32 v12, $5.000000000e+08  }
0x30e: {  	vm2 =	vmand vm2, vm3;
	vm4 =	vle.f32 v13, v11  }
0x30f: {  	vm2 =	vmand vm2, vm4  }
0x310: {  	v12 =	vsel vm2, $0x3F800000, v10  }
0x311: {  	[tilespmem:s23+$0xFFFFFF80] =	vst v12;
	v12 =	vsel vm3, $0x3F800000, v10  }
0x312: {  	[tilespmem:s19+$0xFFFFFF80] =	vst v12  }
0x313: {  	v12 =	vld [tilespmem:s18+$0xFFFFFA60]  }
0x314: {  	v13 =	vld [tilespmem:s18+$0xFFFFFF70]  }
0x315: {  	v14 =	vld [tilespmem:s24+$0xFFFFFF90];
	_ =	sdelay $0x3  }
0x316: {  	v15 =	vadd.f32 v13, v12;
	vm2 =	vlt.f32 v13, $5.000000000e+08;
	_ =	sdelay $0x1  }
0x317: {  	v13 =	vsub.f32 v15, v14  }
0x318: {  	vm3 =	vlt.f32 v12, $5.000000000e+08  }
0x319: {  	vm2 =	vmand vm2, vm3;
	vm4 =	vle.f32 v13, v11  }
0x31a: {  	vm2 =	vmand vm2, vm4  }
0x31b: {  	v12 =	vsel vm2, $0x3F800000, v10  }
0x31c: {  	[tilespmem:s23+$0xFFFFFF90] =	vst v12;
	v12 =	vsel vm3, $0x3F800000, v10  }
0x31d: {  	[tilespmem:s19+$0xFFFFFF90] =	vst v12  }
0x31e: {  	v12 =	vld [tilespmem:s18+$0xFFFFFA74]  }
0x31f: {  	v13 =	vld [tilespmem:s18+$0xFFFFFF84]  }
0x320: {  	v14 =	vld [tilespmem:s24+$0x0];
	_ =	sdelay $0x2  }
0x321: {  	vm2 =	vlt.f32 v12, $5.000000000e+08  }
0x322: {  	v12 =	vadd.f32 v13, v12;
	vm3 =	vlt.f32 v13, $5.000000000e+08  }
0x323: {  	vm3 =	vmand vm3, vm2  }
0x324: {  	v12 =	vsub.f32 v12, v14;
	_ =	sdelay $0x1  }
0x325: {  	vm4 =	vle.f32 v12, v11  }
0x326: {  	vm3 =	vmand vm3, vm4  }
0x327: {  	v12 =	vsel vm3, $0x3F800000, v10  }
0x328: {  	[tilespmem:s23+$0x0] =	vst v12;
	v12 =	vsel vm2, $0x3F800000, v10  }
0x329: {  	[tilespmem:s19+$0x0] =	vst v12  }
0x32a: {  	v12 =	vld [tilespmem:s18+$0xFFFFFA84]  }
0x32b: {  	v13 =	vld [tilespmem:s18+$0xFFFFFF94]  }
0x32c: {  	v14 =	vld [tilespmem:s24+$0x10];
	_ =	sdelay $0x2  }
0x32d: {  	vm2 =	vlt.f32 v12, $5.000000000e+08  }
0x32e: {  	v12 =	vadd.f32 v13, v12;
	vm3 =	vlt.f32 v13, $5.000000000e+08  }
0x32f: {  	vm3 =	vmand vm3, vm2  }
0x330: {  	v12 =	vsub.f32 v12, v14;
	_ =	sdelay $0x1  }
0x331: {  	vm4 =	vle.f32 v12, v11  }
0x332: {  	vm3 =	vmand vm3, vm4  }
0x333: {  	v12 =	vsel vm3, $0x3F800000, v10  }
0x334: {  	[tilespmem:s23+$0x10] =	vst v12;
	v12 =	vsel vm2, $0x3F800000, v10  }
0x335: {  	[tilespmem:s19+$0x10] =	vst v12  }
0x336: {  	v12 =	vld [tilespmem:s18+$0xFFFFFA98]  }
0x337: {  	v13 =	vld [tilespmem:s18+$0xFFFFFFA8]  }
0x338: {  	v14 =	vld [tilespmem:s24+$0x80];
	_ =	sdelay $0x3  }
0x339: {  	v15 =	vadd.f32 v13, v12;
	vm2 =	vlt.f32 v13, $5.000000000e+08;
	_ =	sdelay $0x1  }
0x33a: {  	v13 =	vsub.f32 v15, v14  }
0x33b: {  	vm3 =	vlt.f32 v12, $5.000000000e+08  }
0x33c: {  	vm2 =	vmand vm2, vm3;
	vm4 =	vle.f32 v13, v11  }
0x33d: {  	vm2 =	vmand vm2, vm4  }
0x33e: {  	v12 =	vsel vm2, $0x3F800000, v10  }
0x33f: {  	[tilespmem:s23+$0x80] =	vst v12;
	v12 =	vsel vm3, $0x3F800000, v10  }
0x340: {  	[tilespmem:s19+$0x80] =	vst v12  }
0x341: {  	v12 =	vld [tilespmem:s18+$0xFFFFFAA8]  }
0x342: {  	v13 =	vld [tilespmem:s18+$0xFFFFFFB8]  }
0x343: {  	v14 =	vld [tilespmem:s24+$0x90];
	_ =	sdelay $0x3  }
0x344: {  	v15 =	vadd.f32 v13, v12;
	vm2 =	vlt.f32 v13, $5.000000000e+08;
	_ =	sdelay $0x1  }
0x345: {  	v13 =	vsub.f32 v15, v14  }
0x346: {  	vm3 =	vlt.f32 v12, $5.000000000e+08  }
0x347: {  	vm2 =	vmand vm2, vm3;
	vm4 =	vle.f32 v13, v11  }
0x348: {  	vm2 =	vmand vm2, vm4  }
0x349: {  	v12 =	vsel vm2, $0x3F800000, v10  }
0x34a: {  	[tilespmem:s23+$0x90] =	vst v12;
	v12 =	vsel vm3, $0x3F800000, v10  }
0x34b: {  	[tilespmem:s19+$0x90] =	vst v12  }
0x34c: {  	v12 =	vld [tilespmem:s18+$0xFFFFFFCC]  }
0x34d: {  	v13 =	vld [tilespmem:s18+$0xFFFFFABC]  }
0x34e: {  	v14 =	vld [tilespmem:s24+$0x100];
	_ =	sdelay $0x3  }
0x34f: {  	v15 =	vadd.f32 v12, v13;
	vm2 =	vlt.f32 v13, $5.000000000e+08;
	_ =	sdelay $0x1  }
0x350: {  	v13 =	vsub.f32 v15, v14  }
0x351: {  	vm3 =	vlt.f32 v12, $5.000000000e+08  }
0x352: {  	vm3 =	vmand vm3, vm2;
	vm4 =	vle.f32 v13, v11  }
0x353: {  	vm3 =	vmand vm3, vm4  }
0x354: {  	v12 =	vsel vm3, $0x3F800000, v10  }
0x355: {  	[tilespmem:s23+$0x100] =	vst v12;
	v12 =	vsel vm2, $0x3F800000, v10  }
0x356: {  	[tilespmem:s19+$0x100] =	vst v12  }
0x357: {  	v12 =	vld [tilespmem:s18+$0xFFFFFACC]  }
0x358: {  	v13 =	vld [tilespmem:s18+$0xFFFFFFDC]  }
0x359: {  	v14 =	vld [tilespmem:s24+$0x110];
	_ =	sdelay $0x3  }
0x35a: {  	v15 =	vadd.f32 v13, v12;
	vm2 =	vlt.f32 v13, $5.000000000e+08;
	_ =	sdelay $0x1  }
0x35b: {  	v13 =	vsub.f32 v15, v14  }
0x35c: {  	vm3 =	vlt.f32 v12, $5.000000000e+08  }
0x35d: {  	vm2 =	vmand vm2, vm3;
	vm4 =	vle.f32 v13, v11  }
0x35e: {  	vm2 =	vmand vm2, vm4  }
0x35f: {  	v12 =	vsel vm2, $0x3F800000, v10  }
0x360: {  	[tilespmem:s23+$0x110] =	vst v12;
	v12 =	vsel vm3, $0x3F800000, v10  }
0x361: {  	[tilespmem:s19+$0x110] =	vst v12  }
0x362: {  	v12 =	vld [tilespmem:s18+$0xFFFFFAE0]  }
0x363: {  	v13 =	vld [tilespmem:s18+$0xFFFFFFF0]  }
0x364: {  	v14 =	vld [tilespmem:s24+$0x180];
	_ =	sdelay $0x1  }
.Ltmp9:
0x365: {  	(pc) =	sbr.rel @p0 .LBB2_12-.Ltmp9, $3  }
0x366: {  	vm2 =	vlt.f32 v12, $5.000000000e+08  }
0x367: {  	v12 =	vadd.f32 v13, v12;
	vm3 =	vlt.f32 v13, $5.000000000e+08;
	_ =	sdelay $0x1  }
0x368: {  	s23 =	sadd.s32 $0x400, s23;
	s24 =	sadd.s32 $0x400, s24;
	v12 =	vsub.f32 v12, v14  }
0x369: {  	_ = 	snop  }
0x36a: {  	vm3 =	vmand vm3, vm2;
	vm4 =	vle.f32 v12, v11  }
0x36b: {  	vm3 =	vmand vm3, vm4  }
0x36c: {  	v62 =	vsel vm3, $0x3F800000, v10  }
0x36d: {  	v63 =	vsel vm2, $0x3F800000, v10;
	[tilespmem:s17+$0x180] =	vst v62  }
0x36e: {  	[tilespmem:s20+$0x180] =	vst v63  }
0x36f: {  	v12 =	vld [tilespmem:s21+$0xFFFFFAF0]  }
0x370: {  	v13 =	vld [tilespmem:s21+$0x0];
	_ =	sdelay $0x1  }
0x371: {  	v14 =	vld [tilespmem:s16+$0x190];
	_ =	sdelay $0x2  }
0x372: {  	v15 =	vadd.f32 v13, v12;
	_ =	sdelay $0x1  }
0x373: {  	v14 =	vsub.f32 v15, v14  }
0x374: {  	vm2 =	vlt.f32 v13, $5.000000000e+08;
	vm3 =	vlt.f32 v12, $5.000000000e+08  }
0x375: {  	vm2 =	vmand vm2, vm3;
	vm15 =	vle.f32 v14, v11  }
0x376: {  	vm2 =	vmand vm2, vm15  }
0x377: {  	v11 =	vsel vm2, $0x3F800000, v10  }
0x378: {  	v12 =	vsel vm3, $0x3F800000, v10;
	[tilespmem:s17+$0x190] =	vst v11  }
0x379: {  	[tilespmem:s20+$0x190] =	vst v12  }
0x37a: {  	[hbm4b:s5+s2] =	stream.linear.scatter [tilespmem:s11], [sflag:$0x3], $0x1000, $0x38;
	[tilespmem:$0x3B80] =	vst v63  }
0x37b: {  	s15 =	sadd.s32 $0x1, s15  }
0x37c: {  	[hbm4b:s6+s2] =	stream.linear.scatter [tilespmem:s12], [sflag:$0x4], $0x1000, $0x38;
	[tilespmem:$0x3B80] =	vst v63  }
0x37d: {  	p0 =	sne.s32 s15, s7;
	_ =	swait.ge [sflag:s13], $0x1000  }
.Ltmp10:
0x37e: {  	[sflag:s13] =	ssyncset.done $0x0;
	(pc) =	sbr.rel @p0 .LBB2_1-.Ltmp10, $4  }
0x37f: {  	[sflag:s13] =	ssyncadd.s32 $0xFFFFF000  }
0x380: {  	_ =	swait.ge [sflag:s14], $0x1000  }
0x381: {  	[sflag:s14] =	ssyncset.done $0x0  }
0x382: {  	[sflag:s14] =	ssyncadd.s32 $0xFFFFF000  }
0x383: {  	_ =	sfence.sel $0x180000  }
0x384: {  	[bflag:$0x0] =	sbarrier.arrive $0xFFFF  }
0x385: {  	p0 =	sne.s32 s1, $0x0;
	_ =	strace $0x90000047  }
0x386: {  	s0 =	sadd.s32 @!p0 $0x100000, s0;
	[bflag:$0x2] =	sbarrier.arrive $0xFFFF  }
0x387: {  	[sflag:s0] =	ssyncadd.tile.s32 @!p0 $0x1;
	_ =	shalt  }
.Lfunc_end2:
_tile_overlayer_lowered:
.L_overlay_start_2:
0x388: {  	(tag) =	ssettag $0x2  }
0x389: {  	s0 =	rddreg [dreg:$0x0];
	s2 =	stileid.u32  }
0x38a: {  	s1 =	rddreg [dreg:$0x1];
	p0 =	sne.s32 s2, $0x0  }
0x38b: {  	s3 =	rddreg [dreg:$0x2];
	[bflag:$0x3] =	sbarrier.arrive $0xFFFF;
	s2 =	simm.s32 @!p0 $0x1C05  }
0x38c: {  	[timem:s3], [sflag:s2] =	dma.local @!p0 [hbm:s0], s1  }
0x38d: {  	s0 =	simm.s32 @!p0 $0x5  }
0x38e: {  	_ =	swait.ge @!p0 [sflag:s0], s1  }
0x38f: {  	s1 =	ssub.s32 @!p0 $0x0, s1;
	[sflag:s0] =	ssyncset.done @!p0 $0x0  }
0x390: {  	[sflag:s0] =	ssyncadd.s32 @!p0 s1  }
0x391: {  	[bflag:$0x3] =	sbarrier.arrive $0xFFFF  }
0x392: {  	_ =	shalt  }

</sc_bundles>
